<compile_context>
chip_gen: v7x
topology: tpu7x:2x2x1
jax: 0.10.2.dev20260603
libtpu: 0.0.44.dev20260713+nightly
codegen_flags: <defaults>
</compile_context>

<pallas_src>
import functools

import jax
import jax.numpy as jnp
from jax import lax
from jax.experimental import pallas as pl
from jax.experimental.pallas import tpu as pltpu
from jax.experimental.pallas import tpu_sc as plsc

N_NODES = 10000
N_PAD = 10240
N_EDGES = 320000
NC, NS = 2, 16
NW = NC * NS
EW = N_EDGES // NW
K = 80
NCHUNK = EW // K
RPS = N_PAD // NS
NB = 5

_mesh = plsc.VectorSubcoreMesh(
    core_axis_name="c", subcore_axis_name="s", num_cores=NC, num_subcores=NS)


@functools.partial(
    pl.kernel,
    out_type=jax.ShapeDtypeStruct((NC, N_PAD), jnp.float32),
    mesh=_mesh,
    scratch_types=[
        pltpu.VMEM_SHARED((N_PAD,), jnp.float32),
        pltpu.VMEM((EW,), jnp.int32),
        pltpu.VMEM((K,), jnp.float32),
        pltpu.VMEM((RPS,), jnp.float32),
        pltpu.SemaphoreType.DMA,
    ],
)
def _deg_kernel(dst_hbm, out_hbm, deg_sp, dst_v, ones_v, zb, sem):
    cid = lax.axis_index("c")
    sid = lax.axis_index("s")
    wid = cid * NS + sid

    @pl.loop(0, RPS // 16)
    def _zero(i):
        zb[pl.ds(i * 16, 16)] = jnp.zeros((16,), jnp.float32)

    for i in range(K // 16):
        ones_v[pl.ds(i * 16, 16)] = jnp.ones((16,), jnp.float32)

    pltpu.sync_copy(zb, deg_sp.at[pl.ds(sid * RPS, RPS)])
    plsc.subcore_barrier()

    pltpu.sync_copy(dst_hbm.at[pl.ds(wid * EW, EW)], dst_v)

    @pl.loop(0, NCHUNK, step=NB * NB)
    def _scat(j):
        ds = [pltpu.async_copy(ones_v,
                               deg_sp.at[dst_v.at[pl.ds((j + b) * K, K)]],
                               sem, add=True) for b in range(NB * NB)]
        for d in ds:
            d.wait()

    plsc.subcore_barrier()
    pltpu.sync_copy(deg_sp.at[pl.ds(sid * RPS, RPS)],
                    out_hbm.at[cid, pl.ds(sid * RPS, RPS)])


def _make_edge_scatter(dim):
    @functools.partial(
        pl.kernel,
        out_type=jax.ShapeDtypeStruct((NC, N_PAD, dim), jnp.float32),
        mesh=_mesh,
        scratch_types=(
            [
                pltpu.VMEM_SHARED((N_PAD, dim), jnp.float32),
                pltpu.VMEM((EW,), jnp.int32),
                pltpu.VMEM((EW,), jnp.int32),
                pltpu.VMEM((64, dim), jnp.float32),
            ]
            + [pltpu.VMEM((K, dim), jnp.float32) for _ in range(2 * NB)]
            + [pltpu.SemaphoreType.DMA for _ in range(4 * NB)]
        ),
        compiler_params=pltpu.CompilerParams(use_tc_tiling_on_sc=False),
    )
    def _edge_scatter(hp_hbm, src_hbm, dst_hbm, out_hbm,
                      acc, src_v, dst_v, zb, *bufs):
        rows, sems = bufs[:2 * NB], bufs[2 * NB:]
        rA, rB = rows[:NB], rows[NB:]
        gA, gB = sems[0:NB], sems[NB:2 * NB]
        sA, sB = sems[2 * NB:3 * NB], sems[3 * NB:]
        cid = lax.axis_index("c")
        sid = lax.axis_index("s")
        wid = cid * NS + sid

        @pl.loop(0, 64)
        def _zero(i):
            for c in range(dim // 16):
                zb[i, pl.ds(c * 16, 16)] = jnp.zeros((16,), jnp.float32)

        @pl.loop(0, RPS // 64)
        def _clr(t):
            pltpu.sync_copy(zb, acc.at[pl.ds(sid * RPS + t * 64, 64)])

        plsc.subcore_barrier()

        pltpu.sync_copy(src_hbm.at[pl.ds(wid * EW, EW)], src_v)
        pltpu.sync_copy(dst_hbm.at[pl.ds(wid * EW, EW)], dst_v)

        def _issue_g(base, r, g):
            for b in range(NB):
                pltpu.async_copy(
                    hp_hbm.at[src_v.at[pl.ds((base + b) * K, K)]], r[b], g[b])

        def _wait_g(base, r, g):
            for b in range(NB):
                pltpu.make_async_copy(
                    hp_hbm.at[src_v.at[pl.ds((base + b) * K, K)]],
                    r[b], g[b]).wait()

        def _issue_s(base, r, s):
            return [pltpu.async_copy(
                r[b], acc.at[dst_v.at[pl.ds((base + b) * K, K)]],
                s[b], add=True) for b in range(NB)]

        ngroups = NCHUNK // NB
        _issue_g(0, rA, gA)

        @pl.loop(0, ngroups - 1, step=2)
        def _edges(g):
            j = g * NB
            _wait_g(j, rA, gA)
            dsA = _issue_s(j, rA, sA)
            _issue_g(j + NB, rB, gB)
            for d in dsA:
                d.wait()
            _wait_g(j + NB, rB, gB)
            dsB = _issue_s(j + NB, rB, sB)
            _issue_g(j + 2 * NB, rA, gA)
            for d in dsB:
                d.wait()

        jl = (ngroups - 1) * NB
        _wait_g(jl, rA, gA)
        for d in _issue_s(jl, rA, sA):
            d.wait()

        plsc.subcore_barrier()
        pltpu.sync_copy(acc.at[pl.ds(sid * RPS, RPS)],
                        out_hbm.at[cid, pl.ds(sid * RPS, RPS)])

    return _edge_scatter


_edge_scatter64 = _make_edge_scatter(64)


def _mm1_body(degp_ref, x_ref, w_ref, hp_ref, dinv_ref):
    deg = degp_ref[0, :] + degp_ref[1, :] + 1.0
    dinv = lax.rsqrt(deg)[:, None]
    h = jnp.dot(x_ref[...], w_ref[...], preferred_element_type=jnp.float32)
    hp_ref[...] = h * dinv
    dinv_ref[...] = dinv


def _mm2_body(accp_ref, hp1_ref, dinv_ref, b1_ref, w2_ref, hp2_ref):
    dinv = dinv_ref[...]
    tot = accp_ref[0] + accp_ref[1] + hp1_ref[...]
    h2 = jnp.maximum(tot * dinv + b1_ref[...], 0.0)
    h = jnp.dot(h2, w2_ref[...], preferred_element_type=jnp.float32)
    hp2_ref[...] = h * dinv


def _out_body(accp_ref, hp2_ref, dinv_ref, b2_ref, out_ref):
    tot = (accp_ref[0, :N_NODES] + accp_ref[1, :N_NODES]
           + hp2_ref[:N_NODES])
    out_ref[...] = tot * dinv_ref[:N_NODES] + b2_ref[...]


def _mm1(deg_parts, x, W1):
    return pl.pallas_call(
        _mm1_body,
        out_shape=[
            jax.ShapeDtypeStruct((N_PAD, 64), jnp.float32),
            jax.ShapeDtypeStruct((N_PAD, 1), jnp.float32),
        ],
    )(deg_parts, x, W1)


def _mm2(acc_parts, hp1, dinv, b1, W2):
    return pl.pallas_call(
        _mm2_body,
        out_shape=jax.ShapeDtypeStruct((N_PAD, 64), jnp.float32),
    )(acc_parts, hp1, dinv, b1, W2)


def _out(acc_parts, hp2, dinv, b2):
    return pl.pallas_call(
        _out_body,
        out_shape=jax.ShapeDtypeStruct((N_NODES, 64), jnp.float32),
    )(acc_parts, hp2, dinv, b2)


def kernel(x, edge_index, W1, b1, W2, b2):
    src = edge_index[0].astype(jnp.int32)
    dst = edge_index[1].astype(jnp.int32)
    x_p = jnp.pad(x, ((0, N_PAD - N_NODES), (0, 0)))
    b1r = b1.reshape(1, 64)
    b2r = b2.reshape(1, 64)

    deg_parts = _deg_kernel(dst)
    hp1, dinv = _mm1(deg_parts, x_p, W1)
    acc1 = _edge_scatter64(hp1, src, dst)
    hp2 = _mm2(acc1, hp1, dinv, b1r, W2)
    acc2 = _edge_scatter64(hp2, src, dst)
    return _out(acc2, hp2, dinv, b2r)

# --- scband reference (transcript-rebuilt; emitter-appended) ---
"""Pipeline reference for scband-baseline-gcn-55662776156293 (READ-ONLY COPY).

The authoritative reference and input builder live on the scoring server;
editing this copy changes nothing except your own understanding.
"""

import jax, jax.numpy as jnp
import numpy as np

N_NODES = 10000
N_EDGES = 320000
IN_DIM = 128
HID_DIM = 64
OUT_DIM = 64


def gcn_conv(x, edge_index, W, b):
    n = x.shape[0]
    src = edge_index[0]
    dst = edge_index[1]
    loop = jnp.arange(n, dtype=src.dtype)
    src = jnp.concatenate([src, loop])
    dst = jnp.concatenate([dst, loop])
    deg = jnp.zeros((n,), dtype=x.dtype).at[dst].add(1.0)
    dinv = jnp.where(deg > 0, deg ** -0.5, 0.0)
    norm = dinv[src] * dinv[dst]
    h = x @ W
    msg = h[src] * norm[:, None]
    out = jax.ops.segment_sum(msg, dst, num_segments=n)
    return out + b


def setup_inputs(seed: int = 0) -> dict:
    key = jax.random.key(seed)
    k1, k2, k3, k4, k5, k6 = jax.random.split(key, 6)
    x = jax.random.normal(k1, (N_NODES, IN_DIM), dtype=jnp.float32)
    edge_index = jax.random.randint(k2, (2, N_EDGES), 0, N_NODES)
    W1 = jax.random.normal(k3, (IN_DIM, HID_DIM), dtype=jnp.float32) * (1.0 / np.sqrt(IN_DIM))
    b1 = jnp.zeros((HID_DIM,), dtype=jnp.float32)
    W2 = jax.random.normal(k4, (HID_DIM, OUT_DIM), dtype=jnp.float32) * (1.0 / np.sqrt(HID_DIM))
    b2 = jnp.zeros((OUT_DIM,), dtype=jnp.float32)
    return {"x": x, "edge_index": edge_index, "W1": W1, "b1": b1, "W2": W2, "b2": b2}


def reference(x, edge_index, W1, b1, W2, b2):
    # Layer 1: GCNConv(input_dim -> hidden_dim) + ReLU (dropout is identity in eval)
    h = gcn_conv(x, edge_index, W1, b1)
    h = jax.nn.relu(h)
    # Layer 2: GCNConv(hidden_dim -> output_dim)
    out = gcn_conv(h, edge_index, W2, b2)
    return out

if __name__ == "__main__":
    import jax
    _d = setup_inputs()
    print(jax.jit(kernel)(*tuple(_d.values())))

</pallas_src>

<mosaic_0001>
#map = affine_map<(d0, d1) -> (0)>
#map1 = affine_map<(d0, d1) -> (0, 0)>
module attributes {stable_mosaic.version = 14 : i64} {
  func.func @_deg_kernel(%arg0: i32, %arg1: i32, %arg2: memref<320000xi32, #tpu.memory_space<hbm>>, %arg3: memref<2x10240xf32, #tpu.memory_space<hbm>>, %arg4: memref<10240xf32, #tpu.memory_space<vmem_shared>>, %arg5: memref<10000xi32, #tpu.memory_space<vmem>>, %arg6: memref<80xf32, #tpu.memory_space<vmem>>, %arg7: memref<640xf32, #tpu.memory_space<vmem>>, %arg8: memref<!tpu.dma_semaphore, #tpu.memory_space<semaphore_mem>>) attributes {dimension_semantics = [#tpu.dimension_semantics<core_parallel>, #tpu.dimension_semantics<subcore_parallel>], iteration_bounds = array<i64: 2, 16>, scalar_prefetch = 0 : i64, scratch_operands = 5 : i64, tpu.core_type = #tpu.core_type<sc_vector_subcore>, window_params = [{transform_indices = #map}, {transform_indices = #map1}]} {
    %mul3A = arith.constant 16 : i32
    %mul3A_0 = arith.muli %arg0, %mul3A : i32
    %add3A = arith.addi %mul3A_0, %arg1 : i32
    %scan3A = arith.constant 0 : i32
    %scan3A_1 = arith.constant 40 : i32
    %scan3A_2 = arith.addi %scan3A, %scan3A_1 : i32
    %scan3A_3 = arith.constant 1 : i32
    scf.for %scan3A_47 = %scan3A to %scan3A_2 step %scan3A_3  : i32 {
      %mul3A_48 = arith.constant 1 : i32
      %mul3A_49 = arith.muli %scan3A_47, %mul3A_48 : i32
      %add3A_50 = arith.constant 0 : i32
      %add3A_51 = arith.addi %add3A_50, %mul3A_49 : i32
      %broadcast_in_dim3A_52 = arith.constant 0.000000e+00 : f32
      %broadcast_in_dim3A_53 = vector.broadcast %broadcast_in_dim3A_52 : f32 to vector<16xf32>
      %mul3A_54 = arith.constant 16 : i32
      %mul3A_55 = arith.muli %add3A_51, %mul3A_54 : i32
      %swap3A_56 = arith.index_cast %mul3A_55 : i32 to index
      %swap3A_57 = tpu.vector_load %arg7[%swap3A_56] {strides = array<i32>} : memref<640xf32, #tpu.memory_space<vmem>>, vector<16xf32>,
      %swap3A_58 = vector.shape_cast %swap3A_57 : vector<16xf32> to vector<16xf32>
      %swap3A_59 = vector.shape_cast %broadcast_in_dim3A_53 : vector<16xf32> to vector<16xf32>
      tpu.vector_store %arg7[%swap3A_56], %swap3A_59 {strides = array<i32>} : memref<640xf32, #tpu.memory_space<vmem>>, vector<16xf32>,
    }
    %scan3A_4 = arith.constant 40 : i32
    %broadcast_in_dim3A = arith.constant 1.000000e+00 : f32
    %broadcast_in_dim3A_5 = vector.broadcast %broadcast_in_dim3A : f32 to vector<16xf32>
    %swap3A = arith.constant 0 : index
    %swap3A_6 = tpu.vector_load %arg6[%swap3A] {strides = array<i32>} : memref<80xf32, #tpu.memory_space<vmem>>, vector<16xf32>,
    %swap3A_7 = vector.shape_cast %swap3A_6 : vector<16xf32> to vector<16xf32>
    %swap3A_8 = vector.shape_cast %broadcast_in_dim3A_5 : vector<16xf32> to vector<16xf32>
    tpu.vector_store %arg6[%swap3A], %swap3A_8 {strides = array<i32>} : memref<80xf32, #tpu.memory_space<vmem>>, vector<16xf32>,
    %broadcast_in_dim3A_9 = arith.constant 1.000000e+00 : f32
    %broadcast_in_dim3A_10 = vector.broadcast %broadcast_in_dim3A_9 : f32 to vector<16xf32>
    %swap3A_11 = arith.constant 16 : index
    %swap3A_12 = tpu.vector_load %arg6[%swap3A_11] {strides = array<i32>} : memref<80xf32, #tpu.memory_space<vmem>>, vector<16xf32>,
    %swap3A_13 = vector.shape_cast %swap3A_12 : vector<16xf32> to vector<16xf32>
    %swap3A_14 = vector.shape_cast %broadcast_in_dim3A_10 : vector<16xf32> to vector<16xf32>
    tpu.vector_store %arg6[%swap3A_11], %swap3A_14 {strides = array<i32>} : memref<80xf32, #tpu.memory_space<vmem>>, vector<16xf32>,
    %broadcast_in_dim3A_15 = arith.constant 1.000000e+00 : f32
    %broadcast_in_dim3A_16 = vector.broadcast %broadcast_in_dim3A_15 : f32 to vector<16xf32>
    %swap3A_17 = arith.constant 32 : index
    %swap3A_18 = tpu.vector_load %arg6[%swap3A_17] {strides = array<i32>} : memref<80xf32, #tpu.memory_space<vmem>>, vector<16xf32>,
    %swap3A_19 = vector.shape_cast %swap3A_18 : vector<16xf32> to vector<16xf32>
    %swap3A_20 = vector.shape_cast %broadcast_in_dim3A_16 : vector<16xf32> to vector<16xf32>
    tpu.vector_store %arg6[%swap3A_17], %swap3A_20 {strides = array<i32>} : memref<80xf32, #tpu.memory_space<vmem>>, vector<16xf32>,
    %broadcast_in_dim3A_21 = arith.constant 1.000000e+00 : f32
    %broadcast_in_dim3A_22 = vector.broadcast %broadcast_in_dim3A_21 : f32 to vector<16xf32>
    %swap3A_23 = arith.constant 48 : index
    %swap3A_24 = tpu.vector_load %arg6[%swap3A_23] {strides = array<i32>} : memref<80xf32, #tpu.memory_space<vmem>>, vector<16xf32>,
    %swap3A_25 = vector.shape_cast %swap3A_24 : vector<16xf32> to vector<16xf32>
    %swap3A_26 = vector.shape_cast %broadcast_in_dim3A_22 : vector<16xf32> to vector<16xf32>
    tpu.vector_store %arg6[%swap3A_23], %swap3A_26 {strides = array<i32>} : memref<80xf32, #tpu.memory_space<vmem>>, vector<16xf32>,
    %broadcast_in_dim3A_27 = arith.constant 1.000000e+00 : f32
    %broadcast_in_dim3A_28 = vector.broadcast %broadcast_in_dim3A_27 : f32 to vector<16xf32>
    %swap3A_29 = arith.constant 64 : index
    %swap3A_30 = tpu.vector_load %arg6[%swap3A_29] {strides = array<i32>} : memref<80xf32, #tpu.memory_space<vmem>>, vector<16xf32>,
    %swap3A_31 = vector.shape_cast %swap3A_30 : vector<16xf32> to vector<16xf32>
    %swap3A_32 = vector.shape_cast %broadcast_in_dim3A_28 : vector<16xf32> to vector<16xf32>
    tpu.vector_store %arg6[%swap3A_29], %swap3A_32 {strides = array<i32>} : memref<80xf32, #tpu.memory_space<vmem>>, vector<16xf32>,
    %mul3A_33 = arith.constant 640 : i32
    %mul3A_34 = arith.muli %arg1, %mul3A_33 : i32
    "tpu.region"() ({
      %run_scoped3A = tpu.sem_alloc : memref<!tpu.dma_semaphore, #tpu.memory_space<semaphore_mem>>
      %dma_start3A = tpu.memref_slice %arg4[%mul3A_34] : memref<10240xf32, #tpu.memory_space<vmem_shared>> -> memref<640xf32, #tpu.memory_space<vmem_shared>>
      %dma_start3A_47 = tpu.memref_slice %arg4[%mul3A_34] : memref<10240xf32, #tpu.memory_space<vmem_shared>> -> memref<640xf32, #tpu.memory_space<vmem_shared>>
      tpu.enqueue_dma source(%arg7 : memref<640xf32, #tpu.memory_space<vmem>>) target(%dma_start3A_47 : memref<640xf32, #tpu.memory_space<vmem_shared>>) target_semaphore(%run_scoped3A : memref<!tpu.dma_semaphore, #tpu.memory_space<semaphore_mem>>)
      %dma_wait3A = tpu.memref_slice %arg4[%mul3A_34] : memref<10240xf32, #tpu.memory_space<vmem_shared>> -> memref<640xf32, #tpu.memory_space<vmem_shared>>
      %dma_wait3A_48 = tpu.memref_slice %arg4[%mul3A_34] : memref<10240xf32, #tpu.memory_space<vmem_shared>> -> memref<640xf32, #tpu.memory_space<vmem_shared>>
      tpu.wait_dma2 semaphore(%run_scoped3A : memref<!tpu.dma_semaphore, #tpu.memory_space<semaphore_mem>>) src(%arg7 : memref<640xf32, #tpu.memory_space<vmem>>) dst(%dma_wait3A_48 : memref<640xf32, #tpu.memory_space<vmem_shared>>)
      tpu.yield
    }) : () -> ()
    %barrier3A = arith.constant 0 : index
    tpu.barrier barrier_id(%barrier3A)
    %mul3A_35 = arith.constant 10000 : i32
    %mul3A_36 = arith.muli %add3A, %mul3A_35 : i32
    "tpu.region"() ({
      %run_scoped3A = tpu.sem_alloc : memref<!tpu.dma_semaphore, #tpu.memory_space<semaphore_mem>>
      %dma_start3A = tpu.memref_slice %arg2[%mul3A_36] : memref<320000xi32, #tpu.memory_space<hbm>> -> memref<10000xi32, #tpu.memory_space<hbm>>
      %dma_start3A_47 = tpu.memref_slice %arg2[%mul3A_36] : memref<320000xi32, #tpu.memory_space<hbm>> -> memref<10000xi32, #tpu.memory_space<hbm>>
      tpu.enqueue_dma source(%dma_start3A_47 : memref<10000xi32, #tpu.memory_space<hbm>>) target(%arg5 : memref<10000xi32, #tpu.memory_space<vmem>>) target_semaphore(%run_scoped3A : memref<!tpu.dma_semaphore, #tpu.memory_space<semaphore_mem>>)
      %dma_wait3A = tpu.memref_slice %arg2[%mul3A_36] : memref<320000xi32, #tpu.memory_space<hbm>> -> memref<10000xi32, #tpu.memory_space<hbm>>
      %dma_wait3A_48 = tpu.memref_slice %arg2[%mul3A_36] : memref<320000xi32, #tpu.memory_space<hbm>> -> memref<10000xi32, #tpu.memory_space<hbm>>
      tpu.wait_dma2 semaphore(%run_scoped3A : memref<!tpu.dma_semaphore, #tpu.memory_space<semaphore_mem>>) src(%dma_wait3A_48 : memref<10000xi32, #tpu.memory_space<hbm>>) dst(%arg5 : memref<10000xi32, #tpu.memory_space<vmem>>)
      tpu.yield
    }) : () -> ()
    %scan3A_37 = arith.constant 0 : i32
    %scan3A_38 = arith.constant 5 : i32
    %scan3A_39 = arith.addi %scan3A_37, %scan3A_38 : i32
    %scan3A_40 = arith.constant 1 : i32
    scf.for %scan3A_47 = %scan3A_37 to %scan3A_39 step %scan3A_40  : i32 {
      %mul3A_48 = arith.constant 25 : i32
      %mul3A_49 = arith.muli %scan3A_47, %mul3A_48 : i32
      %add3A_50 = arith.constant 0 : i32
      %add3A_51 = arith.addi %add3A_50, %mul3A_49 : i32
      %add3A_52 = arith.constant 0 : i32
      %add3A_53 = arith.addi %add3A_51, %add3A_52 : i32
      %mul3A_54 = arith.constant 80 : i32
      %mul3A_55 = arith.muli %add3A_53, %mul3A_54 : i32
      %dma_start3A = tpu.memref_slice %arg5[%mul3A_55] : memref<10000xi32, #tpu.memory_space<vmem>> -> memref<80xi32, #tpu.memory_space<vmem>>
      %dma_start3A_56 = arith.constant 0 : i32
      %dma_start3A_57 = tpu.memref_slice %arg4[%dma_start3A_56] : memref<10240xf32, #tpu.memory_space<vmem_shared>> -> memref<10240xf32, #tpu.memory_space<vmem_shared>>
      tpu.enqueue_indirect_dma source(%arg6 : memref<80xf32, #tpu.memory_space<vmem>>) target(%dma_start3A_57 : memref<10240xf32, #tpu.memory_space<vmem_shared>>) offsets(%dma_start3A : memref<80xi32, #tpu.memory_space<vmem>>) semaphore(%arg8 : memref<!tpu.dma_semaphore, #tpu.memory_space<semaphore_mem>>) {add = true}
      %add3A_58 = arith.constant 1 : i32
      %add3A_59 = arith.addi %add3A_51, %add3A_58 : i32
      %mul3A_60 = arith.constant 80 : i32
      %mul3A_61 = arith.muli %add3A_59, %mul3A_60 : i32
      %dma_start3A_62 = tpu.memref_slice %arg5[%mul3A_61] : memref<10000xi32, #tpu.memory_space<vmem>> -> memref<80xi32, #tpu.memory_space<vmem>>
      %dma_start3A_63 = arith.constant 0 : i32
      %dma_start3A_64 = tpu.memref_slice %arg4[%dma_start3A_63] : memref<10240xf32, #tpu.memory_space<vmem_shared>> -> memref<10240xf32, #tpu.memory_space<vmem_shared>>
      tpu.enqueue_indirect_dma source(%arg6 : memref<80xf32, #tpu.memory_space<vmem>>) target(%dma_start3A_64 : memref<10240xf32, #tpu.memory_space<vmem_shared>>) offsets(%dma_start3A_62 : memref<80xi32, #tpu.memory_space<vmem>>) semaphore(%arg8 : memref<!tpu.dma_semaphore, #tpu.memory_space<semaphore_mem>>) {add = true}
      %add3A_65 = arith.constant 2 : i32
      %add3A_66 = arith.addi %add3A_51, %add3A_65 : i32
      %mul3A_67 = arith.constant 80 : i32
      %mul3A_68 = arith.muli %add3A_66, %mul3A_67 : i32
      %dma_start3A_69 = tpu.memref_slice %arg5[%mul3A_68] : memref<10000xi32, #tpu.memory_space<vmem>> -> memref<80xi32, #tpu.memory_space<vmem>>
      %dma_start3A_70 = arith.constant 0 : i32
      %dma_start3A_71 = tpu.memref_slice %arg4[%dma_start3A_70] : memref<10240xf32, #tpu.memory_space<vmem_shared>> -> memref<10240xf32, #tpu.memory_space<vmem_shared>>
      tpu.enqueue_indirect_dma source(%arg6 : memref<80xf32, #tpu.memory_space<vmem>>) target(%dma_start3A_71 : memref<10240xf32, #tpu.memory_space<vmem_shared>>) offsets(%dma_start3A_69 : memref<80xi32, #tpu.memory_space<vmem>>) semaphore(%arg8 : memref<!tpu.dma_semaphore, #tpu.memory_space<semaphore_mem>>) {add = true}
      %add3A_72 = arith.constant 3 : i32
      %add3A_73 = arith.addi %add3A_51, %add3A_72 : i32
      %mul3A_74 = arith.constant 80 : i32
      %mul3A_75 = arith.muli %add3A_73, %mul3A_74 : i32
      %dma_start3A_76 = tpu.memref_slice %arg5[%mul3A_75] : memref<10000xi32, #tpu.memory_space<vmem>> -> memref<80xi32, #tpu.memory_space<vmem>>
      %dma_start3A_77 = arith.constant 0 : i32
      %dma_start3A_78 = tpu.memref_slice %arg4[%dma_start3A_77] : memref<10240xf32, #tpu.memory_space<vmem_shared>> -> memref<10240xf32, #tpu.memory_space<vmem_shared>>
      tpu.enqueue_indirect_dma source(%arg6 : memref<80xf32, #tpu.memory_space<vmem>>) target(%dma_start3A_78 : memref<10240xf32, #tpu.memory_space<vmem_shared>>) offsets(%dma_start3A_76 : memref<80xi32, #tpu.memory_space<vmem>>) semaphore(%arg8 : memref<!tpu.dma_semaphore, #tpu.memory_space<semaphore_mem>>) {add = true}
      %add3A_79 = arith.constant 4 : i32
      %add3A_80 = arith.addi %add3A_51, %add3A_79 : i32
      %mul3A_81 = arith.constant 80 : i32
      %mul3A_82 = arith.muli %add3A_80, %mul3A_81 : i32
      %dma_start3A_83 = tpu.memref_slice %arg5[%mul3A_82] : memref<10000xi32, #tpu.memory_space<vmem>> -> memref<80xi32, #tpu.memory_space<vmem>>
      %dma_start3A_84 = arith.constant 0 : i32
      %dma_start3A_85 = tpu.memref_slice %arg4[%dma_start3A_84] : memref<10240xf32, #tpu.memory_space<vmem_shared>> -> memref<10240xf32, #tpu.memory_space<vmem_shared>>
      tpu.enqueue_indirect_dma source(%arg6 : memref<80xf32, #tpu.memory_space<vmem>>) target(%dma_start3A_85 : memref<10240xf32, #tpu.memory_space<vmem_shared>>) offsets(%dma_start3A_83 : memref<80xi32, #tpu.memory_space<vmem>>) semaphore(%arg8 : memref<!tpu.dma_semaphore, #tpu.memory_space<semaphore_mem>>) {add = true}
      %add3A_86 = arith.constant 5 : i32
      %add3A_87 = arith.addi %add3A_51, %add3A_86 : i32
      %mul3A_88 = arith.constant 80 : i32
      %mul3A_89 = arith.muli %add3A_87, %mul3A_88 : i32
      %dma_start3A_90 = tpu.memref_slice %arg5[%mul3A_89] : memref<10000xi32, #tpu.memory_space<vmem>> -> memref<80xi32, #tpu.memory_space<vmem>>
      %dma_start3A_91 = arith.constant 0 : i32
      %dma_start3A_92 = tpu.memref_slice %arg4[%dma_start3A_91] : memref<10240xf32, #tpu.memory_space<vmem_shared>> -> memref<10240xf32, #tpu.memory_space<vmem_shared>>
      tpu.enqueue_indirect_dma source(%arg6 : memref<80xf32, #tpu.memory_space<vmem>>) target(%dma_start3A_92 : memref<10240xf32, #tpu.memory_space<vmem_shared>>) offsets(%dma_start3A_90 : memref<80xi32, #tpu.memory_space<vmem>>) semaphore(%arg8 : memref<!tpu.dma_semaphore, #tpu.memory_space<semaphore_mem>>) {add = true}
      %add3A_93 = arith.constant 6 : i32
      %add3A_94 = arith.addi %add3A_51, %add3A_93 : i32
      %mul3A_95 = arith.constant 80 : i32
      %mul3A_96 = arith.muli %add3A_94, %mul3A_95 : i32
      %dma_start3A_97 = tpu.memref_slice %arg5[%mul3A_96] : memref<10000xi32, #tpu.memory_space<vmem>> -> memref<80xi32, #tpu.memory_space<vmem>>
      %dma_start3A_98 = arith.constant 0 : i32
      %dma_start3A_99 = tpu.memref_slice %arg4[%dma_start3A_98] : memref<10240xf32, #tpu.memory_space<vmem_shared>> -> memref<10240xf32, #tpu.memory_space<vmem_shared>>
      tpu.enqueue_indirect_dma source(%arg6 : memref<80xf32, #tpu.memory_space<vmem>>) target(%dma_start3A_99 : memref<10240xf32, #tpu.memory_space<vmem_shared>>) offsets(%dma_start3A_97 : memref<80xi32, #tpu.memory_space<vmem>>) semaphore(%arg8 : memref<!tpu.dma_semaphore, #tpu.memory_space<semaphore_mem>>) {add = true}
      %add3A_100 = arith.constant 7 : i32
      %add3A_101 = arith.addi %add3A_51, %add3A_100 : i32
      %mul3A_102 = arith.constant 80 : i32
      %mul3A_103 = arith.muli %add3A_101, %mul3A_102 : i32
      %dma_start3A_104 = tpu.memref_slice %arg5[%mul3A_103] : memref<10000xi32, #tpu.memory_space<vmem>> -> memref<80xi32, #tpu.memory_space<vmem>>
      %dma_start3A_105 = arith.constant 0 : i32
      %dma_start3A_106 = tpu.memref_slice %arg4[%dma_start3A_105] : memref<10240xf32, #tpu.memory_space<vmem_shared>> -> memref<10240xf32, #tpu.memory_space<vmem_shared>>
      tpu.enqueue_indirect_dma source(%arg6 : memref<80xf32, #tpu.memory_space<vmem>>) target(%dma_start3A_106 : memref<10240xf32, #tpu.memory_space<vmem_shared>>) offsets(%dma_start3A_104 : memref<80xi32, #tpu.memory_space<vmem>>) semaphore(%arg8 : memref<!tpu.dma_semaphore, #tpu.memory_space<semaphore_mem>>) {add = true}
      %add3A_107 = arith.constant 8 : i32
      %add3A_108 = arith.addi %add3A_51, %add3A_107 : i32
      %mul3A_109 = arith.constant 80 : i32
      %mul3A_110 = arith.muli %add3A_108, %mul3A_109 : i32
      %dma_start3A_111 = tpu.memref_slice %arg5[%mul3A_110] : memref<10000xi32, #tpu.memory_space<vmem>> -> memref<80xi32, #tpu.memory_space<vmem>>
      %dma_start3A_112 = arith.constant 0 : i32
      %dma_start3A_113 = tpu.memref_slice %arg4[%dma_start3A_112] : memref<10240xf32, #tpu.memory_space<vmem_shared>> -> memref<10240xf32, #tpu.memory_space<vmem_shared>>
      tpu.enqueue_indirect_dma source(%arg6 : memref<80xf32, #tpu.memory_space<vmem>>) target(%dma_start3A_113 : memref<10240xf32, #tpu.memory_space<vmem_shared>>) offsets(%dma_start3A_111 : memref<80xi32, #tpu.memory_space<vmem>>) semaphore(%arg8 : memref<!tpu.dma_semaphore, #tpu.memory_space<semaphore_mem>>) {add = true}
      %add3A_114 = arith.constant 9 : i32
      %add3A_115 = arith.addi %add3A_51, %add3A_114 : i32
      %mul3A_116 = arith.constant 80 : i32
      %mul3A_117 = arith.muli %add3A_115, %mul3A_116 : i32
      %dma_start3A_118 = tpu.memref_slice %arg5[%mul3A_117] : memref<10000xi32, #tpu.memory_space<vmem>> -> memref<80xi32, #tpu.memory_space<vmem>>
      %dma_start3A_119 = arith.constant 0 : i32
      %dma_start3A_120 = tpu.memref_slice %arg4[%dma_start3A_119] : memref<10240xf32, #tpu.memory_space<vmem_shared>> -> memref<10240xf32, #tpu.memory_space<vmem_shared>>
      tpu.enqueue_indirect_dma source(%arg6 : memref<80xf32, #tpu.memory_space<vmem>>) target(%dma_start3A_120 : memref<10240xf32, #tpu.memory_space<vmem_shared>>) offsets(%dma_start3A_118 : memref<80xi32, #tpu.memory_space<vmem>>) semaphore(%arg8 : memref<!tpu.dma_semaphore, #tpu.memory_space<semaphore_mem>>) {add = true}
      %add3A_121 = arith.constant 10 : i32
      %add3A_122 = arith.addi %add3A_51, %add3A_121 : i32
      %mul3A_123 = arith.constant 80 : i32
      %mul3A_124 = arith.muli %add3A_122, %mul3A_123 : i32
      %dma_start3A_125 = tpu.memref_slice %arg5[%mul3A_124] : memref<10000xi32, #tpu.memory_space<vmem>> -> memref<80xi32, #tpu.memory_space<vmem>>
      %dma_start3A_126 = arith.constant 0 : i32
      %dma_start3A_127 = tpu.memref_slice %arg4[%dma_start3A_126] : memref<10240xf32, #tpu.memory_space<vmem_shared>> -> memref<10240xf32, #tpu.memory_space<vmem_shared>>
      tpu.enqueue_indirect_dma source(%arg6 : memref<80xf32, #tpu.memory_space<vmem>>) target(%dma_start3A_127 : memref<10240xf32, #tpu.memory_space<vmem_shared>>) offsets(%dma_start3A_125 : memref<80xi32, #tpu.memory_space<vmem>>) semaphore(%arg8 : memref<!tpu.dma_semaphore, #tpu.memory_space<semaphore_mem>>) {add = true}
      %add3A_128 = arith.constant 11 : i32
      %add3A_129 = arith.addi %add3A_51, %add3A_128 : i32
      %mul3A_130 = arith.constant 80 : i32
      %mul3A_131 = arith.muli %add3A_129, %mul3A_130 : i32
      %dma_start3A_132 = tpu.memref_slice %arg5[%mul3A_131] : memref<10000xi32, #tpu.memory_space<vmem>> -> memref<80xi32, #tpu.memory_space<vmem>>
      %dma_start3A_133 = arith.constant 0 : i32
      %dma_start3A_134 = tpu.memref_slice %arg4[%dma_start3A_133] : memref<10240xf32, #tpu.memory_space<vmem_shared>> -> memref<10240xf32, #tpu.memory_space<vmem_shared>>
      tpu.enqueue_indirect_dma source(%arg6 : memref<80xf32, #tpu.memory_space<vmem>>) target(%dma_start3A_134 : memref<10240xf32, #tpu.memory_space<vmem_shared>>) offsets(%dma_start3A_132 : memref<80xi32, #tpu.memory_space<vmem>>) semaphore(%arg8 : memref<!tpu.dma_semaphore, #tpu.memory_space<semaphore_mem>>) {add = true}
      %add3A_135 = arith.constant 12 : i32
      %add3A_136 = arith.addi %add3A_51, %add3A_135 : i32
      %mul3A_137 = arith.constant 80 : i32
      %mul3A_138 = arith.muli %add3A_136, %mul3A_137 : i32
      %dma_start3A_139 = tpu.memref_slice %arg5[%mul3A_138] : memref<10000xi32, #tpu.memory_space<vmem>> -> memref<80xi32, #tpu.memory_space<vmem>>
      %dma_start3A_140 = arith.constant 0 : i32
      %dma_start3A_141 = tpu.memref_slice %arg4[%dma_start3A_140] : memref<10240xf32, #tpu.memory_space<vmem_shared>> -> memref<10240xf32, #tpu.memory_space<vmem_shared>>
      tpu.enqueue_indirect_dma source(%arg6 : memref<80xf32, #tpu.memory_space<vmem>>) target(%dma_start3A_141 : memref<10240xf32, #tpu.memory_space<vmem_shared>>) offsets(%dma_start3A_139 : memref<80xi32, #tpu.memory_space<vmem>>) semaphore(%arg8 : memref<!tpu.dma_semaphore, #tpu.memory_space<semaphore_mem>>) {add = true}
      %add3A_142 = arith.constant 13 : i32
      %add3A_143 = arith.addi %add3A_51, %add3A_142 : i32
      %mul3A_144 = arith.constant 80 : i32
      %mul3A_145 = arith.muli %add3A_143, %mul3A_144 : i32
      %dma_start3A_146 = tpu.memref_slice %arg5[%mul3A_145] : memref<10000xi32, #tpu.memory_space<vmem>> -> memref<80xi32, #tpu.memory_space<vmem>>
      %dma_start3A_147 = arith.constant 0 : i32
      %dma_start3A_148 = tpu.memref_slice %arg4[%dma_start3A_147] : memref<10240xf32, #tpu.memory_space<vmem_shared>> -> memref<10240xf32, #tpu.memory_space<vmem_shared>>
      tpu.enqueue_indirect_dma source(%arg6 : memref<80xf32, #tpu.memory_space<vmem>>) target(%dma_start3A_148 : memref<10240xf32, #tpu.memory_space<vmem_shared>>) offsets(%dma_start3A_146 : memref<80xi32, #tpu.memory_space<vmem>>) semaphore(%arg8 : memref<!tpu.dma_semaphore, #tpu.memory_space<semaphore_mem>>) {add = true}
      %add3A_149 = arith.constant 14 : i32
      %add3A_150 = arith.addi %add3A_51, %add3A_149 : i32
      %mul3A_151 = arith.constant 80 : i32
      %mul3A_152 = arith.muli %add3A_150, %mul3A_151 : i32
      %dma_start3A_153 = tpu.memref_slice %arg5[%mul3A_152] : memref<10000xi32, #tpu.memory_space<vmem>> -> memref<80xi32, #tpu.memory_space<vmem>>
      %dma_start3A_154 = arith.constant 0 : i32
      %dma_start3A_155 = tpu.memref_slice %arg4[%dma_start3A_154] : memref<10240xf32, #tpu.memory_space<vmem_shared>> -> memref<10240xf32, #tpu.memory_space<vmem_shared>>
      tpu.enqueue_indirect_dma source(%arg6 : memref<80xf32, #tpu.memory_space<vmem>>) target(%dma_start3A_155 : memref<10240xf32, #tpu.memory_space<vmem_shared>>) offsets(%dma_start3A_153 : memref<80xi32, #tpu.memory_space<vmem>>) semaphore(%arg8 : memref<!tpu.dma_semaphore, #tpu.memory_space<semaphore_mem>>) {add = true}
      %add3A_156 = arith.constant 15 : i32
      %add3A_157 = arith.addi %add3A_51, %add3A_156 : i32
      %mul3A_158 = arith.constant 80 : i32
      %mul3A_159 = arith.muli %add3A_157, %mul3A_158 : i32
      %dma_start3A_160 = tpu.memref_slice %arg5[%mul3A_159] : memref<10000xi32, #tpu.memory_space<vmem>> -> memref<80xi32, #tpu.memory_space<vmem>>
      %dma_start3A_161 = arith.constant 0 : i32
      %dma_start3A_162 = tpu.memref_slice %arg4[%dma_start3A_161] : memref<10240xf32, #tpu.memory_space<vmem_shared>> -> memref<10240xf32, #tpu.memory_space<vmem_shared>>
      tpu.enqueue_indirect_dma source(%arg6 : memref<80xf32, #tpu.memory_space<vmem>>) target(%dma_start3A_162 : memref<10240xf32, #tpu.memory_space<vmem_shared>>) offsets(%dma_start3A_160 : memref<80xi32, #tpu.memory_space<vmem>>) semaphore(%arg8 : memref<!tpu.dma_semaphore, #tpu.memory_space<semaphore_mem>>) {add = true}
      %add3A_163 = arith.constant 16 : i32
      %add3A_164 = arith.addi %add3A_51, %add3A_163 : i32
      %mul3A_165 = arith.constant 80 : i32
      %mul3A_166 = arith.muli %add3A_164, %mul3A_165 : i32
      %dma_start3A_167 = tpu.memref_slice %arg5[%mul3A_166] : memref<10000xi32, #tpu.memory_space<vmem>> -> memref<80xi32, #tpu.memory_space<vmem>>
      %dma_start3A_168 = arith.constant 0 : i32
      %dma_start3A_169 = tpu.memref_slice %arg4[%dma_start3A_168] : memref<10240xf32, #tpu.memory_space<vmem_shared>> -> memref<10240xf32, #tpu.memory_space<vmem_shared>>
      tpu.enqueue_indirect_dma source(%arg6 : memref<80xf32, #tpu.memory_space<vmem>>) target(%dma_start3A_169 : memref<10240xf32, #tpu.memory_space<vmem_shared>>) offsets(%dma_start3A_167 : memref<80xi32, #tpu.memory_space<vmem>>) semaphore(%arg8 : memref<!tpu.dma_semaphore, #tpu.memory_space<semaphore_mem>>) {add = true}
      %add3A_170 = arith.constant 17 : i32
      %add3A_171 = arith.addi %add3A_51, %add3A_170 : i32
      %mul3A_172 = arith.constant 80 : i32
      %mul3A_173 = arith.muli %add3A_171, %mul3A_172 : i32
      %dma_start3A_174 = tpu.memref_slice %arg5[%mul3A_173] : memref<10000xi32, #tpu.memory_space<vmem>> -> memref<80xi32, #tpu.memory_space<vmem>>
      %dma_start3A_175 = arith.constant 0 : i32
      %dma_start3A_176 = tpu.memref_slice %arg4[%dma_start3A_175] : memref<10240xf32, #tpu.memory_space<vmem_shared>> -> memref<10240xf32, #tpu.memory_space<vmem_shared>>
      tpu.enqueue_indirect_dma source(%arg6 : memref<80xf32, #tpu.memory_space<vmem>>) target(%dma_start3A_176 : memref<10240xf32, #tpu.memory_space<vmem_shared>>) offsets(%dma_start3A_174 : memref<80xi32, #tpu.memory_space<vmem>>) semaphore(%arg8 : memref<!tpu.dma_semaphore, #tpu.memory_space<semaphore_mem>>) {add = true}
      %add3A_177 = arith.constant 18 : i32
      %add3A_178 = arith.addi %add3A_51, %add3A_177 : i32
      %mul3A_179 = arith.constant 80 : i32
      %mul3A_180 = arith.muli %add3A_178, %mul3A_179 : i32
      %dma_start3A_181 = tpu.memref_slice %arg5[%mul3A_180] : memref<10000xi32, #tpu.memory_space<vmem>> -> memref<80xi32, #tpu.memory_space<vmem>>
      %dma_start3A_182 = arith.constant 0 : i32
      %dma_start3A_183 = tpu.memref_slice %arg4[%dma_start3A_182] : memref<10240xf32, #tpu.memory_space<vmem_shared>> -> memref<10240xf32, #tpu.memory_space<vmem_shared>>
      tpu.enqueue_indirect_dma source(%arg6 : memref<80xf32, #tpu.memory_space<vmem>>) target(%dma_start3A_183 : memref<10240xf32, #tpu.memory_space<vmem_shared>>) offsets(%dma_start3A_181 : memref<80xi32, #tpu.memory_space<vmem>>) semaphore(%arg8 : memref<!tpu.dma_semaphore, #tpu.memory_space<semaphore_mem>>) {add = true}
      %add3A_184 = arith.constant 19 : i32
      %add3A_185 = arith.addi %add3A_51, %add3A_184 : i32
      %mul3A_186 = arith.constant 80 : i32
      %mul3A_187 = arith.muli %add3A_185, %mul3A_186 : i32
      %dma_start3A_188 = tpu.memref_slice %arg5[%mul3A_187] : memref<10000xi32, #tpu.memory_space<vmem>> -> memref<80xi32, #tpu.memory_space<vmem>>
      %dma_start3A_189 = arith.constant 0 : i32
      %dma_start3A_190 = tpu.memref_slice %arg4[%dma_start3A_189] : memref<10240xf32, #tpu.memory_space<vmem_shared>> -> memref<10240xf32, #tpu.memory_space<vmem_shared>>
      tpu.enqueue_indirect_dma source(%arg6 : memref<80xf32, #tpu.memory_space<vmem>>) target(%dma_start3A_190 : memref<10240xf32, #tpu.memory_space<vmem_shared>>) offsets(%dma_start3A_188 : memref<80xi32, #tpu.memory_space<vmem>>) semaphore(%arg8 : memref<!tpu.dma_semaphore, #tpu.memory_space<semaphore_mem>>) {add = true}
      %add3A_191 = arith.constant 20 : i32
      %add3A_192 = arith.addi %add3A_51, %add3A_191 : i32
      %mul3A_193 = arith.constant 80 : i32
      %mul3A_194 = arith.muli %add3A_192, %mul3A_193 : i32
      %dma_start3A_195 = tpu.memref_slice %arg5[%mul3A_194] : memref<10000xi32, #tpu.memory_space<vmem>> -> memref<80xi32, #tpu.memory_space<vmem>>
      %dma_start3A_196 = arith.constant 0 : i32
      %dma_start3A_197 = tpu.memref_slice %arg4[%dma_start3A_196] : memref<10240xf32, #tpu.memory_space<vmem_shared>> -> memref<10240xf32, #tpu.memory_space<vmem_shared>>
      tpu.enqueue_indirect_dma source(%arg6 : memref<80xf32, #tpu.memory_space<vmem>>) target(%dma_start3A_197 : memref<10240xf32, #tpu.memory_space<vmem_shared>>) offsets(%dma_start3A_195 : memref<80xi32, #tpu.memory_space<vmem>>) semaphore(%arg8 : memref<!tpu.dma_semaphore, #tpu.memory_space<semaphore_mem>>) {add = true}
      %add3A_198 = arith.constant 21 : i32
      %add3A_199 = arith.addi %add3A_51, %add3A_198 : i32
      %mul3A_200 = arith.constant 80 : i32
      %mul3A_201 = arith.muli %add3A_199, %mul3A_200 : i32
      %dma_start3A_202 = tpu.memref_slice %arg5[%mul3A_201] : memref<10000xi32, #tpu.memory_space<vmem>> -> memref<80xi32, #tpu.memory_space<vmem>>
      %dma_start3A_203 = arith.constant 0 : i32
      %dma_start3A_204 = tpu.memref_slice %arg4[%dma_start3A_203] : memref<10240xf32, #tpu.memory_space<vmem_shared>> -> memref<10240xf32, #tpu.memory_space<vmem_shared>>
      tpu.enqueue_indirect_dma source(%arg6 : memref<80xf32, #tpu.memory_space<vmem>>) target(%dma_start3A_204 : memref<10240xf32, #tpu.memory_space<vmem_shared>>) offsets(%dma_start3A_202 : memref<80xi32, #tpu.memory_space<vmem>>) semaphore(%arg8 : memref<!tpu.dma_semaphore, #tpu.memory_space<semaphore_mem>>) {add = true}
      %add3A_205 = arith.constant 22 : i32
      %add3A_206 = arith.addi %add3A_51, %add3A_205 : i32
      %mul3A_207 = arith.constant 80 : i32
      %mul3A_208 = arith.muli %add3A_206, %mul3A_207 : i32
      %dma_start3A_209 = tpu.memref_slice %arg5[%mul3A_208] : memref<10000xi32, #tpu.memory_space<vmem>> -> memref<80xi32, #tpu.memory_space<vmem>>
      %dma_start3A_210 = arith.constant 0 : i32
      %dma_start3A_211 = tpu.memref_slice %arg4[%dma_start3A_210] : memref<10240xf32, #tpu.memory_space<vmem_shared>> -> memref<10240xf32, #tpu.memory_space<vmem_shared>>
      tpu.enqueue_indirect_dma source(%arg6 : memref<80xf32, #tpu.memory_space<vmem>>) target(%dma_start3A_211 : memref<10240xf32, #tpu.memory_space<vmem_shared>>) offsets(%dma_start3A_209 : memref<80xi32, #tpu.memory_space<vmem>>) semaphore(%arg8 : memref<!tpu.dma_semaphore, #tpu.memory_space<semaphore_mem>>) {add = true}
      %add3A_212 = arith.constant 23 : i32
      %add3A_213 = arith.addi %add3A_51, %add3A_212 : i32
      %mul3A_214 = arith.constant 80 : i32
      %mul3A_215 = arith.muli %add3A_213, %mul3A_214 : i32
      %dma_start3A_216 = tpu.memref_slice %arg5[%mul3A_215] : memref<10000xi32, #tpu.memory_space<vmem>> -> memref<80xi32, #tpu.memory_space<vmem>>
      %dma_start3A_217 = arith.constant 0 : i32
      %dma_start3A_218 = tpu.memref_slice %arg4[%dma_start3A_217] : memref<10240xf32, #tpu.memory_space<vmem_shared>> -> memref<10240xf32, #tpu.memory_space<vmem_shared>>
      tpu.enqueue_indirect_dma source(%arg6 : memref<80xf32, #tpu.memory_space<vmem>>) target(%dma_start3A_218 : memref<10240xf32, #tpu.memory_space<vmem_shared>>) offsets(%dma_start3A_216 : memref<80xi32, #tpu.memory_space<vmem>>) semaphore(%arg8 : memref<!tpu.dma_semaphore, #tpu.memory_space<semaphore_mem>>) {add = true}
      %add3A_219 = arith.constant 24 : i32
      %add3A_220 = arith.addi %add3A_51, %add3A_219 : i32
      %mul3A_221 = arith.constant 80 : i32
      %mul3A_222 = arith.muli %add3A_220, %mul3A_221 : i32
      %dma_start3A_223 = tpu.memref_slice %arg5[%mul3A_222] : memref<10000xi32, #tpu.memory_space<vmem>> -> memref<80xi32, #tpu.memory_space<vmem>>
      %dma_start3A_224 = arith.constant 0 : i32
      %dma_start3A_225 = tpu.memref_slice %arg4[%dma_start3A_224] : memref<10240xf32, #tpu.memory_space<vmem_shared>> -> memref<10240xf32, #tpu.memory_space<vmem_shared>>
      tpu.enqueue_indirect_dma source(%arg6 : memref<80xf32, #tpu.memory_space<vmem>>) target(%dma_start3A_225 : memref<10240xf32, #tpu.memory_space<vmem_shared>>) offsets(%dma_start3A_223 : memref<80xi32, #tpu.memory_space<vmem>>) semaphore(%arg8 : memref<!tpu.dma_semaphore, #tpu.memory_space<semaphore_mem>>) {add = true}
      %dma_wait3A = tpu.memref_slice %arg5[%mul3A_55] : memref<10000xi32, #tpu.memory_space<vmem>> -> memref<80xi32, #tpu.memory_space<vmem>>
      %dma_wait3A_226 = arith.constant 0 : i32
      %dma_wait3A_227 = tpu.memref_slice %arg4[%dma_wait3A_226] : memref<10240xf32, #tpu.memory_space<vmem_shared>> -> memref<10240xf32, #tpu.memory_space<vmem_shared>>
      tpu.wait_indirect_dma semaphore(%arg8 : memref<!tpu.dma_semaphore, #tpu.memory_space<semaphore_mem>>) src(%arg6 : memref<80xf32, #tpu.memory_space<vmem>>) dst(%dma_wait3A_227 : memref<10240xf32, #tpu.memory_space<vmem_shared>>)
      %dma_wait3A_228 = tpu.memref_slice %arg5[%mul3A_61] : memref<10000xi32, #tpu.memory_space<vmem>> -> memref<80xi32, #tpu.memory_space<vmem>>
      %dma_wait3A_229 = arith.constant 0 : i32
      %dma_wait3A_230 = tpu.memref_slice %arg4[%dma_wait3A_229] : memref<10240xf32, #tpu.memory_space<vmem_shared>> -> memref<10240xf32, #tpu.memory_space<vmem_shared>>
      tpu.wait_indirect_dma semaphore(%arg8 : memref<!tpu.dma_semaphore, #tpu.memory_space<semaphore_mem>>) src(%arg6 : memref<80xf32, #tpu.memory_space<vmem>>) dst(%dma_wait3A_230 : memref<10240xf32, #tpu.memory_space<vmem_shared>>)
      %dma_wait3A_231 = tpu.memref_slice %arg5[%mul3A_68] : memref<10000xi32, #tpu.memory_space<vmem>> -> memref<80xi32, #tpu.memory_space<vmem>>
      %dma_wait3A_232 = arith.constant 0 : i32
      %dma_wait3A_233 = tpu.memref_slice %arg4[%dma_wait3A_232] : memref<10240xf32, #tpu.memory_space<vmem_shared>> -> memref<10240xf32, #tpu.memory_space<vmem_shared>>
      tpu.wait_indirect_dma semaphore(%arg8 : memref<!tpu.dma_semaphore, #tpu.memory_space<semaphore_mem>>) src(%arg6 : memref<80xf32, #tpu.memory_space<vmem>>) dst(%dma_wait3A_233 : memref<10240xf32, #tpu.memory_space<vmem_shared>>)
      %dma_wait3A_234 = tpu.memref_slice %arg5[%mul3A_75] : memref<10000xi32, #tpu.memory_space<vmem>> -> memref<80xi32, #tpu.memory_space<vmem>>
      %dma_wait3A_235 = arith.constant 0 : i32
      %dma_wait3A_236 = tpu.memref_slice %arg4[%dma_wait3A_235] : memref<10240xf32, #tpu.memory_space<vmem_shared>> -> memref<10240xf32, #tpu.memory_space<vmem_shared>>
      tpu.wait_indirect_dma semaphore(%arg8 : memref<!tpu.dma_semaphore, #tpu.memory_space<semaphore_mem>>) src(%arg6 : memref<80xf32, #tpu.memory_space<vmem>>) dst(%dma_wait3A_236 : memref<10240xf32, #tpu.memory_space<vmem_shared>>)
      %dma_wait3A_237 = tpu.memref_slice %arg5[%mul3A_82] : memref<10000xi32, #tpu.memory_space<vmem>> -> memref<80xi32, #tpu.memory_space<vmem>>
      %dma_wait3A_238 = arith.constant 0 : i32
      %dma_wait3A_239 = tpu.memref_slice %arg4[%dma_wait3A_238] : memref<10240xf32, #tpu.memory_space<vmem_shared>> -> memref<10240xf32, #tpu.memory_space<vmem_shared>>
      tpu.wait_indirect_dma semaphore(%arg8 : memref<!tpu.dma_semaphore, #tpu.memory_space<semaphore_mem>>) src(%arg6 : memref<80xf32, #tpu.memory_space<vmem>>) dst(%dma_wait3A_239 : memref<10240xf32, #tpu.memory_space<vmem_shared>>)
      %dma_wait3A_240 = tpu.memref_slice %arg5[%mul3A_89] : memref<10000xi32, #tpu.memory_space<vmem>> -> memref<80xi32, #tpu.memory_space<vmem>>
      %dma_wait3A_241 = arith.constant 0 : i32
      %dma_wait3A_242 = tpu.memref_slice %arg4[%dma_wait3A_241] : memref<10240xf32, #tpu.memory_space<vmem_shared>> -> memref<10240xf32, #tpu.memory_space<vmem_shared>>
      tpu.wait_indirect_dma semaphore(%arg8 : memref<!tpu.dma_semaphore, #tpu.memory_space<semaphore_mem>>) src(%arg6 : memref<80xf32, #tpu.memory_space<vmem>>) dst(%dma_wait3A_242 : memref<10240xf32, #tpu.memory_space<vmem_shared>>)
      %dma_wait3A_243 = tpu.memref_slice %arg5[%mul3A_96] : memref<10000xi32, #tpu.memory_space<vmem>> -> memref<80xi32, #tpu.memory_space<vmem>>
      %dma_wait3A_244 = arith.constant 0 : i32
      %dma_wait3A_245 = tpu.memref_slice %arg4[%dma_wait3A_244] : memref<10240xf32, #tpu.memory_space<vmem_shared>> -> memref<10240xf32, #tpu.memory_space<vmem_shared>>
      tpu.wait_indirect_dma semaphore(%arg8 : memref<!tpu.dma_semaphore, #tpu.memory_space<semaphore_mem>>) src(%arg6 : memref<80xf32, #tpu.memory_space<vmem>>) dst(%dma_wait3A_245 : memref<10240xf32, #tpu.memory_space<vmem_shared>>)
      %dma_wait3A_246 = tpu.memref_slice %arg5[%mul3A_103] : memref<10000xi32, #tpu.memory_space<vmem>> -> memref<80xi32, #tpu.memory_space<vmem>>
      %dma_wait3A_247 = arith.constant 0 : i32
      %dma_wait3A_248 = tpu.memref_slice %arg4[%dma_wait3A_247] : memref<10240xf32, #tpu.memory_space<vmem_shared>> -> memref<10240xf32, #tpu.memory_space<vmem_shared>>
      tpu.wait_indirect_dma semaphore(%arg8 : memref<!tpu.dma_semaphore, #tpu.memory_space<semaphore_mem>>) src(%arg6 : memref<80xf32, #tpu.memory_space<vmem>>) dst(%dma_wait3A_248 : memref<10240xf32, #tpu.memory_space<vmem_shared>>)
      %dma_wait3A_249 = tpu.memref_slice %arg5[%mul3A_110] : memref<10000xi32, #tpu.memory_space<vmem>> -> memref<80xi32, #tpu.memory_space<vmem>>
      %dma_wait3A_250 = arith.constant 0 : i32
      %dma_wait3A_251 = tpu.memref_slice %arg4[%dma_wait3A_250] : memref<10240xf32, #tpu.memory_space<vmem_shared>> -> memref<10240xf32, #tpu.memory_space<vmem_shared>>
      tpu.wait_indirect_dma semaphore(%arg8 : memref<!tpu.dma_semaphore, #tpu.memory_space<semaphore_mem>>) src(%arg6 : memref<80xf32, #tpu.memory_space<vmem>>) dst(%dma_wait3A_251 : memref<10240xf32, #tpu.memory_space<vmem_shared>>)
      %dma_wait3A_252 = tpu.memref_slice %arg5[%mul3A_117] : memref<10000xi32, #tpu.memory_space<vmem>> -> memref<80xi32, #tpu.memory_space<vmem>>
      %dma_wait3A_253 = arith.constant 0 : i32
      %dma_wait3A_254 = tpu.memref_slice %arg4[%dma_wait3A_253] : memref<10240xf32, #tpu.memory_space<vmem_shared>> -> memref<10240xf32, #tpu.memory_space<vmem_shared>>
      tpu.wait_indirect_dma semaphore(%arg8 : memref<!tpu.dma_semaphore, #tpu.memory_space<semaphore_mem>>) src(%arg6 : memref<80xf32, #tpu.memory_space<vmem>>) dst(%dma_wait3A_254 : memref<10240xf32, #tpu.memory_space<vmem_shared>>)
      %dma_wait3A_255 = tpu.memref_slice %arg5[%mul3A_124] : memref<10000xi32, #tpu.memory_space<vmem>> -> memref<80xi32, #tpu.memory_space<vmem>>
      %dma_wait3A_256 = arith.constant 0 : i32
      %dma_wait3A_257 = tpu.memref_slice %arg4[%dma_wait3A_256] : memref<10240xf32, #tpu.memory_space<vmem_shared>> -> memref<10240xf32, #tpu.memory_space<vmem_shared>>
      tpu.wait_indirect_dma semaphore(%arg8 : memref<!tpu.dma_semaphore, #tpu.memory_space<semaphore_mem>>) src(%arg6 : memref<80xf32, #tpu.memory_space<vmem>>) dst(%dma_wait3A_257 : memref<10240xf32, #tpu.memory_space<vmem_shared>>)
      %dma_wait3A_258 = tpu.memref_slice %arg5[%mul3A_131] : memref<10000xi32, #tpu.memory_space<vmem>> -> memref<80xi32, #tpu.memory_space<vmem>>
      %dma_wait3A_259 = arith.constant 0 : i32
      %dma_wait3A_260 = tpu.memref_slice %arg4[%dma_wait3A_259] : memref<10240xf32, #tpu.memory_space<vmem_shared>> -> memref<10240xf32, #tpu.memory_space<vmem_shared>>
      tpu.wait_indirect_dma semaphore(%arg8 : memref<!tpu.dma_semaphore, #tpu.memory_space<semaphore_mem>>) src(%arg6 : memref<80xf32, #tpu.memory_space<vmem>>) dst(%dma_wait3A_260 : memref<10240xf32, #tpu.memory_space<vmem_shared>>)
      %dma_wait3A_261 = tpu.memref_slice %arg5[%mul3A_138] : memref<10000xi32, #tpu.memory_space<vmem>> -> memref<80xi32, #tpu.memory_space<vmem>>
      %dma_wait3A_262 = arith.constant 0 : i32
      %dma_wait3A_263 = tpu.memref_slice %arg4[%dma_wait3A_262] : memref<10240xf32, #tpu.memory_space<vmem_shared>> -> memref<10240xf32, #tpu.memory_space<vmem_shared>>
      tpu.wait_indirect_dma semaphore(%arg8 : memref<!tpu.dma_semaphore, #tpu.memory_space<semaphore_mem>>) src(%arg6 : memref<80xf32, #tpu.memory_space<vmem>>) dst(%dma_wait3A_263 : memref<10240xf32, #tpu.memory_space<vmem_shared>>)
      %dma_wait3A_264 = tpu.memref_slice %arg5[%mul3A_145] : memref<10000xi32, #tpu.memory_space<vmem>> -> memref<80xi32, #tpu.memory_space<vmem>>
      %dma_wait3A_265 = arith.constant 0 : i32
      %dma_wait3A_266 = tpu.memref_slice %arg4[%dma_wait3A_265] : memref<10240xf32, #tpu.memory_space<vmem_shared>> -> memref<10240xf32, #tpu.memory_space<vmem_shared>>
      tpu.wait_indirect_dma semaphore(%arg8 : memref<!tpu.dma_semaphore, #tpu.memory_space<semaphore_mem>>) src(%arg6 : memref<80xf32, #tpu.memory_space<vmem>>) dst(%dma_wait3A_266 : memref<10240xf32, #tpu.memory_space<vmem_shared>>)
      %dma_wait3A_267 = tpu.memref_slice %arg5[%mul3A_152] : memref<10000xi32, #tpu.memory_space<vmem>> -> memref<80xi32, #tpu.memory_space<vmem>>
      %dma_wait3A_268 = arith.constant 0 : i32
      %dma_wait3A_269 = tpu.memref_slice %arg4[%dma_wait3A_268] : memref<10240xf32, #tpu.memory_space<vmem_shared>> -> memref<10240xf32, #tpu.memory_space<vmem_shared>>
      tpu.wait_indirect_dma semaphore(%arg8 : memref<!tpu.dma_semaphore, #tpu.memory_space<semaphore_mem>>) src(%arg6 : memref<80xf32, #tpu.memory_space<vmem>>) dst(%dma_wait3A_269 : memref<10240xf32, #tpu.memory_space<vmem_shared>>)
      %dma_wait3A_270 = tpu.memref_slice %arg5[%mul3A_159] : memref<10000xi32, #tpu.memory_space<vmem>> -> memref<80xi32, #tpu.memory_space<vmem>>
      %dma_wait3A_271 = arith.constant 0 : i32
      %dma_wait3A_272 = tpu.memref_slice %arg4[%dma_wait3A_271] : memref<10240xf32, #tpu.memory_space<vmem_shared>> -> memref<10240xf32, #tpu.memory_space<vmem_shared>>
      tpu.wait_indirect_dma semaphore(%arg8 : memref<!tpu.dma_semaphore, #tpu.memory_space<semaphore_mem>>) src(%arg6 : memref<80xf32, #tpu.memory_space<vmem>>) dst(%dma_wait3A_272 : memref<10240xf32, #tpu.memory_space<vmem_shared>>)
      %dma_wait3A_273 = tpu.memref_slice %arg5[%mul3A_166] : memref<10000xi32, #tpu.memory_space<vmem>> -> memref<80xi32, #tpu.memory_space<vmem>>
      %dma_wait3A_274 = arith.constant 0 : i32
      %dma_wait3A_275 = tpu.memref_slice %arg4[%dma_wait3A_274] : memref<10240xf32, #tpu.memory_space<vmem_shared>> -> memref<10240xf32, #tpu.memory_space<vmem_shared>>
      tpu.wait_indirect_dma semaphore(%arg8 : memref<!tpu.dma_semaphore, #tpu.memory_space<semaphore_mem>>) src(%arg6 : memref<80xf32, #tpu.memory_space<vmem>>) dst(%dma_wait3A_275 : memref<10240xf32, #tpu.memory_space<vmem_shared>>)
      %dma_wait3A_276 = tpu.memref_slice %arg5[%mul3A_173] : memref<10000xi32, #tpu.memory_space<vmem>> -> memref<80xi32, #tpu.memory_space<vmem>>
      %dma_wait3A_277 = arith.constant 0 : i32
      %dma_wait3A_278 = tpu.memref_slice %arg4[%dma_wait3A_277] : memref<10240xf32, #tpu.memory_space<vmem_shared>> -> memref<10240xf32, #tpu.memory_space<vmem_shared>>
      tpu.wait_indirect_dma semaphore(%arg8 : memref<!tpu.dma_semaphore, #tpu.memory_space<semaphore_mem>>) src(%arg6 : memref<80xf32, #tpu.memory_space<vmem>>) dst(%dma_wait3A_278 : memref<10240xf32, #tpu.memory_space<vmem_shared>>)
      %dma_wait3A_279 = tpu.memref_slice %arg5[%mul3A_180] : memref<10000xi32, #tpu.memory_space<vmem>> -> memref<80xi32, #tpu.memory_space<vmem>>
      %dma_wait3A_280 = arith.constant 0 : i32
      %dma_wait3A_281 = tpu.memref_slice %arg4[%dma_wait3A_280] : memref<10240xf32, #tpu.memory_space<vmem_shared>> -> memref<10240xf32, #tpu.memory_space<vmem_shared>>
      tpu.wait_indirect_dma semaphore(%arg8 : memref<!tpu.dma_semaphore, #tpu.memory_space<semaphore_mem>>) src(%arg6 : memref<80xf32, #tpu.memory_space<vmem>>) dst(%dma_wait3A_281 : memref<10240xf32, #tpu.memory_space<vmem_shared>>)
      %dma_wait3A_282 = tpu.memref_slice %arg5[%mul3A_187] : memref<10000xi32, #tpu.memory_space<vmem>> -> memref<80xi32, #tpu.memory_space<vmem>>
      %dma_wait3A_283 = arith.constant 0 : i32
      %dma_wait3A_284 = tpu.memref_slice %arg4[%dma_wait3A_283] : memref<10240xf32, #tpu.memory_space<vmem_shared>> -> memref<10240xf32, #tpu.memory_space<vmem_shared>>
      tpu.wait_indirect_dma semaphore(%arg8 : memref<!tpu.dma_semaphore, #tpu.memory_space<semaphore_mem>>) src(%arg6 : memref<80xf32, #tpu.memory_space<vmem>>) dst(%dma_wait3A_284 : memref<10240xf32, #tpu.memory_space<vmem_shared>>)
      %dma_wait3A_285 = tpu.memref_slice %arg5[%mul3A_194] : memref<10000xi32, #tpu.memory_space<vmem>> -> memref<80xi32, #tpu.memory_space<vmem>>
      %dma_wait3A_286 = arith.constant 0 : i32
      %dma_wait3A_287 = tpu.memref_slice %arg4[%dma_wait3A_286] : memref<10240xf32, #tpu.memory_space<vmem_shared>> -> memref<10240xf32, #tpu.memory_space<vmem_shared>>
      tpu.wait_indirect_dma semaphore(%arg8 : memref<!tpu.dma_semaphore, #tpu.memory_space<semaphore_mem>>) src(%arg6 : memref<80xf32, #tpu.memory_space<vmem>>) dst(%dma_wait3A_287 : memref<10240xf32, #tpu.memory_space<vmem_shared>>)
      %dma_wait3A_288 = tpu.memref_slice %arg5[%mul3A_201] : memref<10000xi32, #tpu.memory_space<vmem>> -> memref<80xi32, #tpu.memory_space<vmem>>
      %dma_wait3A_289 = arith.constant 0 : i32
      %dma_wait3A_290 = tpu.memref_slice %arg4[%dma_wait3A_289] : memref<10240xf32, #tpu.memory_space<vmem_shared>> -> memref<10240xf32, #tpu.memory_space<vmem_shared>>
      tpu.wait_indirect_dma semaphore(%arg8 : memref<!tpu.dma_semaphore, #tpu.memory_space<semaphore_mem>>) src(%arg6 : memref<80xf32, #tpu.memory_space<vmem>>) dst(%dma_wait3A_290 : memref<10240xf32, #tpu.memory_space<vmem_shared>>)
      %dma_wait3A_291 = tpu.memref_slice %arg5[%mul3A_208] : memref<10000xi32, #tpu.memory_space<vmem>> -> memref<80xi32, #tpu.memory_space<vmem>>
      %dma_wait3A_292 = arith.constant 0 : i32
      %dma_wait3A_293 = tpu.memref_slice %arg4[%dma_wait3A_292] : memref<10240xf32, #tpu.memory_space<vmem_shared>> -> memref<10240xf32, #tpu.memory_space<vmem_shared>>
      tpu.wait_indirect_dma semaphore(%arg8 : memref<!tpu.dma_semaphore, #tpu.memory_space<semaphore_mem>>) src(%arg6 : memref<80xf32, #tpu.memory_space<vmem>>) dst(%dma_wait3A_293 : memref<10240xf32, #tpu.memory_space<vmem_shared>>)
      %dma_wait3A_294 = tpu.memref_slice %arg5[%mul3A_215] : memref<10000xi32, #tpu.memory_space<vmem>> -> memref<80xi32, #tpu.memory_space<vmem>>
      %dma_wait3A_295 = arith.constant 0 : i32
      %dma_wait3A_296 = tpu.memref_slice %arg4[%dma_wait3A_295] : memref<10240xf32, #tpu.memory_space<vmem_shared>> -> memref<10240xf32, #tpu.memory_space<vmem_shared>>
      tpu.wait_indirect_dma semaphore(%arg8 : memref<!tpu.dma_semaphore, #tpu.memory_space<semaphore_mem>>) src(%arg6 : memref<80xf32, #tpu.memory_space<vmem>>) dst(%dma_wait3A_296 : memref<10240xf32, #tpu.memory_space<vmem_shared>>)
      %dma_wait3A_297 = tpu.memref_slice %arg5[%mul3A_222] : memref<10000xi32, #tpu.memory_space<vmem>> -> memref<80xi32, #tpu.memory_space<vmem>>
      %dma_wait3A_298 = arith.constant 0 : i32
      %dma_wait3A_299 = tpu.memref_slice %arg4[%dma_wait3A_298] : memref<10240xf32, #tpu.memory_space<vmem_shared>> -> memref<10240xf32, #tpu.memory_space<vmem_shared>>
      tpu.wait_indirect_dma semaphore(%arg8 : memref<!tpu.dma_semaphore, #tpu.memory_space<semaphore_mem>>) src(%arg6 : memref<80xf32, #tpu.memory_space<vmem>>) dst(%dma_wait3A_299 : memref<10240xf32, #tpu.memory_space<vmem_shared>>)
    }
    %scan3A_41 = arith.constant 5 : i32
    %barrier3A_42 = arith.constant 0 : index
    tpu.barrier barrier_id(%barrier3A_42)
    %mul3A_43 = arith.constant 640 : i32
    %mul3A_44 = arith.muli %arg1, %mul3A_43 : i32
    %mul3A_45 = arith.constant 640 : i32
    %mul3A_46 = arith.muli %arg1, %mul3A_45 : i32
    "tpu.region"() ({
      %run_scoped3A = tpu.sem_alloc : memref<!tpu.dma_semaphore, #tpu.memory_space<semaphore_mem>>
      %dma_start3A = tpu.memref_slice %arg3[%arg0, %mul3A_46] : memref<2x10240xf32, #tpu.memory_space<hbm>> -> memref<1x640xf32, #tpu.memory_space<hbm>>
      %dma_start3A_47 = tpu.memref_squeeze %dma_start3A : memref<1x640xf32, #tpu.memory_space<hbm>> -> memref<640xf32, #tpu.memory_space<hbm>>
      %dma_start3A_48 = tpu.memref_slice %arg4[%mul3A_44] : memref<10240xf32, #tpu.memory_space<vmem_shared>> -> memref<640xf32, #tpu.memory_space<vmem_shared>>
      tpu.enqueue_dma source(%dma_start3A_48 : memref<640xf32, #tpu.memory_space<vmem_shared>>) target(%dma_start3A_47 : memref<640xf32, #tpu.memory_space<hbm>>) target_semaphore(%run_scoped3A : memref<!tpu.dma_semaphore, #tpu.memory_space<semaphore_mem>>)
      %dma_wait3A = tpu.memref_slice %arg3[%arg0, %mul3A_46] : memref<2x10240xf32, #tpu.memory_space<hbm>> -> memref<1x640xf32, #tpu.memory_space<hbm>>
      %dma_wait3A_49 = tpu.memref_squeeze %dma_wait3A : memref<1x640xf32, #tpu.memory_space<hbm>> -> memref<640xf32, #tpu.memory_space<hbm>>
      %dma_wait3A_50 = tpu.memref_slice %arg4[%mul3A_44] : memref<10240xf32, #tpu.memory_space<vmem_shared>> -> memref<640xf32, #tpu.memory_space<vmem_shared>>
      tpu.wait_dma2 semaphore(%run_scoped3A : memref<!tpu.dma_semaphore, #tpu.memory_space<semaphore_mem>>) src(%dma_wait3A_50 : memref<640xf32, #tpu.memory_space<vmem_shared>>) dst(%dma_wait3A_49 : memref<640xf32, #tpu.memory_space<hbm>>)
      tpu.yield
    }) : () -> ()
    return
  }
}

#map = affine_map<(d0, d1) -> (0, 0)>
#map1 = affine_map<(d0, d1) -> (0)>
#map2 = affine_map<(d0, d1) -> (0, 0, 0)>
module attributes {stable_mosaic.version = 14 : i64} {
  func.func @_edge_scatter(%arg0: i32, %arg1: i32, %arg2: memref<10240x64xf32, #tpu.memory_space<hbm>>, %arg3: memref<320000xi32, #tpu.memory_space<hbm>>, %arg4: memref<320000xi32, #tpu.memory_space<hbm>>, %arg5: memref<2x10240x64xf32, #tpu.memory_space<hbm>>, %arg6: memref<10240x64xf32, #tpu.memory_space<vmem_shared>>, %arg7: memref<10000xi32, #tpu.memory_space<vmem>>, %arg8: memref<10000xi32, #tpu.memory_space<vmem>>, %arg9: memref<64x64xf32, #tpu.memory_space<vmem>>, %arg10: memref<80x64xf32, #tpu.memory_space<vmem>>, %arg11: memref<80x64xf32, #tpu.memory_space<vmem>>, %arg12: memref<80x64xf32, #tpu.memory_space<vmem>>, %arg13: memref<80x64xf32, #tpu.memory_space<vmem>>, %arg14: memref<80x64xf32, #tpu.memory_space<vmem>>, %arg15: memref<80x64xf32, #tpu.memory_space<vmem>>, %arg16: memref<80x64xf32, #tpu.memory_space<vmem>>, %arg17: memref<80x64xf32, #tpu.memory_space<vmem>>, %arg18: memref<80x64xf32, #tpu.memory_space<vmem>>, %arg19: memref<80x64xf32, #tpu.memory_space<vmem>>, %arg20: memref<!tpu.dma_semaphore, #tpu.memory_space<semaphore_mem>>, %arg21: memref<!tpu.dma_semaphore, #tpu.memory_space<semaphore_mem>>, %arg22: memref<!tpu.dma_semaphore, #tpu.memory_space<semaphore_mem>>, %arg23: memref<!tpu.dma_semaphore, #tpu.memory_space<semaphore_mem>>, %arg24: memref<!tpu.dma_semaphore, #tpu.memory_space<semaphore_mem>>, %arg25: memref<!tpu.dma_semaphore, #tpu.memory_space<semaphore_mem>>, %arg26: memref<!tpu.dma_semaphore, #tpu.memory_space<semaphore_mem>>, %arg27: memref<!tpu.dma_semaphore, #tpu.memory_space<semaphore_mem>>, %arg28: memref<!tpu.dma_semaphore, #tpu.memory_space<semaphore_mem>>, %arg29: memref<!tpu.dma_semaphore, #tpu.memory_space<semaphore_mem>>, %arg30: memref<!tpu.dma_semaphore, #tpu.memory_space<semaphore_mem>>, %arg31: memref<!tpu.dma_semaphore, #tpu.memory_space<semaphore_mem>>, %arg32: memref<!tpu.dma_semaphore, #tpu.memory_space<semaphore_mem>>, %arg33: memref<!tpu.dma_semaphore, #tpu.memory_space<semaphore_mem>>, %arg34: memref<!tpu.dma_semaphore, #tpu.memory_space<semaphore_mem>>, %arg35: memref<!tpu.dma_semaphore, #tpu.memory_space<semaphore_mem>>, %arg36: memref<!tpu.dma_semaphore, #tpu.memory_space<semaphore_mem>>, %arg37: memref<!tpu.dma_semaphore, #tpu.memory_space<semaphore_mem>>, %arg38: memref<!tpu.dma_semaphore, #tpu.memory_space<semaphore_mem>>, %arg39: memref<!tpu.dma_semaphore, #tpu.memory_space<semaphore_mem>>) attributes {dimension_semantics = [#tpu.dimension_semantics<core_parallel>, #tpu.dimension_semantics<subcore_parallel>], iteration_bounds = array<i64: 2, 16>, scalar_prefetch = 0 : i64, scratch_operands = 34 : i64, tpu.core_type = #tpu.core_type<sc_vector_subcore>, window_params = [{transform_indices = #map}, {transform_indices = #map1}, {transform_indices = #map1}, {transform_indices = #map2}]} {
    %mul3A = arith.constant 16 : i32
    %mul3A_0 = arith.muli %arg0, %mul3A : i32
    %add3A = arith.addi %mul3A_0, %arg1 : i32
    %scan3A = arith.constant 0 : i32
    %scan3A_1 = arith.constant 64 : i32
    %scan3A_2 = arith.addi %scan3A, %scan3A_1 : i32
    %scan3A_3 = arith.constant 1 : i32
    scf.for %scan3A_122 = %scan3A to %scan3A_2 step %scan3A_3  : i32 {
      %mul3A_123 = arith.constant 1 : i32
      %mul3A_124 = arith.muli %scan3A_122, %mul3A_123 : i32
      %add3A_125 = arith.constant 0 : i32
      %add3A_126 = arith.addi %add3A_125, %mul3A_124 : i32
      %broadcast_in_dim3A = arith.constant 0.000000e+00 : f32
      %broadcast_in_dim3A_127 = vector.broadcast %broadcast_in_dim3A : f32 to vector<16xf32>
      %swap3A = arith.index_cast %add3A_126 : i32 to index
      %swap3A_128 = arith.constant 0 : index
      %swap3A_129 = tpu.vector_load %arg9[%swap3A, %swap3A_128] {strides = array<i32>} : memref<64x64xf32, #tpu.memory_space<vmem>>, vector<1x16xf32>,
      %swap3A_130 = vector.shape_cast %swap3A_129 : vector<1x16xf32> to vector<16xf32>
      %swap3A_131 = vector.shape_cast %broadcast_in_dim3A_127 : vector<16xf32> to vector<1x16xf32>
      tpu.vector_store %arg9[%swap3A, %swap3A_128], %swap3A_131 {strides = array<i32>} : memref<64x64xf32, #tpu.memory_space<vmem>>, vector<1x16xf32>,
      %broadcast_in_dim3A_132 = arith.constant 0.000000e+00 : f32
      %broadcast_in_dim3A_133 = vector.broadcast %broadcast_in_dim3A_132 : f32 to vector<16xf32>
      %swap3A_134 = arith.index_cast %add3A_126 : i32 to index
      %swap3A_135 = arith.constant 16 : index
      %swap3A_136 = tpu.vector_load %arg9[%swap3A_134, %swap3A_135] {strides = array<i32>} : memref<64x64xf32, #tpu.memory_space<vmem>>, vector<1x16xf32>,
      %swap3A_137 = vector.shape_cast %swap3A_136 : vector<1x16xf32> to vector<16xf32>
      %swap3A_138 = vector.shape_cast %broadcast_in_dim3A_133 : vector<16xf32> to vector<1x16xf32>
      tpu.vector_store %arg9[%swap3A_134, %swap3A_135], %swap3A_138 {strides = array<i32>} : memref<64x64xf32, #tpu.memory_space<vmem>>, vector<1x16xf32>,
      %broadcast_in_dim3A_139 = arith.constant 0.000000e+00 : f32
      %broadcast_in_dim3A_140 = vector.broadcast %broadcast_in_dim3A_139 : f32 to vector<16xf32>
      %swap3A_141 = arith.index_cast %add3A_126 : i32 to index
      %swap3A_142 = arith.constant 32 : index
      %swap3A_143 = tpu.vector_load %arg9[%swap3A_141, %swap3A_142] {strides = array<i32>} : memref<64x64xf32, #tpu.memory_space<vmem>>, vector<1x16xf32>,
      %swap3A_144 = vector.shape_cast %swap3A_143 : vector<1x16xf32> to vector<16xf32>
      %swap3A_145 = vector.shape_cast %broadcast_in_dim3A_140 : vector<16xf32> to vector<1x16xf32>
      tpu.vector_store %arg9[%swap3A_141, %swap3A_142], %swap3A_145 {strides = array<i32>} : memref<64x64xf32, #tpu.memory_space<vmem>>, vector<1x16xf32>,
      %broadcast_in_dim3A_146 = arith.constant 0.000000e+00 : f32
      %broadcast_in_dim3A_147 = vector.broadcast %broadcast_in_dim3A_146 : f32 to vector<16xf32>
      %swap3A_148 = arith.index_cast %add3A_126 : i32 to index
      %swap3A_149 = arith.constant 48 : index
      %swap3A_150 = tpu.vector_load %arg9[%swap3A_148, %swap3A_149] {strides = array<i32>} : memref<64x64xf32, #tpu.memory_space<vmem>>, vector<1x16xf32>,
      %swap3A_151 = vector.shape_cast %swap3A_150 : vector<1x16xf32> to vector<16xf32>
      %swap3A_152 = vector.shape_cast %broadcast_in_dim3A_147 : vector<16xf32> to vector<1x16xf32>
      tpu.vector_store %arg9[%swap3A_148, %swap3A_149], %swap3A_152 {strides = array<i32>} : memref<64x64xf32, #tpu.memory_space<vmem>>, vector<1x16xf32>,
    }
    %scan3A_4 = arith.constant 64 : i32
    %scan3A_5 = arith.constant 0 : i32
    %scan3A_6 = arith.constant 10 : i32
    %scan3A_7 = arith.addi %scan3A_5, %scan3A_6 : i32
    %scan3A_8 = arith.constant 1 : i32
    scf.for %scan3A_122 = %scan3A_5 to %scan3A_7 step %scan3A_8  : i32 {
      %mul3A_123 = arith.constant 1 : i32
      %mul3A_124 = arith.muli %scan3A_122, %mul3A_123 : i32
      %add3A_125 = arith.constant 0 : i32
      %add3A_126 = arith.addi %add3A_125, %mul3A_124 : i32
      %mul3A_127 = arith.constant 640 : i32
      %mul3A_128 = arith.muli %arg1, %mul3A_127 : i32
      %mul3A_129 = arith.constant 64 : i32
      %mul3A_130 = arith.muli %add3A_126, %mul3A_129 : i32
      %add3A_131 = arith.addi %mul3A_128, %mul3A_130 : i32
      "tpu.region"() ({
        %run_scoped3A = tpu.sem_alloc : memref<!tpu.dma_semaphore, #tpu.memory_space<semaphore_mem>>
        %dma_start3A_132 = arith.constant 0 : i32
        %dma_start3A_133 = tpu.memref_slice %arg6[%add3A_131, %dma_start3A_132] : memref<10240x64xf32, #tpu.memory_space<vmem_shared>> -> memref<64x64xf32, #tpu.memory_space<vmem_shared>>
        %dma_start3A_134 = arith.constant 0 : i32
        %dma_start3A_135 = tpu.memref_slice %arg6[%add3A_131, %dma_start3A_134] : memref<10240x64xf32, #tpu.memory_space<vmem_shared>> -> memref<64x64xf32, #tpu.memory_space<vmem_shared>>
        tpu.enqueue_dma source(%arg9 : memref<64x64xf32, #tpu.memory_space<vmem>>) target(%dma_start3A_135 : memref<64x64xf32, #tpu.memory_space<vmem_shared>>) target_semaphore(%run_scoped3A : memref<!tpu.dma_semaphore, #tpu.memory_space<semaphore_mem>>)
        %dma_wait3A_136 = arith.constant 0 : i32
        %dma_wait3A_137 = tpu.memref_slice %arg6[%add3A_131, %dma_wait3A_136] : memref<10240x64xf32, #tpu.memory_space<vmem_shared>> -> memref<64x64xf32, #tpu.memory_space<vmem_shared>>
        %dma_wait3A_138 = arith.constant 0 : i32
        %dma_wait3A_139 = tpu.memref_slice %arg6[%add3A_131, %dma_wait3A_138] : memref<10240x64xf32, #tpu.memory_space<vmem_shared>> -> memref<64x64xf32, #tpu.memory_space<vmem_shared>>
        tpu.wait_dma2 semaphore(%run_scoped3A : memref<!tpu.dma_semaphore, #tpu.memory_space<semaphore_mem>>) src(%arg9 : memref<64x64xf32, #tpu.memory_space<vmem>>) dst(%dma_wait3A_139 : memref<64x64xf32, #tpu.memory_space<vmem_shared>>)
        tpu.yield
      }) : () -> ()
    }
    %scan3A_9 = arith.constant 10 : i32
    %barrier3A = arith.constant 0 : index
    tpu.barrier barrier_id(%barrier3A)
    %mul3A_10 = arith.constant 10000 : i32
    %mul3A_11 = arith.muli %add3A, %mul3A_10 : i32
    "tpu.region"() ({
      %run_scoped3A = tpu.sem_alloc : memref<!tpu.dma_semaphore, #tpu.memory_space<semaphore_mem>>
      %dma_start3A_122 = tpu.memref_slice %arg3[%mul3A_11] : memref<320000xi32, #tpu.memory_space<hbm>> -> memref<10000xi32, #tpu.memory_space<hbm>>
      %dma_start3A_123 = tpu.memref_slice %arg3[%mul3A_11] : memref<320000xi32, #tpu.memory_space<hbm>> -> memref<10000xi32, #tpu.memory_space<hbm>>
      tpu.enqueue_dma source(%dma_start3A_123 : memref<10000xi32, #tpu.memory_space<hbm>>) target(%arg7 : memref<10000xi32, #tpu.memory_space<vmem>>) target_semaphore(%run_scoped3A : memref<!tpu.dma_semaphore, #tpu.memory_space<semaphore_mem>>)
      %dma_wait3A_124 = tpu.memref_slice %arg3[%mul3A_11] : memref<320000xi32, #tpu.memory_space<hbm>> -> memref<10000xi32, #tpu.memory_space<hbm>>
      %dma_wait3A_125 = tpu.memref_slice %arg3[%mul3A_11] : memref<320000xi32, #tpu.memory_space<hbm>> -> memref<10000xi32, #tpu.memory_space<hbm>>
      tpu.wait_dma2 semaphore(%run_scoped3A : memref<!tpu.dma_semaphore, #tpu.memory_space<semaphore_mem>>) src(%dma_wait3A_125 : memref<10000xi32, #tpu.memory_space<hbm>>) dst(%arg7 : memref<10000xi32, #tpu.memory_space<vmem>>)
      tpu.yield
    }) : () -> ()
    %mul3A_12 = arith.constant 10000 : i32
    %mul3A_13 = arith.muli %add3A, %mul3A_12 : i32
    "tpu.region"() ({
      %run_scoped3A = tpu.sem_alloc : memref<!tpu.dma_semaphore, #tpu.memory_space<semaphore_mem>>
      %dma_start3A_122 = tpu.memref_slice %arg4[%mul3A_13] : memref<320000xi32, #tpu.memory_space<hbm>> -> memref<10000xi32, #tpu.memory_space<hbm>>
      %dma_start3A_123 = tpu.memref_slice %arg4[%mul3A_13] : memref<320000xi32, #tpu.memory_space<hbm>> -> memref<10000xi32, #tpu.memory_space<hbm>>
      tpu.enqueue_dma source(%dma_start3A_123 : memref<10000xi32, #tpu.memory_space<hbm>>) target(%arg8 : memref<10000xi32, #tpu.memory_space<vmem>>) target_semaphore(%run_scoped3A : memref<!tpu.dma_semaphore, #tpu.memory_space<semaphore_mem>>)
      %dma_wait3A_124 = tpu.memref_slice %arg4[%mul3A_13] : memref<320000xi32, #tpu.memory_space<hbm>> -> memref<10000xi32, #tpu.memory_space<hbm>>
      %dma_wait3A_125 = tpu.memref_slice %arg4[%mul3A_13] : memref<320000xi32, #tpu.memory_space<hbm>> -> memref<10000xi32, #tpu.memory_space<hbm>>
      tpu.wait_dma2 semaphore(%run_scoped3A : memref<!tpu.dma_semaphore, #tpu.memory_space<semaphore_mem>>) src(%dma_wait3A_125 : memref<10000xi32, #tpu.memory_space<hbm>>) dst(%arg8 : memref<10000xi32, #tpu.memory_space<vmem>>)
      tpu.yield
    }) : () -> ()
    %dma_start3A = arith.constant 0 : i32
    %dma_start3A_14 = tpu.memref_slice %arg7[%dma_start3A] : memref<10000xi32, #tpu.memory_space<vmem>> -> memref<80xi32, #tpu.memory_space<vmem>>
    %dma_start3A_15 = arith.constant 0 : i32
    %dma_start3A_16 = arith.constant 0 : i32
    %dma_start3A_17 = tpu.memref_slice %arg2[%dma_start3A_15, %dma_start3A_16] : memref<10240x64xf32, #tpu.memory_space<hbm>> -> memref<10240x64xf32, #tpu.memory_space<hbm>>
    tpu.enqueue_indirect_dma source(%dma_start3A_17 : memref<10240x64xf32, #tpu.memory_space<hbm>>) target(%arg10 : memref<80x64xf32, #tpu.memory_space<vmem>>) offsets(%dma_start3A_14 : memref<80xi32, #tpu.memory_space<vmem>>) semaphore(%arg20 : memref<!tpu.dma_semaphore, #tpu.memory_space<semaphore_mem>>)
    %dma_start3A_18 = arith.constant 80 : i32
    %dma_start3A_19 = tpu.memref_slice %arg7[%dma_start3A_18] : memref<10000xi32, #tpu.memory_space<vmem>> -> memref<80xi32, #tpu.memory_space<vmem>>
    %dma_start3A_20 = arith.constant 0 : i32
    %dma_start3A_21 = arith.constant 0 : i32
    %dma_start3A_22 = tpu.memref_slice %arg2[%dma_start3A_20, %dma_start3A_21] : memref<10240x64xf32, #tpu.memory_space<hbm>> -> memref<10240x64xf32, #tpu.memory_space<hbm>>
    tpu.enqueue_indirect_dma source(%dma_start3A_22 : memref<10240x64xf32, #tpu.memory_space<hbm>>) target(%arg11 : memref<80x64xf32, #tpu.memory_space<vmem>>) offsets(%dma_start3A_19 : memref<80xi32, #tpu.memory_space<vmem>>) semaphore(%arg21 : memref<!tpu.dma_semaphore, #tpu.memory_space<semaphore_mem>>)
    %dma_start3A_23 = arith.constant 160 : i32
    %dma_start3A_24 = tpu.memref_slice %arg7[%dma_start3A_23] : memref<10000xi32, #tpu.memory_space<vmem>> -> memref<80xi32, #tpu.memory_space<vmem>>
    %dma_start3A_25 = arith.constant 0 : i32
    %dma_start3A_26 = arith.constant 0 : i32
    %dma_start3A_27 = tpu.memref_slice %arg2[%dma_start3A_25, %dma_start3A_26] : memref<10240x64xf32, #tpu.memory_space<hbm>> -> memref<10240x64xf32, #tpu.memory_space<hbm>>
    tpu.enqueue_indirect_dma source(%dma_start3A_27 : memref<10240x64xf32, #tpu.memory_space<hbm>>) target(%arg12 : memref<80x64xf32, #tpu.memory_space<vmem>>) offsets(%dma_start3A_24 : memref<80xi32, #tpu.memory_space<vmem>>) semaphore(%arg22 : memref<!tpu.dma_semaphore, #tpu.memory_space<semaphore_mem>>)
    %dma_start3A_28 = arith.constant 240 : i32
    %dma_start3A_29 = tpu.memref_slice %arg7[%dma_start3A_28] : memref<10000xi32, #tpu.memory_space<vmem>> -> memref<80xi32, #tpu.memory_space<vmem>>
    %dma_start3A_30 = arith.constant 0 : i32
    %dma_start3A_31 = arith.constant 0 : i32
    %dma_start3A_32 = tpu.memref_slice %arg2[%dma_start3A_30, %dma_start3A_31] : memref<10240x64xf32, #tpu.memory_space<hbm>> -> memref<10240x64xf32, #tpu.memory_space<hbm>>
    tpu.enqueue_indirect_dma source(%dma_start3A_32 : memref<10240x64xf32, #tpu.memory_space<hbm>>) target(%arg13 : memref<80x64xf32, #tpu.memory_space<vmem>>) offsets(%dma_start3A_29 : memref<80xi32, #tpu.memory_space<vmem>>) semaphore(%arg23 : memref<!tpu.dma_semaphore, #tpu.memory_space<semaphore_mem>>)
    %dma_start3A_33 = arith.constant 320 : i32
    %dma_start3A_34 = tpu.memref_slice %arg7[%dma_start3A_33] : memref<10000xi32, #tpu.memory_space<vmem>> -> memref<80xi32, #tpu.memory_space<vmem>>
    %dma_start3A_35 = arith.constant 0 : i32
    %dma_start3A_36 = arith.constant 0 : i32
    %dma_start3A_37 = tpu.memref_slice %arg2[%dma_start3A_35, %dma_start3A_36] : memref<10240x64xf32, #tpu.memory_space<hbm>> -> memref<10240x64xf32, #tpu.memory_space<hbm>>
    tpu.enqueue_indirect_dma source(%dma_start3A_37 : memref<10240x64xf32, #tpu.memory_space<hbm>>) target(%arg14 : memref<80x64xf32, #tpu.memory_space<vmem>>) offsets(%dma_start3A_34 : memref<80xi32, #tpu.memory_space<vmem>>) semaphore(%arg24 : memref<!tpu.dma_semaphore, #tpu.memory_space<semaphore_mem>>)
    %scan3A_38 = arith.constant 0 : i32
    %scan3A_39 = arith.constant 12 : i32
    %scan3A_40 = arith.addi %scan3A_38, %scan3A_39 : i32
    %scan3A_41 = arith.constant 1 : i32
    scf.for %scan3A_122 = %scan3A_38 to %scan3A_40 step %scan3A_41  : i32 {
      %mul3A_123 = arith.constant 2 : i32
      %mul3A_124 = arith.muli %scan3A_122, %mul3A_123 : i32
      %add3A_125 = arith.constant 0 : i32
      %add3A_126 = arith.addi %add3A_125, %mul3A_124 : i32
      %mul3A_127 = arith.constant 5 : i32
      %mul3A_128 = arith.muli %add3A_126, %mul3A_127 : i32
      %add3A_129 = arith.constant 0 : i32
      %add3A_130 = arith.addi %mul3A_128, %add3A_129 : i32
      %mul3A_131 = arith.constant 80 : i32
      %mul3A_132 = arith.muli %add3A_130, %mul3A_131 : i32
      %dma_wait3A_133 = tpu.memref_slice %arg7[%mul3A_132] : memref<10000xi32, #tpu.memory_space<vmem>> -> memref<80xi32, #tpu.memory_space<vmem>>
      %dma_wait3A_134 = arith.constant 0 : i32
      %dma_wait3A_135 = arith.constant 0 : i32
      %dma_wait3A_136 = tpu.memref_slice %arg2[%dma_wait3A_134, %dma_wait3A_135] : memref<10240x64xf32, #tpu.memory_space<hbm>> -> memref<10240x64xf32, #tpu.memory_space<hbm>>
      tpu.wait_indirect_dma semaphore(%arg20 : memref<!tpu.dma_semaphore, #tpu.memory_space<semaphore_mem>>) src(%dma_wait3A_136 : memref<10240x64xf32, #tpu.memory_space<hbm>>) dst(%arg10 : memref<80x64xf32, #tpu.memory_space<vmem>>)
      %add3A_137 = arith.constant 1 : i32
      %add3A_138 = arith.addi %mul3A_128, %add3A_137 : i32
      %mul3A_139 = arith.constant 80 : i32
      %mul3A_140 = arith.muli %add3A_138, %mul3A_139 : i32
      %dma_wait3A_141 = tpu.memref_slice %arg7[%mul3A_140] : memref<10000xi32, #tpu.memory_space<vmem>> -> memref<80xi32, #tpu.memory_space<vmem>>
      %dma_wait3A_142 = arith.constant 0 : i32
      %dma_wait3A_143 = arith.constant 0 : i32
      %dma_wait3A_144 = tpu.memref_slice %arg2[%dma_wait3A_142, %dma_wait3A_143] : memref<10240x64xf32, #tpu.memory_space<hbm>> -> memref<10240x64xf32, #tpu.memory_space<hbm>>
      tpu.wait_indirect_dma semaphore(%arg21 : memref<!tpu.dma_semaphore, #tpu.memory_space<semaphore_mem>>) src(%dma_wait3A_144 : memref<10240x64xf32, #tpu.memory_space<hbm>>) dst(%arg11 : memref<80x64xf32, #tpu.memory_space<vmem>>)
      %add3A_145 = arith.constant 2 : i32
      %add3A_146 = arith.addi %mul3A_128, %add3A_145 : i32
      %mul3A_147 = arith.constant 80 : i32
      %mul3A_148 = arith.muli %add3A_146, %mul3A_147 : i32
      %dma_wait3A_149 = tpu.memref_slice %arg7[%mul3A_148] : memref<10000xi32, #tpu.memory_space<vmem>> -> memref<80xi32, #tpu.memory_space<vmem>>
      %dma_wait3A_150 = arith.constant 0 : i32
      %dma_wait3A_151 = arith.constant 0 : i32
      %dma_wait3A_152 = tpu.memref_slice %arg2[%dma_wait3A_150, %dma_wait3A_151] : memref<10240x64xf32, #tpu.memory_space<hbm>> -> memref<10240x64xf32, #tpu.memory_space<hbm>>
      tpu.wait_indirect_dma semaphore(%arg22 : memref<!tpu.dma_semaphore, #tpu.memory_space<semaphore_mem>>) src(%dma_wait3A_152 : memref<10240x64xf32, #tpu.memory_space<hbm>>) dst(%arg12 : memref<80x64xf32, #tpu.memory_space<vmem>>)
      %add3A_153 = arith.constant 3 : i32
      %add3A_154 = arith.addi %mul3A_128, %add3A_153 : i32
      %mul3A_155 = arith.constant 80 : i32
      %mul3A_156 = arith.muli %add3A_154, %mul3A_155 : i32
      %dma_wait3A_157 = tpu.memref_slice %arg7[%mul3A_156] : memref<10000xi32, #tpu.memory_space<vmem>> -> memref<80xi32, #tpu.memory_space<vmem>>
      %dma_wait3A_158 = arith.constant 0 : i32
      %dma_wait3A_159 = arith.constant 0 : i32
      %dma_wait3A_160 = tpu.memref_slice %arg2[%dma_wait3A_158, %dma_wait3A_159] : memref<10240x64xf32, #tpu.memory_space<hbm>> -> memref<10240x64xf32, #tpu.memory_space<hbm>>
      tpu.wait_indirect_dma semaphore(%arg23 : memref<!tpu.dma_semaphore, #tpu.memory_space<semaphore_mem>>) src(%dma_wait3A_160 : memref<10240x64xf32, #tpu.memory_space<hbm>>) dst(%arg13 : memref<80x64xf32, #tpu.memory_space<vmem>>)
      %add3A_161 = arith.constant 4 : i32
      %add3A_162 = arith.addi %mul3A_128, %add3A_161 : i32
      %mul3A_163 = arith.constant 80 : i32
      %mul3A_164 = arith.muli %add3A_162, %mul3A_163 : i32
      %dma_wait3A_165 = tpu.memref_slice %arg7[%mul3A_164] : memref<10000xi32, #tpu.memory_space<vmem>> -> memref<80xi32, #tpu.memory_space<vmem>>
      %dma_wait3A_166 = arith.constant 0 : i32
      %dma_wait3A_167 = arith.constant 0 : i32
      %dma_wait3A_168 = tpu.memref_slice %arg2[%dma_wait3A_166, %dma_wait3A_167] : memref<10240x64xf32, #tpu.memory_space<hbm>> -> memref<10240x64xf32, #tpu.memory_space<hbm>>
      tpu.wait_indirect_dma semaphore(%arg24 : memref<!tpu.dma_semaphore, #tpu.memory_space<semaphore_mem>>) src(%dma_wait3A_168 : memref<10240x64xf32, #tpu.memory_space<hbm>>) dst(%arg14 : memref<80x64xf32, #tpu.memory_space<vmem>>)
      %add3A_169 = arith.constant 0 : i32
      %add3A_170 = arith.addi %mul3A_128, %add3A_169 : i32
      %mul3A_171 = arith.constant 80 : i32
      %mul3A_172 = arith.muli %add3A_170, %mul3A_171 : i32
      %dma_start3A_173 = tpu.memref_slice %arg8[%mul3A_172] : memref<10000xi32, #tpu.memory_space<vmem>> -> memref<80xi32, #tpu.memory_space<vmem>>
      %dma_start3A_174 = arith.constant 0 : i32
      %dma_start3A_175 = arith.constant 0 : i32
      %dma_start3A_176 = tpu.memref_slice %arg6[%dma_start3A_174, %dma_start3A_175] : memref<10240x64xf32, #tpu.memory_space<vmem_shared>> -> memref<10240x64xf32, #tpu.memory_space<vmem_shared>>
      tpu.enqueue_indirect_dma source(%arg10 : memref<80x64xf32, #tpu.memory_space<vmem>>) target(%dma_start3A_176 : memref<10240x64xf32, #tpu.memory_space<vmem_shared>>) offsets(%dma_start3A_173 : memref<80xi32, #tpu.memory_space<vmem>>) semaphore(%arg30 : memref<!tpu.dma_semaphore, #tpu.memory_space<semaphore_mem>>) {add = true}
      %add3A_177 = arith.constant 1 : i32
      %add3A_178 = arith.addi %mul3A_128, %add3A_177 : i32
      %mul3A_179 = arith.constant 80 : i32
      %mul3A_180 = arith.muli %add3A_178, %mul3A_179 : i32
      %dma_start3A_181 = tpu.memref_slice %arg8[%mul3A_180] : memref<10000xi32, #tpu.memory_space<vmem>> -> memref<80xi32, #tpu.memory_space<vmem>>
      %dma_start3A_182 = arith.constant 0 : i32
      %dma_start3A_183 = arith.constant 0 : i32
      %dma_start3A_184 = tpu.memref_slice %arg6[%dma_start3A_182, %dma_start3A_183] : memref<10240x64xf32, #tpu.memory_space<vmem_shared>> -> memref<10240x64xf32, #tpu.memory_space<vmem_shared>>
      tpu.enqueue_indirect_dma source(%arg11 : memref<80x64xf32, #tpu.memory_space<vmem>>) target(%dma_start3A_184 : memref<10240x64xf32, #tpu.memory_space<vmem_shared>>) offsets(%dma_start3A_181 : memref<80xi32, #tpu.memory_space<vmem>>) semaphore(%arg31 : memref<!tpu.dma_semaphore, #tpu.memory_space<semaphore_mem>>) {add = true}
      %add3A_185 = arith.constant 2 : i32
      %add3A_186 = arith.addi %mul3A_128, %add3A_185 : i32
      %mul3A_187 = arith.constant 80 : i32
      %mul3A_188 = arith.muli %add3A_186, %mul3A_187 : i32
      %dma_start3A_189 = tpu.memref_slice %arg8[%mul3A_188] : memref<10000xi32, #tpu.memory_space<vmem>> -> memref<80xi32, #tpu.memory_space<vmem>>
      %dma_start3A_190 = arith.constant 0 : i32
      %dma_start3A_191 = arith.constant 0 : i32
      %dma_start3A_192 = tpu.memref_slice %arg6[%dma_start3A_190, %dma_start3A_191] : memref<10240x64xf32, #tpu.memory_space<vmem_shared>> -> memref<10240x64xf32, #tpu.memory_space<vmem_shared>>
      tpu.enqueue_indirect_dma source(%arg12 : memref<80x64xf32, #tpu.memory_space<vmem>>) target(%dma_start3A_192 : memref<10240x64xf32, #tpu.memory_space<vmem_shared>>) offsets(%dma_start3A_189 : memref<80xi32, #tpu.memory_space<vmem>>) semaphore(%arg32 : memref<!tpu.dma_semaphore, #tpu.memory_space<semaphore_mem>>) {add = true}
      %add3A_193 = arith.constant 3 : i32
      %add3A_194 = arith.addi %mul3A_128, %add3A_193 : i32
      %mul3A_195 = arith.constant 80 : i32
      %mul3A_196 = arith.muli %add3A_194, %mul3A_195 : i32
      %dma_start3A_197 = tpu.memref_slice %arg8[%mul3A_196] : memref<10000xi32, #tpu.memory_space<vmem>> -> memref<80xi32, #tpu.memory_space<vmem>>
      %dma_start3A_198 = arith.constant 0 : i32
      %dma_start3A_199 = arith.constant 0 : i32
      %dma_start3A_200 = tpu.memref_slice %arg6[%dma_start3A_198, %dma_start3A_199] : memref<10240x64xf32, #tpu.memory_space<vmem_shared>> -> memref<10240x64xf32, #tpu.memory_space<vmem_shared>>
      tpu.enqueue_indirect_dma source(%arg13 : memref<80x64xf32, #tpu.memory_space<vmem>>) target(%dma_start3A_200 : memref<10240x64xf32, #tpu.memory_space<vmem_shared>>) offsets(%dma_start3A_197 : memref<80xi32, #tpu.memory_space<vmem>>) semaphore(%arg33 : memref<!tpu.dma_semaphore, #tpu.memory_space<semaphore_mem>>) {add = true}
      %add3A_201 = arith.constant 4 : i32
      %add3A_202 = arith.addi %mul3A_128, %add3A_201 : i32
      %mul3A_203 = arith.constant 80 : i32
      %mul3A_204 = arith.muli %add3A_202, %mul3A_203 : i32
      %dma_start3A_205 = tpu.memref_slice %arg8[%mul3A_204] : memref<10000xi32, #tpu.memory_space<vmem>> -> memref<80xi32, #tpu.memory_space<vmem>>
      %dma_start3A_206 = arith.constant 0 : i32
      %dma_start3A_207 = arith.constant 0 : i32
      %dma_start3A_208 = tpu.memref_slice %arg6[%dma_start3A_206, %dma_start3A_207] : memref<10240x64xf32, #tpu.memory_space<vmem_shared>> -> memref<10240x64xf32, #tpu.memory_space<vmem_shared>>
      tpu.enqueue_indirect_dma source(%arg14 : memref<80x64xf32, #tpu.memory_space<vmem>>) target(%dma_start3A_208 : memref<10240x64xf32, #tpu.memory_space<vmem_shared>>) offsets(%dma_start3A_205 : memref<80xi32, #tpu.memory_space<vmem>>) semaphore(%arg34 : memref<!tpu.dma_semaphore, #tpu.memory_space<semaphore_mem>>) {add = true}
      %add3A_209 = arith.constant 5 : i32
      %add3A_210 = arith.addi %mul3A_128, %add3A_209 : i32
      %add3A_211 = arith.constant 0 : i32
      %add3A_212 = arith.addi %add3A_210, %add3A_211 : i32
      %mul3A_213 = arith.constant 80 : i32
      %mul3A_214 = arith.muli %add3A_212, %mul3A_213 : i32
      %dma_start3A_215 = tpu.memref_slice %arg7[%mul3A_214] : memref<10000xi32, #tpu.memory_space<vmem>> -> memref<80xi32, #tpu.memory_space<vmem>>
      %dma_start3A_216 = arith.constant 0 : i32
      %dma_start3A_217 = arith.constant 0 : i32
      %dma_start3A_218 = tpu.memref_slice %arg2[%dma_start3A_216, %dma_start3A_217] : memref<10240x64xf32, #tpu.memory_space<hbm>> -> memref<10240x64xf32, #tpu.memory_space<hbm>>
      tpu.enqueue_indirect_dma source(%dma_start3A_218 : memref<10240x64xf32, #tpu.memory_space<hbm>>) target(%arg15 : memref<80x64xf32, #tpu.memory_space<vmem>>) offsets(%dma_start3A_215 : memref<80xi32, #tpu.memory_space<vmem>>) semaphore(%arg25 : memref<!tpu.dma_semaphore, #tpu.memory_space<semaphore_mem>>)
      %add3A_219 = arith.constant 1 : i32
      %add3A_220 = arith.addi %add3A_210, %add3A_219 : i32
      %mul3A_221 = arith.constant 80 : i32
      %mul3A_222 = arith.muli %add3A_220, %mul3A_221 : i32
      %dma_start3A_223 = tpu.memref_slice %arg7[%mul3A_222] : memref<10000xi32, #tpu.memory_space<vmem>> -> memref<80xi32, #tpu.memory_space<vmem>>
      %dma_start3A_224 = arith.constant 0 : i32
      %dma_start3A_225 = arith.constant 0 : i32
      %dma_start3A_226 = tpu.memref_slice %arg2[%dma_start3A_224, %dma_start3A_225] : memref<10240x64xf32, #tpu.memory_space<hbm>> -> memref<10240x64xf32, #tpu.memory_space<hbm>>
      tpu.enqueue_indirect_dma source(%dma_start3A_226 : memref<10240x64xf32, #tpu.memory_space<hbm>>) target(%arg16 : memref<80x64xf32, #tpu.memory_space<vmem>>) offsets(%dma_start3A_223 : memref<80xi32, #tpu.memory_space<vmem>>) semaphore(%arg26 : memref<!tpu.dma_semaphore, #tpu.memory_space<semaphore_mem>>)
      %add3A_227 = arith.constant 2 : i32
      %add3A_228 = arith.addi %add3A_210, %add3A_227 : i32
      %mul3A_229 = arith.constant 80 : i32
      %mul3A_230 = arith.muli %add3A_228, %mul3A_229 : i32
      %dma_start3A_231 = tpu.memref_slice %arg7[%mul3A_230] : memref<10000xi32, #tpu.memory_space<vmem>> -> memref<80xi32, #tpu.memory_space<vmem>>
      %dma_start3A_232 = arith.constant 0 : i32
      %dma_start3A_233 = arith.constant 0 : i32
      %dma_start3A_234 = tpu.memref_slice %arg2[%dma_start3A_232, %dma_start3A_233] : memref<10240x64xf32, #tpu.memory_space<hbm>> -> memref<10240x64xf32, #tpu.memory_space<hbm>>
      tpu.enqueue_indirect_dma source(%dma_start3A_234 : memref<10240x64xf32, #tpu.memory_space<hbm>>) target(%arg17 : memref<80x64xf32, #tpu.memory_space<vmem>>) offsets(%dma_start3A_231 : memref<80xi32, #tpu.memory_space<vmem>>) semaphore(%arg27 : memref<!tpu.dma_semaphore, #tpu.memory_space<semaphore_mem>>)
      %add3A_235 = arith.constant 3 : i32
      %add3A_236 = arith.addi %add3A_210, %add3A_235 : i32
      %mul3A_237 = arith.constant 80 : i32
      %mul3A_238 = arith.muli %add3A_236, %mul3A_237 : i32
      %dma_start3A_239 = tpu.memref_slice %arg7[%mul3A_238] : memref<10000xi32, #tpu.memory_space<vmem>> -> memref<80xi32, #tpu.memory_space<vmem>>
      %dma_start3A_240 = arith.constant 0 : i32
      %dma_start3A_241 = arith.constant 0 : i32
      %dma_start3A_242 = tpu.memref_slice %arg2[%dma_start3A_240, %dma_start3A_241] : memref<10240x64xf32, #tpu.memory_space<hbm>> -> memref<10240x64xf32, #tpu.memory_space<hbm>>
      tpu.enqueue_indirect_dma source(%dma_start3A_242 : memref<10240x64xf32, #tpu.memory_space<hbm>>) target(%arg18 : memref<80x64xf32, #tpu.memory_space<vmem>>) offsets(%dma_start3A_239 : memref<80xi32, #tpu.memory_space<vmem>>) semaphore(%arg28 : memref<!tpu.dma_semaphore, #tpu.memory_space<semaphore_mem>>)
      %add3A_243 = arith.constant 4 : i32
      %add3A_244 = arith.addi %add3A_210, %add3A_243 : i32
      %mul3A_245 = arith.constant 80 : i32
      %mul3A_246 = arith.muli %add3A_244, %mul3A_245 : i32
      %dma_start3A_247 = tpu.memref_slice %arg7[%mul3A_246] : memref<10000xi32, #tpu.memory_space<vmem>> -> memref<80xi32, #tpu.memory_space<vmem>>
      %dma_start3A_248 = arith.constant 0 : i32
      %dma_start3A_249 = arith.constant 0 : i32
      %dma_start3A_250 = tpu.memref_slice %arg2[%dma_start3A_248, %dma_start3A_249] : memref<10240x64xf32, #tpu.memory_space<hbm>> -> memref<10240x64xf32, #tpu.memory_space<hbm>>
      tpu.enqueue_indirect_dma source(%dma_start3A_250 : memref<10240x64xf32, #tpu.memory_space<hbm>>) target(%arg19 : memref<80x64xf32, #tpu.memory_space<vmem>>) offsets(%dma_start3A_247 : memref<80xi32, #tpu.memory_space<vmem>>) semaphore(%arg29 : memref<!tpu.dma_semaphore, #tpu.memory_space<semaphore_mem>>)
      %dma_wait3A_251 = tpu.memref_slice %arg8[%mul3A_172] : memref<10000xi32, #tpu.memory_space<vmem>> -> memref<80xi32, #tpu.memory_space<vmem>>
      %dma_wait3A_252 = arith.constant 0 : i32
      %dma_wait3A_253 = arith.constant 0 : i32
      %dma_wait3A_254 = tpu.memref_slice %arg6[%dma_wait3A_252, %dma_wait3A_253] : memref<10240x64xf32, #tpu.memory_space<vmem_shared>> -> memref<10240x64xf32, #tpu.memory_space<vmem_shared>>
      tpu.wait_indirect_dma semaphore(%arg30 : memref<!tpu.dma_semaphore, #tpu.memory_space<semaphore_mem>>) src(%arg10 : memref<80x64xf32, #tpu.memory_space<vmem>>) dst(%dma_wait3A_254 : memref<10240x64xf32, #tpu.memory_space<vmem_shared>>)
      %dma_wait3A_255 = tpu.memref_slice %arg8[%mul3A_180] : memref<10000xi32, #tpu.memory_space<vmem>> -> memref<80xi32, #tpu.memory_space<vmem>>
      %dma_wait3A_256 = arith.constant 0 : i32
      %dma_wait3A_257 = arith.constant 0 : i32
      %dma_wait3A_258 = tpu.memref_slice %arg6[%dma_wait3A_256, %dma_wait3A_257] : memref<10240x64xf32, #tpu.memory_space<vmem_shared>> -> memref<10240x64xf32, #tpu.memory_space<vmem_shared>>
      tpu.wait_indirect_dma semaphore(%arg31 : memref<!tpu.dma_semaphore, #tpu.memory_space<semaphore_mem>>) src(%arg11 : memref<80x64xf32, #tpu.memory_space<vmem>>) dst(%dma_wait3A_258 : memref<10240x64xf32, #tpu.memory_space<vmem_shared>>)
      %dma_wait3A_259 = tpu.memref_slice %arg8[%mul3A_188] : memref<10000xi32, #tpu.memory_space<vmem>> -> memref<80xi32, #tpu.memory_space<vmem>>
      %dma_wait3A_260 = arith.constant 0 : i32
      %dma_wait3A_261 = arith.constant 0 : i32
      %dma_wait3A_262 = tpu.memref_slice %arg6[%dma_wait3A_260, %dma_wait3A_261] : memref<10240x64xf32, #tpu.memory_space<vmem_shared>> -> memref<10240x64xf32, #tpu.memory_space<vmem_shared>>
      tpu.wait_indirect_dma semaphore(%arg32 : memref<!tpu.dma_semaphore, #tpu.memory_space<semaphore_mem>>) src(%arg12 : memref<80x64xf32, #tpu.memory_space<vmem>>) dst(%dma_wait3A_262 : memref<10240x64xf32, #tpu.memory_space<vmem_shared>>)
      %dma_wait3A_263 = tpu.memref_slice %arg8[%mul3A_196] : memref<10000xi32, #tpu.memory_space<vmem>> -> memref<80xi32, #tpu.memory_space<vmem>>
      %dma_wait3A_264 = arith.constant 0 : i32
      %dma_wait3A_265 = arith.constant 0 : i32
      %dma_wait3A_266 = tpu.memref_slice %arg6[%dma_wait3A_264, %dma_wait3A_265] : memref<10240x64xf32, #tpu.memory_space<vmem_shared>> -> memref<10240x64xf32, #tpu.memory_space<vmem_shared>>
      tpu.wait_indirect_dma semaphore(%arg33 : memref<!tpu.dma_semaphore, #tpu.memory_space<semaphore_mem>>) src(%arg13 : memref<80x64xf32, #tpu.memory_space<vmem>>) dst(%dma_wait3A_266 : memref<10240x64xf32, #tpu.memory_space<vmem_shared>>)
      %dma_wait3A_267 = tpu.memref_slice %arg8[%mul3A_204] : memref<10000xi32, #tpu.memory_space<vmem>> -> memref<80xi32, #tpu.memory_space<vmem>>
      %dma_wait3A_268 = arith.constant 0 : i32
      %dma_wait3A_269 = arith.constant 0 : i32
      %dma_wait3A_270 = tpu.memref_slice %arg6[%dma_wait3A_268, %dma_wait3A_269] : memref<10240x64xf32, #tpu.memory_space<vmem_shared>> -> memref<10240x64xf32, #tpu.memory_space<vmem_shared>>
      tpu.wait_indirect_dma semaphore(%arg34 : memref<!tpu.dma_semaphore, #tpu.memory_space<semaphore_mem>>) src(%arg14 : memref<80x64xf32, #tpu.memory_space<vmem>>) dst(%dma_wait3A_270 : memref<10240x64xf32, #tpu.memory_space<vmem_shared>>)
      %add3A_271 = arith.constant 5 : i32
      %add3A_272 = arith.addi %mul3A_128, %add3A_271 : i32
      %add3A_273 = arith.constant 0 : i32
      %add3A_274 = arith.addi %add3A_272, %add3A_273 : i32
      %mul3A_275 = arith.constant 80 : i32
      %mul3A_276 = arith.muli %add3A_274, %mul3A_275 : i32
      %dma_wait3A_277 = tpu.memref_slice %arg7[%mul3A_276] : memref<10000xi32, #tpu.memory_space<vmem>> -> memref<80xi32, #tpu.memory_space<vmem>>
      %dma_wait3A_278 = arith.constant 0 : i32
      %dma_wait3A_279 = arith.constant 0 : i32
      %dma_wait3A_280 = tpu.memref_slice %arg2[%dma_wait3A_278, %dma_wait3A_279] : memref<10240x64xf32, #tpu.memory_space<hbm>> -> memref<10240x64xf32, #tpu.memory_space<hbm>>
      tpu.wait_indirect_dma semaphore(%arg25 : memref<!tpu.dma_semaphore, #tpu.memory_space<semaphore_mem>>) src(%dma_wait3A_280 : memref<10240x64xf32, #tpu.memory_space<hbm>>) dst(%arg15 : memref<80x64xf32, #tpu.memory_space<vmem>>)
      %add3A_281 = arith.constant 1 : i32
      %add3A_282 = arith.addi %add3A_272, %add3A_281 : i32
      %mul3A_283 = arith.constant 80 : i32
      %mul3A_284 = arith.muli %add3A_282, %mul3A_283 : i32
      %dma_wait3A_285 = tpu.memref_slice %arg7[%mul3A_284] : memref<10000xi32, #tpu.memory_space<vmem>> -> memref<80xi32, #tpu.memory_space<vmem>>
      %dma_wait3A_286 = arith.constant 0 : i32
      %dma_wait3A_287 = arith.constant 0 : i32
      %dma_wait3A_288 = tpu.memref_slice %arg2[%dma_wait3A_286, %dma_wait3A_287] : memref<10240x64xf32, #tpu.memory_space<hbm>> -> memref<10240x64xf32, #tpu.memory_space<hbm>>
      tpu.wait_indirect_dma semaphore(%arg26 : memref<!tpu.dma_semaphore, #tpu.memory_space<semaphore_mem>>) src(%dma_wait3A_288 : memref<10240x64xf32, #tpu.memory_space<hbm>>) dst(%arg16 : memref<80x64xf32, #tpu.memory_space<vmem>>)
      %add3A_289 = arith.constant 2 : i32
      %add3A_290 = arith.addi %add3A_272, %add3A_289 : i32
      %mul3A_291 = arith.constant 80 : i32
      %mul3A_292 = arith.muli %add3A_290, %mul3A_291 : i32
      %dma_wait3A_293 = tpu.memref_slice %arg7[%mul3A_292] : memref<10000xi32, #tpu.memory_space<vmem>> -> memref<80xi32, #tpu.memory_space<vmem>>
      %dma_wait3A_294 = arith.constant 0 : i32
      %dma_wait3A_295 = arith.constant 0 : i32
      %dma_wait3A_296 = tpu.memref_slice %arg2[%dma_wait3A_294, %dma_wait3A_295] : memref<10240x64xf32, #tpu.memory_space<hbm>> -> memref<10240x64xf32, #tpu.memory_space<hbm>>
      tpu.wait_indirect_dma semaphore(%arg27 : memref<!tpu.dma_semaphore, #tpu.memory_space<semaphore_mem>>) src(%dma_wait3A_296 : memref<10240x64xf32, #tpu.memory_space<hbm>>) dst(%arg17 : memref<80x64xf32, #tpu.memory_space<vmem>>)
      %add3A_297 = arith.constant 3 : i32
      %add3A_298 = arith.addi %add3A_272, %add3A_297 : i32
      %mul3A_299 = arith.constant 80 : i32
      %mul3A_300 = arith.muli %add3A_298, %mul3A_299 : i32
      %dma_wait3A_301 = tpu.memref_slice %arg7[%mul3A_300] : memref<10000xi32, #tpu.memory_space<vmem>> -> memref<80xi32, #tpu.memory_space<vmem>>
      %dma_wait3A_302 = arith.constant 0 : i32
      %dma_wait3A_303 = arith.constant 0 : i32
      %dma_wait3A_304 = tpu.memref_slice %arg2[%dma_wait3A_302, %dma_wait3A_303] : memref<10240x64xf32, #tpu.memory_space<hbm>> -> memref<10240x64xf32, #tpu.memory_space<hbm>>
      tpu.wait_indirect_dma semaphore(%arg28 : memref<!tpu.dma_semaphore, #tpu.memory_space<semaphore_mem>>) src(%dma_wait3A_304 : memref<10240x64xf32, #tpu.memory_space<hbm>>) dst(%arg18 : memref<80x64xf32, #tpu.memory_space<vmem>>)
      %add3A_305 = arith.constant 4 : i32
      %add3A_306 = arith.addi %add3A_272, %add3A_305 : i32
      %mul3A_307 = arith.constant 80 : i32
      %mul3A_308 = arith.muli %add3A_306, %mul3A_307 : i32
      %dma_wait3A_309 = tpu.memref_slice %arg7[%mul3A_308] : memref<10000xi32, #tpu.memory_space<vmem>> -> memref<80xi32, #tpu.memory_space<vmem>>
      %dma_wait3A_310 = arith.constant 0 : i32
      %dma_wait3A_311 = arith.constant 0 : i32
      %dma_wait3A_312 = tpu.memref_slice %arg2[%dma_wait3A_310, %dma_wait3A_311] : memref<10240x64xf32, #tpu.memory_space<hbm>> -> memref<10240x64xf32, #tpu.memory_space<hbm>>
      tpu.wait_indirect_dma semaphore(%arg29 : memref<!tpu.dma_semaphore, #tpu.memory_space<semaphore_mem>>) src(%dma_wait3A_312 : memref<10240x64xf32, #tpu.memory_space<hbm>>) dst(%arg19 : memref<80x64xf32, #tpu.memory_space<vmem>>)
      %add3A_313 = arith.constant 5 : i32
      %add3A_314 = arith.addi %mul3A_128, %add3A_313 : i32
      %add3A_315 = arith.constant 0 : i32
      %add3A_316 = arith.addi %add3A_314, %add3A_315 : i32
      %mul3A_317 = arith.constant 80 : i32
      %mul3A_318 = arith.muli %add3A_316, %mul3A_317 : i32
      %dma_start3A_319 = tpu.memref_slice %arg8[%mul3A_318] : memref<10000xi32, #tpu.memory_space<vmem>> -> memref<80xi32, #tpu.memory_space<vmem>>
      %dma_start3A_320 = arith.constant 0 : i32
      %dma_start3A_321 = arith.constant 0 : i32
      %dma_start3A_322 = tpu.memref_slice %arg6[%dma_start3A_320, %dma_start3A_321] : memref<10240x64xf32, #tpu.memory_space<vmem_shared>> -> memref<10240x64xf32, #tpu.memory_space<vmem_shared>>
      tpu.enqueue_indirect_dma source(%arg15 : memref<80x64xf32, #tpu.memory_space<vmem>>) target(%dma_start3A_322 : memref<10240x64xf32, #tpu.memory_space<vmem_shared>>) offsets(%dma_start3A_319 : memref<80xi32, #tpu.memory_space<vmem>>) semaphore(%arg35 : memref<!tpu.dma_semaphore, #tpu.memory_space<semaphore_mem>>) {add = true}
      %add3A_323 = arith.constant 1 : i32
      %add3A_324 = arith.addi %add3A_314, %add3A_323 : i32
      %mul3A_325 = arith.constant 80 : i32
      %mul3A_326 = arith.muli %add3A_324, %mul3A_325 : i32
      %dma_start3A_327 = tpu.memref_slice %arg8[%mul3A_326] : memref<10000xi32, #tpu.memory_space<vmem>> -> memref<80xi32, #tpu.memory_space<vmem>>
      %dma_start3A_328 = arith.constant 0 : i32
      %dma_start3A_329 = arith.constant 0 : i32
      %dma_start3A_330 = tpu.memref_slice %arg6[%dma_start3A_328, %dma_start3A_329] : memref<10240x64xf32, #tpu.memory_space<vmem_shared>> -> memref<10240x64xf32, #tpu.memory_space<vmem_shared>>
      tpu.enqueue_indirect_dma source(%arg16 : memref<80x64xf32, #tpu.memory_space<vmem>>) target(%dma_start3A_330 : memref<10240x64xf32, #tpu.memory_space<vmem_shared>>) offsets(%dma_start3A_327 : memref<80xi32, #tpu.memory_space<vmem>>) semaphore(%arg36 : memref<!tpu.dma_semaphore, #tpu.memory_space<semaphore_mem>>) {add = true}
      %add3A_331 = arith.constant 2 : i32
      %add3A_332 = arith.addi %add3A_314, %add3A_331 : i32
      %mul3A_333 = arith.constant 80 : i32
      %mul3A_334 = arith.muli %add3A_332, %mul3A_333 : i32
      %dma_start3A_335 = tpu.memref_slice %arg8[%mul3A_334] : memref<10000xi32, #tpu.memory_space<vmem>> -> memref<80xi32, #tpu.memory_space<vmem>>
      %dma_start3A_336 = arith.constant 0 : i32
      %dma_start3A_337 = arith.constant 0 : i32
      %dma_start3A_338 = tpu.memref_slice %arg6[%dma_start3A_336, %dma_start3A_337] : memref<10240x64xf32, #tpu.memory_space<vmem_shared>> -> memref<10240x64xf32, #tpu.memory_space<vmem_shared>>
      tpu.enqueue_indirect_dma source(%arg17 : memref<80x64xf32, #tpu.memory_space<vmem>>) target(%dma_start3A_338 : memref<10240x64xf32, #tpu.memory_space<vmem_shared>>) offsets(%dma_start3A_335 : memref<80xi32, #tpu.memory_space<vmem>>) semaphore(%arg37 : memref<!tpu.dma_semaphore, #tpu.memory_space<semaphore_mem>>) {add = true}
      %add3A_339 = arith.constant 3 : i32
      %add3A_340 = arith.addi %add3A_314, %add3A_339 : i32
      %mul3A_341 = arith.constant 80 : i32
      %mul3A_342 = arith.muli %add3A_340, %mul3A_341 : i32
      %dma_start3A_343 = tpu.memref_slice %arg8[%mul3A_342] : memref<10000xi32, #tpu.memory_space<vmem>> -> memref<80xi32, #tpu.memory_space<vmem>>
      %dma_start3A_344 = arith.constant 0 : i32
      %dma_start3A_345 = arith.constant 0 : i32
      %dma_start3A_346 = tpu.memref_slice %arg6[%dma_start3A_344, %dma_start3A_345] : memref<10240x64xf32, #tpu.memory_space<vmem_shared>> -> memref<10240x64xf32, #tpu.memory_space<vmem_shared>>
      tpu.enqueue_indirect_dma source(%arg18 : memref<80x64xf32, #tpu.memory_space<vmem>>) target(%dma_start3A_346 : memref<10240x64xf32, #tpu.memory_space<vmem_shared>>) offsets(%dma_start3A_343 : memref<80xi32, #tpu.memory_space<vmem>>) semaphore(%arg38 : memref<!tpu.dma_semaphore, #tpu.memory_space<semaphore_mem>>) {add = true}
      %add3A_347 = arith.constant 4 : i32
      %add3A_348 = arith.addi %add3A_314, %add3A_347 : i32
      %mul3A_349 = arith.constant 80 : i32
      %mul3A_350 = arith.muli %add3A_348, %mul3A_349 : i32
      %dma_start3A_351 = tpu.memref_slice %arg8[%mul3A_350] : memref<10000xi32, #tpu.memory_space<vmem>> -> memref<80xi32, #tpu.memory_space<vmem>>
      %dma_start3A_352 = arith.constant 0 : i32
      %dma_start3A_353 = arith.constant 0 : i32
      %dma_start3A_354 = tpu.memref_slice %arg6[%dma_start3A_352, %dma_start3A_353] : memref<10240x64xf32, #tpu.memory_space<vmem_shared>> -> memref<10240x64xf32, #tpu.memory_space<vmem_shared>>
      tpu.enqueue_indirect_dma source(%arg19 : memref<80x64xf32, #tpu.memory_space<vmem>>) target(%dma_start3A_354 : memref<10240x64xf32, #tpu.memory_space<vmem_shared>>) offsets(%dma_start3A_351 : memref<80xi32, #tpu.memory_space<vmem>>) semaphore(%arg39 : memref<!tpu.dma_semaphore, #tpu.memory_space<semaphore_mem>>) {add = true}
      %add3A_355 = arith.constant 10 : i32
      %add3A_356 = arith.addi %mul3A_128, %add3A_355 : i32
      %add3A_357 = arith.constant 0 : i32
      %add3A_358 = arith.addi %add3A_356, %add3A_357 : i32
      %mul3A_359 = arith.constant 80 : i32
      %mul3A_360 = arith.muli %add3A_358, %mul3A_359 : i32
      %dma_start3A_361 = tpu.memref_slice %arg7[%mul3A_360] : memref<10000xi32, #tpu.memory_space<vmem>> -> memref<80xi32, #tpu.memory_space<vmem>>
      %dma_start3A_362 = arith.constant 0 : i32
      %dma_start3A_363 = arith.constant 0 : i32
      %dma_start3A_364 = tpu.memref_slice %arg2[%dma_start3A_362, %dma_start3A_363] : memref<10240x64xf32, #tpu.memory_space<hbm>> -> memref<10240x64xf32, #tpu.memory_space<hbm>>
      tpu.enqueue_indirect_dma source(%dma_start3A_364 : memref<10240x64xf32, #tpu.memory_space<hbm>>) target(%arg10 : memref<80x64xf32, #tpu.memory_space<vmem>>) offsets(%dma_start3A_361 : memref<80xi32, #tpu.memory_space<vmem>>) semaphore(%arg20 : memref<!tpu.dma_semaphore, #tpu.memory_space<semaphore_mem>>)
      %add3A_365 = arith.constant 1 : i32
      %add3A_366 = arith.addi %add3A_356, %add3A_365 : i32
      %mul3A_367 = arith.constant 80 : i32
      %mul3A_368 = arith.muli %add3A_366, %mul3A_367 : i32
      %dma_start3A_369 = tpu.memref_slice %arg7[%mul3A_368] : memref<10000xi32, #tpu.memory_space<vmem>> -> memref<80xi32, #tpu.memory_space<vmem>>
      %dma_start3A_370 = arith.constant 0 : i32
      %dma_start3A_371 = arith.constant 0 : i32
      %dma_start3A_372 = tpu.memref_slice %arg2[%dma_start3A_370, %dma_start3A_371] : memref<10240x64xf32, #tpu.memory_space<hbm>> -> memref<10240x64xf32, #tpu.memory_space<hbm>>
      tpu.enqueue_indirect_dma source(%dma_start3A_372 : memref<10240x64xf32, #tpu.memory_space<hbm>>) target(%arg11 : memref<80x64xf32, #tpu.memory_space<vmem>>) offsets(%dma_start3A_369 : memref<80xi32, #tpu.memory_space<vmem>>) semaphore(%arg21 : memref<!tpu.dma_semaphore, #tpu.memory_space<semaphore_mem>>)
      %add3A_373 = arith.constant 2 : i32
      %add3A_374 = arith.addi %add3A_356, %add3A_373 : i32
      %mul3A_375 = arith.constant 80 : i32
      %mul3A_376 = arith.muli %add3A_374, %mul3A_375 : i32
      %dma_start3A_377 = tpu.memref_slice %arg7[%mul3A_376] : memref<10000xi32, #tpu.memory_space<vmem>> -> memref<80xi32, #tpu.memory_space<vmem>>
      %dma_start3A_378 = arith.constant 0 : i32
      %dma_start3A_379 = arith.constant 0 : i32
      %dma_start3A_380 = tpu.memref_slice %arg2[%dma_start3A_378, %dma_start3A_379] : memref<10240x64xf32, #tpu.memory_space<hbm>> -> memref<10240x64xf32, #tpu.memory_space<hbm>>
      tpu.enqueue_indirect_dma source(%dma_start3A_380 : memref<10240x64xf32, #tpu.memory_space<hbm>>) target(%arg12 : memref<80x64xf32, #tpu.memory_space<vmem>>) offsets(%dma_start3A_377 : memref<80xi32, #tpu.memory_space<vmem>>) semaphore(%arg22 : memref<!tpu.dma_semaphore, #tpu.memory_space<semaphore_mem>>)
      %add3A_381 = arith.constant 3 : i32
      %add3A_382 = arith.addi %add3A_356, %add3A_381 : i32
      %mul3A_383 = arith.constant 80 : i32
      %mul3A_384 = arith.muli %add3A_382, %mul3A_383 : i32
      %dma_start3A_385 = tpu.memref_slice %arg7[%mul3A_384] : memref<10000xi32, #tpu.memory_space<vmem>> -> memref<80xi32, #tpu.memory_space<vmem>>
      %dma_start3A_386 = arith.constant 0 : i32
      %dma_start3A_387 = arith.constant 0 : i32
      %dma_start3A_388 = tpu.memref_slice %arg2[%dma_start3A_386, %dma_start3A_387] : memref<10240x64xf32, #tpu.memory_space<hbm>> -> memref<10240x64xf32, #tpu.memory_space<hbm>>
      tpu.enqueue_indirect_dma source(%dma_start3A_388 : memref<10240x64xf32, #tpu.memory_space<hbm>>) target(%arg13 : memref<80x64xf32, #tpu.memory_space<vmem>>) offsets(%dma_start3A_385 : memref<80xi32, #tpu.memory_space<vmem>>) semaphore(%arg23 : memref<!tpu.dma_semaphore, #tpu.memory_space<semaphore_mem>>)
      %add3A_389 = arith.constant 4 : i32
      %add3A_390 = arith.addi %add3A_356, %add3A_389 : i32
      %mul3A_391 = arith.constant 80 : i32
      %mul3A_392 = arith.muli %add3A_390, %mul3A_391 : i32
      %dma_start3A_393 = tpu.memref_slice %arg7[%mul3A_392] : memref<10000xi32, #tpu.memory_space<vmem>> -> memref<80xi32, #tpu.memory_space<vmem>>
      %dma_start3A_394 = arith.constant 0 : i32
      %dma_start3A_395 = arith.constant 0 : i32
      %dma_start3A_396 = tpu.memref_slice %arg2[%dma_start3A_394, %dma_start3A_395] : memref<10240x64xf32, #tpu.memory_space<hbm>> -> memref<10240x64xf32, #tpu.memory_space<hbm>>
      tpu.enqueue_indirect_dma source(%dma_start3A_396 : memref<10240x64xf32, #tpu.memory_space<hbm>>) target(%arg14 : memref<80x64xf32, #tpu.memory_space<vmem>>) offsets(%dma_start3A_393 : memref<80xi32, #tpu.memory_space<vmem>>) semaphore(%arg24 : memref<!tpu.dma_semaphore, #tpu.memory_space<semaphore_mem>>)
      %dma_wait3A_397 = tpu.memref_slice %arg8[%mul3A_318] : memref<10000xi32, #tpu.memory_space<vmem>> -> memref<80xi32, #tpu.memory_space<vmem>>
      %dma_wait3A_398 = arith.constant 0 : i32
      %dma_wait3A_399 = arith.constant 0 : i32
      %dma_wait3A_400 = tpu.memref_slice %arg6[%dma_wait3A_398, %dma_wait3A_399] : memref<10240x64xf32, #tpu.memory_space<vmem_shared>> -> memref<10240x64xf32, #tpu.memory_space<vmem_shared>>
      tpu.wait_indirect_dma semaphore(%arg35 : memref<!tpu.dma_semaphore, #tpu.memory_space<semaphore_mem>>) src(%arg15 : memref<80x64xf32, #tpu.memory_space<vmem>>) dst(%dma_wait3A_400 : memref<10240x64xf32, #tpu.memory_space<vmem_shared>>)
      %dma_wait3A_401 = tpu.memref_slice %arg8[%mul3A_326] : memref<10000xi32, #tpu.memory_space<vmem>> -> memref<80xi32, #tpu.memory_space<vmem>>
      %dma_wait3A_402 = arith.constant 0 : i32
      %dma_wait3A_403 = arith.constant 0 : i32
      %dma_wait3A_404 = tpu.memref_slice %arg6[%dma_wait3A_402, %dma_wait3A_403] : memref<10240x64xf32, #tpu.memory_space<vmem_shared>> -> memref<10240x64xf32, #tpu.memory_space<vmem_shared>>
      tpu.wait_indirect_dma semaphore(%arg36 : memref<!tpu.dma_semaphore, #tpu.memory_space<semaphore_mem>>) src(%arg16 : memref<80x64xf32, #tpu.memory_space<vmem>>) dst(%dma_wait3A_404 : memref<10240x64xf32, #tpu.memory_space<vmem_shared>>)
      %dma_wait3A_405 = tpu.memref_slice %arg8[%mul3A_334] : memref<10000xi32, #tpu.memory_space<vmem>> -> memref<80xi32, #tpu.memory_space<vmem>>
      %dma_wait3A_406 = arith.constant 0 : i32
      %dma_wait3A_407 = arith.constant 0 : i32
      %dma_wait3A_408 = tpu.memref_slice %arg6[%dma_wait3A_406, %dma_wait3A_407] : memref<10240x64xf32, #tpu.memory_space<vmem_shared>> -> memref<10240x64xf32, #tpu.memory_space<vmem_shared>>
      tpu.wait_indirect_dma semaphore(%arg37 : memref<!tpu.dma_semaphore, #tpu.memory_space<semaphore_mem>>) src(%arg17 : memref<80x64xf32, #tpu.memory_space<vmem>>) dst(%dma_wait3A_408 : memref<10240x64xf32, #tpu.memory_space<vmem_shared>>)
      %dma_wait3A_409 = tpu.memref_slice %arg8[%mul3A_342] : memref<10000xi32, #tpu.memory_space<vmem>> -> memref<80xi32, #tpu.memory_space<vmem>>
      %dma_wait3A_410 = arith.constant 0 : i32
      %dma_wait3A_411 = arith.constant 0 : i32
      %dma_wait3A_412 = tpu.memref_slice %arg6[%dma_wait3A_410, %dma_wait3A_411] : memref<10240x64xf32, #tpu.memory_space<vmem_shared>> -> memref<10240x64xf32, #tpu.memory_space<vmem_shared>>
      tpu.wait_indirect_dma semaphore(%arg38 : memref<!tpu.dma_semaphore, #tpu.memory_space<semaphore_mem>>) src(%arg18 : memref<80x64xf32, #tpu.memory_space<vmem>>) dst(%dma_wait3A_412 : memref<10240x64xf32, #tpu.memory_space<vmem_shared>>)
      %dma_wait3A_413 = tpu.memref_slice %arg8[%mul3A_350] : memref<10000xi32, #tpu.memory_space<vmem>> -> memref<80xi32, #tpu.memory_space<vmem>>
      %dma_wait3A_414 = arith.constant 0 : i32
      %dma_wait3A_415 = arith.constant 0 : i32
      %dma_wait3A_416 = tpu.memref_slice %arg6[%dma_wait3A_414, %dma_wait3A_415] : memref<10240x64xf32, #tpu.memory_space<vmem_shared>> -> memref<10240x64xf32, #tpu.memory_space<vmem_shared>>
      tpu.wait_indirect_dma semaphore(%arg39 : memref<!tpu.dma_semaphore, #tpu.memory_space<semaphore_mem>>) src(%arg19 : memref<80x64xf32, #tpu.memory_space<vmem>>) dst(%dma_wait3A_416 : memref<10240x64xf32, #tpu.memory_space<vmem_shared>>)
    }
    %scan3A_42 = arith.constant 12 : i32
    %dma_wait3A = arith.constant 9600 : i32
    %dma_wait3A_43 = tpu.memref_slice %arg7[%dma_wait3A] : memref<10000xi32, #tpu.memory_space<vmem>> -> memref<80xi32, #tpu.memory_space<vmem>>
    %dma_wait3A_44 = arith.constant 0 : i32
    %dma_wait3A_45 = arith.constant 0 : i32
    %dma_wait3A_46 = tpu.memref_slice %arg2[%dma_wait3A_44, %dma_wait3A_45] : memref<10240x64xf32, #tpu.memory_space<hbm>> -> memref<10240x64xf32, #tpu.memory_space<hbm>>
    tpu.wait_indirect_dma semaphore(%arg20 : memref<!tpu.dma_semaphore, #tpu.memory_space<semaphore_mem>>) src(%dma_wait3A_46 : memref<10240x64xf32, #tpu.memory_space<hbm>>) dst(%arg10 : memref<80x64xf32, #tpu.memory_space<vmem>>)
    %dma_wait3A_47 = arith.constant 9680 : i32
    %dma_wait3A_48 = tpu.memref_slice %arg7[%dma_wait3A_47] : memref<10000xi32, #tpu.memory_space<vmem>> -> memref<80xi32, #tpu.memory_space<vmem>>
    %dma_wait3A_49 = arith.constant 0 : i32
    %dma_wait3A_50 = arith.constant 0 : i32
    %dma_wait3A_51 = tpu.memref_slice %arg2[%dma_wait3A_49, %dma_wait3A_50] : memref<10240x64xf32, #tpu.memory_space<hbm>> -> memref<10240x64xf32, #tpu.memory_space<hbm>>
    tpu.wait_indirect_dma semaphore(%arg21 : memref<!tpu.dma_semaphore, #tpu.memory_space<semaphore_mem>>) src(%dma_wait3A_51 : memref<10240x64xf32, #tpu.memory_space<hbm>>) dst(%arg11 : memref<80x64xf32, #tpu.memory_space<vmem>>)
    %dma_wait3A_52 = arith.constant 9760 : i32
    %dma_wait3A_53 = tpu.memref_slice %arg7[%dma_wait3A_52] : memref<10000xi32, #tpu.memory_space<vmem>> -> memref<80xi32, #tpu.memory_space<vmem>>
    %dma_wait3A_54 = arith.constant 0 : i32
    %dma_wait3A_55 = arith.constant 0 : i32
    %dma_wait3A_56 = tpu.memref_slice %arg2[%dma_wait3A_54, %dma_wait3A_55] : memref<10240x64xf32, #tpu.memory_space<hbm>> -> memref<10240x64xf32, #tpu.memory_space<hbm>>
    tpu.wait_indirect_dma semaphore(%arg22 : memref<!tpu.dma_semaphore, #tpu.memory_space<semaphore_mem>>) src(%dma_wait3A_56 : memref<10240x64xf32, #tpu.memory_space<hbm>>) dst(%arg12 : memref<80x64xf32, #tpu.memory_space<vmem>>)
    %dma_wait3A_57 = arith.constant 9840 : i32
    %dma_wait3A_58 = tpu.memref_slice %arg7[%dma_wait3A_57] : memref<10000xi32, #tpu.memory_space<vmem>> -> memref<80xi32, #tpu.memory_space<vmem>>
    %dma_wait3A_59 = arith.constant 0 : i32
    %dma_wait3A_60 = arith.constant 0 : i32
    %dma_wait3A_61 = tpu.memref_slice %arg2[%dma_wait3A_59, %dma_wait3A_60] : memref<10240x64xf32, #tpu.memory_space<hbm>> -> memref<10240x64xf32, #tpu.memory_space<hbm>>
    tpu.wait_indirect_dma semaphore(%arg23 : memref<!tpu.dma_semaphore, #tpu.memory_space<semaphore_mem>>) src(%dma_wait3A_61 : memref<10240x64xf32, #tpu.memory_space<hbm>>) dst(%arg13 : memref<80x64xf32, #tpu.memory_space<vmem>>)
    %dma_wait3A_62 = arith.constant 9920 : i32
    %dma_wait3A_63 = tpu.memref_slice %arg7[%dma_wait3A_62] : memref<10000xi32, #tpu.memory_space<vmem>> -> memref<80xi32, #tpu.memory_space<vmem>>
    %dma_wait3A_64 = arith.constant 0 : i32
    %dma_wait3A_65 = arith.constant 0 : i32
    %dma_wait3A_66 = tpu.memref_slice %arg2[%dma_wait3A_64, %dma_wait3A_65] : memref<10240x64xf32, #tpu.memory_space<hbm>> -> memref<10240x64xf32, #tpu.memory_space<hbm>>
    tpu.wait_indirect_dma semaphore(%arg24 : memref<!tpu.dma_semaphore, #tpu.memory_space<semaphore_mem>>) src(%dma_wait3A_66 : memref<10240x64xf32, #tpu.memory_space<hbm>>) dst(%arg14 : memref<80x64xf32, #tpu.memory_space<vmem>>)
    %dma_start3A_67 = arith.constant 9600 : i32
    %dma_start3A_68 = tpu.memref_slice %arg8[%dma_start3A_67] : memref<10000xi32, #tpu.memory_space<vmem>> -> memref<80xi32, #tpu.memory_space<vmem>>
    %dma_start3A_69 = arith.constant 0 : i32
    %dma_start3A_70 = arith.constant 0 : i32
    %dma_start3A_71 = tpu.memref_slice %arg6[%dma_start3A_69, %dma_start3A_70] : memref<10240x64xf32, #tpu.memory_space<vmem_shared>> -> memref<10240x64xf32, #tpu.memory_space<vmem_shared>>
    tpu.enqueue_indirect_dma source(%arg10 : memref<80x64xf32, #tpu.memory_space<vmem>>) target(%dma_start3A_71 : memref<10240x64xf32, #tpu.memory_space<vmem_shared>>) offsets(%dma_start3A_68 : memref<80xi32, #tpu.memory_space<vmem>>) semaphore(%arg30 : memref<!tpu.dma_semaphore, #tpu.memory_space<semaphore_mem>>) {add = true}
    %dma_start3A_72 = arith.constant 9680 : i32
    %dma_start3A_73 = tpu.memref_slice %arg8[%dma_start3A_72] : memref<10000xi32, #tpu.memory_space<vmem>> -> memref<80xi32, #tpu.memory_space<vmem>>
    %dma_start3A_74 = arith.constant 0 : i32
    %dma_start3A_75 = arith.constant 0 : i32
    %dma_start3A_76 = tpu.memref_slice %arg6[%dma_start3A_74, %dma_start3A_75] : memref<10240x64xf32, #tpu.memory_space<vmem_shared>> -> memref<10240x64xf32, #tpu.memory_space<vmem_shared>>
    tpu.enqueue_indirect_dma source(%arg11 : memref<80x64xf32, #tpu.memory_space<vmem>>) target(%dma_start3A_76 : memref<10240x64xf32, #tpu.memory_space<vmem_shared>>) offsets(%dma_start3A_73 : memref<80xi32, #tpu.memory_space<vmem>>) semaphore(%arg31 : memref<!tpu.dma_semaphore, #tpu.memory_space<semaphore_mem>>) {add = true}
    %dma_start3A_77 = arith.constant 9760 : i32
    %dma_start3A_78 = tpu.memref_slice %arg8[%dma_start3A_77] : memref<10000xi32, #tpu.memory_space<vmem>> -> memref<80xi32, #tpu.memory_space<vmem>>
    %dma_start3A_79 = arith.constant 0 : i32
    %dma_start3A_80 = arith.constant 0 : i32
    %dma_start3A_81 = tpu.memref_slice %arg6[%dma_start3A_79, %dma_start3A_80] : memref<10240x64xf32, #tpu.memory_space<vmem_shared>> -> memref<10240x64xf32, #tpu.memory_space<vmem_shared>>
    tpu.enqueue_indirect_dma source(%arg12 : memref<80x64xf32, #tpu.memory_space<vmem>>) target(%dma_start3A_81 : memref<10240x64xf32, #tpu.memory_space<vmem_shared>>) offsets(%dma_start3A_78 : memref<80xi32, #tpu.memory_space<vmem>>) semaphore(%arg32 : memref<!tpu.dma_semaphore, #tpu.memory_space<semaphore_mem>>) {add = true}
    %dma_start3A_82 = arith.constant 9840 : i32
    %dma_start3A_83 = tpu.memref_slice %arg8[%dma_start3A_82] : memref<10000xi32, #tpu.memory_space<vmem>> -> memref<80xi32, #tpu.memory_space<vmem>>
    %dma_start3A_84 = arith.constant 0 : i32
    %dma_start3A_85 = arith.constant 0 : i32
    %dma_start3A_86 = tpu.memref_slice %arg6[%dma_start3A_84, %dma_start3A_85] : memref<10240x64xf32, #tpu.memory_space<vmem_shared>> -> memref<10240x64xf32, #tpu.memory_space<vmem_shared>>
    tpu.enqueue_indirect_dma source(%arg13 : memref<80x64xf32, #tpu.memory_space<vmem>>) target(%dma_start3A_86 : memref<10240x64xf32, #tpu.memory_space<vmem_shared>>) offsets(%dma_start3A_83 : memref<80xi32, #tpu.memory_space<vmem>>) semaphore(%arg33 : memref<!tpu.dma_semaphore, #tpu.memory_space<semaphore_mem>>) {add = true}
    %dma_start3A_87 = arith.constant 9920 : i32
    %dma_start3A_88 = tpu.memref_slice %arg8[%dma_start3A_87] : memref<10000xi32, #tpu.memory_space<vmem>> -> memref<80xi32, #tpu.memory_space<vmem>>
    %dma_start3A_89 = arith.constant 0 : i32
    %dma_start3A_90 = arith.constant 0 : i32
    %dma_start3A_91 = tpu.memref_slice %arg6[%dma_start3A_89, %dma_start3A_90] : memref<10240x64xf32, #tpu.memory_space<vmem_shared>> -> memref<10240x64xf32, #tpu.memory_space<vmem_shared>>
    tpu.enqueue_indirect_dma source(%arg14 : memref<80x64xf32, #tpu.memory_space<vmem>>) target(%dma_start3A_91 : memref<10240x64xf32, #tpu.memory_space<vmem_shared>>) offsets(%dma_start3A_88 : memref<80xi32, #tpu.memory_space<vmem>>) semaphore(%arg34 : memref<!tpu.dma_semaphore, #tpu.memory_space<semaphore_mem>>) {add = true}
    %dma_wait3A_92 = arith.constant 9600 : i32
    %dma_wait3A_93 = tpu.memref_slice %arg8[%dma_wait3A_92] : memref<10000xi32, #tpu.memory_space<vmem>> -> memref<80xi32, #tpu.memory_space<vmem>>
    %dma_wait3A_94 = arith.constant 0 : i32
    %dma_wait3A_95 = arith.constant 0 : i32
    %dma_wait3A_96 = tpu.memref_slice %arg6[%dma_wait3A_94, %dma_wait3A_95] : memref<10240x64xf32, #tpu.memory_space<vmem_shared>> -> memref<10240x64xf32, #tpu.memory_space<vmem_shared>>
    tpu.wait_indirect_dma semaphore(%arg30 : memref<!tpu.dma_semaphore, #tpu.memory_space<semaphore_mem>>) src(%arg10 : memref<80x64xf32, #tpu.memory_space<vmem>>) dst(%dma_wait3A_96 : memref<10240x64xf32, #tpu.memory_space<vmem_shared>>)
    %dma_wait3A_97 = arith.constant 9680 : i32
    %dma_wait3A_98 = tpu.memref_slice %arg8[%dma_wait3A_97] : memref<10000xi32, #tpu.memory_space<vmem>> -> memref<80xi32, #tpu.memory_space<vmem>>
    %dma_wait3A_99 = arith.constant 0 : i32
    %dma_wait3A_100 = arith.constant 0 : i32
    %dma_wait3A_101 = tpu.memref_slice %arg6[%dma_wait3A_99, %dma_wait3A_100] : memref<10240x64xf32, #tpu.memory_space<vmem_shared>> -> memref<10240x64xf32, #tpu.memory_space<vmem_shared>>
    tpu.wait_indirect_dma semaphore(%arg31 : memref<!tpu.dma_semaphore, #tpu.memory_space<semaphore_mem>>) src(%arg11 : memref<80x64xf32, #tpu.memory_space<vmem>>) dst(%dma_wait3A_101 : memref<10240x64xf32, #tpu.memory_space<vmem_shared>>)
    %dma_wait3A_102 = arith.constant 9760 : i32
    %dma_wait3A_103 = tpu.memref_slice %arg8[%dma_wait3A_102] : memref<10000xi32, #tpu.memory_space<vmem>> -> memref<80xi32, #tpu.memory_space<vmem>>
    %dma_wait3A_104 = arith.constant 0 : i32
    %dma_wait3A_105 = arith.constant 0 : i32
    %dma_wait3A_106 = tpu.memref_slice %arg6[%dma_wait3A_104, %dma_wait3A_105] : memref<10240x64xf32, #tpu.memory_space<vmem_shared>> -> memref<10240x64xf32, #tpu.memory_space<vmem_shared>>
    tpu.wait_indirect_dma semaphore(%arg32 : memref<!tpu.dma_semaphore, #tpu.memory_space<semaphore_mem>>) src(%arg12 : memref<80x64xf32, #tpu.memory_space<vmem>>) dst(%dma_wait3A_106 : memref<10240x64xf32, #tpu.memory_space<vmem_shared>>)
    %dma_wait3A_107 = arith.constant 9840 : i32
    %dma_wait3A_108 = tpu.memref_slice %arg8[%dma_wait3A_107] : memref<10000xi32, #tpu.memory_space<vmem>> -> memref<80xi32, #tpu.memory_space<vmem>>
    %dma_wait3A_109 = arith.constant 0 : i32
    %dma_wait3A_110 = arith.constant 0 : i32
    %dma_wait3A_111 = tpu.memref_slice %arg6[%dma_wait3A_109, %dma_wait3A_110] : memref<10240x64xf32, #tpu.memory_space<vmem_shared>> -> memref<10240x64xf32, #tpu.memory_space<vmem_shared>>
    tpu.wait_indirect_dma semaphore(%arg33 : memref<!tpu.dma_semaphore, #tpu.memory_space<semaphore_mem>>) src(%arg13 : memref<80x64xf32, #tpu.memory_space<vmem>>) dst(%dma_wait3A_111 : memref<10240x64xf32, #tpu.memory_space<vmem_shared>>)
    %dma_wait3A_112 = arith.constant 9920 : i32
    %dma_wait3A_113 = tpu.memref_slice %arg8[%dma_wait3A_112] : memref<10000xi32, #tpu.memory_space<vmem>> -> memref<80xi32, #tpu.memory_space<vmem>>
    %dma_wait3A_114 = arith.constant 0 : i32
    %dma_wait3A_115 = arith.constant 0 : i32
    %dma_wait3A_116 = tpu.memref_slice %arg6[%dma_wait3A_114, %dma_wait3A_115] : memref<10240x64xf32, #tpu.memory_space<vmem_shared>> -> memref<10240x64xf32, #tpu.memory_space<vmem_shared>>
    tpu.wait_indirect_dma semaphore(%arg34 : memref<!tpu.dma_semaphore, #tpu.memory_space<semaphore_mem>>) src(%arg14 : memref<80x64xf32, #tpu.memory_space<vmem>>) dst(%dma_wait3A_116 : memref<10240x64xf32, #tpu.memory_space<vmem_shared>>)
    %barrier3A_117 = arith.constant 0 : index
    tpu.barrier barrier_id(%barrier3A_117)
    %mul3A_118 = arith.constant 640 : i32
    %mul3A_119 = arith.muli %arg1, %mul3A_118 : i32
    %mul3A_120 = arith.constant 640 : i32
    %mul3A_121 = arith.muli %arg1, %mul3A_120 : i32
    "tpu.region"() ({
      %run_scoped3A = tpu.sem_alloc : memref<!tpu.dma_semaphore, #tpu.memory_space<semaphore_mem>>
      %dma_start3A_122 = arith.constant 0 : i32
      %dma_start3A_123 = tpu.memref_slice %arg5[%arg0, %mul3A_121, %dma_start3A_122] : memref<2x10240x64xf32, #tpu.memory_space<hbm>> -> memref<1x640x64xf32, #tpu.memory_space<hbm>>
      %dma_start3A_124 = tpu.memref_squeeze %dma_start3A_123 : memref<1x640x64xf32, #tpu.memory_space<hbm>> -> memref<640x64xf32, #tpu.memory_space<hbm>>
      %dma_start3A_125 = arith.constant 0 : i32
      %dma_start3A_126 = tpu.memref_slice %arg6[%mul3A_119, %dma_start3A_125] : memref<10240x64xf32, #tpu.memory_space<vmem_shared>> -> memref<640x64xf32, #tpu.memory_space<vmem_shared>>
      tpu.enqueue_dma source(%dma_start3A_126 : memref<640x64xf32, #tpu.memory_space<vmem_shared>>) target(%dma_start3A_124 : memref<640x64xf32, #tpu.memory_space<hbm>>) target_semaphore(%run_scoped3A : memref<!tpu.dma_semaphore, #tpu.memory_space<semaphore_mem>>)
      %dma_wait3A_127 = arith.constant 0 : i32
      %dma_wait3A_128 = tpu.memref_slice %arg5[%arg0, %mul3A_121, %dma_wait3A_127] : memref<2x10240x64xf32, #tpu.memory_space<hbm>> -> memref<1x640x64xf32, #tpu.memory_space<hbm>>
      %dma_wait3A_129 = tpu.memref_squeeze %dma_wait3A_128 : memref<1x640x64xf32, #tpu.memory_space<hbm>> -> memref<640x64xf32, #tpu.memory_space<hbm>>
      %dma_wait3A_130 = arith.constant 0 : i32
      %dma_wait3A_131 = tpu.memref_slice %arg6[%mul3A_119, %dma_wait3A_130] : memref<10240x64xf32, #tpu.memory_space<vmem_shared>> -> memref<640x64xf32, #tpu.memory_space<vmem_shared>>
      tpu.wait_dma2 semaphore(%run_scoped3A : memref<!tpu.dma_semaphore, #tpu.memory_space<semaphore_mem>>) src(%dma_wait3A_131 : memref<640x64xf32, #tpu.memory_space<vmem_shared>>) dst(%dma_wait3A_129 : memref<640x64xf32, #tpu.memory_space<hbm>>)
      tpu.yield
    }) : () -> ()
    return
  }
}

#map = affine_map<(d0, d1) -> (0, 0)>
#map1 = affine_map<(d0, d1) -> (0)>
#map2 = affine_map<(d0, d1) -> (0, 0, 0)>
module attributes {stable_mosaic.version = 14 : i64} {
  func.func @_edge_scatter(%arg0: i32, %arg1: i32, %arg2: memref<10240x64xf32, #tpu.memory_space<hbm>>, %arg3: memref<320000xi32, #tpu.memory_space<hbm>>, %arg4: memref<320000xi32, #tpu.memory_space<hbm>>, %arg5: memref<2x10240x64xf32, #tpu.memory_space<hbm>>, %arg6: memref<10240x64xf32, #tpu.memory_space<vmem_shared>>, %arg7: memref<10000xi32, #tpu.memory_space<vmem>>, %arg8: memref<10000xi32, #tpu.memory_space<vmem>>, %arg9: memref<64x64xf32, #tpu.memory_space<vmem>>, %arg10: memref<80x64xf32, #tpu.memory_space<vmem>>, %arg11: memref<80x64xf32, #tpu.memory_space<vmem>>, %arg12: memref<80x64xf32, #tpu.memory_space<vmem>>, %arg13: memref<80x64xf32, #tpu.memory_space<vmem>>, %arg14: memref<80x64xf32, #tpu.memory_space<vmem>>, %arg15: memref<80x64xf32, #tpu.memory_space<vmem>>, %arg16: memref<80x64xf32, #tpu.memory_space<vmem>>, %arg17: memref<80x64xf32, #tpu.memory_space<vmem>>, %arg18: memref<80x64xf32, #tpu.memory_space<vmem>>, %arg19: memref<80x64xf32, #tpu.memory_space<vmem>>, %arg20: memref<!tpu.dma_semaphore, #tpu.memory_space<semaphore_mem>>, %arg21: memref<!tpu.dma_semaphore, #tpu.memory_space<semaphore_mem>>, %arg22: memref<!tpu.dma_semaphore, #tpu.memory_space<semaphore_mem>>, %arg23: memref<!tpu.dma_semaphore, #tpu.memory_space<semaphore_mem>>, %arg24: memref<!tpu.dma_semaphore, #tpu.memory_space<semaphore_mem>>, %arg25: memref<!tpu.dma_semaphore, #tpu.memory_space<semaphore_mem>>, %arg26: memref<!tpu.dma_semaphore, #tpu.memory_space<semaphore_mem>>, %arg27: memref<!tpu.dma_semaphore, #tpu.memory_space<semaphore_mem>>, %arg28: memref<!tpu.dma_semaphore, #tpu.memory_space<semaphore_mem>>, %arg29: memref<!tpu.dma_semaphore, #tpu.memory_space<semaphore_mem>>, %arg30: memref<!tpu.dma_semaphore, #tpu.memory_space<semaphore_mem>>, %arg31: memref<!tpu.dma_semaphore, #tpu.memory_space<semaphore_mem>>, %arg32: memref<!tpu.dma_semaphore, #tpu.memory_space<semaphore_mem>>, %arg33: memref<!tpu.dma_semaphore, #tpu.memory_space<semaphore_mem>>, %arg34: memref<!tpu.dma_semaphore, #tpu.memory_space<semaphore_mem>>, %arg35: memref<!tpu.dma_semaphore, #tpu.memory_space<semaphore_mem>>, %arg36: memref<!tpu.dma_semaphore, #tpu.memory_space<semaphore_mem>>, %arg37: memref<!tpu.dma_semaphore, #tpu.memory_space<semaphore_mem>>, %arg38: memref<!tpu.dma_semaphore, #tpu.memory_space<semaphore_mem>>, %arg39: memref<!tpu.dma_semaphore, #tpu.memory_space<semaphore_mem>>) attributes {dimension_semantics = [#tpu.dimension_semantics<core_parallel>, #tpu.dimension_semantics<subcore_parallel>], iteration_bounds = array<i64: 2, 16>, scalar_prefetch = 0 : i64, scratch_operands = 34 : i64, tpu.core_type = #tpu.core_type<sc_vector_subcore>, window_params = [{transform_indices = #map}, {transform_indices = #map1}, {transform_indices = #map1}, {transform_indices = #map2}]} {
    %mul3A = arith.constant 16 : i32
    %mul3A_0 = arith.muli %arg0, %mul3A : i32
    %add3A = arith.addi %mul3A_0, %arg1 : i32
    %scan3A = arith.constant 0 : i32
    %scan3A_1 = arith.constant 64 : i32
    %scan3A_2 = arith.addi %scan3A, %scan3A_1 : i32
    %scan3A_3 = arith.constant 1 : i32
    scf.for %scan3A_122 = %scan3A to %scan3A_2 step %scan3A_3  : i32 {
      %mul3A_123 = arith.constant 1 : i32
      %mul3A_124 = arith.muli %scan3A_122, %mul3A_123 : i32
      %add3A_125 = arith.constant 0 : i32
      %add3A_126 = arith.addi %add3A_125, %mul3A_124 : i32
      %broadcast_in_dim3A = arith.constant 0.000000e+00 : f32
      %broadcast_in_dim3A_127 = vector.broadcast %broadcast_in_dim3A : f32 to vector<16xf32>
      %swap3A = arith.index_cast %add3A_126 : i32 to index
      %swap3A_128 = arith.constant 0 : index
      %swap3A_129 = tpu.vector_load %arg9[%swap3A, %swap3A_128] {strides = array<i32>} : memref<64x64xf32, #tpu.memory_space<vmem>>, vector<1x16xf32>,
      %swap3A_130 = vector.shape_cast %swap3A_129 : vector<1x16xf32> to vector<16xf32>
      %swap3A_131 = vector.shape_cast %broadcast_in_dim3A_127 : vector<16xf32> to vector<1x16xf32>
      tpu.vector_store %arg9[%swap3A, %swap3A_128], %swap3A_131 {strides = array<i32>} : memref<64x64xf32, #tpu.memory_space<vmem>>, vector<1x16xf32>,
      %broadcast_in_dim3A_132 = arith.constant 0.000000e+00 : f32
      %broadcast_in_dim3A_133 = vector.broadcast %broadcast_in_dim3A_132 : f32 to vector<16xf32>
      %swap3A_134 = arith.index_cast %add3A_126 : i32 to index
      %swap3A_135 = arith.constant 16 : index
      %swap3A_136 = tpu.vector_load %arg9[%swap3A_134, %swap3A_135] {strides = array<i32>} : memref<64x64xf32, #tpu.memory_space<vmem>>, vector<1x16xf32>,
      %swap3A_137 = vector.shape_cast %swap3A_136 : vector<1x16xf32> to vector<16xf32>
      %swap3A_138 = vector.shape_cast %broadcast_in_dim3A_133 : vector<16xf32> to vector<1x16xf32>
      tpu.vector_store %arg9[%swap3A_134, %swap3A_135], %swap3A_138 {strides = array<i32>} : memref<64x64xf32, #tpu.memory_space<vmem>>, vector<1x16xf32>,
      %broadcast_in_dim3A_139 = arith.constant 0.000000e+00 : f32
      %broadcast_in_dim3A_140 = vector.broadcast %broadcast_in_dim3A_139 : f32 to vector<16xf32>
      %swap3A_141 = arith.index_cast %add3A_126 : i32 to index
      %swap3A_142 = arith.constant 32 : index
      %swap3A_143 = tpu.vector_load %arg9[%swap3A_141, %swap3A_142] {strides = array<i32>} : memref<64x64xf32, #tpu.memory_space<vmem>>, vector<1x16xf32>,
      %swap3A_144 = vector.shape_cast %swap3A_143 : vector<1x16xf32> to vector<16xf32>
      %swap3A_145 = vector.shape_cast %broadcast_in_dim3A_140 : vector<16xf32> to vector<1x16xf32>
      tpu.vector_store %arg9[%swap3A_141, %swap3A_142], %swap3A_145 {strides = array<i32>} : memref<64x64xf32, #tpu.memory_space<vmem>>, vector<1x16xf32>,
      %broadcast_in_dim3A_146 = arith.constant 0.000000e+00 : f32
      %broadcast_in_dim3A_147 = vector.broadcast %broadcast_in_dim3A_146 : f32 to vector<16xf32>
      %swap3A_148 = arith.index_cast %add3A_126 : i32 to index
      %swap3A_149 = arith.constant 48 : index
      %swap3A_150 = tpu.vector_load %arg9[%swap3A_148, %swap3A_149] {strides = array<i32>} : memref<64x64xf32, #tpu.memory_space<vmem>>, vector<1x16xf32>,
      %swap3A_151 = vector.shape_cast %swap3A_150 : vector<1x16xf32> to vector<16xf32>
      %swap3A_152 = vector.shape_cast %broadcast_in_dim3A_147 : vector<16xf32> to vector<1x16xf32>
      tpu.vector_store %arg9[%swap3A_148, %swap3A_149], %swap3A_152 {strides = array<i32>} : memref<64x64xf32, #tpu.memory_space<vmem>>, vector<1x16xf32>,
    }
    %scan3A_4 = arith.constant 64 : i32
    %scan3A_5 = arith.constant 0 : i32
    %scan3A_6 = arith.constant 10 : i32
    %scan3A_7 = arith.addi %scan3A_5, %scan3A_6 : i32
    %scan3A_8 = arith.constant 1 : i32
    scf.for %scan3A_122 = %scan3A_5 to %scan3A_7 step %scan3A_8  : i32 {
      %mul3A_123 = arith.constant 1 : i32
      %mul3A_124 = arith.muli %scan3A_122, %mul3A_123 : i32
      %add3A_125 = arith.constant 0 : i32
      %add3A_126 = arith.addi %add3A_125, %mul3A_124 : i32
      %mul3A_127 = arith.constant 640 : i32
      %mul3A_128 = arith.muli %arg1, %mul3A_127 : i32
      %mul3A_129 = arith.constant 64 : i32
      %mul3A_130 = arith.muli %add3A_126, %mul3A_129 : i32
      %add3A_131 = arith.addi %mul3A_128, %mul3A_130 : i32
      "tpu.region"() ({
        %run_scoped3A = tpu.sem_alloc : memref<!tpu.dma_semaphore, #tpu.memory_space<semaphore_mem>>
        %dma_start3A_132 = arith.constant 0 : i32
        %dma_start3A_133 = tpu.memref_slice %arg6[%add3A_131, %dma_start3A_132] : memref<10240x64xf32, #tpu.memory_space<vmem_shared>> -> memref<64x64xf32, #tpu.memory_space<vmem_shared>>
        %dma_start3A_134 = arith.constant 0 : i32
        %dma_start3A_135 = tpu.memref_slice %arg6[%add3A_131, %dma_start3A_134] : memref<10240x64xf32, #tpu.memory_space<vmem_shared>> -> memref<64x64xf32, #tpu.memory_space<vmem_shared>>
        tpu.enqueue_dma source(%arg9 : memref<64x64xf32, #tpu.memory_space<vmem>>) target(%dma_start3A_135 : memref<64x64xf32, #tpu.memory_space<vmem_shared>>) target_semaphore(%run_scoped3A : memref<!tpu.dma_semaphore, #tpu.memory_space<semaphore_mem>>)
        %dma_wait3A_136 = arith.constant 0 : i32
        %dma_wait3A_137 = tpu.memref_slice %arg6[%add3A_131, %dma_wait3A_136] : memref<10240x64xf32, #tpu.memory_space<vmem_shared>> -> memref<64x64xf32, #tpu.memory_space<vmem_shared>>
        %dma_wait3A_138 = arith.constant 0 : i32
        %dma_wait3A_139 = tpu.memref_slice %arg6[%add3A_131, %dma_wait3A_138] : memref<10240x64xf32, #tpu.memory_space<vmem_shared>> -> memref<64x64xf32, #tpu.memory_space<vmem_shared>>
        tpu.wait_dma2 semaphore(%run_scoped3A : memref<!tpu.dma_semaphore, #tpu.memory_space<semaphore_mem>>) src(%arg9 : memref<64x64xf32, #tpu.memory_space<vmem>>) dst(%dma_wait3A_139 : memref<64x64xf32, #tpu.memory_space<vmem_shared>>)
        tpu.yield
      }) : () -> ()
    }
    %scan3A_9 = arith.constant 10 : i32
    %barrier3A = arith.constant 0 : index
    tpu.barrier barrier_id(%barrier3A)
    %mul3A_10 = arith.constant 10000 : i32
    %mul3A_11 = arith.muli %add3A, %mul3A_10 : i32
    "tpu.region"() ({
      %run_scoped3A = tpu.sem_alloc : memref<!tpu.dma_semaphore, #tpu.memory_space<semaphore_mem>>
      %dma_start3A_122 = tpu.memref_slice %arg3[%mul3A_11] : memref<320000xi32, #tpu.memory_space<hbm>> -> memref<10000xi32, #tpu.memory_space<hbm>>
      %dma_start3A_123 = tpu.memref_slice %arg3[%mul3A_11] : memref<320000xi32, #tpu.memory_space<hbm>> -> memref<10000xi32, #tpu.memory_space<hbm>>
      tpu.enqueue_dma source(%dma_start3A_123 : memref<10000xi32, #tpu.memory_space<hbm>>) target(%arg7 : memref<10000xi32, #tpu.memory_space<vmem>>) target_semaphore(%run_scoped3A : memref<!tpu.dma_semaphore, #tpu.memory_space<semaphore_mem>>)
      %dma_wait3A_124 = tpu.memref_slice %arg3[%mul3A_11] : memref<320000xi32, #tpu.memory_space<hbm>> -> memref<10000xi32, #tpu.memory_space<hbm>>
      %dma_wait3A_125 = tpu.memref_slice %arg3[%mul3A_11] : memref<320000xi32, #tpu.memory_space<hbm>> -> memref<10000xi32, #tpu.memory_space<hbm>>
      tpu.wait_dma2 semaphore(%run_scoped3A : memref<!tpu.dma_semaphore, #tpu.memory_space<semaphore_mem>>) src(%dma_wait3A_125 : memref<10000xi32, #tpu.memory_space<hbm>>) dst(%arg7 : memref<10000xi32, #tpu.memory_space<vmem>>)
      tpu.yield
    }) : () -> ()
    %mul3A_12 = arith.constant 10000 : i32
    %mul3A_13 = arith.muli %add3A, %mul3A_12 : i32
    "tpu.region"() ({
      %run_scoped3A = tpu.sem_alloc : memref<!tpu.dma_semaphore, #tpu.memory_space<semaphore_mem>>
      %dma_start3A_122 = tpu.memref_slice %arg4[%mul3A_13] : memref<320000xi32, #tpu.memory_space<hbm>> -> memref<10000xi32, #tpu.memory_space<hbm>>
      %dma_start3A_123 = tpu.memref_slice %arg4[%mul3A_13] : memref<320000xi32, #tpu.memory_space<hbm>> -> memref<10000xi32, #tpu.memory_space<hbm>>
      tpu.enqueue_dma source(%dma_start3A_123 : memref<10000xi32, #tpu.memory_space<hbm>>) target(%arg8 : memref<10000xi32, #tpu.memory_space<vmem>>) target_semaphore(%run_scoped3A : memref<!tpu.dma_semaphore, #tpu.memory_space<semaphore_mem>>)
      %dma_wait3A_124 = tpu.memref_slice %arg4[%mul3A_13] : memref<320000xi32, #tpu.memory_space<hbm>> -> memref<10000xi32, #tpu.memory_space<hbm>>
      %dma_wait3A_125 = tpu.memref_slice %arg4[%mul3A_13] : memref<320000xi32, #tpu.memory_space<hbm>> -> memref<10000xi32, #tpu.memory_space<hbm>>
      tpu.wait_dma2 semaphore(%run_scoped3A : memref<!tpu.dma_semaphore, #tpu.memory_space<semaphore_mem>>) src(%dma_wait3A_125 : memref<10000xi32, #tpu.memory_space<hbm>>) dst(%arg8 : memref<10000xi32, #tpu.memory_space<vmem>>)
      tpu.yield
    }) : () -> ()
    %dma_start3A = arith.constant 0 : i32
    %dma_start3A_14 = tpu.memref_slice %arg7[%dma_start3A] : memref<10000xi32, #tpu.memory_space<vmem>> -> memref<80xi32, #tpu.memory_space<vmem>>
    %dma_start3A_15 = arith.constant 0 : i32
    %dma_start3A_16 = arith.constant 0 : i32
    %dma_start3A_17 = tpu.memref_slice %arg2[%dma_start3A_15, %dma_start3A_16] : memref<10240x64xf32, #tpu.memory_space<hbm>> -> memref<10240x64xf32, #tpu.memory_space<hbm>>
    tpu.enqueue_indirect_dma source(%dma_start3A_17 : memref<10240x64xf32, #tpu.memory_space<hbm>>) target(%arg10 : memref<80x64xf32, #tpu.memory_space<vmem>>) offsets(%dma_start3A_14 : memref<80xi32, #tpu.memory_space<vmem>>) semaphore(%arg20 : memref<!tpu.dma_semaphore, #tpu.memory_space<semaphore_mem>>)
    %dma_start3A_18 = arith.constant 80 : i32
    %dma_start3A_19 = tpu.memref_slice %arg7[%dma_start3A_18] : memref<10000xi32, #tpu.memory_space<vmem>> -> memref<80xi32, #tpu.memory_space<vmem>>
    %dma_start3A_20 = arith.constant 0 : i32
    %dma_start3A_21 = arith.constant 0 : i32
    %dma_start3A_22 = tpu.memref_slice %arg2[%dma_start3A_20, %dma_start3A_21] : memref<10240x64xf32, #tpu.memory_space<hbm>> -> memref<10240x64xf32, #tpu.memory_space<hbm>>
    tpu.enqueue_indirect_dma source(%dma_start3A_22 : memref<10240x64xf32, #tpu.memory_space<hbm>>) target(%arg11 : memref<80x64xf32, #tpu.memory_space<vmem>>) offsets(%dma_start3A_19 : memref<80xi32, #tpu.memory_space<vmem>>) semaphore(%arg21 : memref<!tpu.dma_semaphore, #tpu.memory_space<semaphore_mem>>)
    %dma_start3A_23 = arith.constant 160 : i32
    %dma_start3A_24 = tpu.memref_slice %arg7[%dma_start3A_23] : memref<10000xi32, #tpu.memory_space<vmem>> -> memref<80xi32, #tpu.memory_space<vmem>>
    %dma_start3A_25 = arith.constant 0 : i32
    %dma_start3A_26 = arith.constant 0 : i32
    %dma_start3A_27 = tpu.memref_slice %arg2[%dma_start3A_25, %dma_start3A_26] : memref<10240x64xf32, #tpu.memory_space<hbm>> -> memref<10240x64xf32, #tpu.memory_space<hbm>>
    tpu.enqueue_indirect_dma source(%dma_start3A_27 : memref<10240x64xf32, #tpu.memory_space<hbm>>) target(%arg12 : memref<80x64xf32, #tpu.memory_space<vmem>>) offsets(%dma_start3A_24 : memref<80xi32, #tpu.memory_space<vmem>>) semaphore(%arg22 : memref<!tpu.dma_semaphore, #tpu.memory_space<semaphore_mem>>)
    %dma_start3A_28 = arith.constant 240 : i32
    %dma_start3A_29 = tpu.memref_slice %arg7[%dma_start3A_28] : memref<10000xi32, #tpu.memory_space<vmem>> -> memref<80xi32, #tpu.memory_space<vmem>>
    %dma_start3A_30 = arith.constant 0 : i32
    %dma_start3A_31 = arith.constant 0 : i32
    %dma_start3A_32 = tpu.memref_slice %arg2[%dma_start3A_30, %dma_start3A_31] : memref<10240x64xf32, #tpu.memory_space<hbm>> -> memref<10240x64xf32, #tpu.memory_space<hbm>>
    tpu.enqueue_indirect_dma source(%dma_start3A_32 : memref<10240x64xf32, #tpu.memory_space<hbm>>) target(%arg13 : memref<80x64xf32, #tpu.memory_space<vmem>>) offsets(%dma_start3A_29 : memref<80xi32, #tpu.memory_space<vmem>>) semaphore(%arg23 : memref<!tpu.dma_semaphore, #tpu.memory_space<semaphore_mem>>)
    %dma_start3A_33 = arith.constant 320 : i32
    %dma_start3A_34 = tpu.memref_slice %arg7[%dma_start3A_33] : memref<10000xi32, #tpu.memory_space<vmem>> -> memref<80xi32, #tpu.memory_space<vmem>>
    %dma_start3A_35 = arith.constant 0 : i32
    %dma_start3A_36 = arith.constant 0 : i32
    %dma_start3A_37 = tpu.memref_slice %arg2[%dma_start3A_35, %dma_start3A_36] : memref<10240x64xf32, #tpu.memory_space<hbm>> -> memref<10240x64xf32, #tpu.memory_space<hbm>>
    tpu.enqueue_indirect_dma source(%dma_start3A_37 : memref<10240x64xf32, #tpu.memory_space<hbm>>) target(%arg14 : memref<80x64xf32, #tpu.memory_space<vmem>>) offsets(%dma_start3A_34 : memref<80xi32, #tpu.memory_space<vmem>>) semaphore(%arg24 : memref<!tpu.dma_semaphore, #tpu.memory_space<semaphore_mem>>)
    %scan3A_38 = arith.constant 0 : i32
    %scan3A_39 = arith.constant 12 : i32
    %scan3A_40 = arith.addi %scan3A_38, %scan3A_39 : i32
    %scan3A_41 = arith.constant 1 : i32
    scf.for %scan3A_122 = %scan3A_38 to %scan3A_40 step %scan3A_41  : i32 {
      %mul3A_123 = arith.constant 2 : i32
      %mul3A_124 = arith.muli %scan3A_122, %mul3A_123 : i32
      %add3A_125 = arith.constant 0 : i32
      %add3A_126 = arith.addi %add3A_125, %mul3A_124 : i32
      %mul3A_127 = arith.constant 5 : i32
      %mul3A_128 = arith.muli %add3A_126, %mul3A_127 : i32
      %add3A_129 = arith.constant 0 : i32
      %add3A_130 = arith.addi %mul3A_128, %add3A_129 : i32
      %mul3A_131 = arith.constant 80 : i32
      %mul3A_132 = arith.muli %add3A_130, %mul3A_131 : i32
      %dma_wait3A_133 = tpu.memref_slice %arg7[%mul3A_132] : memref<10000xi32, #tpu.memory_space<vmem>> -> memref<80xi32, #tpu.memory_space<vmem>>
      %dma_wait3A_134 = arith.constant 0 : i32
      %dma_wait3A_135 = arith.constant 0 : i32
      %dma_wait3A_136 = tpu.memref_slice %arg2[%dma_wait3A_134, %dma_wait3A_135] : memref<10240x64xf32, #tpu.memory_space<hbm>> -> memref<10240x64xf32, #tpu.memory_space<hbm>>
      tpu.wait_indirect_dma semaphore(%arg20 : memref<!tpu.dma_semaphore, #tpu.memory_space<semaphore_mem>>) src(%dma_wait3A_136 : memref<10240x64xf32, #tpu.memory_space<hbm>>) dst(%arg10 : memref<80x64xf32, #tpu.memory_space<vmem>>)
      %add3A_137 = arith.constant 1 : i32
      %add3A_138 = arith.addi %mul3A_128, %add3A_137 : i32
      %mul3A_139 = arith.constant 80 : i32
      %mul3A_140 = arith.muli %add3A_138, %mul3A_139 : i32
      %dma_wait3A_141 = tpu.memref_slice %arg7[%mul3A_140] : memref<10000xi32, #tpu.memory_space<vmem>> -> memref<80xi32, #tpu.memory_space<vmem>>
      %dma_wait3A_142 = arith.constant 0 : i32
      %dma_wait3A_143 = arith.constant 0 : i32
      %dma_wait3A_144 = tpu.memref_slice %arg2[%dma_wait3A_142, %dma_wait3A_143] : memref<10240x64xf32, #tpu.memory_space<hbm>> -> memref<10240x64xf32, #tpu.memory_space<hbm>>
      tpu.wait_indirect_dma semaphore(%arg21 : memref<!tpu.dma_semaphore, #tpu.memory_space<semaphore_mem>>) src(%dma_wait3A_144 : memref<10240x64xf32, #tpu.memory_space<hbm>>) dst(%arg11 : memref<80x64xf32, #tpu.memory_space<vmem>>)
      %add3A_145 = arith.constant 2 : i32
      %add3A_146 = arith.addi %mul3A_128, %add3A_145 : i32
      %mul3A_147 = arith.constant 80 : i32
      %mul3A_148 = arith.muli %add3A_146, %mul3A_147 : i32
      %dma_wait3A_149 = tpu.memref_slice %arg7[%mul3A_148] : memref<10000xi32, #tpu.memory_space<vmem>> -> memref<80xi32, #tpu.memory_space<vmem>>
      %dma_wait3A_150 = arith.constant 0 : i32
      %dma_wait3A_151 = arith.constant 0 : i32
      %dma_wait3A_152 = tpu.memref_slice %arg2[%dma_wait3A_150, %dma_wait3A_151] : memref<10240x64xf32, #tpu.memory_space<hbm>> -> memref<10240x64xf32, #tpu.memory_space<hbm>>
      tpu.wait_indirect_dma semaphore(%arg22 : memref<!tpu.dma_semaphore, #tpu.memory_space<semaphore_mem>>) src(%dma_wait3A_152 : memref<10240x64xf32, #tpu.memory_space<hbm>>) dst(%arg12 : memref<80x64xf32, #tpu.memory_space<vmem>>)
      %add3A_153 = arith.constant 3 : i32
      %add3A_154 = arith.addi %mul3A_128, %add3A_153 : i32
      %mul3A_155 = arith.constant 80 : i32
      %mul3A_156 = arith.muli %add3A_154, %mul3A_155 : i32
      %dma_wait3A_157 = tpu.memref_slice %arg7[%mul3A_156] : memref<10000xi32, #tpu.memory_space<vmem>> -> memref<80xi32, #tpu.memory_space<vmem>>
      %dma_wait3A_158 = arith.constant 0 : i32
      %dma_wait3A_159 = arith.constant 0 : i32
      %dma_wait3A_160 = tpu.memref_slice %arg2[%dma_wait3A_158, %dma_wait3A_159] : memref<10240x64xf32, #tpu.memory_space<hbm>> -> memref<10240x64xf32, #tpu.memory_space<hbm>>
      tpu.wait_indirect_dma semaphore(%arg23 : memref<!tpu.dma_semaphore, #tpu.memory_space<semaphore_mem>>) src(%dma_wait3A_160 : memref<10240x64xf32, #tpu.memory_space<hbm>>) dst(%arg13 : memref<80x64xf32, #tpu.memory_space<vmem>>)
      %add3A_161 = arith.constant 4 : i32
      %add3A_162 = arith.addi %mul3A_128, %add3A_161 : i32
      %mul3A_163 = arith.constant 80 : i32
      %mul3A_164 = arith.muli %add3A_162, %mul3A_163 : i32
      %dma_wait3A_165 = tpu.memref_slice %arg7[%mul3A_164] : memref<10000xi32, #tpu.memory_space<vmem>> -> memref<80xi32, #tpu.memory_space<vmem>>
      %dma_wait3A_166 = arith.constant 0 : i32
      %dma_wait3A_167 = arith.constant 0 : i32
      %dma_wait3A_168 = tpu.memref_slice %arg2[%dma_wait3A_166, %dma_wait3A_167] : memref<10240x64xf32, #tpu.memory_space<hbm>> -> memref<10240x64xf32, #tpu.memory_space<hbm>>
      tpu.wait_indirect_dma semaphore(%arg24 : memref<!tpu.dma_semaphore, #tpu.memory_space<semaphore_mem>>) src(%dma_wait3A_168 : memref<10240x64xf32, #tpu.memory_space<hbm>>) dst(%arg14 : memref<80x64xf32, #tpu.memory_space<vmem>>)
      %add3A_169 = arith.constant 0 : i32
      %add3A_170 = arith.addi %mul3A_128, %add3A_169 : i32
      %mul3A_171 = arith.constant 80 : i32
      %mul3A_172 = arith.muli %add3A_170, %mul3A_171 : i32
      %dma_start3A_173 = tpu.memref_slice %arg8[%mul3A_172] : memref<10000xi32, #tpu.memory_space<vmem>> -> memref<80xi32, #tpu.memory_space<vmem>>
      %dma_start3A_174 = arith.constant 0 : i32
      %dma_start3A_175 = arith.constant 0 : i32
      %dma_start3A_176 = tpu.memref_slice %arg6[%dma_start3A_174, %dma_start3A_175] : memref<10240x64xf32, #tpu.memory_space<vmem_shared>> -> memref<10240x64xf32, #tpu.memory_space<vmem_shared>>
      tpu.enqueue_indirect_dma source(%arg10 : memref<80x64xf32, #tpu.memory_space<vmem>>) target(%dma_start3A_176 : memref<10240x64xf32, #tpu.memory_space<vmem_shared>>) offsets(%dma_start3A_173 : memref<80xi32, #tpu.memory_space<vmem>>) semaphore(%arg30 : memref<!tpu.dma_semaphore, #tpu.memory_space<semaphore_mem>>) {add = true}
      %add3A_177 = arith.constant 1 : i32
      %add3A_178 = arith.addi %mul3A_128, %add3A_177 : i32
      %mul3A_179 = arith.constant 80 : i32
      %mul3A_180 = arith.muli %add3A_178, %mul3A_179 : i32
      %dma_start3A_181 = tpu.memref_slice %arg8[%mul3A_180] : memref<10000xi32, #tpu.memory_space<vmem>> -> memref<80xi32, #tpu.memory_space<vmem>>
      %dma_start3A_182 = arith.constant 0 : i32
      %dma_start3A_183 = arith.constant 0 : i32
      %dma_start3A_184 = tpu.memref_slice %arg6[%dma_start3A_182, %dma_start3A_183] : memref<10240x64xf32, #tpu.memory_space<vmem_shared>> -> memref<10240x64xf32, #tpu.memory_space<vmem_shared>>
      tpu.enqueue_indirect_dma source(%arg11 : memref<80x64xf32, #tpu.memory_space<vmem>>) target(%dma_start3A_184 : memref<10240x64xf32, #tpu.memory_space<vmem_shared>>) offsets(%dma_start3A_181 : memref<80xi32, #tpu.memory_space<vmem>>) semaphore(%arg31 : memref<!tpu.dma_semaphore, #tpu.memory_space<semaphore_mem>>) {add = true}
      %add3A_185 = arith.constant 2 : i32
      %add3A_186 = arith.addi %mul3A_128, %add3A_185 : i32
      %mul3A_187 = arith.constant 80 : i32
      %mul3A_188 = arith.muli %add3A_186, %mul3A_187 : i32
      %dma_start3A_189 = tpu.memref_slice %arg8[%mul3A_188] : memref<10000xi32, #tpu.memory_space<vmem>> -> memref<80xi32, #tpu.memory_space<vmem>>
      %dma_start3A_190 = arith.constant 0 : i32
      %dma_start3A_191 = arith.constant 0 : i32
      %dma_start3A_192 = tpu.memref_slice %arg6[%dma_start3A_190, %dma_start3A_191] : memref<10240x64xf32, #tpu.memory_space<vmem_shared>> -> memref<10240x64xf32, #tpu.memory_space<vmem_shared>>
      tpu.enqueue_indirect_dma source(%arg12 : memref<80x64xf32, #tpu.memory_space<vmem>>) target(%dma_start3A_192 : memref<10240x64xf32, #tpu.memory_space<vmem_shared>>) offsets(%dma_start3A_189 : memref<80xi32, #tpu.memory_space<vmem>>) semaphore(%arg32 : memref<!tpu.dma_semaphore, #tpu.memory_space<semaphore_mem>>) {add = true}
      %add3A_193 = arith.constant 3 : i32
      %add3A_194 = arith.addi %mul3A_128, %add3A_193 : i32
      %mul3A_195 = arith.constant 80 : i32
      %mul3A_196 = arith.muli %add3A_194, %mul3A_195 : i32
      %dma_start3A_197 = tpu.memref_slice %arg8[%mul3A_196] : memref<10000xi32, #tpu.memory_space<vmem>> -> memref<80xi32, #tpu.memory_space<vmem>>
      %dma_start3A_198 = arith.constant 0 : i32
      %dma_start3A_199 = arith.constant 0 : i32
      %dma_start3A_200 = tpu.memref_slice %arg6[%dma_start3A_198, %dma_start3A_199] : memref<10240x64xf32, #tpu.memory_space<vmem_shared>> -> memref<10240x64xf32, #tpu.memory_space<vmem_shared>>
      tpu.enqueue_indirect_dma source(%arg13 : memref<80x64xf32, #tpu.memory_space<vmem>>) target(%dma_start3A_200 : memref<10240x64xf32, #tpu.memory_space<vmem_shared>>) offsets(%dma_start3A_197 : memref<80xi32, #tpu.memory_space<vmem>>) semaphore(%arg33 : memref<!tpu.dma_semaphore, #tpu.memory_space<semaphore_mem>>) {add = true}
      %add3A_201 = arith.constant 4 : i32
      %add3A_202 = arith.addi %mul3A_128, %add3A_201 : i32
      %mul3A_203 = arith.constant 80 : i32
      %mul3A_204 = arith.muli %add3A_202, %mul3A_203 : i32
      %dma_start3A_205 = tpu.memref_slice %arg8[%mul3A_204] : memref<10000xi32, #tpu.memory_space<vmem>> -> memref<80xi32, #tpu.memory_space<vmem>>
      %dma_start3A_206 = arith.constant 0 : i32
      %dma_start3A_207 = arith.constant 0 : i32
      %dma_start3A_208 = tpu.memref_slice %arg6[%dma_start3A_206, %dma_start3A_207] : memref<10240x64xf32, #tpu.memory_space<vmem_shared>> -> memref<10240x64xf32, #tpu.memory_space<vmem_shared>>
      tpu.enqueue_indirect_dma source(%arg14 : memref<80x64xf32, #tpu.memory_space<vmem>>) target(%dma_start3A_208 : memref<10240x64xf32, #tpu.memory_space<vmem_shared>>) offsets(%dma_start3A_205 : memref<80xi32, #tpu.memory_space<vmem>>) semaphore(%arg34 : memref<!tpu.dma_semaphore, #tpu.memory_space<semaphore_mem>>) {add = true}
      %add3A_209 = arith.constant 5 : i32
      %add3A_210 = arith.addi %mul3A_128, %add3A_209 : i32
      %add3A_211 = arith.constant 0 : i32
      %add3A_212 = arith.addi %add3A_210, %add3A_211 : i32
      %mul3A_213 = arith.constant 80 : i32
      %mul3A_214 = arith.muli %add3A_212, %mul3A_213 : i32
      %dma_start3A_215 = tpu.memref_slice %arg7[%mul3A_214] : memref<10000xi32, #tpu.memory_space<vmem>> -> memref<80xi32, #tpu.memory_space<vmem>>
      %dma_start3A_216 = arith.constant 0 : i32
      %dma_start3A_217 = arith.constant 0 : i32
      %dma_start3A_218 = tpu.memref_slice %arg2[%dma_start3A_216, %dma_start3A_217] : memref<10240x64xf32, #tpu.memory_space<hbm>> -> memref<10240x64xf32, #tpu.memory_space<hbm>>
      tpu.enqueue_indirect_dma source(%dma_start3A_218 : memref<10240x64xf32, #tpu.memory_space<hbm>>) target(%arg15 : memref<80x64xf32, #tpu.memory_space<vmem>>) offsets(%dma_start3A_215 : memref<80xi32, #tpu.memory_space<vmem>>) semaphore(%arg25 : memref<!tpu.dma_semaphore, #tpu.memory_space<semaphore_mem>>)
      %add3A_219 = arith.constant 1 : i32
      %add3A_220 = arith.addi %add3A_210, %add3A_219 : i32
      %mul3A_221 = arith.constant 80 : i32
      %mul3A_222 = arith.muli %add3A_220, %mul3A_221 : i32
      %dma_start3A_223 = tpu.memref_slice %arg7[%mul3A_222] : memref<10000xi32, #tpu.memory_space<vmem>> -> memref<80xi32, #tpu.memory_space<vmem>>
      %dma_start3A_224 = arith.constant 0 : i32
      %dma_start3A_225 = arith.constant 0 : i32
      %dma_start3A_226 = tpu.memref_slice %arg2[%dma_start3A_224, %dma_start3A_225] : memref<10240x64xf32, #tpu.memory_space<hbm>> -> memref<10240x64xf32, #tpu.memory_space<hbm>>
      tpu.enqueue_indirect_dma source(%dma_start3A_226 : memref<10240x64xf32, #tpu.memory_space<hbm>>) target(%arg16 : memref<80x64xf32, #tpu.memory_space<vmem>>) offsets(%dma_start3A_223 : memref<80xi32, #tpu.memory_space<vmem>>) semaphore(%arg26 : memref<!tpu.dma_semaphore, #tpu.memory_space<semaphore_mem>>)
      %add3A_227 = arith.constant 2 : i32
      %add3A_228 = arith.addi %add3A_210, %add3A_227 : i32
      %mul3A_229 = arith.constant 80 : i32
      %mul3A_230 = arith.muli %add3A_228, %mul3A_229 : i32
      %dma_start3A_231 = tpu.memref_slice %arg7[%mul3A_230] : memref<10000xi32, #tpu.memory_space<vmem>> -> memref<80xi32, #tpu.memory_space<vmem>>
      %dma_start3A_232 = arith.constant 0 : i32
      %dma_start3A_233 = arith.constant 0 : i32
      %dma_start3A_234 = tpu.memref_slice %arg2[%dma_start3A_232, %dma_start3A_233] : memref<10240x64xf32, #tpu.memory_space<hbm>> -> memref<10240x64xf32, #tpu.memory_space<hbm>>
      tpu.enqueue_indirect_dma source(%dma_start3A_234 : memref<10240x64xf32, #tpu.memory_space<hbm>>) target(%arg17 : memref<80x64xf32, #tpu.memory_space<vmem>>) offsets(%dma_start3A_231 : memref<80xi32, #tpu.memory_space<vmem>>) semaphore(%arg27 : memref<!tpu.dma_semaphore, #tpu.memory_space<semaphore_mem>>)
      %add3A_235 = arith.constant 3 : i32
      %add3A_236 = arith.addi %add3A_210, %add3A_235 : i32
      %mul3A_237 = arith.constant 80 : i32
      %mul3A_238 = arith.muli %add3A_236, %mul3A_237 : i32
      %dma_start3A_239 = tpu.memref_slice %arg7[%mul3A_238] : memref<10000xi32, #tpu.memory_space<vmem>> -> memref<80xi32, #tpu.memory_space<vmem>>
      %dma_start3A_240 = arith.constant 0 : i32
      %dma_start3A_241 = arith.constant 0 : i32
      %dma_start3A_242 = tpu.memref_slice %arg2[%dma_start3A_240, %dma_start3A_241] : memref<10240x64xf32, #tpu.memory_space<hbm>> -> memref<10240x64xf32, #tpu.memory_space<hbm>>
      tpu.enqueue_indirect_dma source(%dma_start3A_242 : memref<10240x64xf32, #tpu.memory_space<hbm>>) target(%arg18 : memref<80x64xf32, #tpu.memory_space<vmem>>) offsets(%dma_start3A_239 : memref<80xi32, #tpu.memory_space<vmem>>) semaphore(%arg28 : memref<!tpu.dma_semaphore, #tpu.memory_space<semaphore_mem>>)
      %add3A_243 = arith.constant 4 : i32
      %add3A_244 = arith.addi %add3A_210, %add3A_243 : i32
      %mul3A_245 = arith.constant 80 : i32
      %mul3A_246 = arith.muli %add3A_244, %mul3A_245 : i32
      %dma_start3A_247 = tpu.memref_slice %arg7[%mul3A_246] : memref<10000xi32, #tpu.memory_space<vmem>> -> memref<80xi32, #tpu.memory_space<vmem>>
      %dma_start3A_248 = arith.constant 0 : i32
      %dma_start3A_249 = arith.constant 0 : i32
      %dma_start3A_250 = tpu.memref_slice %arg2[%dma_start3A_248, %dma_start3A_249] : memref<10240x64xf32, #tpu.memory_space<hbm>> -> memref<10240x64xf32, #tpu.memory_space<hbm>>
      tpu.enqueue_indirect_dma source(%dma_start3A_250 : memref<10240x64xf32, #tpu.memory_space<hbm>>) target(%arg19 : memref<80x64xf32, #tpu.memory_space<vmem>>) offsets(%dma_start3A_247 : memref<80xi32, #tpu.memory_space<vmem>>) semaphore(%arg29 : memref<!tpu.dma_semaphore, #tpu.memory_space<semaphore_mem>>)
      %dma_wait3A_251 = tpu.memref_slice %arg8[%mul3A_172] : memref<10000xi32, #tpu.memory_space<vmem>> -> memref<80xi32, #tpu.memory_space<vmem>>
      %dma_wait3A_252 = arith.constant 0 : i32
      %dma_wait3A_253 = arith.constant 0 : i32
      %dma_wait3A_254 = tpu.memref_slice %arg6[%dma_wait3A_252, %dma_wait3A_253] : memref<10240x64xf32, #tpu.memory_space<vmem_shared>> -> memref<10240x64xf32, #tpu.memory_space<vmem_shared>>
      tpu.wait_indirect_dma semaphore(%arg30 : memref<!tpu.dma_semaphore, #tpu.memory_space<semaphore_mem>>) src(%arg10 : memref<80x64xf32, #tpu.memory_space<vmem>>) dst(%dma_wait3A_254 : memref<10240x64xf32, #tpu.memory_space<vmem_shared>>)
      %dma_wait3A_255 = tpu.memref_slice %arg8[%mul3A_180] : memref<10000xi32, #tpu.memory_space<vmem>> -> memref<80xi32, #tpu.memory_space<vmem>>
      %dma_wait3A_256 = arith.constant 0 : i32
      %dma_wait3A_257 = arith.constant 0 : i32
      %dma_wait3A_258 = tpu.memref_slice %arg6[%dma_wait3A_256, %dma_wait3A_257] : memref<10240x64xf32, #tpu.memory_space<vmem_shared>> -> memref<10240x64xf32, #tpu.memory_space<vmem_shared>>
      tpu.wait_indirect_dma semaphore(%arg31 : memref<!tpu.dma_semaphore, #tpu.memory_space<semaphore_mem>>) src(%arg11 : memref<80x64xf32, #tpu.memory_space<vmem>>) dst(%dma_wait3A_258 : memref<10240x64xf32, #tpu.memory_space<vmem_shared>>)
      %dma_wait3A_259 = tpu.memref_slice %arg8[%mul3A_188] : memref<10000xi32, #tpu.memory_space<vmem>> -> memref<80xi32, #tpu.memory_space<vmem>>
      %dma_wait3A_260 = arith.constant 0 : i32
      %dma_wait3A_261 = arith.constant 0 : i32
      %dma_wait3A_262 = tpu.memref_slice %arg6[%dma_wait3A_260, %dma_wait3A_261] : memref<10240x64xf32, #tpu.memory_space<vmem_shared>> -> memref<10240x64xf32, #tpu.memory_space<vmem_shared>>
      tpu.wait_indirect_dma semaphore(%arg32 : memref<!tpu.dma_semaphore, #tpu.memory_space<semaphore_mem>>) src(%arg12 : memref<80x64xf32, #tpu.memory_space<vmem>>) dst(%dma_wait3A_262 : memref<10240x64xf32, #tpu.memory_space<vmem_shared>>)
      %dma_wait3A_263 = tpu.memref_slice %arg8[%mul3A_196] : memref<10000xi32, #tpu.memory_space<vmem>> -> memref<80xi32, #tpu.memory_space<vmem>>
      %dma_wait3A_264 = arith.constant 0 : i32
      %dma_wait3A_265 = arith.constant 0 : i32
      %dma_wait3A_266 = tpu.memref_slice %arg6[%dma_wait3A_264, %dma_wait3A_265] : memref<10240x64xf32, #tpu.memory_space<vmem_shared>> -> memref<10240x64xf32, #tpu.memory_space<vmem_shared>>
      tpu.wait_indirect_dma semaphore(%arg33 : memref<!tpu.dma_semaphore, #tpu.memory_space<semaphore_mem>>) src(%arg13 : memref<80x64xf32, #tpu.memory_space<vmem>>) dst(%dma_wait3A_266 : memref<10240x64xf32, #tpu.memory_space<vmem_shared>>)
      %dma_wait3A_267 = tpu.memref_slice %arg8[%mul3A_204] : memref<10000xi32, #tpu.memory_space<vmem>> -> memref<80xi32, #tpu.memory_space<vmem>>
      %dma_wait3A_268 = arith.constant 0 : i32
      %dma_wait3A_269 = arith.constant 0 : i32
      %dma_wait3A_270 = tpu.memref_slice %arg6[%dma_wait3A_268, %dma_wait3A_269] : memref<10240x64xf32, #tpu.memory_space<vmem_shared>> -> memref<10240x64xf32, #tpu.memory_space<vmem_shared>>
      tpu.wait_indirect_dma semaphore(%arg34 : memref<!tpu.dma_semaphore, #tpu.memory_space<semaphore_mem>>) src(%arg14 : memref<80x64xf32, #tpu.memory_space<vmem>>) dst(%dma_wait3A_270 : memref<10240x64xf32, #tpu.memory_space<vmem_shared>>)
      %add3A_271 = arith.constant 5 : i32
      %add3A_272 = arith.addi %mul3A_128, %add3A_271 : i32
      %add3A_273 = arith.constant 0 : i32
      %add3A_274 = arith.addi %add3A_272, %add3A_273 : i32
      %mul3A_275 = arith.constant 80 : i32
      %mul3A_276 = arith.muli %add3A_274, %mul3A_275 : i32
      %dma_wait3A_277 = tpu.memref_slice %arg7[%mul3A_276] : memref<10000xi32, #tpu.memory_space<vmem>> -> memref<80xi32, #tpu.memory_space<vmem>>
      %dma_wait3A_278 = arith.constant 0 : i32
      %dma_wait3A_279 = arith.constant 0 : i32
      %dma_wait3A_280 = tpu.memref_slice %arg2[%dma_wait3A_278, %dma_wait3A_279] : memref<10240x64xf32, #tpu.memory_space<hbm>> -> memref<10240x64xf32, #tpu.memory_space<hbm>>
      tpu.wait_indirect_dma semaphore(%arg25 : memref<!tpu.dma_semaphore, #tpu.memory_space<semaphore_mem>>) src(%dma_wait3A_280 : memref<10240x64xf32, #tpu.memory_space<hbm>>) dst(%arg15 : memref<80x64xf32, #tpu.memory_space<vmem>>)
      %add3A_281 = arith.constant 1 : i32
      %add3A_282 = arith.addi %add3A_272, %add3A_281 : i32
      %mul3A_283 = arith.constant 80 : i32
      %mul3A_284 = arith.muli %add3A_282, %mul3A_283 : i32
      %dma_wait3A_285 = tpu.memref_slice %arg7[%mul3A_284] : memref<10000xi32, #tpu.memory_space<vmem>> -> memref<80xi32, #tpu.memory_space<vmem>>
      %dma_wait3A_286 = arith.constant 0 : i32
      %dma_wait3A_287 = arith.constant 0 : i32
      %dma_wait3A_288 = tpu.memref_slice %arg2[%dma_wait3A_286, %dma_wait3A_287] : memref<10240x64xf32, #tpu.memory_space<hbm>> -> memref<10240x64xf32, #tpu.memory_space<hbm>>
      tpu.wait_indirect_dma semaphore(%arg26 : memref<!tpu.dma_semaphore, #tpu.memory_space<semaphore_mem>>) src(%dma_wait3A_288 : memref<10240x64xf32, #tpu.memory_space<hbm>>) dst(%arg16 : memref<80x64xf32, #tpu.memory_space<vmem>>)
      %add3A_289 = arith.constant 2 : i32
      %add3A_290 = arith.addi %add3A_272, %add3A_289 : i32
      %mul3A_291 = arith.constant 80 : i32
      %mul3A_292 = arith.muli %add3A_290, %mul3A_291 : i32
      %dma_wait3A_293 = tpu.memref_slice %arg7[%mul3A_292] : memref<10000xi32, #tpu.memory_space<vmem>> -> memref<80xi32, #tpu.memory_space<vmem>>
      %dma_wait3A_294 = arith.constant 0 : i32
      %dma_wait3A_295 = arith.constant 0 : i32
      %dma_wait3A_296 = tpu.memref_slice %arg2[%dma_wait3A_294, %dma_wait3A_295] : memref<10240x64xf32, #tpu.memory_space<hbm>> -> memref<10240x64xf32, #tpu.memory_space<hbm>>
      tpu.wait_indirect_dma semaphore(%arg27 : memref<!tpu.dma_semaphore, #tpu.memory_space<semaphore_mem>>) src(%dma_wait3A_296 : memref<10240x64xf32, #tpu.memory_space<hbm>>) dst(%arg17 : memref<80x64xf32, #tpu.memory_space<vmem>>)
      %add3A_297 = arith.constant 3 : i32
      %add3A_298 = arith.addi %add3A_272, %add3A_297 : i32
      %mul3A_299 = arith.constant 80 : i32
      %mul3A_300 = arith.muli %add3A_298, %mul3A_299 : i32
      %dma_wait3A_301 = tpu.memref_slice %arg7[%mul3A_300] : memref<10000xi32, #tpu.memory_space<vmem>> -> memref<80xi32, #tpu.memory_space<vmem>>
      %dma_wait3A_302 = arith.constant 0 : i32
      %dma_wait3A_303 = arith.constant 0 : i32
      %dma_wait3A_304 = tpu.memref_slice %arg2[%dma_wait3A_302, %dma_wait3A_303] : memref<10240x64xf32, #tpu.memory_space<hbm>> -> memref<10240x64xf32, #tpu.memory_space<hbm>>
      tpu.wait_indirect_dma semaphore(%arg28 : memref<!tpu.dma_semaphore, #tpu.memory_space<semaphore_mem>>) src(%dma_wait3A_304 : memref<10240x64xf32, #tpu.memory_space<hbm>>) dst(%arg18 : memref<80x64xf32, #tpu.memory_space<vmem>>)
      %add3A_305 = arith.constant 4 : i32
      %add3A_306 = arith.addi %add3A_272, %add3A_305 : i32
      %mul3A_307 = arith.constant 80 : i32
      %mul3A_308 = arith.muli %add3A_306, %mul3A_307 : i32
      %dma_wait3A_309 = tpu.memref_slice %arg7[%mul3A_308] : memref<10000xi32, #tpu.memory_space<vmem>> -> memref<80xi32, #tpu.memory_space<vmem>>
      %dma_wait3A_310 = arith.constant 0 : i32
      %dma_wait3A_311 = arith.constant 0 : i32
      %dma_wait3A_312 = tpu.memref_slice %arg2[%dma_wait3A_310, %dma_wait3A_311] : memref<10240x64xf32, #tpu.memory_space<hbm>> -> memref<10240x64xf32, #tpu.memory_space<hbm>>
      tpu.wait_indirect_dma semaphore(%arg29 : memref<!tpu.dma_semaphore, #tpu.memory_space<semaphore_mem>>) src(%dma_wait3A_312 : memref<10240x64xf32, #tpu.memory_space<hbm>>) dst(%arg19 : memref<80x64xf32, #tpu.memory_space<vmem>>)
      %add3A_313 = arith.constant 5 : i32
      %add3A_314 = arith.addi %mul3A_128, %add3A_313 : i32
      %add3A_315 = arith.constant 0 : i32
      %add3A_316 = arith.addi %add3A_314, %add3A_315 : i32
      %mul3A_317 = arith.constant 80 : i32
      %mul3A_318 = arith.muli %add3A_316, %mul3A_317 : i32
      %dma_start3A_319 = tpu.memref_slice %arg8[%mul3A_318] : memref<10000xi32, #tpu.memory_space<vmem>> -> memref<80xi32, #tpu.memory_space<vmem>>
      %dma_start3A_320 = arith.constant 0 : i32
      %dma_start3A_321 = arith.constant 0 : i32
      %dma_start3A_322 = tpu.memref_slice %arg6[%dma_start3A_320, %dma_start3A_321] : memref<10240x64xf32, #tpu.memory_space<vmem_shared>> -> memref<10240x64xf32, #tpu.memory_space<vmem_shared>>
      tpu.enqueue_indirect_dma source(%arg15 : memref<80x64xf32, #tpu.memory_space<vmem>>) target(%dma_start3A_322 : memref<10240x64xf32, #tpu.memory_space<vmem_shared>>) offsets(%dma_start3A_319 : memref<80xi32, #tpu.memory_space<vmem>>) semaphore(%arg35 : memref<!tpu.dma_semaphore, #tpu.memory_space<semaphore_mem>>) {add = true}
      %add3A_323 = arith.constant 1 : i32
      %add3A_324 = arith.addi %add3A_314, %add3A_323 : i32
      %mul3A_325 = arith.constant 80 : i32
      %mul3A_326 = arith.muli %add3A_324, %mul3A_325 : i32
      %dma_start3A_327 = tpu.memref_slice %arg8[%mul3A_326] : memref<10000xi32, #tpu.memory_space<vmem>> -> memref<80xi32, #tpu.memory_space<vmem>>
      %dma_start3A_328 = arith.constant 0 : i32
      %dma_start3A_329 = arith.constant 0 : i32
      %dma_start3A_330 = tpu.memref_slice %arg6[%dma_start3A_328, %dma_start3A_329] : memref<10240x64xf32, #tpu.memory_space<vmem_shared>> -> memref<10240x64xf32, #tpu.memory_space<vmem_shared>>
      tpu.enqueue_indirect_dma source(%arg16 : memref<80x64xf32, #tpu.memory_space<vmem>>) target(%dma_start3A_330 : memref<10240x64xf32, #tpu.memory_space<vmem_shared>>) offsets(%dma_start3A_327 : memref<80xi32, #tpu.memory_space<vmem>>) semaphore(%arg36 : memref<!tpu.dma_semaphore, #tpu.memory_space<semaphore_mem>>) {add = true}
      %add3A_331 = arith.constant 2 : i32
      %add3A_332 = arith.addi %add3A_314, %add3A_331 : i32
      %mul3A_333 = arith.constant 80 : i32
      %mul3A_334 = arith.muli %add3A_332, %mul3A_333 : i32
      %dma_start3A_335 = tpu.memref_slice %arg8[%mul3A_334] : memref<10000xi32, #tpu.memory_space<vmem>> -> memref<80xi32, #tpu.memory_space<vmem>>
      %dma_start3A_336 = arith.constant 0 : i32
      %dma_start3A_337 = arith.constant 0 : i32
      %dma_start3A_338 = tpu.memref_slice %arg6[%dma_start3A_336, %dma_start3A_337] : memref<10240x64xf32, #tpu.memory_space<vmem_shared>> -> memref<10240x64xf32, #tpu.memory_space<vmem_shared>>
      tpu.enqueue_indirect_dma source(%arg17 : memref<80x64xf32, #tpu.memory_space<vmem>>) target(%dma_start3A_338 : memref<10240x64xf32, #tpu.memory_space<vmem_shared>>) offsets(%dma_start3A_335 : memref<80xi32, #tpu.memory_space<vmem>>) semaphore(%arg37 : memref<!tpu.dma_semaphore, #tpu.memory_space<semaphore_mem>>) {add = true}
      %add3A_339 = arith.constant 3 : i32
      %add3A_340 = arith.addi %add3A_314, %add3A_339 : i32
      %mul3A_341 = arith.constant 80 : i32
      %mul3A_342 = arith.muli %add3A_340, %mul3A_341 : i32
      %dma_start3A_343 = tpu.memref_slice %arg8[%mul3A_342] : memref<10000xi32, #tpu.memory_space<vmem>> -> memref<80xi32, #tpu.memory_space<vmem>>
      %dma_start3A_344 = arith.constant 0 : i32
      %dma_start3A_345 = arith.constant 0 : i32
      %dma_start3A_346 = tpu.memref_slice %arg6[%dma_start3A_344, %dma_start3A_345] : memref<10240x64xf32, #tpu.memory_space<vmem_shared>> -> memref<10240x64xf32, #tpu.memory_space<vmem_shared>>
      tpu.enqueue_indirect_dma source(%arg18 : memref<80x64xf32, #tpu.memory_space<vmem>>) target(%dma_start3A_346 : memref<10240x64xf32, #tpu.memory_space<vmem_shared>>) offsets(%dma_start3A_343 : memref<80xi32, #tpu.memory_space<vmem>>) semaphore(%arg38 : memref<!tpu.dma_semaphore, #tpu.memory_space<semaphore_mem>>) {add = true}
      %add3A_347 = arith.constant 4 : i32
      %add3A_348 = arith.addi %add3A_314, %add3A_347 : i32
      %mul3A_349 = arith.constant 80 : i32
      %mul3A_350 = arith.muli %add3A_348, %mul3A_349 : i32
      %dma_start3A_351 = tpu.memref_slice %arg8[%mul3A_350] : memref<10000xi32, #tpu.memory_space<vmem>> -> memref<80xi32, #tpu.memory_space<vmem>>
      %dma_start3A_352 = arith.constant 0 : i32
      %dma_start3A_353 = arith.constant 0 : i32
      %dma_start3A_354 = tpu.memref_slice %arg6[%dma_start3A_352, %dma_start3A_353] : memref<10240x64xf32, #tpu.memory_space<vmem_shared>> -> memref<10240x64xf32, #tpu.memory_space<vmem_shared>>
      tpu.enqueue_indirect_dma source(%arg19 : memref<80x64xf32, #tpu.memory_space<vmem>>) target(%dma_start3A_354 : memref<10240x64xf32, #tpu.memory_space<vmem_shared>>) offsets(%dma_start3A_351 : memref<80xi32, #tpu.memory_space<vmem>>) semaphore(%arg39 : memref<!tpu.dma_semaphore, #tpu.memory_space<semaphore_mem>>) {add = true}
      %add3A_355 = arith.constant 10 : i32
      %add3A_356 = arith.addi %mul3A_128, %add3A_355 : i32
      %add3A_357 = arith.constant 0 : i32
      %add3A_358 = arith.addi %add3A_356, %add3A_357 : i32
      %mul3A_359 = arith.constant 80 : i32
      %mul3A_360 = arith.muli %add3A_358, %mul3A_359 : i32
      %dma_start3A_361 = tpu.memref_slice %arg7[%mul3A_360] : memref<10000xi32, #tpu.memory_space<vmem>> -> memref<80xi32, #tpu.memory_space<vmem>>
      %dma_start3A_362 = arith.constant 0 : i32
      %dma_start3A_363 = arith.constant 0 : i32
      %dma_start3A_364 = tpu.memref_slice %arg2[%dma_start3A_362, %dma_start3A_363] : memref<10240x64xf32, #tpu.memory_space<hbm>> -> memref<10240x64xf32, #tpu.memory_space<hbm>>
      tpu.enqueue_indirect_dma source(%dma_start3A_364 : memref<10240x64xf32, #tpu.memory_space<hbm>>) target(%arg10 : memref<80x64xf32, #tpu.memory_space<vmem>>) offsets(%dma_start3A_361 : memref<80xi32, #tpu.memory_space<vmem>>) semaphore(%arg20 : memref<!tpu.dma_semaphore, #tpu.memory_space<semaphore_mem>>)
      %add3A_365 = arith.constant 1 : i32
      %add3A_366 = arith.addi %add3A_356, %add3A_365 : i32
      %mul3A_367 = arith.constant 80 : i32
      %mul3A_368 = arith.muli %add3A_366, %mul3A_367 : i32
      %dma_start3A_369 = tpu.memref_slice %arg7[%mul3A_368] : memref<10000xi32, #tpu.memory_space<vmem>> -> memref<80xi32, #tpu.memory_space<vmem>>
      %dma_start3A_370 = arith.constant 0 : i32
      %dma_start3A_371 = arith.constant 0 : i32
      %dma_start3A_372 = tpu.memref_slice %arg2[%dma_start3A_370, %dma_start3A_371] : memref<10240x64xf32, #tpu.memory_space<hbm>> -> memref<10240x64xf32, #tpu.memory_space<hbm>>
      tpu.enqueue_indirect_dma source(%dma_start3A_372 : memref<10240x64xf32, #tpu.memory_space<hbm>>) target(%arg11 : memref<80x64xf32, #tpu.memory_space<vmem>>) offsets(%dma_start3A_369 : memref<80xi32, #tpu.memory_space<vmem>>) semaphore(%arg21 : memref<!tpu.dma_semaphore, #tpu.memory_space<semaphore_mem>>)
      %add3A_373 = arith.constant 2 : i32
      %add3A_374 = arith.addi %add3A_356, %add3A_373 : i32
      %mul3A_375 = arith.constant 80 : i32
      %mul3A_376 = arith.muli %add3A_374, %mul3A_375 : i32
      %dma_start3A_377 = tpu.memref_slice %arg7[%mul3A_376] : memref<10000xi32, #tpu.memory_space<vmem>> -> memref<80xi32, #tpu.memory_space<vmem>>
      %dma_start3A_378 = arith.constant 0 : i32
      %dma_start3A_379 = arith.constant 0 : i32
      %dma_start3A_380 = tpu.memref_slice %arg2[%dma_start3A_378, %dma_start3A_379] : memref<10240x64xf32, #tpu.memory_space<hbm>> -> memref<10240x64xf32, #tpu.memory_space<hbm>>
      tpu.enqueue_indirect_dma source(%dma_start3A_380 : memref<10240x64xf32, #tpu.memory_space<hbm>>) target(%arg12 : memref<80x64xf32, #tpu.memory_space<vmem>>) offsets(%dma_start3A_377 : memref<80xi32, #tpu.memory_space<vmem>>) semaphore(%arg22 : memref<!tpu.dma_semaphore, #tpu.memory_space<semaphore_mem>>)
      %add3A_381 = arith.constant 3 : i32
      %add3A_382 = arith.addi %add3A_356, %add3A_381 : i32
      %mul3A_383 = arith.constant 80 : i32
      %mul3A_384 = arith.muli %add3A_382, %mul3A_383 : i32
      %dma_start3A_385 = tpu.memref_slice %arg7[%mul3A_384] : memref<10000xi32, #tpu.memory_space<vmem>> -> memref<80xi32, #tpu.memory_space<vmem>>
      %dma_start3A_386 = arith.constant 0 : i32
      %dma_start3A_387 = arith.constant 0 : i32
      %dma_start3A_388 = tpu.memref_slice %arg2[%dma_start3A_386, %dma_start3A_387] : memref<10240x64xf32, #tpu.memory_space<hbm>> -> memref<10240x64xf32, #tpu.memory_space<hbm>>
      tpu.enqueue_indirect_dma source(%dma_start3A_388 : memref<10240x64xf32, #tpu.memory_space<hbm>>) target(%arg13 : memref<80x64xf32, #tpu.memory_space<vmem>>) offsets(%dma_start3A_385 : memref<80xi32, #tpu.memory_space<vmem>>) semaphore(%arg23 : memref<!tpu.dma_semaphore, #tpu.memory_space<semaphore_mem>>)
      %add3A_389 = arith.constant 4 : i32
      %add3A_390 = arith.addi %add3A_356, %add3A_389 : i32
      %mul3A_391 = arith.constant 80 : i32
      %mul3A_392 = arith.muli %add3A_390, %mul3A_391 : i32
      %dma_start3A_393 = tpu.memref_slice %arg7[%mul3A_392] : memref<10000xi32, #tpu.memory_space<vmem>> -> memref<80xi32, #tpu.memory_space<vmem>>
      %dma_start3A_394 = arith.constant 0 : i32
      %dma_start3A_395 = arith.constant 0 : i32
      %dma_start3A_396 = tpu.memref_slice %arg2[%dma_start3A_394, %dma_start3A_395] : memref<10240x64xf32, #tpu.memory_space<hbm>> -> memref<10240x64xf32, #tpu.memory_space<hbm>>
      tpu.enqueue_indirect_dma source(%dma_start3A_396 : memref<10240x64xf32, #tpu.memory_space<hbm>>) target(%arg14 : memref<80x64xf32, #tpu.memory_space<vmem>>) offsets(%dma_start3A_393 : memref<80xi32, #tpu.memory_space<vmem>>) semaphore(%arg24 : memref<!tpu.dma_semaphore, #tpu.memory_space<semaphore_mem>>)
      %dma_wait3A_397 = tpu.memref_slice %arg8[%mul3A_318] : memref<10000xi32, #tpu.memory_space<vmem>> -> memref<80xi32, #tpu.memory_space<vmem>>
      %dma_wait3A_398 = arith.constant 0 : i32
      %dma_wait3A_399 = arith.constant 0 : i32
      %dma_wait3A_400 = tpu.memref_slice %arg6[%dma_wait3A_398, %dma_wait3A_399] : memref<10240x64xf32, #tpu.memory_space<vmem_shared>> -> memref<10240x64xf32, #tpu.memory_space<vmem_shared>>
      tpu.wait_indirect_dma semaphore(%arg35 : memref<!tpu.dma_semaphore, #tpu.memory_space<semaphore_mem>>) src(%arg15 : memref<80x64xf32, #tpu.memory_space<vmem>>) dst(%dma_wait3A_400 : memref<10240x64xf32, #tpu.memory_space<vmem_shared>>)
      %dma_wait3A_401 = tpu.memref_slice %arg8[%mul3A_326] : memref<10000xi32, #tpu.memory_space<vmem>> -> memref<80xi32, #tpu.memory_space<vmem>>
      %dma_wait3A_402 = arith.constant 0 : i32
      %dma_wait3A_403 = arith.constant 0 : i32
      %dma_wait3A_404 = tpu.memref_slice %arg6[%dma_wait3A_402, %dma_wait3A_403] : memref<10240x64xf32, #tpu.memory_space<vmem_shared>> -> memref<10240x64xf32, #tpu.memory_space<vmem_shared>>
      tpu.wait_indirect_dma semaphore(%arg36 : memref<!tpu.dma_semaphore, #tpu.memory_space<semaphore_mem>>) src(%arg16 : memref<80x64xf32, #tpu.memory_space<vmem>>) dst(%dma_wait3A_404 : memref<10240x64xf32, #tpu.memory_space<vmem_shared>>)
      %dma_wait3A_405 = tpu.memref_slice %arg8[%mul3A_334] : memref<10000xi32, #tpu.memory_space<vmem>> -> memref<80xi32, #tpu.memory_space<vmem>>
      %dma_wait3A_406 = arith.constant 0 : i32
      %dma_wait3A_407 = arith.constant 0 : i32
      %dma_wait3A_408 = tpu.memref_slice %arg6[%dma_wait3A_406, %dma_wait3A_407] : memref<10240x64xf32, #tpu.memory_space<vmem_shared>> -> memref<10240x64xf32, #tpu.memory_space<vmem_shared>>
      tpu.wait_indirect_dma semaphore(%arg37 : memref<!tpu.dma_semaphore, #tpu.memory_space<semaphore_mem>>) src(%arg17 : memref<80x64xf32, #tpu.memory_space<vmem>>) dst(%dma_wait3A_408 : memref<10240x64xf32, #tpu.memory_space<vmem_shared>>)
      %dma_wait3A_409 = tpu.memref_slice %arg8[%mul3A_342] : memref<10000xi32, #tpu.memory_space<vmem>> -> memref<80xi32, #tpu.memory_space<vmem>>
      %dma_wait3A_410 = arith.constant 0 : i32
      %dma_wait3A_411 = arith.constant 0 : i32
      %dma_wait3A_412 = tpu.memref_slice %arg6[%dma_wait3A_410, %dma_wait3A_411] : memref<10240x64xf32, #tpu.memory_space<vmem_shared>> -> memref<10240x64xf32, #tpu.memory_space<vmem_shared>>
      tpu.wait_indirect_dma semaphore(%arg38 : memref<!tpu.dma_semaphore, #tpu.memory_space<semaphore_mem>>) src(%arg18 : memref<80x64xf32, #tpu.memory_space<vmem>>) dst(%dma_wait3A_412 : memref<10240x64xf32, #tpu.memory_space<vmem_shared>>)
      %dma_wait3A_413 = tpu.memref_slice %arg8[%mul3A_350] : memref<10000xi32, #tpu.memory_space<vmem>> -> memref<80xi32, #tpu.memory_space<vmem>>
      %dma_wait3A_414 = arith.constant 0 : i32
      %dma_wait3A_415 = arith.constant 0 : i32
      %dma_wait3A_416 = tpu.memref_slice %arg6[%dma_wait3A_414, %dma_wait3A_415] : memref<10240x64xf32, #tpu.memory_space<vmem_shared>> -> memref<10240x64xf32, #tpu.memory_space<vmem_shared>>
      tpu.wait_indirect_dma semaphore(%arg39 : memref<!tpu.dma_semaphore, #tpu.memory_space<semaphore_mem>>) src(%arg19 : memref<80x64xf32, #tpu.memory_space<vmem>>) dst(%dma_wait3A_416 : memref<10240x64xf32, #tpu.memory_space<vmem_shared>>)
    }
    %scan3A_42 = arith.constant 12 : i32
    %dma_wait3A = arith.constant 9600 : i32
    %dma_wait3A_43 = tpu.memref_slice %arg7[%dma_wait3A] : memref<10000xi32, #tpu.memory_space<vmem>> -> memref<80xi32, #tpu.memory_space<vmem>>
    %dma_wait3A_44 = arith.constant 0 : i32
    %dma_wait3A_45 = arith.constant 0 : i32
    %dma_wait3A_46 = tpu.memref_slice %arg2[%dma_wait3A_44, %dma_wait3A_45] : memref<10240x64xf32, #tpu.memory_space<hbm>> -> memref<10240x64xf32, #tpu.memory_space<hbm>>
    tpu.wait_indirect_dma semaphore(%arg20 : memref<!tpu.dma_semaphore, #tpu.memory_space<semaphore_mem>>) src(%dma_wait3A_46 : memref<10240x64xf32, #tpu.memory_space<hbm>>) dst(%arg10 : memref<80x64xf32, #tpu.memory_space<vmem>>)
    %dma_wait3A_47 = arith.constant 9680 : i32
    %dma_wait3A_48 = tpu.memref_slice %arg7[%dma_wait3A_47] : memref<10000xi32, #tpu.memory_space<vmem>> -> memref<80xi32, #tpu.memory_space<vmem>>
    %dma_wait3A_49 = arith.constant 0 : i32
    %dma_wait3A_50 = arith.constant 0 : i32
    %dma_wait3A_51 = tpu.memref_slice %arg2[%dma_wait3A_49, %dma_wait3A_50] : memref<10240x64xf32, #tpu.memory_space<hbm>> -> memref<10240x64xf32, #tpu.memory_space<hbm>>
    tpu.wait_indirect_dma semaphore(%arg21 : memref<!tpu.dma_semaphore, #tpu.memory_space<semaphore_mem>>) src(%dma_wait3A_51 : memref<10240x64xf32, #tpu.memory_space<hbm>>) dst(%arg11 : memref<80x64xf32, #tpu.memory_space<vmem>>)
    %dma_wait3A_52 = arith.constant 9760 : i32
    %dma_wait3A_53 = tpu.memref_slice %arg7[%dma_wait3A_52] : memref<10000xi32, #tpu.memory_space<vmem>> -> memref<80xi32, #tpu.memory_space<vmem>>
    %dma_wait3A_54 = arith.constant 0 : i32
    %dma_wait3A_55 = arith.constant 0 : i32
    %dma_wait3A_56 = tpu.memref_slice %arg2[%dma_wait3A_54, %dma_wait3A_55] : memref<10240x64xf32, #tpu.memory_space<hbm>> -> memref<10240x64xf32, #tpu.memory_space<hbm>>
    tpu.wait_indirect_dma semaphore(%arg22 : memref<!tpu.dma_semaphore, #tpu.memory_space<semaphore_mem>>) src(%dma_wait3A_56 : memref<10240x64xf32, #tpu.memory_space<hbm>>) dst(%arg12 : memref<80x64xf32, #tpu.memory_space<vmem>>)
    %dma_wait3A_57 = arith.constant 9840 : i32
    %dma_wait3A_58 = tpu.memref_slice %arg7[%dma_wait3A_57] : memref<10000xi32, #tpu.memory_space<vmem>> -> memref<80xi32, #tpu.memory_space<vmem>>
    %dma_wait3A_59 = arith.constant 0 : i32
    %dma_wait3A_60 = arith.constant 0 : i32
    %dma_wait3A_61 = tpu.memref_slice %arg2[%dma_wait3A_59, %dma_wait3A_60] : memref<10240x64xf32, #tpu.memory_space<hbm>> -> memref<10240x64xf32, #tpu.memory_space<hbm>>
    tpu.wait_indirect_dma semaphore(%arg23 : memref<!tpu.dma_semaphore, #tpu.memory_space<semaphore_mem>>) src(%dma_wait3A_61 : memref<10240x64xf32, #tpu.memory_space<hbm>>) dst(%arg13 : memref<80x64xf32, #tpu.memory_space<vmem>>)
    %dma_wait3A_62 = arith.constant 9920 : i32
    %dma_wait3A_63 = tpu.memref_slice %arg7[%dma_wait3A_62] : memref<10000xi32, #tpu.memory_space<vmem>> -> memref<80xi32, #tpu.memory_space<vmem>>
    %dma_wait3A_64 = arith.constant 0 : i32
    %dma_wait3A_65 = arith.constant 0 : i32
    %dma_wait3A_66 = tpu.memref_slice %arg2[%dma_wait3A_64, %dma_wait3A_65] : memref<10240x64xf32, #tpu.memory_space<hbm>> -> memref<10240x64xf32, #tpu.memory_space<hbm>>
    tpu.wait_indirect_dma semaphore(%arg24 : memref<!tpu.dma_semaphore, #tpu.memory_space<semaphore_mem>>) src(%dma_wait3A_66 : memref<10240x64xf32, #tpu.memory_space<hbm>>) dst(%arg14 : memref<80x64xf32, #tpu.memory_space<vmem>>)
    %dma_start3A_67 = arith.constant 9600 : i32
    %dma_start3A_68 = tpu.memref_slice %arg8[%dma_start3A_67] : memref<10000xi32, #tpu.memory_space<vmem>> -> memref<80xi32, #tpu.memory_space<vmem>>
    %dma_start3A_69 = arith.constant 0 : i32
    %dma_start3A_70 = arith.constant 0 : i32
    %dma_start3A_71 = tpu.memref_slice %arg6[%dma_start3A_69, %dma_start3A_70] : memref<10240x64xf32, #tpu.memory_space<vmem_shared>> -> memref<10240x64xf32, #tpu.memory_space<vmem_shared>>
    tpu.enqueue_indirect_dma source(%arg10 : memref<80x64xf32, #tpu.memory_space<vmem>>) target(%dma_start3A_71 : memref<10240x64xf32, #tpu.memory_space<vmem_shared>>) offsets(%dma_start3A_68 : memref<80xi32, #tpu.memory_space<vmem>>) semaphore(%arg30 : memref<!tpu.dma_semaphore, #tpu.memory_space<semaphore_mem>>) {add = true}
    %dma_start3A_72 = arith.constant 9680 : i32
    %dma_start3A_73 = tpu.memref_slice %arg8[%dma_start3A_72] : memref<10000xi32, #tpu.memory_space<vmem>> -> memref<80xi32, #tpu.memory_space<vmem>>
    %dma_start3A_74 = arith.constant 0 : i32
    %dma_start3A_75 = arith.constant 0 : i32
    %dma_start3A_76 = tpu.memref_slice %arg6[%dma_start3A_74, %dma_start3A_75] : memref<10240x64xf32, #tpu.memory_space<vmem_shared>> -> memref<10240x64xf32, #tpu.memory_space<vmem_shared>>
    tpu.enqueue_indirect_dma source(%arg11 : memref<80x64xf32, #tpu.memory_space<vmem>>) target(%dma_start3A_76 : memref<10240x64xf32, #tpu.memory_space<vmem_shared>>) offsets(%dma_start3A_73 : memref<80xi32, #tpu.memory_space<vmem>>) semaphore(%arg31 : memref<!tpu.dma_semaphore, #tpu.memory_space<semaphore_mem>>) {add = true}
    %dma_start3A_77 = arith.constant 9760 : i32
    %dma_start3A_78 = tpu.memref_slice %arg8[%dma_start3A_77] : memref<10000xi32, #tpu.memory_space<vmem>> -> memref<80xi32, #tpu.memory_space<vmem>>
    %dma_start3A_79 = arith.constant 0 : i32
    %dma_start3A_80 = arith.constant 0 : i32
    %dma_start3A_81 = tpu.memref_slice %arg6[%dma_start3A_79, %dma_start3A_80] : memref<10240x64xf32, #tpu.memory_space<vmem_shared>> -> memref<10240x64xf32, #tpu.memory_space<vmem_shared>>
    tpu.enqueue_indirect_dma source(%arg12 : memref<80x64xf32, #tpu.memory_space<vmem>>) target(%dma_start3A_81 : memref<10240x64xf32, #tpu.memory_space<vmem_shared>>) offsets(%dma_start3A_78 : memref<80xi32, #tpu.memory_space<vmem>>) semaphore(%arg32 : memref<!tpu.dma_semaphore, #tpu.memory_space<semaphore_mem>>) {add = true}
    %dma_start3A_82 = arith.constant 9840 : i32
    %dma_start3A_83 = tpu.memref_slice %arg8[%dma_start3A_82] : memref<10000xi32, #tpu.memory_space<vmem>> -> memref<80xi32, #tpu.memory_space<vmem>>
    %dma_start3A_84 = arith.constant 0 : i32
    %dma_start3A_85 = arith.constant 0 : i32
    %dma_start3A_86 = tpu.memref_slice %arg6[%dma_start3A_84, %dma_start3A_85] : memref<10240x64xf32, #tpu.memory_space<vmem_shared>> -> memref<10240x64xf32, #tpu.memory_space<vmem_shared>>
    tpu.enqueue_indirect_dma source(%arg13 : memref<80x64xf32, #tpu.memory_space<vmem>>) target(%dma_start3A_86 : memref<10240x64xf32, #tpu.memory_space<vmem_shared>>) offsets(%dma_start3A_83 : memref<80xi32, #tpu.memory_space<vmem>>) semaphore(%arg33 : memref<!tpu.dma_semaphore, #tpu.memory_space<semaphore_mem>>) {add = true}
    %dma_start3A_87 = arith.constant 9920 : i32
    %dma_start3A_88 = tpu.memref_slice %arg8[%dma_start3A_87] : memref<10000xi32, #tpu.memory_space<vmem>> -> memref<80xi32, #tpu.memory_space<vmem>>
    %dma_start3A_89 = arith.constant 0 : i32
    %dma_start3A_90 = arith.constant 0 : i32
    %dma_start3A_91 = tpu.memref_slice %arg6[%dma_start3A_89, %dma_start3A_90] : memref<10240x64xf32, #tpu.memory_space<vmem_shared>> -> memref<10240x64xf32, #tpu.memory_space<vmem_shared>>
    tpu.enqueue_indirect_dma source(%arg14 : memref<80x64xf32, #tpu.memory_space<vmem>>) target(%dma_start3A_91 : memref<10240x64xf32, #tpu.memory_space<vmem_shared>>) offsets(%dma_start3A_88 : memref<80xi32, #tpu.memory_space<vmem>>) semaphore(%arg34 : memref<!tpu.dma_semaphore, #tpu.memory_space<semaphore_mem>>) {add = true}
    %dma_wait3A_92 = arith.constant 9600 : i32
    %dma_wait3A_93 = tpu.memref_slice %arg8[%dma_wait3A_92] : memref<10000xi32, #tpu.memory_space<vmem>> -> memref<80xi32, #tpu.memory_space<vmem>>
    %dma_wait3A_94 = arith.constant 0 : i32
    %dma_wait3A_95 = arith.constant 0 : i32
    %dma_wait3A_96 = tpu.memref_slice %arg6[%dma_wait3A_94, %dma_wait3A_95] : memref<10240x64xf32, #tpu.memory_space<vmem_shared>> -> memref<10240x64xf32, #tpu.memory_space<vmem_shared>>
    tpu.wait_indirect_dma semaphore(%arg30 : memref<!tpu.dma_semaphore, #tpu.memory_space<semaphore_mem>>) src(%arg10 : memref<80x64xf32, #tpu.memory_space<vmem>>) dst(%dma_wait3A_96 : memref<10240x64xf32, #tpu.memory_space<vmem_shared>>)
    %dma_wait3A_97 = arith.constant 9680 : i32
    %dma_wait3A_98 = tpu.memref_slice %arg8[%dma_wait3A_97] : memref<10000xi32, #tpu.memory_space<vmem>> -> memref<80xi32, #tpu.memory_space<vmem>>
    %dma_wait3A_99 = arith.constant 0 : i32
    %dma_wait3A_100 = arith.constant 0 : i32
    %dma_wait3A_101 = tpu.memref_slice %arg6[%dma_wait3A_99, %dma_wait3A_100] : memref<10240x64xf32, #tpu.memory_space<vmem_shared>> -> memref<10240x64xf32, #tpu.memory_space<vmem_shared>>
    tpu.wait_indirect_dma semaphore(%arg31 : memref<!tpu.dma_semaphore, #tpu.memory_space<semaphore_mem>>) src(%arg11 : memref<80x64xf32, #tpu.memory_space<vmem>>) dst(%dma_wait3A_101 : memref<10240x64xf32, #tpu.memory_space<vmem_shared>>)
    %dma_wait3A_102 = arith.constant 9760 : i32
    %dma_wait3A_103 = tpu.memref_slice %arg8[%dma_wait3A_102] : memref<10000xi32, #tpu.memory_space<vmem>> -> memref<80xi32, #tpu.memory_space<vmem>>
    %dma_wait3A_104 = arith.constant 0 : i32
    %dma_wait3A_105 = arith.constant 0 : i32
    %dma_wait3A_106 = tpu.memref_slice %arg6[%dma_wait3A_104, %dma_wait3A_105] : memref<10240x64xf32, #tpu.memory_space<vmem_shared>> -> memref<10240x64xf32, #tpu.memory_space<vmem_shared>>
    tpu.wait_indirect_dma semaphore(%arg32 : memref<!tpu.dma_semaphore, #tpu.memory_space<semaphore_mem>>) src(%arg12 : memref<80x64xf32, #tpu.memory_space<vmem>>) dst(%dma_wait3A_106 : memref<10240x64xf32, #tpu.memory_space<vmem_shared>>)
    %dma_wait3A_107 = arith.constant 9840 : i32
    %dma_wait3A_108 = tpu.memref_slice %arg8[%dma_wait3A_107] : memref<10000xi32, #tpu.memory_space<vmem>> -> memref<80xi32, #tpu.memory_space<vmem>>
    %dma_wait3A_109 = arith.constant 0 : i32
    %dma_wait3A_110 = arith.constant 0 : i32
    %dma_wait3A_111 = tpu.memref_slice %arg6[%dma_wait3A_109, %dma_wait3A_110] : memref<10240x64xf32, #tpu.memory_space<vmem_shared>> -> memref<10240x64xf32, #tpu.memory_space<vmem_shared>>
    tpu.wait_indirect_dma semaphore(%arg33 : memref<!tpu.dma_semaphore, #tpu.memory_space<semaphore_mem>>) src(%arg13 : memref<80x64xf32, #tpu.memory_space<vmem>>) dst(%dma_wait3A_111 : memref<10240x64xf32, #tpu.memory_space<vmem_shared>>)
    %dma_wait3A_112 = arith.constant 9920 : i32
    %dma_wait3A_113 = tpu.memref_slice %arg8[%dma_wait3A_112] : memref<10000xi32, #tpu.memory_space<vmem>> -> memref<80xi32, #tpu.memory_space<vmem>>
    %dma_wait3A_114 = arith.constant 0 : i32
    %dma_wait3A_115 = arith.constant 0 : i32
    %dma_wait3A_116 = tpu.memref_slice %arg6[%dma_wait3A_114, %dma_wait3A_115] : memref<10240x64xf32, #tpu.memory_space<vmem_shared>> -> memref<10240x64xf32, #tpu.memory_space<vmem_shared>>
    tpu.wait_indirect_dma semaphore(%arg34 : memref<!tpu.dma_semaphore, #tpu.memory_space<semaphore_mem>>) src(%arg14 : memref<80x64xf32, #tpu.memory_space<vmem>>) dst(%dma_wait3A_116 : memref<10240x64xf32, #tpu.memory_space<vmem_shared>>)
    %barrier3A_117 = arith.constant 0 : index
    tpu.barrier barrier_id(%barrier3A_117)
    %mul3A_118 = arith.constant 640 : i32
    %mul3A_119 = arith.muli %arg1, %mul3A_118 : i32
    %mul3A_120 = arith.constant 640 : i32
    %mul3A_121 = arith.muli %arg1, %mul3A_120 : i32
    "tpu.region"() ({
      %run_scoped3A = tpu.sem_alloc : memref<!tpu.dma_semaphore, #tpu.memory_space<semaphore_mem>>
      %dma_start3A_122 = arith.constant 0 : i32
      %dma_start3A_123 = tpu.memref_slice %arg5[%arg0, %mul3A_121, %dma_start3A_122] : memref<2x10240x64xf32, #tpu.memory_space<hbm>> -> memref<1x640x64xf32, #tpu.memory_space<hbm>>
      %dma_start3A_124 = tpu.memref_squeeze %dma_start3A_123 : memref<1x640x64xf32, #tpu.memory_space<hbm>> -> memref<640x64xf32, #tpu.memory_space<hbm>>
      %dma_start3A_125 = arith.constant 0 : i32
      %dma_start3A_126 = tpu.memref_slice %arg6[%mul3A_119, %dma_start3A_125] : memref<10240x64xf32, #tpu.memory_space<vmem_shared>> -> memref<640x64xf32, #tpu.memory_space<vmem_shared>>
      tpu.enqueue_dma source(%dma_start3A_126 : memref<640x64xf32, #tpu.memory_space<vmem_shared>>) target(%dma_start3A_124 : memref<640x64xf32, #tpu.memory_space<hbm>>) target_semaphore(%run_scoped3A : memref<!tpu.dma_semaphore, #tpu.memory_space<semaphore_mem>>)
      %dma_wait3A_127 = arith.constant 0 : i32
      %dma_wait3A_128 = tpu.memref_slice %arg5[%arg0, %mul3A_121, %dma_wait3A_127] : memref<2x10240x64xf32, #tpu.memory_space<hbm>> -> memref<1x640x64xf32, #tpu.memory_space<hbm>>
      %dma_wait3A_129 = tpu.memref_squeeze %dma_wait3A_128 : memref<1x640x64xf32, #tpu.memory_space<hbm>> -> memref<640x64xf32, #tpu.memory_space<hbm>>
      %dma_wait3A_130 = arith.constant 0 : i32
      %dma_wait3A_131 = tpu.memref_slice %arg6[%mul3A_119, %dma_wait3A_130] : memref<10240x64xf32, #tpu.memory_space<vmem_shared>> -> memref<640x64xf32, #tpu.memory_space<vmem_shared>>
      tpu.wait_dma2 semaphore(%run_scoped3A : memref<!tpu.dma_semaphore, #tpu.memory_space<semaphore_mem>>) src(%dma_wait3A_131 : memref<640x64xf32, #tpu.memory_space<vmem_shared>>) dst(%dma_wait3A_129 : memref<640x64xf32, #tpu.memory_space<hbm>>)
      tpu.yield
    }) : () -> ()
    return
  }
}

module attributes {stable_mosaic.version = 14 : i64} {
  func.func @_mm1_body(%arg0: memref<2x10240xf32, #tpu.memory_space<vmem>>, %arg1: memref<10240x128xf32, #tpu.memory_space<vmem>>, %arg2: memref<128x64xf32, #tpu.memory_space<vmem>>, %arg3: memref<10240x64xf32, #tpu.memory_space<vmem>>, %arg4: memref<10240x1xf32, #tpu.memory_space<vmem>>) attributes {dimension_semantics = [], scalar_prefetch = 0 : i64, scratch_operands = 0 : i64, tpu.core_type = #tpu.core_type<tc>} {
    %get3A = arith.constant 0 : index
    %get3A_0 = arith.constant 0 : index
    %get3A_1 = vector.load %arg0[%get3A, %get3A_0] : memref<2x10240xf32, #tpu.memory_space<vmem>>, vector<1x10240xf32>
    %get3A_2 = vector.shape_cast %get3A_1 : vector<1x10240xf32> to vector<10240xf32>
    %get3A_3 = arith.constant 1 : index
    %get3A_4 = arith.constant 0 : index
    %get3A_5 = vector.load %arg0[%get3A_3, %get3A_4] : memref<2x10240xf32, #tpu.memory_space<vmem>>, vector<1x10240xf32>
    %get3A_6 = vector.shape_cast %get3A_5 : vector<1x10240xf32> to vector<10240xf32>
    %add3A = arith.addf %get3A_2, %get3A_6 : vector<10240xf32>
    %add3A_7 = arith.constant 1.000000e+00 : f32
    %add3A_8 = vector.broadcast %add3A_7 : f32 to vector<10240xf32>
    %add3A_9 = arith.addf %add3A, %add3A_8 : vector<10240xf32>
    %rsqrt3A = math.rsqrt %add3A_9 : vector<10240xf32>
    %broadcast_in_dim3A = vector.shape_cast %rsqrt3A : vector<10240xf32> to vector<10240x1xf32>
    %get3A_10 = arith.constant 0 : index
    %get3A_11 = arith.constant 0 : index
    %get3A_12 = vector.load %arg1[%get3A_10, %get3A_11] : memref<10240x128xf32, #tpu.memory_space<vmem>>, vector<10240x128xf32>
    %get3A_13 = arith.constant 0 : index
    %get3A_14 = arith.constant 0 : index
    %get3A_15 = vector.load %arg2[%get3A_13, %get3A_14] : memref<128x64xf32, #tpu.memory_space<vmem>>, vector<128x64xf32>
    %dot_general3A = arith.constant dense<0.000000e+00> : vector<10240x64xf32>
    %dot_general3A_16 = tpu.matmul %get3A_12, %get3A_15, %dot_general3A {dimension_numbers = #tpu.dot_dimension_numbers<[1], [0], [0], [1], [0, 0, 1, 1], [], []>, transpose_lhs_hint = false} : vector<10240x128xf32>, vector<128x64xf32>, vector<10240x64xf32> -> vector<10240x64xf32>
    %mul3A = vector.broadcast %broadcast_in_dim3A : vector<10240x1xf32> to vector<10240x64xf32>
    %mul3A_17 = arith.mulf %dot_general3A_16, %mul3A : vector<10240x64xf32>
    %swap3A = arith.constant 0 : index
    %swap3A_18 = arith.constant 0 : index
    %swap3A_19 = vector.load %arg3[%swap3A, %swap3A_18] : memref<10240x64xf32, #tpu.memory_space<vmem>>, vector<10240x64xf32>
    tpu.vector_store %arg3[%swap3A, %swap3A_18], %mul3A_17 {strides = array<i32>} : memref<10240x64xf32, #tpu.memory_space<vmem>>, vector<10240x64xf32>,
    %swap3A_20 = arith.constant 0 : index
    %swap3A_21 = arith.constant 0 : index
    %swap3A_22 = vector.load %arg4[%swap3A_20, %swap3A_21] : memref<10240x1xf32, #tpu.memory_space<vmem>>, vector<10240x1xf32>
    tpu.vector_store %arg4[%swap3A_20, %swap3A_21], %broadcast_in_dim3A {strides = array<i32>} : memref<10240x1xf32, #tpu.memory_space<vmem>>, vector<10240x1xf32>,
    return
  }
}

module attributes {stable_mosaic.version = 14 : i64} {
  func.func @_out_body(%arg0: memref<2x10240x64xf32, #tpu.memory_space<vmem>>, %arg1: memref<10240x64xf32, #tpu.memory_space<vmem>>, %arg2: memref<10240x1xf32, #tpu.memory_space<vmem>>, %arg3: memref<1x64xf32, #tpu.memory_space<vmem>>, %arg4: memref<10000x64xf32, #tpu.memory_space<vmem>>) attributes {dimension_semantics = [], scalar_prefetch = 0 : i64, scratch_operands = 0 : i64, tpu.core_type = #tpu.core_type<tc>} {
    %get3A = arith.constant 0 : index
    %get3A_0 = arith.constant 0 : index
    %get3A_1 = arith.constant 0 : index
    %get3A_2 = vector.load %arg0[%get3A, %get3A_0, %get3A_1] : memref<2x10240x64xf32, #tpu.memory_space<vmem>>, vector<1x10000x64xf32>
    %get3A_3 = vector.shape_cast %get3A_2 : vector<1x10000x64xf32> to vector<10000x64xf32>
    %get3A_4 = arith.constant 1 : index
    %get3A_5 = arith.constant 0 : index
    %get3A_6 = arith.constant 0 : index
    %get3A_7 = vector.load %arg0[%get3A_4, %get3A_5, %get3A_6] : memref<2x10240x64xf32, #tpu.memory_space<vmem>>, vector<1x10000x64xf32>
    %get3A_8 = vector.shape_cast %get3A_7 : vector<1x10000x64xf32> to vector<10000x64xf32>
    %add3A = arith.addf %get3A_3, %get3A_8 : vector<10000x64xf32>
    %get3A_9 = arith.constant 0 : index
    %get3A_10 = arith.constant 0 : index
    %get3A_11 = vector.load %arg1[%get3A_9, %get3A_10] : memref<10240x64xf32, #tpu.memory_space<vmem>>, vector<10000x64xf32>
    %add3A_12 = arith.addf %add3A, %get3A_11 : vector<10000x64xf32>
    %get3A_13 = arith.constant 0 : index
    %get3A_14 = arith.constant 0 : index
    %get3A_15 = vector.load %arg2[%get3A_13, %get3A_14] : memref<10240x1xf32, #tpu.memory_space<vmem>>, vector<10000x1xf32>
    %mul3A = vector.broadcast %get3A_15 : vector<10000x1xf32> to vector<10000x64xf32>
    %mul3A_16 = arith.mulf %add3A_12, %mul3A : vector<10000x64xf32>
    %get3A_17 = arith.constant 0 : index
    %get3A_18 = arith.constant 0 : index
    %get3A_19 = vector.load %arg3[%get3A_17, %get3A_18] : memref<1x64xf32, #tpu.memory_space<vmem>>, vector<1x64xf32>
    %add3A_20 = vector.broadcast %get3A_19 : vector<1x64xf32> to vector<10000x64xf32>
    %add3A_21 = arith.addf %mul3A_16, %add3A_20 : vector<10000x64xf32>
    %swap3A = arith.constant 0 : index
    %swap3A_22 = arith.constant 0 : index
    %swap3A_23 = vector.load %arg4[%swap3A, %swap3A_22] : memref<10000x64xf32, #tpu.memory_space<vmem>>, vector<10000x64xf32>
    tpu.vector_store %arg4[%swap3A, %swap3A_22], %add3A_21 {strides = array<i32>} : memref<10000x64xf32, #tpu.memory_space<vmem>>, vector<10000x64xf32>,
    return
  }
}

module attributes {stable_mosaic.version = 14 : i64} {
  func.func @_mm2_body(%arg0: memref<2x10240x64xf32, #tpu.memory_space<vmem>>, %arg1: memref<10240x64xf32, #tpu.memory_space<vmem>>, %arg2: memref<10240x1xf32, #tpu.memory_space<vmem>>, %arg3: memref<1x64xf32, #tpu.memory_space<vmem>>, %arg4: memref<64x64xf32, #tpu.memory_space<vmem>>, %arg5: memref<10240x64xf32, #tpu.memory_space<vmem>>) attributes {dimension_semantics = [], scalar_prefetch = 0 : i64, scratch_operands = 0 : i64, tpu.core_type = #tpu.core_type<tc>} {
    %get3A = arith.constant 0 : index
    %get3A_0 = arith.constant 0 : index
    %get3A_1 = vector.load %arg2[%get3A, %get3A_0] : memref<10240x1xf32, #tpu.memory_space<vmem>>, vector<10240x1xf32>
    %get3A_2 = arith.constant 0 : index
    %get3A_3 = arith.constant 0 : index
    %get3A_4 = arith.constant 0 : index
    %get3A_5 = vector.load %arg0[%get3A_2, %get3A_3, %get3A_4] : memref<2x10240x64xf32, #tpu.memory_space<vmem>>, vector<1x10240x64xf32>
    %get3A_6 = vector.shape_cast %get3A_5 : vector<1x10240x64xf32> to vector<10240x64xf32>
    %get3A_7 = arith.constant 1 : index
    %get3A_8 = arith.constant 0 : index
    %get3A_9 = arith.constant 0 : index
    %get3A_10 = vector.load %arg0[%get3A_7, %get3A_8, %get3A_9] : memref<2x10240x64xf32, #tpu.memory_space<vmem>>, vector<1x10240x64xf32>
    %get3A_11 = vector.shape_cast %get3A_10 : vector<1x10240x64xf32> to vector<10240x64xf32>
    %add3A = arith.addf %get3A_6, %get3A_11 : vector<10240x64xf32>
    %get3A_12 = arith.constant 0 : index
    %get3A_13 = arith.constant 0 : index
    %get3A_14 = vector.load %arg1[%get3A_12, %get3A_13] : memref<10240x64xf32, #tpu.memory_space<vmem>>, vector<10240x64xf32>
    %add3A_15 = arith.addf %add3A, %get3A_14 : vector<10240x64xf32>
    %mul3A = vector.broadcast %get3A_1 : vector<10240x1xf32> to vector<10240x64xf32>
    %mul3A_16 = arith.mulf %add3A_15, %mul3A : vector<10240x64xf32>
    %get3A_17 = arith.constant 0 : index
    %get3A_18 = arith.constant 0 : index
    %get3A_19 = vector.load %arg3[%get3A_17, %get3A_18] : memref<1x64xf32, #tpu.memory_space<vmem>>, vector<1x64xf32>
    %add3A_20 = vector.broadcast %get3A_19 : vector<1x64xf32> to vector<10240x64xf32>
    %add3A_21 = arith.addf %mul3A_16, %add3A_20 : vector<10240x64xf32>
    %max3A = arith.constant 0.000000e+00 : f32
    %max3A_22 = vector.broadcast %max3A : f32 to vector<10240x64xf32>
    %max3A_23 = arith.maximumf %add3A_21, %max3A_22 : vector<10240x64xf32>
    %get3A_24 = arith.constant 0 : index
    %get3A_25 = arith.constant 0 : index
    %get3A_26 = vector.load %arg4[%get3A_24, %get3A_25] : memref<64x64xf32, #tpu.memory_space<vmem>>, vector<64x64xf32>
    %dot_general3A = arith.constant dense<0.000000e+00> : vector<10240x64xf32>
    %dot_general3A_27 = tpu.matmul %max3A_23, %get3A_26, %dot_general3A {dimension_numbers = #tpu.dot_dimension_numbers<[1], [0], [0], [1], [0, 0, 1, 1], [], []>, transpose_lhs_hint = false} : vector<10240x64xf32>, vector<64x64xf32>, vector<10240x64xf32> -> vector<10240x64xf32>
    %mul3A_28 = vector.broadcast %get3A_1 : vector<10240x1xf32> to vector<10240x64xf32>
    %mul3A_29 = arith.mulf %dot_general3A_27, %mul3A_28 : vector<10240x64xf32>
    %swap3A = arith.constant 0 : index
    %swap3A_30 = arith.constant 0 : index
    %swap3A_31 = vector.load %arg5[%swap3A, %swap3A_30] : memref<10240x64xf32, #tpu.memory_space<vmem>>, vector<10240x64xf32>
    tpu.vector_store %arg5[%swap3A, %swap3A_30], %mul3A_29 {strides = array<i32>} : memref<10240x64xf32, #tpu.memory_space<vmem>>, vector<10240x64xf32>,
    return
  }
}

</mosaic_0001>

<sc_bundles>
// kernel: kernel.11.cloned.1.call-start
scs
__scs_entry_jumppad:
0x0: {  	(pc) =	sbr.rel $0x88, $3  }
0x1: {  	(tag) =	ssettag $0x0;
	lr =	simm.s32 $0x1  }
0x2: {  	[smem:$0x3F9B] =	sst lr;
	_ =	strace $0xD0000000  }
0x3: {  	_ = 	snop  }
0x4: {  	_ = 	snop  }
0x5: {  	_ = 	snop  }
0x6: {  	_ = 	snop  }
0x7: {  	_ = 	snop  }
__scs_overlays_trampoline_lowered:
0x8: {  	[smem:$0x3FAA] =	sst s0  }
0x9: {  	[smem:$0x3FAB] =	sst s1  }
0xa: {  	[smem:$0x3FAC] =	sst s2  }
0xb: {  	[smem:$0x3FAD] =	sst s3  }
0xc: {  	[smem:$0x3FAE] =	sst s4  }
0xd: {  	[smem:$0x3FAF] =	sst s5  }
0xe: {  	[smem:$0x3FB0] =	sst s6  }
0xf: {  	[smem:$0x3FB1] =	sst s7  }
0x10: {  	[smem:$0x3FB2] =	sst s8  }
0x11: {  	[smem:$0x3FB3] =	sst s9;
	s0 =	simm.s32 @!p0 $0x0  }
0x12: {  	s1 =	sld [smem:$0x3F99];
	s0 =	simm.s32 @p0 $0x1  }
0x13: {  	[smem:$0x3FB4] =	sst s0;
	s0 =	simm.s32 @!p1 $0x0  }
0x14: {  	s2 =	sld [smem:$0x3F98];
	s0 =	simm.s32 @p1 $0x1  }
0x15: {  	[smem:$0x3FB5] =	sst s0;
	s0 =	simm.s32 @!p2 $0x0  }
0x16: {  	s3 =	sld [smem:$0x3FDB];
	s0 =	simm.s32 @p2 $0x1  }
0x17: {  	s4 =	simm.s32 $0x1BF5;
	[smem:$0x3FB7] =	sst s0  }
0x18: {  	s0 =	sld [smem:$0x3F9A];
	_ =	swait.ge [sflag:s4], $0x0  }
0x19: {  	s7 =	sld [smem:$0x3F9B]  }
0x1a: {  	s8 =	sadd.s32 $0xFFFFE003, lr  }
0x1b: {  	s9 =	sadd.s32 $0xFFFFFEF7, lr;
	s5 =	simm.s32 $0xFFFFFFFF;
	p2 =	slt.u32 s8, $0xFFFFF086  }
0x1c: {  	p1 =	slt.u32 s9, $0xF7A;
	s5 =	simm.s32 @!p2 $0x0  }
0x1d: {  	s5 =	simm.s32 @p1 $0x1;
	p0 =	seq.s32 s7, s2  }
0x1e: {  	s7 =	smul.u32 @!p0 $0xF7A, s2;
	p2 =	seq.s32 @!p0 s5, $0x0  }
0x1f: {  	s9 =	smul.u32 $0xF7A, s1;
	s8 =	simm.s32 @!p0 $0x1BF5;
	p2 =	por !p2, p0  }
0x20: {  	[sflag:s8] =	ssyncset.s32 @!p0 $0xFFFFF086;
	s6 =	sadd.s32 @!p0 s3, s7;
	s7 =	simm.s32 @!p0 $0x108  }
0x21: {  	s3 =	sadd.s32 s3, s9;
	s6 =	sadd.s32 @!p0 $0x88, s6;
	s7 =	simm.s32 @p2 $0x1082  }
0x22: {  	[simem:s7], [sflag:s8] =	dma.local @!p0 [hbm:s6], $0xF7A  }
0x23: {  	s9 =	sor.u32 $0xD0000000, s2;
	s6 =	simm.s32 $0x108;
	_ =	swait.ge @!p0 [sflag:s8], $0x0  }
0x24: {  	s3 =	sadd.s32 $0x88, s3;
	s6 =	simm.s32 @!p1 $0x1082;
	[sflag:s4] =	ssyncset.s32 $0xFFFFF086  }
0x25: {  	[simem:s6], [sflag:s4] =	dma.local [hbm:s3], $0xF7A  }
0x26: {  	[smem:$0x3F9B] =	sst s1;
	(tag) =	ssettag s2;
	_ =	strace s9  }
0x27: {  	s1 =	sld [smem:$0x3FAB]  }
0x28: {  	s2 =	sld [smem:$0x3FAC]  }
0x29: {  	s4 =	sld [smem:$0x3FAE]  }
0x2a: {  	p0 =	seq.s32 s5, $0x0;
	s5 =	sld [smem:$0x3FAF]  }
0x2b: {  	s6 =	sld [smem:$0x3FB0]  }
0x2c: {  	s7 =	sld [smem:$0x3FB1]  }
0x2d: {  	s3 =	simm.s32 $0x108;
	s8 =	sld [smem:$0x3FB2]  }
0x2e: {  	s3 =	simm.s32 @!p0 $0x1082;
	s9 =	sld [smem:$0x3FB3]  }
0x2f: {  	lr =	sadd.s32 s0, s3;
	s0 =	sld [smem:$0x3FAA]  }
0x30: {  	s3 =	sld [smem:$0x3FAD]  }
0x31: {  	[smem:$0x3FB6] =	sst s10  }
0x32: {  	s10 =	sld [smem:$0x3FB4];
	_ =	sdelay $0x3  }
0x33: {  	p0 =	seq.s32 s10, $0x1;
	s10 =	sld [smem:$0x3FB6];
	_ =	sdelay $0x3  }
0x34: {  	[smem:$0x3FB6] =	sst s10  }
0x35: {  	s10 =	sld [smem:$0x3FB5];
	_ =	sdelay $0x3  }
0x36: {  	p1 =	seq.s32 s10, $0x1;
	s10 =	sld [smem:$0x3FB6];
	_ =	sdelay $0x3  }
0x37: {  	[smem:$0x3FB6] =	sst s10  }
0x38: {  	s10 =	sld [smem:$0x3FB7]  }
0x39: {  	_ = 	snop;
	(pc) =	sbr.ind lr, $3  }
0x3a: {  	_ = 	snop  }
0x3b: {  	_ = 	snop  }
0x3c: {  	p2 =	seq.s32 s10, $0x1;
	s10 =	sld [smem:$0x3FB6]  }
0x3d: {  	_ =	shalt  }
0x3e: {  	_ =	shalt  }
0x3f: {  	_ =	shalt  }
0x40: {  	_ =	shalt  }
0x41: {  	_ =	shalt  }
0x42: {  	_ =	shalt  }
0x43: {  	_ =	shalt  }
0x44: {  	_ =	shalt  }
0x45: {  	_ =	shalt  }
0x46: {  	_ =	shalt  }
0x47: {  	_ =	shalt  }
0x48: {  	_ =	shalt  }
0x49: {  	_ =	shalt  }
0x4a: {  	_ =	shalt  }
0x4b: {  	_ =	shalt  }
0x4c: {  	_ =	shalt  }
0x4d: {  	_ =	shalt  }
0x4e: {  	_ =	shalt  }
0x4f: {  	_ =	shalt  }
0x50: {  	_ =	shalt  }
0x51: {  	_ =	shalt  }
0x52: {  	_ =	shalt  }
0x53: {  	_ =	shalt  }
0x54: {  	_ =	shalt  }
0x55: {  	_ =	shalt  }
0x56: {  	_ =	shalt  }
0x57: {  	_ =	shalt  }
0x58: {  	_ =	shalt  }
0x59: {  	_ =	shalt  }
0x5a: {  	_ =	shalt  }
0x5b: {  	_ =	shalt  }
0x5c: {  	_ =	shalt  }
0x5d: {  	_ =	shalt  }
0x5e: {  	_ =	shalt  }
0x5f: {  	_ =	shalt  }
0x60: {  	_ =	shalt  }
0x61: {  	_ =	shalt  }
0x62: {  	_ =	shalt  }
0x63: {  	_ =	shalt  }
0x64: {  	_ =	shalt  }
0x65: {  	_ =	shalt  }
0x66: {  	_ =	shalt  }
0x67: {  	_ =	shalt  }
0x68: {  	_ =	shalt  }
0x69: {  	_ =	shalt  }
0x6a: {  	_ =	shalt  }
0x6b: {  	_ =	shalt  }
0x6c: {  	_ =	shalt  }
0x6d: {  	_ =	shalt  }
0x6e: {  	_ =	shalt  }
0x6f: {  	_ =	shalt  }
0x70: {  	_ =	shalt  }
0x71: {  	_ =	shalt  }
0x72: {  	_ =	shalt  }
0x73: {  	_ =	shalt  }
0x74: {  	_ =	shalt  }
0x75: {  	_ =	shalt  }
0x76: {  	_ =	shalt  }
0x77: {  	_ =	shalt  }
0x78: {  	_ =	shalt  }
0x79: {  	_ =	shalt  }
0x7a: {  	_ =	shalt  }
0x7b: {  	_ =	shalt  }
0x7c: {  	_ =	shalt  }
0x7d: {  	_ =	shalt  }
0x7e: {  	_ =	shalt  }
0x7f: {  	_ =	shalt  }
0x80: {  	_ =	shalt  }
0x81: {  	_ =	shalt  }
0x82: {  	_ =	shalt  }
0x83: {  	_ =	shalt  }
0x84: {  	_ =	shalt  }
0x85: {  	_ =	shalt  }
0x86: {  	_ =	shalt  }
0x87: {  	_ =	shalt  }
.Lfunc_end0:
.L_simem_size_0:
called_computation.1_lowered:
.L_overlay_start_0:
0x88: {  	s2 =	sld [smem:$0x3FD9]  }
0x89: {  	s3 =	sld [smem:$0x3FFE];
	_ =	sdelay $0x1  }
0x8a: {  	s1 =	srdreg.scid  }
0x8b: {  	s0 =	sand.u32 $0x1, s1  }
0x8c: {  	s17 =	sshll.u32 s0, $0xA;
	s2 =	sadd.s32 s3, s2  }
0x8d: {  	s2 =	sadd.s32 s2, s17  }
0x8e: {  	[smem:$0x3FC2] =	sst s2  }
0x8f: {  	_ = 	snop  }
0x90: {  	s2 =	sld [smem:$0x3FD0];
	(tm) =	ssettm $0x1  }
0x91: {  	s18 =	sld [smem:$0x3FFB];
	_ =	sdelay $0x3  }
0x92: {  	_ =	strace s18  }
0x93: {  	s3 =	sld [smem:$0x3FFC];
	_ =	sdelay $0x3  }
0x94: {  	_ =	strace s3  }
0x95: {  	s3 =	sld [smem:$0x3FFD];
	_ =	sdelay $0x3  }
0x96: {  	_ =	strace s3  }
0x97: {  	_ =	strace $0x8FFFFFFF  }
0x98: {  	s19 =	sld [smem:$0x3FDB];
	_ =	sdelay $0x1  }
0x99: {  	s4 =	simm.s32 $_scs_section_size  }
0x9a: {  	s5 =	simm.s32 $_size__tile_overlayer_lowered;
	s6 =	simm.s32 $_tile_overlayer_lowered  }
0x9b: {  	s22 =	simm.s32 $0x1BFF;
	s21 =	sshll.u32 s6, $0x1;
	s3 =	sadd.s32 s4, s19  }
0x9c: {  	s7 =	simm.s32 $0x0;
	s20 =	sshll.u32 s5, $0x1;
	s5 =	sadd.s32 s21, s3  }
0x9d: {  	[timem:s7], [sflag:s22] =	dma.local [hbm:s5], s20  }
0x9e: {  	_ =	swait.ge [sflag:s22], s20  }
0x9f: {  	s4 =	ssub.s32 $0x0, s20;
	[sflag:s22] =	ssyncset.done $0x0  }
0xa0: {  	[sflag:s22] =	ssyncadd.s32 s4;
	_ =	sdelay $0x1  }
0xa1: {  	s23 =	simm.s32 $0x1B8B  }
0xa2: {  	_ =	swait.ge [sflag:s23], $0x1  }
0xa3: {  	[sflag:s23] =	ssyncset.done $0x0  }
0xa4: {  	s25 =	simm.s32 $0x1B8E;
	s24 =	sld [smem:$0x3FFE];
	[sflag:s23] =	ssyncadd.s32 $0xFFFFFFFF  }
0xa5: {  	s26 =	simm.s32 $execute0_lowered;
	[smem:$0x3FD2] =	sst s25  }
0xa6: {  	s5 =	sshll.u32 s26, $0x1;
	_ =	strace $0x80000049;
	[dreg:$0x1] =	wrdreg $0xFFFFFFFF  }
0xa7: {  	s28 =	simm.s32 $_size_execute0_lowered;
	s3 =	sadd.s32 s3, s5;
	[dreg:$0x0] =	wrdreg $0x0  }
0xa8: {  	s5 =	sshll.u32 s28, $0x1;
	[dreg:$0x2] =	wrdreg s3  }
0xa9: {  	[dreg:$0x3] =	wrdreg s5  }
0xaa: {  	[dreg:$0x4] =	wrdreg $0xC0  }
0xab: {  	_ =	task [dreg:s7], $0x5FFFF  }
0xac: {  	[dreg:$0x1] =	wrdreg $0xFFFFFFFF  }
0xad: {  	[dreg:$0x0] =	wrdreg $0x60  }
0xae: {  	[dreg:$0x2] =	wrdreg s24  }
0xaf: {  	[dreg:$0x3] =	wrdreg s2  }
0xb0: {  	[dreg:$0x4] =	wrdreg $0x0  }
0xb1: {  	[dreg:$0x5] =	wrdreg $0x9  }
0xb2: {  	_ =	task.clear_ibuf [dreg:s7], $0x6FFFF;
	_ =	strace $0x90000049  }
0xb3: {  	s29 =	simm.s32 $0x9;
	_ =	strace $0x8000004B  }
0xb4: {  	_ =	swait.ge [sflag:s29], $0x1  }
0xb5: {  	[sflag:s29] =	ssyncadd.s32 $0xFFFFFFFF  }
0xb6: {  	_ =	strace $0x9000004B  }
0xb7: {  	_ =	sfence  }
0xb8: {  	s30 =	sld [smem:$0x0];
	_ =	sdelay $0x2  }
0xb9: {  	s31 =	sshll.u32 s1, $0xD;
	s1 =	sshrl.u32 s1, $0x2  }
0xba: {  	s3 =	sand.u32 $0x4000, s31;
	s1 =	sadd.s32 s1, s30  }
0xbb: {  	s0 =	sor.u32 s3, s0;
	s1 =	sshll.u32 s1, $0x11  }
0xbc: {  	s0 =	sor.u32 s1, s0  }
0xbd: {  	s0 =	sadd.s32 $0x8F2B, s0  }
0xbe: {  	[sflag:s0] =	ssyncadd.remote.s32 $0x1  }
0xbf: {  	_ =	sfence.sel $0xFFFF  }
0xc0: {  	[dreg:$0x0] =	wrdreg $0xFFFFFFFF;
	(pc) =	sbr.abs _section_cstart, $3  }
0xc1: {  	[dreg:$0x1] =	wrdreg $0xFFFFFFFF  }
0xc2: {  	_ =	task.clear_ibuf [dreg:s7], $0x2FFFF;
	_ =	strace $0x9FFFFFFF  }
0xc3: {  	(tm) =	ssettm $0x7FFFFFFF  }
tec
execute0_lowered:
.L_overlay_start_1:
0x0: {  	(tag) =	ssettag $0x1  }
0x1: {  	s0 =	rddreg [dreg:$0x0]  }
0x2: {  	s2 =	rddreg [dreg:$0x1]  }
0x3: {  	s1 =	rddreg [dreg:$0x2];
	s3 =	srdreg.scid  }
0x4: {  	s26 =	simm.s32 $0x0;
	s8 =	stileid.u32;
	s29 =	simm.s32 $0x1  }
0x5: {  	s13 =	simm.s32 $0xB;
	s3 =	sand.u32 $0x1, s3;
	s7 =	smul.u32 $0xA000, s8  }
0x6: {  	[smem:$0x7FF] =	sst s26;
	s4 =	sshll.u32 s3, $0x4;
	s5 =	smul.u32 $0xA0000, s3  }
0x7: {  	_ =	strace $0x8000004A;
	s3 =	ssub.s32 $0x2, s3;
	s6 =	sor.u32 s8, s4  }
0x8: {  	s4 =	sadd.s32 $0xB600, s0;
	s8 =	smul.u32 $0x28000, s8;
	s10 =	sshrl.u32 s3, $0x1  }
0x9: {  	s6 =	smul.u32 $0x4E2, s6;
	s5 =	sadd.s32 s7, s5;
	s3 =	ssub.s32 s3, s10  }
0xa: {  	s5 =	sshrl.u32 s5, $0x3;
	s15 =	sshrl.u32 s8, $0x2;
	s18 =	smax.u32 s3, $0x1  }
0xb: {  	s9 =	sadd.s32 s6, s0;
	s2 =	sadd.s32 s2, s6;
	[dreg:$0x9] =	wrdreg s18  }
0xc: {  	s0 =	sadd.s32 s5, s0;
	s5 =	sadd.s32 s15, s1;
	[dreg:$0x6] =	wrdreg s2  }
0xd: {  	s14 =	simm.s32 $0xD;
	s16 =	sadd.s32 $0x1800, s9;
	[dreg:$0x5] =	wrdreg s5  }
0xe: {  	s28 =	simm.s32 $0x13;
	s0 =	sadd.s32 $0x1F600, s0;
	[dreg:$0x7] =	wrdreg s16  }
0xf: {  	s17 =	sadd.s32 s7, s1;
	s19 =	sadd.s32 $0x1000, s5;
	[dreg:$0x8] =	wrdreg s0  }
0x10: {  	s7 =	simm.s32 $0x2;
	s20 =	sadd.s32 $0x2000, s5;
	[dreg:$0xa] =	wrdreg s19  }
0x11: {  	s8 =	simm.s32 $0x5;
	s21 =	sadd.s32 $0x3000, s5;
	[dreg:$0xb] =	wrdreg s20  }
0x12: {  	s3 =	simm.s32 $0x10;
	s22 =	sadd.s32 $0x4000, s5;
	[dreg:$0xc] =	wrdreg s21  }
0x13: {  	s6 =	simm.s32 $0x4;
	s23 =	sadd.s32 $0x5000, s5;
	[dreg:$0xd] =	wrdreg s22  }
0x14: {  	s15 =	simm.s32 $0xE;
	s24 =	sadd.s32 $0x6000, s5;
	[dreg:$0xe] =	wrdreg s23  }
0x15: {  	s18 =	simm.s32 $0x7;
	s25 =	sadd.s32 $0x7000, s5;
	[dreg:$0xf] =	wrdreg s24  }
0x16: {  	s30 =	sadd.s32 $0x8000, s5;
	s31 =	sadd.s32 $0x9000, s5;
	[dreg:$0x10] =	wrdreg s25  }
0x17: {  	s2 =	simm.s32 $0x3;
	s5 =	simm.s32 $0x9;
	[dreg:$0x11] =	wrdreg s30  }
0x18: {  	[dreg:$0x12] =	wrdreg s31;
	s23 =	simm.s32 $0x50;
	s0 =	sshrl.u32 s17, $0x3  }
0x19: {  	s21 =	simm.s32 $0xC;
	s16 =	simm.s32 $0xF;
	s17 =	simm.s32 $0x6  }
0x1a: {  	s25 =	simm.s32 $0x8;
	s19 =	simm.s32 $0xA;
	s20 =	simm.s32 $0x11  }
0x1b: {  	v0 =	vimm.f32 $0.0e+00;
	s24 =	simm.s32 $0x12;
	s22 =	simm.s32 $0x2;
	[dreg:$0x13] =	wrdreg s0  }
.LBB2_1:
0x1c: {  	[dreg:$0x4] =	wrdreg s26;
	s30 =	simm.s32 $0x100;
	s0 =	simm.s32 $0x0  }
.LBB2_2:
0x1d: {  	p0 =	sne.s32 s30, $0x3F00;
	[tilespmem:s0+$0xEE50] =	vst v0;
	s26 =	smov.u32 s30;
	s30 =	sadd.s32 $0x100, s30  }
.Ltmp0:
0x1e: {  	[tilespmem:s0+$0xEE40] =	vst v0;
	(pc) =	sbr.rel @p0 .LBB2_2-.Ltmp0, $3  }
0x1f: {  	[tilespmem:s0+$0xEE20] =	vst v0  }
0x20: {  	[tilespmem:s0+$0xEE30] =	vst v0;
	_ =	sdelay $0x1  }
0x21: {  	s0 =	sshra.s32 s26, $0x2  }
0x22: {  	[tilespmem:s0+$0xEE50] =	vst v0  }
0x23: {  	[tilespmem:s0+$0xEE40] =	vst v0  }
0x24: {  	[tilespmem:s0+$0xEE20] =	vst v0  }
0x25: {  	[tilespmem:s0+$0xEE30] =	vst v0;
	s11 =	rddreg [dreg:$0x5];
	s26 =	simm.s32 $0xEE20;
	s30 =	simm.s32 $0x15  }
0x26: {  	[spmem:s11] =	stream.linear.scatter [tilespmem:s26], [sflag:$0x15], $0x1000, $0x38;
	[tilespmem:$0x1C620] =	vst v63  }
0x27: {  	_ =	swait.ge [sflag:s30], $0x1000  }
0x28: {  	[sflag:s30] =	ssyncset.done $0x0  }
0x29: {  	s12 =	rddreg [dreg:$0xa];
	[sflag:s30] =	ssyncadd.s32 $0xFFFFF000  }
0x2a: {  	[spmem:s12] =	stream.linear.scatter [tilespmem:s26], [sflag:$0x15], $0x1000, $0x38;
	[tilespmem:$0x1C620] =	vst v63  }
0x2b: {  	_ =	swait.ge [sflag:s30], $0x1000  }
0x2c: {  	[sflag:s30] =	ssyncset.done $0x0  }
0x2d: {  	s31 =	rddreg [dreg:$0xb];
	[sflag:s30] =	ssyncadd.s32 $0xFFFFF000  }
0x2e: {  	[spmem:s31] =	stream.linear.scatter [tilespmem:s26], [sflag:$0x15], $0x1000, $0x38;
	[tilespmem:$0x1C620] =	vst v63  }
0x2f: {  	_ =	swait.ge [sflag:s30], $0x1000  }
0x30: {  	[sflag:s30] =	ssyncset.done $0x0  }
0x31: {  	s9 =	rddreg [dreg:$0xc];
	[sflag:s30] =	ssyncadd.s32 $0xFFFFF000  }
0x32: {  	[spmem:s9] =	stream.linear.scatter [tilespmem:s26], [sflag:$0x15], $0x1000, $0x38;
	[tilespmem:$0x1C620] =	vst v63  }
0x33: {  	_ =	swait.ge [sflag:s30], $0x1000  }
0x34: {  	[sflag:s30] =	ssyncset.done $0x0  }
0x35: {  	s10 =	rddreg [dreg:$0xd];
	[sflag:s30] =	ssyncadd.s32 $0xFFFFF000  }
0x36: {  	[spmem:s10] =	stream.linear.scatter [tilespmem:s26], [sflag:$0x15], $0x1000, $0x38;
	[tilespmem:$0x1C620] =	vst v63  }
0x37: {  	_ =	swait.ge [sflag:s30], $0x1000  }
0x38: {  	[sflag:s30] =	ssyncset.done $0x0  }
0x39: {  	s11 =	rddreg [dreg:$0xe];
	[sflag:s30] =	ssyncadd.s32 $0xFFFFF000  }
0x3a: {  	[spmem:s11] =	stream.linear.scatter [tilespmem:s26], [sflag:$0x15], $0x1000, $0x38;
	[tilespmem:$0x1C620] =	vst v63  }
0x3b: {  	_ =	swait.ge [sflag:s30], $0x1000  }
0x3c: {  	[sflag:s30] =	ssyncset.done $0x0  }
0x3d: {  	s12 =	rddreg [dreg:$0xf];
	[sflag:s30] =	ssyncadd.s32 $0xFFFFF000  }
0x3e: {  	[spmem:s12] =	stream.linear.scatter [tilespmem:s26], [sflag:$0x15], $0x1000, $0x38;
	[tilespmem:$0x1C620] =	vst v63  }
0x3f: {  	_ =	swait.ge [sflag:s30], $0x1000  }
0x40: {  	[sflag:s30] =	ssyncset.done $0x0  }
0x41: {  	s31 =	rddreg [dreg:$0x10];
	[sflag:s30] =	ssyncadd.s32 $0xFFFFF000  }
0x42: {  	[spmem:s31] =	stream.linear.scatter [tilespmem:s26], [sflag:$0x15], $0x1000, $0x38;
	[tilespmem:$0x1C620] =	vst v63  }
0x43: {  	_ =	swait.ge [sflag:s30], $0x1000  }
0x44: {  	[sflag:s30] =	ssyncset.done $0x0  }
0x45: {  	s9 =	rddreg [dreg:$0x11];
	[sflag:s30] =	ssyncadd.s32 $0xFFFFF000  }
0x46: {  	[spmem:s9] =	stream.linear.scatter [tilespmem:s26], [sflag:$0x15], $0x1000, $0x38;
	[tilespmem:$0x1C620] =	vst v63  }
0x47: {  	_ =	swait.ge [sflag:s30], $0x1000  }
0x48: {  	[sflag:s30] =	ssyncset.done $0x0  }
0x49: {  	s10 =	rddreg [dreg:$0x12];
	[sflag:s30] =	ssyncadd.s32 $0xFFFFF000  }
0x4a: {  	[spmem:s10] =	stream.linear.scatter [tilespmem:s26], [sflag:$0x15], $0x1000, $0x38;
	[tilespmem:$0x1C620] =	vst v63  }
0x4b: {  	_ =	swait.ge [sflag:s30], $0x1000  }
0x4c: {  	[sflag:s30] =	ssyncset.done $0x0  }
0x4d: {  	[sflag:s30] =	ssyncadd.s32 $0xFFFFF000  }
0x4e: {  	[bflag:$0x0] =	sbarrier.arrive $0xFFFF  }
0x4f: {  	s9 =	simm.s32 $0xA000;
	s10 =	simm.s32 $0x0;
	s11 =	rddreg [dreg:$0x6]  }
0x50: {  	[tilespmem:s9], [sflag:$0x15] =	stream.linear.gather [hbm4b:s11+s10], $0x2710, $0x38;
	[tilespmem:$0x1C620] =	vst v63  }
0x51: {  	_ =	swait.ge [sflag:s30], $0x2710  }
0x52: {  	[sflag:s30] =	ssyncset.done $0x0  }
0x53: {  	s31 =	simm.s32 $0xC710;
	s12 =	rddreg [dreg:$0x7];
	[sflag:s30] =	ssyncadd.s32 $0xFFFFD8F0  }
0x54: {  	[tilespmem:s31], [sflag:$0x15] =	stream.linear.gather [hbm4b:s12+s10], $0x2710, $0x38;
	[tilespmem:$0x1C620] =	vst v63  }
0x55: {  	_ =	swait.ge [sflag:s30], $0x2710  }
0x56: {  	[sflag:s30] =	ssyncset.done $0x0  }
0x57: {  	s26 =	simm.s32 $0xFE20;
	[sflag:s30] =	ssyncadd.s32 $0xFFFFD8F0  }
0x58: {  	[tilespmem:s26], [sflag:$0x1] =	stream.indirect.gather [hbm4b:s4+s23], $0x40, s9, s23, $0xb8;
	[tilespmem:$0x1C620] =	vst v63  }
0x59: {  	s10 =	simm.s32 $0xA050;
	s30 =	simm.s32 $0x11220  }
0x5a: {  	[tilespmem:s30], [sflag:$0x2] =	stream.indirect.gather [hbm4b:s4+s23], $0x40, s10, s23, $0xb8;
	[tilespmem:$0x1C620] =	vst v63  }
0x5b: {  	s11 =	simm.s32 $0xA0A0;
	s9 =	simm.s32 $0x12620  }
0x5c: {  	[tilespmem:s9], [sflag:$0x3] =	stream.indirect.gather [hbm4b:s4+s23], $0x40, s11, s23, $0xb8;
	[tilespmem:$0x1C620] =	vst v63  }
0x5d: {  	s12 =	simm.s32 $0xA0F0;
	s10 =	simm.s32 $0x13A20  }
0x5e: {  	[tilespmem:s10], [sflag:$0x4] =	stream.indirect.gather [hbm4b:s4+s23], $0x40, s12, s23, $0xb8;
	[tilespmem:$0x1C620] =	vst v63  }
0x5f: {  	s31 =	simm.s32 $0xA140;
	s11 =	simm.s32 $0x14E20  }
0x60: {  	[tilespmem:s11], [sflag:$0x5] =	stream.indirect.gather [hbm4b:s4+s23], $0x40, s31, s23, $0xb8;
	[tilespmem:$0x1C620] =	vst v63  }
0x61: {  	_ =	swait.ge [sflag:s29], $0x1400  }
0x62: {  	[sflag:s29] =	ssyncset.done $0x0  }
0x63: {  	[sflag:s29] =	ssyncadd.s32 $0xFFFFEC00  }
0x64: {  	_ =	swait.ge [sflag:s7], $0x1400  }
0x65: {  	[sflag:s7] =	ssyncset.done $0x0  }
0x66: {  	[sflag:s7] =	ssyncadd.s32 $0xFFFFEC00  }
0x67: {  	_ =	swait.ge [sflag:s2], $0x1400  }
0x68: {  	[sflag:s2] =	ssyncset.done $0x0  }
0x69: {  	[sflag:s2] =	ssyncadd.s32 $0xFFFFEC00  }
0x6a: {  	_ =	swait.ge [sflag:s6], $0x1400  }
0x6b: {  	[sflag:s6] =	ssyncset.done $0x0  }
0x6c: {  	[sflag:s6] =	ssyncadd.s32 $0xFFFFEC00  }
0x6d: {  	_ =	swait.ge [sflag:s8], $0x1400  }
0x6e: {  	[sflag:s8] =	ssyncset.done $0x0  }
0x6f: {  	s2 =	simm.s32 $0xC710;
	[sflag:s8] =	ssyncadd.s32 $0xFFFFEC00  }
0x70: {  	[spmem:s1] =	stream.indirect.scatter.add.f32 [tilespmem:s26], [sflag:$0xB], $0x40, s2, s23, $0xb8;
	[tilespmem:$0x1C620] =	vst v63  }
0x71: {  	s6 =	simm.s32 $0xC760  }
0x72: {  	[spmem:s1] =	stream.indirect.scatter.add.f32 [tilespmem:s30], [sflag:$0xC], $0x40, s6, s23, $0xb8;
	[tilespmem:$0x1C620] =	vst v63  }
0x73: {  	s7 =	simm.s32 $0xC7B0  }
0x74: {  	[spmem:s1] =	stream.indirect.scatter.add.f32 [tilespmem:s9], [sflag:$0xD], $0x40, s7, s23, $0xb8;
	[tilespmem:$0x1C620] =	vst v63  }
0x75: {  	s8 =	simm.s32 $0xC800  }
0x76: {  	[spmem:s1] =	stream.indirect.scatter.add.f32 [tilespmem:s10], [sflag:$0xE], $0x40, s8, s23, $0xb8;
	[tilespmem:$0x1C620] =	vst v63  }
0x77: {  	s12 =	simm.s32 $0xC850  }
0x78: {  	[spmem:s1] =	stream.indirect.scatter.add.f32 [tilespmem:s11], [sflag:$0xF], $0x40, s12, s23, $0xb8;
	[tilespmem:$0x1C620] =	vst v63  }
0x79: {  	s31 =	simm.s32 $0xA190;
	s7 =	simm.s32 $0x16220  }
0x7a: {  	[tilespmem:s7], [sflag:$0x6] =	stream.indirect.gather [hbm4b:s4+s23], $0x40, s31, s23, $0xb8;
	[tilespmem:$0x1C620] =	vst v63  }
0x7b: {  	s2 =	simm.s32 $0xA1E0;
	s8 =	simm.s32 $0x17620  }
0x7c: {  	[tilespmem:s8], [sflag:$0x7] =	stream.indirect.gather [hbm4b:s4+s23], $0x40, s2, s23, $0xb8;
	[tilespmem:$0x1C620] =	vst v63  }
0x7d: {  	s6 =	simm.s32 $0xA230;
	s12 =	simm.s32 $0x18A20  }
0x7e: {  	[tilespmem:s12], [sflag:$0x8] =	stream.indirect.gather [hbm4b:s4+s23], $0x40, s6, s23, $0xb8;
	[tilespmem:$0x1C620] =	vst v63  }
0x7f: {  	s31 =	simm.s32 $0xA280;
	s6 =	simm.s32 $0x19E20  }
0x80: {  	[tilespmem:s6], [sflag:$0x9] =	stream.indirect.gather [hbm4b:s4+s23], $0x40, s31, s23, $0xb8;
	[tilespmem:$0x1C620] =	vst v63  }
0x81: {  	s2 =	simm.s32 $0xA2D0;
	s31 =	simm.s32 $0x1B220  }
0x82: {  	[tilespmem:s31], [sflag:$0xA] =	stream.indirect.gather [hbm4b:s4+s23], $0x40, s2, s23, $0xb8;
	[tilespmem:$0x1C620] =	vst v63  }
0x83: {  	_ =	swait.ge [sflag:s13], $0x1400  }
0x84: {  	[sflag:s13] =	ssyncset.done $0x0  }
0x85: {  	[sflag:s13] =	ssyncadd.s32 $0xFFFFEC00  }
0x86: {  	_ =	swait.ge [sflag:s21], $0x1400  }
0x87: {  	[sflag:s21] =	ssyncset.done $0x0  }
0x88: {  	[sflag:s21] =	ssyncadd.s32 $0xFFFFEC00  }
0x89: {  	_ =	swait.ge [sflag:s14], $0x1400  }
0x8a: {  	[sflag:s14] =	ssyncset.done $0x0  }
0x8b: {  	[sflag:s14] =	ssyncadd.s32 $0xFFFFEC00  }
0x8c: {  	_ =	swait.ge [sflag:s15], $0x1400  }
0x8d: {  	[sflag:s15] =	ssyncset.done $0x0  }
0x8e: {  	[sflag:s15] =	ssyncadd.s32 $0xFFFFEC00  }
0x8f: {  	_ =	swait.ge [sflag:s16], $0x1400  }
0x90: {  	[sflag:s16] =	ssyncset.done $0x0  }
0x91: {  	[sflag:s16] =	ssyncadd.s32 $0xFFFFEC00  }
0x92: {  	_ =	swait.ge [sflag:s17], $0x1400  }
0x93: {  	[sflag:s17] =	ssyncset.done $0x0  }
0x94: {  	[sflag:s17] =	ssyncadd.s32 $0xFFFFEC00  }
0x95: {  	_ =	swait.ge [sflag:s18], $0x1400  }
0x96: {  	[sflag:s18] =	ssyncset.done $0x0  }
0x97: {  	[sflag:s18] =	ssyncadd.s32 $0xFFFFEC00  }
0x98: {  	_ =	swait.ge [sflag:s25], $0x1400  }
0x99: {  	[sflag:s25] =	ssyncset.done $0x0  }
0x9a: {  	[sflag:s25] =	ssyncadd.s32 $0xFFFFEC00  }
0x9b: {  	_ =	swait.ge [sflag:s5], $0x1400  }
0x9c: {  	[sflag:s5] =	ssyncset.done $0x0  }
0x9d: {  	[sflag:s5] =	ssyncadd.s32 $0xFFFFEC00  }
0x9e: {  	_ =	swait.ge [sflag:s19], $0x1400  }
0x9f: {  	[sflag:s19] =	ssyncset.done $0x0  }
0xa0: {  	s14 =	simm.s32 $0xC8A0;
	[sflag:s19] =	ssyncadd.s32 $0xFFFFEC00  }
0xa1: {  	[spmem:s1] =	stream.indirect.scatter.add.f32 [tilespmem:s7], [sflag:$0x10], $0x40, s14, s23, $0xb8;
	[tilespmem:$0x1C620] =	vst v63  }
0xa2: {  	s15 =	simm.s32 $0xC8F0  }
0xa3: {  	[spmem:s1] =	stream.indirect.scatter.add.f32 [tilespmem:s8], [sflag:$0x11], $0x40, s15, s23, $0xb8;
	[tilespmem:$0x1C620] =	vst v63  }
0xa4: {  	s16 =	simm.s32 $0xC940  }
0xa5: {  	[spmem:s1] =	stream.indirect.scatter.add.f32 [tilespmem:s12], [sflag:$0x12], $0x40, s16, s23, $0xb8;
	[tilespmem:$0x1C620] =	vst v63  }
0xa6: {  	s17 =	simm.s32 $0xC990  }
0xa7: {  	[spmem:s1] =	stream.indirect.scatter.add.f32 [tilespmem:s6], [sflag:$0x13], $0x40, s17, s23, $0xb8;
	[tilespmem:$0x1C620] =	vst v63  }
0xa8: {  	s18 =	simm.s32 $0xC9E0  }
0xa9: {  	[spmem:s1] =	stream.indirect.scatter.add.f32 [tilespmem:s31], [sflag:$0x14], $0x40, s18, s23, $0xb8;
	[tilespmem:$0x1C620] =	vst v63  }
0xaa: {  	s19 =	simm.s32 $0xA320  }
0xab: {  	[tilespmem:s26], [sflag:$0x1] =	stream.indirect.gather [hbm4b:s4+s23], $0x40, s19, s23, $0xb8;
	[tilespmem:$0x1C620] =	vst v63  }
0xac: {  	s21 =	simm.s32 $0xA370  }
0xad: {  	[tilespmem:s30], [sflag:$0x2] =	stream.indirect.gather [hbm4b:s4+s23], $0x40, s21, s23, $0xb8;
	[tilespmem:$0x1C620] =	vst v63  }
0xae: {  	s25 =	simm.s32 $0xA3C0  }
0xaf: {  	[tilespmem:s9], [sflag:$0x3] =	stream.indirect.gather [hbm4b:s4+s23], $0x40, s25, s23, $0xb8;
	[tilespmem:$0x1C620] =	vst v63  }
0xb0: {  	s26 =	simm.s32 $0xA410  }
0xb1: {  	[tilespmem:s10], [sflag:$0x4] =	stream.indirect.gather [hbm4b:s4+s23], $0x40, s26, s23, $0xb8;
	[tilespmem:$0x1C620] =	vst v63  }
0xb2: {  	s31 =	simm.s32 $0xA460  }
0xb3: {  	[tilespmem:s11], [sflag:$0x5] =	stream.indirect.gather [hbm4b:s4+s23], $0x40, s31, s23, $0xb8;
	[tilespmem:$0x1C620] =	vst v63  }
0xb4: {  	_ =	swait.ge [sflag:s3], $0x1400  }
0xb5: {  	[sflag:s3] =	ssyncset.done $0x0  }
0xb6: {  	[sflag:s3] =	ssyncadd.s32 $0xFFFFEC00  }
0xb7: {  	_ =	swait.ge [sflag:s20], $0x1400  }
0xb8: {  	[sflag:s20] =	ssyncset.done $0x0  }
0xb9: {  	[sflag:s20] =	ssyncadd.s32 $0xFFFFEC00  }
0xba: {  	s0 =	simm.s32 $0x14;
	s13 =	simm.s32 $0xB;
	_ =	swait.ge [sflag:s24], $0x1400  }
0xbb: {  	s5 =	simm.s32 $0x9;
	s14 =	simm.s32 $0xD;
	[sflag:s24] =	ssyncset.done $0x0  }
0xbc: {  	s15 =	simm.s32 $0xE;
	s16 =	simm.s32 $0xF;
	[sflag:s24] =	ssyncadd.s32 $0xFFFFEC00  }
0xbd: {  	s17 =	simm.s32 $0x6;
	s18 =	simm.s32 $0x7;
	_ =	swait.ge [sflag:s28], $0x1400  }
0xbe: {  	s19 =	simm.s32 $0xA;
	s30 =	simm.s32 $0xC80;
	[sflag:s28] =	ssyncset.done $0x0  }
0xbf: {  	s21 =	simm.s32 $0xC;
	s25 =	simm.s32 $0x8;
	[sflag:s28] =	ssyncadd.s32 $0xFFFFEC00  }
0xc0: {  	s3 =	simm.s32 $0x10;
	s20 =	simm.s32 $0x11;
	_ =	swait.ge [sflag:s0], $0x1400  }
0xc1: {  	s24 =	simm.s32 $0x12;
	s28 =	simm.s32 $0x13;
	[sflag:s0] =	ssyncset.done $0x0  }
.LBB2_4:
0xc2: {  	p0 =	sne.s32 s30, $0x8980  }
0xc3: {  	[sflag:s0] =	ssyncadd.s32 $0xFFFFEC00;
	s0 =	smov.u32 s30;
	s30 =	sadd.s32 $0xC80, s30  }
0xc4: {  	_ =	swait.ge [sflag:s29], $0x1400  }
0xc5: {  	[sflag:s29] =	ssyncset.done $0x0  }
0xc6: {  	[sflag:s29] =	ssyncadd.s32 $0xFFFFEC00  }
0xc7: {  	_ =	swait.ge [sflag:s22], $0x1400  }
0xc8: {  	[sflag:s22] =	ssyncset.done $0x0  }
0xc9: {  	s2 =	simm.s32 $0x3;
	[sflag:s22] =	ssyncadd.s32 $0xFFFFEC00  }
0xca: {  	_ =	swait.ge [sflag:s2], $0x1400  }
0xcb: {  	[sflag:s2] =	ssyncset.done $0x0  }
0xcc: {  	s6 =	simm.s32 $0x4;
	[sflag:s2] =	ssyncadd.s32 $0xFFFFEC00  }
0xcd: {  	_ =	swait.ge [sflag:s6], $0x1400  }
0xce: {  	[sflag:s6] =	ssyncset.done $0x0  }
0xcf: {  	s7 =	simm.s32 $0x5;
	[sflag:s6] =	ssyncadd.s32 $0xFFFFEC00  }
0xd0: {  	_ =	swait.ge [sflag:s7], $0x1400  }
0xd1: {  	s0 =	sshra.s32 s0, $0x2;
	[sflag:s7] =	ssyncset.done $0x0  }
0xd2: {  	s26 =	sadd.s32 $0xC710, s0;
	s29 =	simm.s32 $0xFE20;
	[sflag:s7] =	ssyncadd.s32 $0xFFFFEC00  }
0xd3: {  	[spmem:s1] =	stream.indirect.scatter.add.f32 [tilespmem:s29], [sflag:$0xB], $0x40, s26, s23, $0xb8;
	[tilespmem:$0x1C620] =	vst v63  }
0xd4: {  	s7 =	simm.s32 $0x11220;
	s26 =	sadd.s32 $0xC760, s0  }
0xd5: {  	[spmem:s1] =	stream.indirect.scatter.add.f32 [tilespmem:s7], [sflag:$0xC], $0x40, s26, s23, $0xb8;
	[tilespmem:$0x1C620] =	vst v63  }
0xd6: {  	s9 =	simm.s32 $0x12620;
	s26 =	sadd.s32 $0xC7B0, s0  }
0xd7: {  	[spmem:s1] =	stream.indirect.scatter.add.f32 [tilespmem:s9], [sflag:$0xD], $0x40, s26, s23, $0xb8;
	[tilespmem:$0x1C620] =	vst v63  }
0xd8: {  	s10 =	simm.s32 $0x13A20;
	s26 =	sadd.s32 $0xC800, s0  }
0xd9: {  	[spmem:s1] =	stream.indirect.scatter.add.f32 [tilespmem:s10], [sflag:$0xE], $0x40, s26, s23, $0xb8;
	[tilespmem:$0x1C620] =	vst v63  }
0xda: {  	s11 =	simm.s32 $0x14E20;
	s26 =	sadd.s32 $0xC850, s0  }
0xdb: {  	[spmem:s1] =	stream.indirect.scatter.add.f32 [tilespmem:s11], [sflag:$0xF], $0x40, s26, s23, $0xb8;
	[tilespmem:$0x1C620] =	vst v63  }
0xdc: {  	s8 =	simm.s32 $0x16220;
	s26 =	sadd.s32 $0xA190, s0  }
0xdd: {  	[tilespmem:s8], [sflag:$0x6] =	stream.indirect.gather [hbm4b:s4+s23], $0x40, s26, s23, $0xb8;
	[tilespmem:$0x1C620] =	vst v63  }
0xde: {  	s31 =	simm.s32 $0x17620;
	s26 =	sadd.s32 $0xA1E0, s0  }
0xdf: {  	[tilespmem:s31], [sflag:$0x7] =	stream.indirect.gather [hbm4b:s4+s23], $0x40, s26, s23, $0xb8;
	[tilespmem:$0x1C620] =	vst v63  }
0xe0: {  	s12 =	simm.s32 $0x18A20;
	s26 =	sadd.s32 $0xA230, s0  }
0xe1: {  	[tilespmem:s12], [sflag:$0x8] =	stream.indirect.gather [hbm4b:s4+s23], $0x40, s26, s23, $0xb8;
	[tilespmem:$0x1C620] =	vst v63  }
0xe2: {  	s6 =	simm.s32 $0x19E20;
	s26 =	sadd.s32 $0xA280, s0  }
0xe3: {  	[tilespmem:s6], [sflag:$0x9] =	stream.indirect.gather [hbm4b:s4+s23], $0x40, s26, s23, $0xb8;
	[tilespmem:$0x1C620] =	vst v63  }
0xe4: {  	s2 =	simm.s32 $0x1B220;
	s26 =	sadd.s32 $0xA2D0, s0  }
0xe5: {  	[tilespmem:s2], [sflag:$0xA] =	stream.indirect.gather [hbm4b:s4+s23], $0x40, s26, s23, $0xb8;
	[tilespmem:$0x1C620] =	vst v63  }
0xe6: {  	_ =	swait.ge [sflag:s13], $0x1400  }
0xe7: {  	[sflag:s13] =	ssyncset.done $0x0  }
0xe8: {  	[sflag:s13] =	ssyncadd.s32 $0xFFFFEC00  }
0xe9: {  	_ =	swait.ge [sflag:s21], $0x1400  }
0xea: {  	[sflag:s21] =	ssyncset.done $0x0  }
0xeb: {  	[sflag:s21] =	ssyncadd.s32 $0xFFFFEC00  }
0xec: {  	_ =	swait.ge [sflag:s14], $0x1400  }
0xed: {  	[sflag:s14] =	ssyncset.done $0x0  }
0xee: {  	[sflag:s14] =	ssyncadd.s32 $0xFFFFEC00  }
0xef: {  	_ =	swait.ge [sflag:s15], $0x1400  }
0xf0: {  	[sflag:s15] =	ssyncset.done $0x0  }
0xf1: {  	[sflag:s15] =	ssyncadd.s32 $0xFFFFEC00  }
0xf2: {  	_ =	swait.ge [sflag:s16], $0x1400  }
0xf3: {  	[sflag:s16] =	ssyncset.done $0x0  }
0xf4: {  	[sflag:s16] =	ssyncadd.s32 $0xFFFFEC00  }
0xf5: {  	_ =	swait.ge [sflag:s17], $0x1400  }
0xf6: {  	[sflag:s17] =	ssyncset.done $0x0  }
0xf7: {  	[sflag:s17] =	ssyncadd.s32 $0xFFFFEC00  }
0xf8: {  	_ =	swait.ge [sflag:s18], $0x1400  }
0xf9: {  	[sflag:s18] =	ssyncset.done $0x0  }
0xfa: {  	[sflag:s18] =	ssyncadd.s32 $0xFFFFEC00  }
0xfb: {  	_ =	swait.ge [sflag:s25], $0x1400  }
0xfc: {  	[sflag:s25] =	ssyncset.done $0x0  }
0xfd: {  	[sflag:s25] =	ssyncadd.s32 $0xFFFFEC00  }
0xfe: {  	_ =	swait.ge [sflag:s5], $0x1400  }
0xff: {  	[sflag:s5] =	ssyncset.done $0x0  }
0x100: {  	[sflag:s5] =	ssyncadd.s32 $0xFFFFEC00  }
0x101: {  	_ =	swait.ge [sflag:s19], $0x1400  }
0x102: {  	[sflag:s19] =	ssyncset.done $0x0  }
0x103: {  	s26 =	sadd.s32 $0xC8A0, s0;
	[sflag:s19] =	ssyncadd.s32 $0xFFFFEC00  }
0x104: {  	[spmem:s1] =	stream.indirect.scatter.add.f32 [tilespmem:s8], [sflag:$0x10], $0x40, s26, s23, $0xb8;
	[tilespmem:$0x1C620] =	vst v63  }
0x105: {  	s26 =	sadd.s32 $0xC8F0, s0  }
0x106: {  	[spmem:s1] =	stream.indirect.scatter.add.f32 [tilespmem:s31], [sflag:$0x11], $0x40, s26, s23, $0xb8;
	[tilespmem:$0x1C620] =	vst v63  }
0x107: {  	s26 =	sadd.s32 $0xC940, s0  }
0x108: {  	[spmem:s1] =	stream.indirect.scatter.add.f32 [tilespmem:s12], [sflag:$0x12], $0x40, s26, s23, $0xb8;
	[tilespmem:$0x1C620] =	vst v63  }
0x109: {  	s26 =	sadd.s32 $0xC990, s0  }
0x10a: {  	[spmem:s1] =	stream.indirect.scatter.add.f32 [tilespmem:s6], [sflag:$0x13], $0x40, s26, s23, $0xb8;
	[tilespmem:$0x1C620] =	vst v63  }
0x10b: {  	s26 =	sadd.s32 $0xC9E0, s0  }
0x10c: {  	[spmem:s1] =	stream.indirect.scatter.add.f32 [tilespmem:s2], [sflag:$0x14], $0x40, s26, s23, $0xb8;
	[tilespmem:$0x1C620] =	vst v63  }
0x10d: {  	s26 =	sadd.s32 $0xA320, s0  }
0x10e: {  	[tilespmem:s29], [sflag:$0x1] =	stream.indirect.gather [hbm4b:s4+s23], $0x40, s26, s23, $0xb8;
	[tilespmem:$0x1C620] =	vst v63  }
0x10f: {  	s31 =	simm.s32 $0xFE20;
	s29 =	simm.s32 $0x1  }
0x110: {  	s8 =	simm.s32 $0x11220;
	s26 =	sadd.s32 $0xA370, s0  }
0x111: {  	[tilespmem:s7], [sflag:$0x2] =	stream.indirect.gather [hbm4b:s4+s23], $0x40, s26, s23, $0xb8;
	[tilespmem:$0x1C620] =	vst v63  }
0x112: {  	s26 =	sadd.s32 $0xA3C0, s0;
	s7 =	simm.s32 $0x12620  }
0x113: {  	[tilespmem:s9], [sflag:$0x3] =	stream.indirect.gather [hbm4b:s4+s23], $0x40, s26, s23, $0xb8;
	[tilespmem:$0x1C620] =	vst v63  }
0x114: {  	s26 =	sadd.s32 $0xA410, s0;
	s9 =	simm.s32 $0x13A20  }
0x115: {  	[tilespmem:s10], [sflag:$0x4] =	stream.indirect.gather [hbm4b:s4+s23], $0x40, s26, s23, $0xb8;
	[tilespmem:$0x1C620] =	vst v63  }
0x116: {  	s0 =	sadd.s32 $0xA460, s0  }
0x117: {  	[tilespmem:s11], [sflag:$0x5] =	stream.indirect.gather [hbm4b:s4+s23], $0x40, s0, s23, $0xb8;
	[tilespmem:$0x1C620] =	vst v63  }
0x118: {  	s10 =	simm.s32 $0x14E20;
	s0 =	simm.s32 $0x14  }
0x119: {  	_ =	swait.ge [sflag:s3], $0x1400  }
0x11a: {  	[sflag:s3] =	ssyncset.done $0x0  }
0x11b: {  	[sflag:s3] =	ssyncadd.s32 $0xFFFFEC00  }
0x11c: {  	_ =	swait.ge [sflag:s20], $0x1400  }
0x11d: {  	[sflag:s20] =	ssyncset.done $0x0  }
0x11e: {  	[sflag:s20] =	ssyncadd.s32 $0xFFFFEC00  }
0x11f: {  	_ =	swait.ge [sflag:s24], $0x1400  }
0x120: {  	[sflag:s24] =	ssyncset.done $0x0  }
0x121: {  	[sflag:s24] =	ssyncadd.s32 $0xFFFFEC00  }
.Ltmp1:
0x122: {  	_ =	swait.ge [sflag:s28], $0x1400;
	(pc) =	sbr.rel @p0 .LBB2_4-.Ltmp1, $4  }
0x123: {  	[sflag:s28] =	ssyncset.done $0x0  }
0x124: {  	[sflag:s28] =	ssyncadd.s32 $0xFFFFEC00  }
0x125: {  	_ =	swait.ge [sflag:s0], $0x1400  }
0x126: {  	[sflag:s0] =	ssyncset.done $0x0  }
0x127: {  	[sflag:s0] =	ssyncadd.s32 $0xFFFFEC00  }
0x128: {  	_ =	swait.ge [sflag:s29], $0x1400  }
0x129: {  	[sflag:s29] =	ssyncset.done $0x0  }
0x12a: {  	[sflag:s29] =	ssyncadd.s32 $0xFFFFEC00  }
0x12b: {  	_ =	swait.ge [sflag:s22], $0x1400  }
0x12c: {  	[sflag:s22] =	ssyncset.done $0x0  }
0x12d: {  	s5 =	simm.s32 $0x3;
	[sflag:s22] =	ssyncadd.s32 $0xFFFFEC00  }
0x12e: {  	_ =	swait.ge [sflag:s5], $0x1400  }
0x12f: {  	[sflag:s5] =	ssyncset.done $0x0  }
0x130: {  	s6 =	simm.s32 $0x4;
	[sflag:s5] =	ssyncadd.s32 $0xFFFFEC00  }
0x131: {  	_ =	swait.ge [sflag:s6], $0x1400  }
0x132: {  	[sflag:s6] =	ssyncset.done $0x0  }
0x133: {  	s11 =	simm.s32 $0x5;
	[sflag:s6] =	ssyncadd.s32 $0xFFFFEC00  }
0x134: {  	_ =	swait.ge [sflag:s11], $0x1400  }
0x135: {  	[sflag:s11] =	ssyncset.done $0x0  }
0x136: {  	s12 =	simm.s32 $0xEC90;
	[sflag:s11] =	ssyncadd.s32 $0xFFFFEC00  }
0x137: {  	[spmem:s1] =	stream.indirect.scatter.add.f32 [tilespmem:s31], [sflag:$0xB], $0x40, s12, s23, $0xb8;
	[tilespmem:$0x1C620] =	vst v63  }
0x138: {  	s17 =	simm.s32 $0xECE0  }
0x139: {  	[spmem:s1] =	stream.indirect.scatter.add.f32 [tilespmem:s8], [sflag:$0xC], $0x40, s17, s23, $0xb8;
	[tilespmem:$0x1C620] =	vst v63  }
0x13a: {  	s18 =	simm.s32 $0xED30  }
0x13b: {  	[spmem:s1] =	stream.indirect.scatter.add.f32 [tilespmem:s7], [sflag:$0xD], $0x40, s18, s23, $0xb8;
	[tilespmem:$0x1C620] =	vst v63  }
0x13c: {  	s19 =	simm.s32 $0xED80  }
0x13d: {  	[spmem:s1] =	stream.indirect.scatter.add.f32 [tilespmem:s9], [sflag:$0xE], $0x40, s19, s23, $0xb8;
	[tilespmem:$0x1C620] =	vst v63  }
0x13e: {  	s20 =	simm.s32 $0xEDD0  }
0x13f: {  	[spmem:s1] =	stream.indirect.scatter.add.f32 [tilespmem:s10], [sflag:$0xF], $0x40, s20, s23, $0xb8;
	[tilespmem:$0x1C620] =	vst v63  }
0x140: {  	_ =	swait.ge [sflag:s13], $0x1400  }
0x141: {  	[sflag:s13] =	ssyncset.done $0x0  }
0x142: {  	[sflag:s13] =	ssyncadd.s32 $0xFFFFEC00  }
0x143: {  	_ =	swait.ge [sflag:s21], $0x1400  }
0x144: {  	[sflag:s21] =	ssyncset.done $0x0  }
0x145: {  	[sflag:s21] =	ssyncadd.s32 $0xFFFFEC00  }
0x146: {  	_ =	swait.ge [sflag:s14], $0x1400  }
0x147: {  	[sflag:s14] =	ssyncset.done $0x0  }
0x148: {  	[sflag:s14] =	ssyncadd.s32 $0xFFFFEC00  }
0x149: {  	_ =	swait.ge [sflag:s15], $0x1400  }
0x14a: {  	[sflag:s15] =	ssyncset.done $0x0  }
0x14b: {  	[sflag:s15] =	ssyncadd.s32 $0xFFFFEC00  }
0x14c: {  	_ =	swait.ge [sflag:s16], $0x1400  }
0x14d: {  	[sflag:s16] =	ssyncset.done $0x0  }
0x14e: {  	[sflag:s16] =	ssyncadd.s32 $0xFFFFEC00  }
0x14f: {  	s21 =	stileid.u32;
	[bflag:$0x0] =	sbarrier.arrive $0xFFFF  }
0x150: {  	s0 =	sshll.u32 s21, $0x6;
	s26 =	rddreg [dreg:$0x8]  }
0x151: {  	s30 =	simm.s32 $0x15;
	s0 =	sor.u32 $0x1C15, s0;
	s24 =	rddreg [dreg:$0x13]  }
0x152: {  	[hbm:s26], [sflag:s0] =	dma.local [spmem:s24], $0x1400  }
0x153: {  	s2 =	simm.s32 $0x3;
	_ =	swait.ge [sflag:s30], $0x1400  }
0x154: {  	s3 =	simm.s32 $0x10;
	s28 =	simm.s32 $0x13;
	s25 =	rddreg [dreg:$0x4]  }
0x155: {  	s5 =	simm.s32 $0x9;
	s31 =	rddreg [dreg:$0x9];
	s26 =	sadd.s32 $0x1, s25  }
0x156: {  	s6 =	simm.s32 $0x4;
	s8 =	simm.s32 $0x5;
	p0 =	sne.s32 s26, s31  }
.Ltmp2:
0x157: {  	s17 =	simm.s32 $0x6;
	s7 =	simm.s32 $0x2;
	(pc) =	sbr.rel @p0 .LBB2_1-.Ltmp2, $4  }
0x158: {  	s18 =	simm.s32 $0x7;
	s19 =	simm.s32 $0xA;
	s20 =	simm.s32 $0x11  }
0x159: {  	s13 =	simm.s32 $0xB;
	s21 =	simm.s32 $0xC;
	s14 =	simm.s32 $0xD  }
0x15a: {  	s15 =	simm.s32 $0xE;
	s16 =	simm.s32 $0xF;
	[sflag:s30] =	ssyncset.done $0x0  }
0x15b: {  	s24 =	simm.s32 $0x12;
	[sflag:s30] =	ssyncadd.s32 $0xFFFFEC00;
	s25 =	simm.s32 $0x8  }
0x15c: {  	_ =	sfence.sel $0x180000  }
0x15d: {  	[bflag:$0x0] =	sbarrier.arrive $0xFFFF  }
0x15e: {  	_ =	strace $0x9000004A  }
0x15f: {  	s0 =	stileid.u32;
	[bflag:$0x2] =	sbarrier.arrive $0xFFFF  }
0x160: {  	p0 =	sne.s32 s0, $0x0;
	s0 =	rddreg [dreg:$0x3]  }
0x161: {  	s0 =	sadd.s32 @!p0 $0x100000, s0  }
0x162: {  	[sflag:s0] =	ssyncadd.tile.s32 @!p0 $0x1;
	_ =	shalt  }
.Lfunc_end2:
_tile_overlayer_lowered:
.L_overlay_start_2:
0x163: {  	(tag) =	ssettag $0x2  }
0x164: {  	s0 =	rddreg [dreg:$0x0];
	s2 =	stileid.u32  }
0x165: {  	s1 =	rddreg [dreg:$0x1];
	p0 =	sne.s32 s2, $0x0  }
0x166: {  	s3 =	rddreg [dreg:$0x2];
	[bflag:$0x3] =	sbarrier.arrive $0xFFFF;
	s2 =	simm.s32 @!p0 $0x1C15  }
0x167: {  	[timem:s3], [sflag:s2] =	dma.local @!p0 [hbm:s0], s1  }
0x168: {  	s0 =	simm.s32 @!p0 $0x15  }
0x169: {  	_ =	swait.ge @!p0 [sflag:s0], s1  }
0x16a: {  	s1 =	ssub.s32 @!p0 $0x0, s1;
	[sflag:s0] =	ssyncset.done @!p0 $0x0  }
0x16b: {  	[sflag:s0] =	ssyncadd.s32 @!p0 s1  }
0x16c: {  	[bflag:$0x3] =	sbarrier.arrive $0xFFFF  }
0x16d: {  	_ =	shalt  }

// kernel: kernel.14.cloned.1.call-start
scs
__scs_entry_jumppad:
0x0: {  	(pc) =	sbr.rel $0x88, $3  }
0x1: {  	(tag) =	ssettag $0x0;
	lr =	simm.s32 $0x1  }
0x2: {  	[smem:$0x3F9B] =	sst lr;
	_ =	strace $0xD0000000  }
0x3: {  	_ = 	snop  }
0x4: {  	_ = 	snop  }
0x5: {  	_ = 	snop  }
0x6: {  	_ = 	snop  }
0x7: {  	_ = 	snop  }
__scs_overlays_trampoline_lowered:
0x8: {  	[smem:$0x3FAA] =	sst s0  }
0x9: {  	[smem:$0x3FAB] =	sst s1  }
0xa: {  	[smem:$0x3FAC] =	sst s2  }
0xb: {  	[smem:$0x3FAD] =	sst s3  }
0xc: {  	[smem:$0x3FAE] =	sst s4  }
0xd: {  	[smem:$0x3FAF] =	sst s5  }
0xe: {  	[smem:$0x3FB0] =	sst s6  }
0xf: {  	[smem:$0x3FB1] =	sst s7  }
0x10: {  	[smem:$0x3FB2] =	sst s8  }
0x11: {  	[smem:$0x3FB3] =	sst s9;
	s0 =	simm.s32 @!p0 $0x0  }
0x12: {  	s1 =	sld [smem:$0x3F99];
	s0 =	simm.s32 @p0 $0x1  }
0x13: {  	[smem:$0x3FB4] =	sst s0;
	s0 =	simm.s32 @!p1 $0x0  }
0x14: {  	s2 =	sld [smem:$0x3F98];
	s0 =	simm.s32 @p1 $0x1  }
0x15: {  	[smem:$0x3FB5] =	sst s0;
	s0 =	simm.s32 @!p2 $0x0  }
0x16: {  	s3 =	sld [smem:$0x3FDB];
	s0 =	simm.s32 @p2 $0x1  }
0x17: {  	s4 =	simm.s32 $0x1BF5;
	[smem:$0x3FB7] =	sst s0  }
0x18: {  	s0 =	sld [smem:$0x3F9A];
	_ =	swait.ge [sflag:s4], $0x0  }
0x19: {  	s7 =	sld [smem:$0x3F9B]  }
0x1a: {  	s8 =	sadd.s32 $0xFFFFE003, lr  }
0x1b: {  	s9 =	sadd.s32 $0xFFFFFEF7, lr;
	s5 =	simm.s32 $0xFFFFFFFF;
	p2 =	slt.u32 s8, $0xFFFFF086  }
0x1c: {  	p1 =	slt.u32 s9, $0xF7A;
	s5 =	simm.s32 @!p2 $0x0  }
0x1d: {  	s5 =	simm.s32 @p1 $0x1;
	p0 =	seq.s32 s7, s2  }
0x1e: {  	s7 =	smul.u32 @!p0 $0xF7A, s2;
	p2 =	seq.s32 @!p0 s5, $0x0  }
0x1f: {  	s9 =	smul.u32 $0xF7A, s1;
	s8 =	simm.s32 @!p0 $0x1BF5;
	p2 =	por !p2, p0  }
0x20: {  	[sflag:s8] =	ssyncset.s32 @!p0 $0xFFFFF086;
	s6 =	sadd.s32 @!p0 s3, s7;
	s7 =	simm.s32 @!p0 $0x108  }
0x21: {  	s3 =	sadd.s32 s3, s9;
	s6 =	sadd.s32 @!p0 $0x88, s6;
	s7 =	simm.s32 @p2 $0x1082  }
0x22: {  	[simem:s7], [sflag:s8] =	dma.local @!p0 [hbm:s6], $0xF7A  }
0x23: {  	s9 =	sor.u32 $0xD0000000, s2;
	s6 =	simm.s32 $0x108;
	_ =	swait.ge @!p0 [sflag:s8], $0x0  }
0x24: {  	s3 =	sadd.s32 $0x88, s3;
	s6 =	simm.s32 @!p1 $0x1082;
	[sflag:s4] =	ssyncset.s32 $0xFFFFF086  }
0x25: {  	[simem:s6], [sflag:s4] =	dma.local [hbm:s3], $0xF7A  }
0x26: {  	[smem:$0x3F9B] =	sst s1;
	(tag) =	ssettag s2;
	_ =	strace s9  }
0x27: {  	s1 =	sld [smem:$0x3FAB]  }
0x28: {  	s2 =	sld [smem:$0x3FAC]  }
0x29: {  	s4 =	sld [smem:$0x3FAE]  }
0x2a: {  	p0 =	seq.s32 s5, $0x0;
	s5 =	sld [smem:$0x3FAF]  }
0x2b: {  	s6 =	sld [smem:$0x3FB0]  }
0x2c: {  	s7 =	sld [smem:$0x3FB1]  }
0x2d: {  	s3 =	simm.s32 $0x108;
	s8 =	sld [smem:$0x3FB2]  }
0x2e: {  	s3 =	simm.s32 @!p0 $0x1082;
	s9 =	sld [smem:$0x3FB3]  }
0x2f: {  	lr =	sadd.s32 s0, s3;
	s0 =	sld [smem:$0x3FAA]  }
0x30: {  	s3 =	sld [smem:$0x3FAD]  }
0x31: {  	[smem:$0x3FB6] =	sst s10  }
0x32: {  	s10 =	sld [smem:$0x3FB4];
	_ =	sdelay $0x3  }
0x33: {  	p0 =	seq.s32 s10, $0x1;
	s10 =	sld [smem:$0x3FB6];
	_ =	sdelay $0x3  }
0x34: {  	[smem:$0x3FB6] =	sst s10  }
0x35: {  	s10 =	sld [smem:$0x3FB5];
	_ =	sdelay $0x3  }
0x36: {  	p1 =	seq.s32 s10, $0x1;
	s10 =	sld [smem:$0x3FB6];
	_ =	sdelay $0x3  }
0x37: {  	[smem:$0x3FB6] =	sst s10  }
0x38: {  	s10 =	sld [smem:$0x3FB7]  }
0x39: {  	_ = 	snop;
	(pc) =	sbr.ind lr, $3  }
0x3a: {  	_ = 	snop  }
0x3b: {  	_ = 	snop  }
0x3c: {  	p2 =	seq.s32 s10, $0x1;
	s10 =	sld [smem:$0x3FB6]  }
0x3d: {  	_ =	shalt  }
0x3e: {  	_ =	shalt  }
0x3f: {  	_ =	shalt  }
0x40: {  	_ =	shalt  }
0x41: {  	_ =	shalt  }
0x42: {  	_ =	shalt  }
0x43: {  	_ =	shalt  }
0x44: {  	_ =	shalt  }
0x45: {  	_ =	shalt  }
0x46: {  	_ =	shalt  }
0x47: {  	_ =	shalt  }
0x48: {  	_ =	shalt  }
0x49: {  	_ =	shalt  }
0x4a: {  	_ =	shalt  }
0x4b: {  	_ =	shalt  }
0x4c: {  	_ =	shalt  }
0x4d: {  	_ =	shalt  }
0x4e: {  	_ =	shalt  }
0x4f: {  	_ =	shalt  }
0x50: {  	_ =	shalt  }
0x51: {  	_ =	shalt  }
0x52: {  	_ =	shalt  }
0x53: {  	_ =	shalt  }
0x54: {  	_ =	shalt  }
0x55: {  	_ =	shalt  }
0x56: {  	_ =	shalt  }
0x57: {  	_ =	shalt  }
0x58: {  	_ =	shalt  }
0x59: {  	_ =	shalt  }
0x5a: {  	_ =	shalt  }
0x5b: {  	_ =	shalt  }
0x5c: {  	_ =	shalt  }
0x5d: {  	_ =	shalt  }
0x5e: {  	_ =	shalt  }
0x5f: {  	_ =	shalt  }
0x60: {  	_ =	shalt  }
0x61: {  	_ =	shalt  }
0x62: {  	_ =	shalt  }
0x63: {  	_ =	shalt  }
0x64: {  	_ =	shalt  }
0x65: {  	_ =	shalt  }
0x66: {  	_ =	shalt  }
0x67: {  	_ =	shalt  }
0x68: {  	_ =	shalt  }
0x69: {  	_ =	shalt  }
0x6a: {  	_ =	shalt  }
0x6b: {  	_ =	shalt  }
0x6c: {  	_ =	shalt  }
0x6d: {  	_ =	shalt  }
0x6e: {  	_ =	shalt  }
0x6f: {  	_ =	shalt  }
0x70: {  	_ =	shalt  }
0x71: {  	_ =	shalt  }
0x72: {  	_ =	shalt  }
0x73: {  	_ =	shalt  }
0x74: {  	_ =	shalt  }
0x75: {  	_ =	shalt  }
0x76: {  	_ =	shalt  }
0x77: {  	_ =	shalt  }
0x78: {  	_ =	shalt  }
0x79: {  	_ =	shalt  }
0x7a: {  	_ =	shalt  }
0x7b: {  	_ =	shalt  }
0x7c: {  	_ =	shalt  }
0x7d: {  	_ =	shalt  }
0x7e: {  	_ =	shalt  }
0x7f: {  	_ =	shalt  }
0x80: {  	_ =	shalt  }
0x81: {  	_ =	shalt  }
0x82: {  	_ =	shalt  }
0x83: {  	_ =	shalt  }
0x84: {  	_ =	shalt  }
0x85: {  	_ =	shalt  }
0x86: {  	_ =	shalt  }
0x87: {  	_ =	shalt  }
.Lfunc_end0:
.L_simem_size_0:
called_computation.2_lowered:
.L_overlay_start_0:
0x88: {  	s2 =	sld [smem:$0x3FD9]  }
0x89: {  	s3 =	sld [smem:$0x3FFE];
	_ =	sdelay $0x1  }
0x8a: {  	s1 =	srdreg.scid  }
0x8b: {  	s0 =	sand.u32 $0x1, s1  }
0x8c: {  	s17 =	sshll.u32 s0, $0xA;
	s2 =	sadd.s32 s3, s2  }
0x8d: {  	s2 =	sadd.s32 s2, s17  }
0x8e: {  	[smem:$0x3FC2] =	sst s2  }
0x8f: {  	_ = 	snop  }
0x90: {  	s2 =	sld [smem:$0x3FD0];
	(tm) =	ssettm $0x1  }
0x91: {  	s18 =	sld [smem:$0x3FFB];
	_ =	sdelay $0x3  }
0x92: {  	_ =	strace s18  }
0x93: {  	s3 =	sld [smem:$0x3FFC];
	_ =	sdelay $0x3  }
0x94: {  	_ =	strace s3  }
0x95: {  	s3 =	sld [smem:$0x3FFD];
	_ =	sdelay $0x3  }
0x96: {  	_ =	strace s3  }
0x97: {  	_ =	strace $0x8FFFFFFF  }
0x98: {  	s19 =	sld [smem:$0x3FDB];
	_ =	sdelay $0x1  }
0x99: {  	s4 =	simm.s32 $_scs_section_size  }
0x9a: {  	s5 =	simm.s32 $_size__tile_overlayer_lowered;
	s6 =	simm.s32 $_tile_overlayer_lowered  }
0x9b: {  	s22 =	simm.s32 $0x1BFF;
	s21 =	sshll.u32 s6, $0x1;
	s3 =	sadd.s32 s4, s19  }
0x9c: {  	s7 =	simm.s32 $0x0;
	s20 =	sshll.u32 s5, $0x1;
	s5 =	sadd.s32 s21, s3  }
0x9d: {  	[timem:s7], [sflag:s22] =	dma.local [hbm:s5], s20  }
0x9e: {  	_ =	swait.ge [sflag:s22], s20  }
0x9f: {  	s4 =	ssub.s32 $0x0, s20;
	[sflag:s22] =	ssyncset.done $0x0  }
0xa0: {  	[sflag:s22] =	ssyncadd.s32 s4;
	_ =	sdelay $0x1  }
0xa1: {  	s23 =	simm.s32 $0x1B8B  }
0xa2: {  	_ =	swait.ge [sflag:s23], $0x1  }
0xa3: {  	[sflag:s23] =	ssyncset.done $0x0  }
0xa4: {  	s25 =	simm.s32 $0x1B8E;
	s24 =	sld [smem:$0x3FFE];
	[sflag:s23] =	ssyncadd.s32 $0xFFFFFFFF  }
0xa5: {  	s26 =	simm.s32 $execute0_lowered;
	[smem:$0x3FD2] =	sst s25  }
0xa6: {  	s5 =	sshll.u32 s26, $0x1;
	_ =	strace $0x8000004C;
	[dreg:$0x1] =	wrdreg $0xFFFFFFFF  }
0xa7: {  	s28 =	simm.s32 $_size_execute0_lowered;
	s3 =	sadd.s32 s3, s5;
	[dreg:$0x0] =	wrdreg $0x0  }
0xa8: {  	s5 =	sshll.u32 s28, $0x1;
	[dreg:$0x2] =	wrdreg s3  }
0xa9: {  	[dreg:$0x3] =	wrdreg s5  }
0xaa: {  	[dreg:$0x4] =	wrdreg $0xC0  }
0xab: {  	_ =	task [dreg:s7], $0x5FFFF  }
0xac: {  	[dreg:$0x1] =	wrdreg $0xFFFFFFFF  }
0xad: {  	[dreg:$0x0] =	wrdreg $0x60  }
0xae: {  	[dreg:$0x2] =	wrdreg s24  }
0xaf: {  	[dreg:$0x3] =	wrdreg s2  }
0xb0: {  	[dreg:$0x4] =	wrdreg $0x0  }
0xb1: {  	[dreg:$0x5] =	wrdreg $0x9  }
0xb2: {  	_ =	task.clear_ibuf [dreg:s7], $0x6FFFF;
	_ =	strace $0x9000004C  }
0xb3: {  	s29 =	simm.s32 $0x9;
	_ =	strace $0x8000004E  }
0xb4: {  	_ =	swait.ge [sflag:s29], $0x1  }
0xb5: {  	[sflag:s29] =	ssyncadd.s32 $0xFFFFFFFF  }
0xb6: {  	_ =	strace $0x9000004E  }
0xb7: {  	_ =	sfence  }
0xb8: {  	s30 =	sld [smem:$0x0];
	_ =	sdelay $0x2  }
0xb9: {  	s31 =	sshll.u32 s1, $0xD;
	s1 =	sshrl.u32 s1, $0x2  }
0xba: {  	s3 =	sand.u32 $0x4000, s31;
	s1 =	sadd.s32 s1, s30  }
0xbb: {  	s0 =	sor.u32 s3, s0;
	s1 =	sshll.u32 s1, $0x11  }
0xbc: {  	s0 =	sor.u32 s1, s0  }
0xbd: {  	s0 =	sadd.s32 $0x8F2B, s0  }
0xbe: {  	[sflag:s0] =	ssyncadd.remote.s32 $0x1  }
0xbf: {  	_ =	sfence.sel $0xFFFF  }
0xc0: {  	[dreg:$0x0] =	wrdreg $0xFFFFFFFF;
	(pc) =	sbr.abs _section_cstart, $3  }
0xc1: {  	[dreg:$0x1] =	wrdreg $0xFFFFFFFF  }
0xc2: {  	_ =	task.clear_ibuf [dreg:s7], $0x2FFFF;
	_ =	strace $0x9FFFFFFF  }
0xc3: {  	(tm) =	ssettm $0x7FFFFFFF  }
tec
execute0_lowered:
.L_overlay_start_1:
0x0: {  	(tag) =	ssettag $0x1  }
0x1: {  	s0 =	rddreg [dreg:$0x0]  }
0x2: {  	s2 =	rddreg [dreg:$0x1]  }
0x3: {  	s1 =	rddreg [dreg:$0x2];
	s3 =	srdreg.scid  }
0x4: {  	s26 =	simm.s32 $0x0;
	s8 =	stileid.u32;
	s29 =	simm.s32 $0x1  }
0x5: {  	s13 =	simm.s32 $0xB;
	s3 =	sand.u32 $0x1, s3;
	s7 =	smul.u32 $0xA000, s8  }
0x6: {  	[smem:$0x7FF] =	sst s26;
	s4 =	sshll.u32 s3, $0x4;
	s5 =	smul.u32 $0xA0000, s3  }
0x7: {  	_ =	strace $0x8000004D;
	s3 =	ssub.s32 $0x2, s3;
	s6 =	sor.u32 s8, s4  }
0x8: {  	s4 =	sadd.s32 $0xB600, s0;
	s8 =	smul.u32 $0x28000, s8;
	s10 =	sshrl.u32 s3, $0x1  }
0x9: {  	s6 =	smul.u32 $0x4E2, s6;
	s5 =	sadd.s32 s7, s5;
	s3 =	ssub.s32 s3, s10  }
0xa: {  	s5 =	sshrl.u32 s5, $0x3;
	s15 =	sshrl.u32 s8, $0x2;
	s18 =	smax.u32 s3, $0x1  }
0xb: {  	s9 =	sadd.s32 s6, s0;
	s2 =	sadd.s32 s2, s6;
	[dreg:$0x9] =	wrdreg s18  }
0xc: {  	s0 =	sadd.s32 s5, s0;
	s5 =	sadd.s32 s15, s1;
	[dreg:$0x6] =	wrdreg s2  }
0xd: {  	s14 =	simm.s32 $0xD;
	s16 =	sadd.s32 $0x1800, s9;
	[dreg:$0x5] =	wrdreg s5  }
0xe: {  	s28 =	simm.s32 $0x13;
	s0 =	sadd.s32 $0x1F600, s0;
	[dreg:$0x7] =	wrdreg s16  }
0xf: {  	s17 =	sadd.s32 s7, s1;
	s19 =	sadd.s32 $0x1000, s5;
	[dreg:$0x8] =	wrdreg s0  }
0x10: {  	s7 =	simm.s32 $0x2;
	s20 =	sadd.s32 $0x2000, s5;
	[dreg:$0xa] =	wrdreg s19  }
0x11: {  	s8 =	simm.s32 $0x5;
	s21 =	sadd.s32 $0x3000, s5;
	[dreg:$0xb] =	wrdreg s20  }
0x12: {  	s3 =	simm.s32 $0x10;
	s22 =	sadd.s32 $0x4000, s5;
	[dreg:$0xc] =	wrdreg s21  }
0x13: {  	s6 =	simm.s32 $0x4;
	s23 =	sadd.s32 $0x5000, s5;
	[dreg:$0xd] =	wrdreg s22  }
0x14: {  	s15 =	simm.s32 $0xE;
	s24 =	sadd.s32 $0x6000, s5;
	[dreg:$0xe] =	wrdreg s23  }
0x15: {  	s18 =	simm.s32 $0x7;
	s25 =	sadd.s32 $0x7000, s5;
	[dreg:$0xf] =	wrdreg s24  }
0x16: {  	s30 =	sadd.s32 $0x8000, s5;
	s31 =	sadd.s32 $0x9000, s5;
	[dreg:$0x10] =	wrdreg s25  }
0x17: {  	s2 =	simm.s32 $0x3;
	s5 =	simm.s32 $0x9;
	[dreg:$0x11] =	wrdreg s30  }
0x18: {  	[dreg:$0x12] =	wrdreg s31;
	s23 =	simm.s32 $0x50;
	s0 =	sshrl.u32 s17, $0x3  }
0x19: {  	s21 =	simm.s32 $0xC;
	s16 =	simm.s32 $0xF;
	s17 =	simm.s32 $0x6  }
0x1a: {  	s25 =	simm.s32 $0x8;
	s19 =	simm.s32 $0xA;
	s20 =	simm.s32 $0x11  }
0x1b: {  	v0 =	vimm.f32 $0.0e+00;
	s24 =	simm.s32 $0x12;
	s22 =	simm.s32 $0x2;
	[dreg:$0x13] =	wrdreg s0  }
.LBB2_1:
0x1c: {  	[dreg:$0x4] =	wrdreg s26;
	s30 =	simm.s32 $0x100;
	s0 =	simm.s32 $0x0  }
.LBB2_2:
0x1d: {  	p0 =	sne.s32 s30, $0x3F00;
	[tilespmem:s0+$0xEE50] =	vst v0;
	s26 =	smov.u32 s30;
	s30 =	sadd.s32 $0x100, s30  }
.Ltmp0:
0x1e: {  	[tilespmem:s0+$0xEE40] =	vst v0;
	(pc) =	sbr.rel @p0 .LBB2_2-.Ltmp0, $3  }
0x1f: {  	[tilespmem:s0+$0xEE20] =	vst v0  }
0x20: {  	[tilespmem:s0+$0xEE30] =	vst v0;
	_ =	sdelay $0x1  }
0x21: {  	s0 =	sshra.s32 s26, $0x2  }
0x22: {  	[tilespmem:s0+$0xEE50] =	vst v0  }
0x23: {  	[tilespmem:s0+$0xEE40] =	vst v0  }
0x24: {  	[tilespmem:s0+$0xEE20] =	vst v0  }
0x25: {  	[tilespmem:s0+$0xEE30] =	vst v0;
	s11 =	rddreg [dreg:$0x5];
	s26 =	simm.s32 $0xEE20;
	s30 =	simm.s32 $0x15  }
0x26: {  	[spmem:s11] =	stream.linear.scatter [tilespmem:s26], [sflag:$0x15], $0x1000, $0x38;
	[tilespmem:$0x1C620] =	vst v63  }
0x27: {  	_ =	swait.ge [sflag:s30], $0x1000  }
0x28: {  	[sflag:s30] =	ssyncset.done $0x0  }
0x29: {  	s12 =	rddreg [dreg:$0xa];
	[sflag:s30] =	ssyncadd.s32 $0xFFFFF000  }
0x2a: {  	[spmem:s12] =	stream.linear.scatter [tilespmem:s26], [sflag:$0x15], $0x1000, $0x38;
	[tilespmem:$0x1C620] =	vst v63  }
0x2b: {  	_ =	swait.ge [sflag:s30], $0x1000  }
0x2c: {  	[sflag:s30] =	ssyncset.done $0x0  }
0x2d: {  	s31 =	rddreg [dreg:$0xb];
	[sflag:s30] =	ssyncadd.s32 $0xFFFFF000  }
0x2e: {  	[spmem:s31] =	stream.linear.scatter [tilespmem:s26], [sflag:$0x15], $0x1000, $0x38;
	[tilespmem:$0x1C620] =	vst v63  }
0x2f: {  	_ =	swait.ge [sflag:s30], $0x1000  }
0x30: {  	[sflag:s30] =	ssyncset.done $0x0  }
0x31: {  	s9 =	rddreg [dreg:$0xc];
	[sflag:s30] =	ssyncadd.s32 $0xFFFFF000  }
0x32: {  	[spmem:s9] =	stream.linear.scatter [tilespmem:s26], [sflag:$0x15], $0x1000, $0x38;
	[tilespmem:$0x1C620] =	vst v63  }
0x33: {  	_ =	swait.ge [sflag:s30], $0x1000  }
0x34: {  	[sflag:s30] =	ssyncset.done $0x0  }
0x35: {  	s10 =	rddreg [dreg:$0xd];
	[sflag:s30] =	ssyncadd.s32 $0xFFFFF000  }
0x36: {  	[spmem:s10] =	stream.linear.scatter [tilespmem:s26], [sflag:$0x15], $0x1000, $0x38;
	[tilespmem:$0x1C620] =	vst v63  }
0x37: {  	_ =	swait.ge [sflag:s30], $0x1000  }
0x38: {  	[sflag:s30] =	ssyncset.done $0x0  }
0x39: {  	s11 =	rddreg [dreg:$0xe];
	[sflag:s30] =	ssyncadd.s32 $0xFFFFF000  }
0x3a: {  	[spmem:s11] =	stream.linear.scatter [tilespmem:s26], [sflag:$0x15], $0x1000, $0x38;
	[tilespmem:$0x1C620] =	vst v63  }
0x3b: {  	_ =	swait.ge [sflag:s30], $0x1000  }
0x3c: {  	[sflag:s30] =	ssyncset.done $0x0  }
0x3d: {  	s12 =	rddreg [dreg:$0xf];
	[sflag:s30] =	ssyncadd.s32 $0xFFFFF000  }
0x3e: {  	[spmem:s12] =	stream.linear.scatter [tilespmem:s26], [sflag:$0x15], $0x1000, $0x38;
	[tilespmem:$0x1C620] =	vst v63  }
0x3f: {  	_ =	swait.ge [sflag:s30], $0x1000  }
0x40: {  	[sflag:s30] =	ssyncset.done $0x0  }
0x41: {  	s31 =	rddreg [dreg:$0x10];
	[sflag:s30] =	ssyncadd.s32 $0xFFFFF000  }
0x42: {  	[spmem:s31] =	stream.linear.scatter [tilespmem:s26], [sflag:$0x15], $0x1000, $0x38;
	[tilespmem:$0x1C620] =	vst v63  }
0x43: {  	_ =	swait.ge [sflag:s30], $0x1000  }
0x44: {  	[sflag:s30] =	ssyncset.done $0x0  }
0x45: {  	s9 =	rddreg [dreg:$0x11];
	[sflag:s30] =	ssyncadd.s32 $0xFFFFF000  }
0x46: {  	[spmem:s9] =	stream.linear.scatter [tilespmem:s26], [sflag:$0x15], $0x1000, $0x38;
	[tilespmem:$0x1C620] =	vst v63  }
0x47: {  	_ =	swait.ge [sflag:s30], $0x1000  }
0x48: {  	[sflag:s30] =	ssyncset.done $0x0  }
0x49: {  	s10 =	rddreg [dreg:$0x12];
	[sflag:s30] =	ssyncadd.s32 $0xFFFFF000  }
0x4a: {  	[spmem:s10] =	stream.linear.scatter [tilespmem:s26], [sflag:$0x15], $0x1000, $0x38;
	[tilespmem:$0x1C620] =	vst v63  }
0x4b: {  	_ =	swait.ge [sflag:s30], $0x1000  }
0x4c: {  	[sflag:s30] =	ssyncset.done $0x0  }
0x4d: {  	[sflag:s30] =	ssyncadd.s32 $0xFFFFF000  }
0x4e: {  	[bflag:$0x0] =	sbarrier.arrive $0xFFFF  }
0x4f: {  	s9 =	simm.s32 $0xA000;
	s10 =	simm.s32 $0x0;
	s11 =	rddreg [dreg:$0x6]  }
0x50: {  	[tilespmem:s9], [sflag:$0x15] =	stream.linear.gather [hbm4b:s11+s10], $0x2710, $0x38;
	[tilespmem:$0x1C620] =	vst v63  }
0x51: {  	_ =	swait.ge [sflag:s30], $0x2710  }
0x52: {  	[sflag:s30] =	ssyncset.done $0x0  }
0x53: {  	s31 =	simm.s32 $0xC710;
	s12 =	rddreg [dreg:$0x7];
	[sflag:s30] =	ssyncadd.s32 $0xFFFFD8F0  }
0x54: {  	[tilespmem:s31], [sflag:$0x15] =	stream.linear.gather [hbm4b:s12+s10], $0x2710, $0x38;
	[tilespmem:$0x1C620] =	vst v63  }
0x55: {  	_ =	swait.ge [sflag:s30], $0x2710  }
0x56: {  	[sflag:s30] =	ssyncset.done $0x0  }
0x57: {  	s26 =	simm.s32 $0xFE20;
	[sflag:s30] =	ssyncadd.s32 $0xFFFFD8F0  }
0x58: {  	[tilespmem:s26], [sflag:$0x1] =	stream.indirect.gather [hbm4b:s4+s23], $0x40, s9, s23, $0xb8;
	[tilespmem:$0x1C620] =	vst v63  }
0x59: {  	s10 =	simm.s32 $0xA050;
	s30 =	simm.s32 $0x11220  }
0x5a: {  	[tilespmem:s30], [sflag:$0x2] =	stream.indirect.gather [hbm4b:s4+s23], $0x40, s10, s23, $0xb8;
	[tilespmem:$0x1C620] =	vst v63  }
0x5b: {  	s11 =	simm.s32 $0xA0A0;
	s9 =	simm.s32 $0x12620  }
0x5c: {  	[tilespmem:s9], [sflag:$0x3] =	stream.indirect.gather [hbm4b:s4+s23], $0x40, s11, s23, $0xb8;
	[tilespmem:$0x1C620] =	vst v63  }
0x5d: {  	s12 =	simm.s32 $0xA0F0;
	s10 =	simm.s32 $0x13A20  }
0x5e: {  	[tilespmem:s10], [sflag:$0x4] =	stream.indirect.gather [hbm4b:s4+s23], $0x40, s12, s23, $0xb8;
	[tilespmem:$0x1C620] =	vst v63  }
0x5f: {  	s31 =	simm.s32 $0xA140;
	s11 =	simm.s32 $0x14E20  }
0x60: {  	[tilespmem:s11], [sflag:$0x5] =	stream.indirect.gather [hbm4b:s4+s23], $0x40, s31, s23, $0xb8;
	[tilespmem:$0x1C620] =	vst v63  }
0x61: {  	_ =	swait.ge [sflag:s29], $0x1400  }
0x62: {  	[sflag:s29] =	ssyncset.done $0x0  }
0x63: {  	[sflag:s29] =	ssyncadd.s32 $0xFFFFEC00  }
0x64: {  	_ =	swait.ge [sflag:s7], $0x1400  }
0x65: {  	[sflag:s7] =	ssyncset.done $0x0  }
0x66: {  	[sflag:s7] =	ssyncadd.s32 $0xFFFFEC00  }
0x67: {  	_ =	swait.ge [sflag:s2], $0x1400  }
0x68: {  	[sflag:s2] =	ssyncset.done $0x0  }
0x69: {  	[sflag:s2] =	ssyncadd.s32 $0xFFFFEC00  }
0x6a: {  	_ =	swait.ge [sflag:s6], $0x1400  }
0x6b: {  	[sflag:s6] =	ssyncset.done $0x0  }
0x6c: {  	[sflag:s6] =	ssyncadd.s32 $0xFFFFEC00  }
0x6d: {  	_ =	swait.ge [sflag:s8], $0x1400  }
0x6e: {  	[sflag:s8] =	ssyncset.done $0x0  }
0x6f: {  	s2 =	simm.s32 $0xC710;
	[sflag:s8] =	ssyncadd.s32 $0xFFFFEC00  }
0x70: {  	[spmem:s1] =	stream.indirect.scatter.add.f32 [tilespmem:s26], [sflag:$0xB], $0x40, s2, s23, $0xb8;
	[tilespmem:$0x1C620] =	vst v63  }
0x71: {  	s6 =	simm.s32 $0xC760  }
0x72: {  	[spmem:s1] =	stream.indirect.scatter.add.f32 [tilespmem:s30], [sflag:$0xC], $0x40, s6, s23, $0xb8;
	[tilespmem:$0x1C620] =	vst v63  }
0x73: {  	s7 =	simm.s32 $0xC7B0  }
0x74: {  	[spmem:s1] =	stream.indirect.scatter.add.f32 [tilespmem:s9], [sflag:$0xD], $0x40, s7, s23, $0xb8;
	[tilespmem:$0x1C620] =	vst v63  }
0x75: {  	s8 =	simm.s32 $0xC800  }
0x76: {  	[spmem:s1] =	stream.indirect.scatter.add.f32 [tilespmem:s10], [sflag:$0xE], $0x40, s8, s23, $0xb8;
	[tilespmem:$0x1C620] =	vst v63  }
0x77: {  	s12 =	simm.s32 $0xC850  }
0x78: {  	[spmem:s1] =	stream.indirect.scatter.add.f32 [tilespmem:s11], [sflag:$0xF], $0x40, s12, s23, $0xb8;
	[tilespmem:$0x1C620] =	vst v63  }
0x79: {  	s31 =	simm.s32 $0xA190;
	s7 =	simm.s32 $0x16220  }
0x7a: {  	[tilespmem:s7], [sflag:$0x6] =	stream.indirect.gather [hbm4b:s4+s23], $0x40, s31, s23, $0xb8;
	[tilespmem:$0x1C620] =	vst v63  }
0x7b: {  	s2 =	simm.s32 $0xA1E0;
	s8 =	simm.s32 $0x17620  }
0x7c: {  	[tilespmem:s8], [sflag:$0x7] =	stream.indirect.gather [hbm4b:s4+s23], $0x40, s2, s23, $0xb8;
	[tilespmem:$0x1C620] =	vst v63  }
0x7d: {  	s6 =	simm.s32 $0xA230;
	s12 =	simm.s32 $0x18A20  }
0x7e: {  	[tilespmem:s12], [sflag:$0x8] =	stream.indirect.gather [hbm4b:s4+s23], $0x40, s6, s23, $0xb8;
	[tilespmem:$0x1C620] =	vst v63  }
0x7f: {  	s31 =	simm.s32 $0xA280;
	s6 =	simm.s32 $0x19E20  }
0x80: {  	[tilespmem:s6], [sflag:$0x9] =	stream.indirect.gather [hbm4b:s4+s23], $0x40, s31, s23, $0xb8;
	[tilespmem:$0x1C620] =	vst v63  }
0x81: {  	s2 =	simm.s32 $0xA2D0;
	s31 =	simm.s32 $0x1B220  }
0x82: {  	[tilespmem:s31], [sflag:$0xA] =	stream.indirect.gather [hbm4b:s4+s23], $0x40, s2, s23, $0xb8;
	[tilespmem:$0x1C620] =	vst v63  }
0x83: {  	_ =	swait.ge [sflag:s13], $0x1400  }
0x84: {  	[sflag:s13] =	ssyncset.done $0x0  }
0x85: {  	[sflag:s13] =	ssyncadd.s32 $0xFFFFEC00  }
0x86: {  	_ =	swait.ge [sflag:s21], $0x1400  }
0x87: {  	[sflag:s21] =	ssyncset.done $0x0  }
0x88: {  	[sflag:s21] =	ssyncadd.s32 $0xFFFFEC00  }
0x89: {  	_ =	swait.ge [sflag:s14], $0x1400  }
0x8a: {  	[sflag:s14] =	ssyncset.done $0x0  }
0x8b: {  	[sflag:s14] =	ssyncadd.s32 $0xFFFFEC00  }
0x8c: {  	_ =	swait.ge [sflag:s15], $0x1400  }
0x8d: {  	[sflag:s15] =	ssyncset.done $0x0  }
0x8e: {  	[sflag:s15] =	ssyncadd.s32 $0xFFFFEC00  }
0x8f: {  	_ =	swait.ge [sflag:s16], $0x1400  }
0x90: {  	[sflag:s16] =	ssyncset.done $0x0  }
0x91: {  	[sflag:s16] =	ssyncadd.s32 $0xFFFFEC00  }
0x92: {  	_ =	swait.ge [sflag:s17], $0x1400  }
0x93: {  	[sflag:s17] =	ssyncset.done $0x0  }
0x94: {  	[sflag:s17] =	ssyncadd.s32 $0xFFFFEC00  }
0x95: {  	_ =	swait.ge [sflag:s18], $0x1400  }
0x96: {  	[sflag:s18] =	ssyncset.done $0x0  }
0x97: {  	[sflag:s18] =	ssyncadd.s32 $0xFFFFEC00  }
0x98: {  	_ =	swait.ge [sflag:s25], $0x1400  }
0x99: {  	[sflag:s25] =	ssyncset.done $0x0  }
0x9a: {  	[sflag:s25] =	ssyncadd.s32 $0xFFFFEC00  }
0x9b: {  	_ =	swait.ge [sflag:s5], $0x1400  }
0x9c: {  	[sflag:s5] =	ssyncset.done $0x0  }
0x9d: {  	[sflag:s5] =	ssyncadd.s32 $0xFFFFEC00  }
0x9e: {  	_ =	swait.ge [sflag:s19], $0x1400  }
0x9f: {  	[sflag:s19] =	ssyncset.done $0x0  }
0xa0: {  	s14 =	simm.s32 $0xC8A0;
	[sflag:s19] =	ssyncadd.s32 $0xFFFFEC00  }
0xa1: {  	[spmem:s1] =	stream.indirect.scatter.add.f32 [tilespmem:s7], [sflag:$0x10], $0x40, s14, s23, $0xb8;
	[tilespmem:$0x1C620] =	vst v63  }
0xa2: {  	s15 =	simm.s32 $0xC8F0  }
0xa3: {  	[spmem:s1] =	stream.indirect.scatter.add.f32 [tilespmem:s8], [sflag:$0x11], $0x40, s15, s23, $0xb8;
	[tilespmem:$0x1C620] =	vst v63  }
0xa4: {  	s16 =	simm.s32 $0xC940  }
0xa5: {  	[spmem:s1] =	stream.indirect.scatter.add.f32 [tilespmem:s12], [sflag:$0x12], $0x40, s16, s23, $0xb8;
	[tilespmem:$0x1C620] =	vst v63  }
0xa6: {  	s17 =	simm.s32 $0xC990  }
0xa7: {  	[spmem:s1] =	stream.indirect.scatter.add.f32 [tilespmem:s6], [sflag:$0x13], $0x40, s17, s23, $0xb8;
	[tilespmem:$0x1C620] =	vst v63  }
0xa8: {  	s18 =	simm.s32 $0xC9E0  }
0xa9: {  	[spmem:s1] =	stream.indirect.scatter.add.f32 [tilespmem:s31], [sflag:$0x14], $0x40, s18, s23, $0xb8;
	[tilespmem:$0x1C620] =	vst v63  }
0xaa: {  	s19 =	simm.s32 $0xA320  }
0xab: {  	[tilespmem:s26], [sflag:$0x1] =	stream.indirect.gather [hbm4b:s4+s23], $0x40, s19, s23, $0xb8;
	[tilespmem:$0x1C620] =	vst v63  }
0xac: {  	s21 =	simm.s32 $0xA370  }
0xad: {  	[tilespmem:s30], [sflag:$0x2] =	stream.indirect.gather [hbm4b:s4+s23], $0x40, s21, s23, $0xb8;
	[tilespmem:$0x1C620] =	vst v63  }
0xae: {  	s25 =	simm.s32 $0xA3C0  }
0xaf: {  	[tilespmem:s9], [sflag:$0x3] =	stream.indirect.gather [hbm4b:s4+s23], $0x40, s25, s23, $0xb8;
	[tilespmem:$0x1C620] =	vst v63  }
0xb0: {  	s26 =	simm.s32 $0xA410  }
0xb1: {  	[tilespmem:s10], [sflag:$0x4] =	stream.indirect.gather [hbm4b:s4+s23], $0x40, s26, s23, $0xb8;
	[tilespmem:$0x1C620] =	vst v63  }
0xb2: {  	s31 =	simm.s32 $0xA460  }
0xb3: {  	[tilespmem:s11], [sflag:$0x5] =	stream.indirect.gather [hbm4b:s4+s23], $0x40, s31, s23, $0xb8;
	[tilespmem:$0x1C620] =	vst v63  }
0xb4: {  	_ =	swait.ge [sflag:s3], $0x1400  }
0xb5: {  	[sflag:s3] =	ssyncset.done $0x0  }
0xb6: {  	[sflag:s3] =	ssyncadd.s32 $0xFFFFEC00  }
0xb7: {  	_ =	swait.ge [sflag:s20], $0x1400  }
0xb8: {  	[sflag:s20] =	ssyncset.done $0x0  }
0xb9: {  	[sflag:s20] =	ssyncadd.s32 $0xFFFFEC00  }
0xba: {  	s0 =	simm.s32 $0x14;
	s13 =	simm.s32 $0xB;
	_ =	swait.ge [sflag:s24], $0x1400  }
0xbb: {  	s5 =	simm.s32 $0x9;
	s14 =	simm.s32 $0xD;
	[sflag:s24] =	ssyncset.done $0x0  }
0xbc: {  	s15 =	simm.s32 $0xE;
	s16 =	simm.s32 $0xF;
	[sflag:s24] =	ssyncadd.s32 $0xFFFFEC00  }
0xbd: {  	s17 =	simm.s32 $0x6;
	s18 =	simm.s32 $0x7;
	_ =	swait.ge [sflag:s28], $0x1400  }
0xbe: {  	s19 =	simm.s32 $0xA;
	s30 =	simm.s32 $0xC80;
	[sflag:s28] =	ssyncset.done $0x0  }
0xbf: {  	s21 =	simm.s32 $0xC;
	s25 =	simm.s32 $0x8;
	[sflag:s28] =	ssyncadd.s32 $0xFFFFEC00  }
0xc0: {  	s3 =	simm.s32 $0x10;
	s20 =	simm.s32 $0x11;
	_ =	swait.ge [sflag:s0], $0x1400  }
0xc1: {  	s24 =	simm.s32 $0x12;
	s28 =	simm.s32 $0x13;
	[sflag:s0] =	ssyncset.done $0x0  }
.LBB2_4:
0xc2: {  	p0 =	sne.s32 s30, $0x8980  }
0xc3: {  	[sflag:s0] =	ssyncadd.s32 $0xFFFFEC00;
	s0 =	smov.u32 s30;
	s30 =	sadd.s32 $0xC80, s30  }
0xc4: {  	_ =	swait.ge [sflag:s29], $0x1400  }
0xc5: {  	[sflag:s29] =	ssyncset.done $0x0  }
0xc6: {  	[sflag:s29] =	ssyncadd.s32 $0xFFFFEC00  }
0xc7: {  	_ =	swait.ge [sflag:s22], $0x1400  }
0xc8: {  	[sflag:s22] =	ssyncset.done $0x0  }
0xc9: {  	s2 =	simm.s32 $0x3;
	[sflag:s22] =	ssyncadd.s32 $0xFFFFEC00  }
0xca: {  	_ =	swait.ge [sflag:s2], $0x1400  }
0xcb: {  	[sflag:s2] =	ssyncset.done $0x0  }
0xcc: {  	s6 =	simm.s32 $0x4;
	[sflag:s2] =	ssyncadd.s32 $0xFFFFEC00  }
0xcd: {  	_ =	swait.ge [sflag:s6], $0x1400  }
0xce: {  	[sflag:s6] =	ssyncset.done $0x0  }
0xcf: {  	s7 =	simm.s32 $0x5;
	[sflag:s6] =	ssyncadd.s32 $0xFFFFEC00  }
0xd0: {  	_ =	swait.ge [sflag:s7], $0x1400  }
0xd1: {  	s0 =	sshra.s32 s0, $0x2;
	[sflag:s7] =	ssyncset.done $0x0  }
0xd2: {  	s26 =	sadd.s32 $0xC710, s0;
	s29 =	simm.s32 $0xFE20;
	[sflag:s7] =	ssyncadd.s32 $0xFFFFEC00  }
0xd3: {  	[spmem:s1] =	stream.indirect.scatter.add.f32 [tilespmem:s29], [sflag:$0xB], $0x40, s26, s23, $0xb8;
	[tilespmem:$0x1C620] =	vst v63  }
0xd4: {  	s7 =	simm.s32 $0x11220;
	s26 =	sadd.s32 $0xC760, s0  }
0xd5: {  	[spmem:s1] =	stream.indirect.scatter.add.f32 [tilespmem:s7], [sflag:$0xC], $0x40, s26, s23, $0xb8;
	[tilespmem:$0x1C620] =	vst v63  }
0xd6: {  	s9 =	simm.s32 $0x12620;
	s26 =	sadd.s32 $0xC7B0, s0  }
0xd7: {  	[spmem:s1] =	stream.indirect.scatter.add.f32 [tilespmem:s9], [sflag:$0xD], $0x40, s26, s23, $0xb8;
	[tilespmem:$0x1C620] =	vst v63  }
0xd8: {  	s10 =	simm.s32 $0x13A20;
	s26 =	sadd.s32 $0xC800, s0  }
0xd9: {  	[spmem:s1] =	stream.indirect.scatter.add.f32 [tilespmem:s10], [sflag:$0xE], $0x40, s26, s23, $0xb8;
	[tilespmem:$0x1C620] =	vst v63  }
0xda: {  	s11 =	simm.s32 $0x14E20;
	s26 =	sadd.s32 $0xC850, s0  }
0xdb: {  	[spmem:s1] =	stream.indirect.scatter.add.f32 [tilespmem:s11], [sflag:$0xF], $0x40, s26, s23, $0xb8;
	[tilespmem:$0x1C620] =	vst v63  }
0xdc: {  	s8 =	simm.s32 $0x16220;
	s26 =	sadd.s32 $0xA190, s0  }
0xdd: {  	[tilespmem:s8], [sflag:$0x6] =	stream.indirect.gather [hbm4b:s4+s23], $0x40, s26, s23, $0xb8;
	[tilespmem:$0x1C620] =	vst v63  }
0xde: {  	s31 =	simm.s32 $0x17620;
	s26 =	sadd.s32 $0xA1E0, s0  }
0xdf: {  	[tilespmem:s31], [sflag:$0x7] =	stream.indirect.gather [hbm4b:s4+s23], $0x40, s26, s23, $0xb8;
	[tilespmem:$0x1C620] =	vst v63  }
0xe0: {  	s12 =	simm.s32 $0x18A20;
	s26 =	sadd.s32 $0xA230, s0  }
0xe1: {  	[tilespmem:s12], [sflag:$0x8] =	stream.indirect.gather [hbm4b:s4+s23], $0x40, s26, s23, $0xb8;
	[tilespmem:$0x1C620] =	vst v63  }
0xe2: {  	s6 =	simm.s32 $0x19E20;
	s26 =	sadd.s32 $0xA280, s0  }
0xe3: {  	[tilespmem:s6], [sflag:$0x9] =	stream.indirect.gather [hbm4b:s4+s23], $0x40, s26, s23, $0xb8;
	[tilespmem:$0x1C620] =	vst v63  }
0xe4: {  	s2 =	simm.s32 $0x1B220;
	s26 =	sadd.s32 $0xA2D0, s0  }
0xe5: {  	[tilespmem:s2], [sflag:$0xA] =	stream.indirect.gather [hbm4b:s4+s23], $0x40, s26, s23, $0xb8;
	[tilespmem:$0x1C620] =	vst v63  }
0xe6: {  	_ =	swait.ge [sflag:s13], $0x1400  }
0xe7: {  	[sflag:s13] =	ssyncset.done $0x0  }
0xe8: {  	[sflag:s13] =	ssyncadd.s32 $0xFFFFEC00  }
0xe9: {  	_ =	swait.ge [sflag:s21], $0x1400  }
0xea: {  	[sflag:s21] =	ssyncset.done $0x0  }
0xeb: {  	[sflag:s21] =	ssyncadd.s32 $0xFFFFEC00  }
0xec: {  	_ =	swait.ge [sflag:s14], $0x1400  }
0xed: {  	[sflag:s14] =	ssyncset.done $0x0  }
0xee: {  	[sflag:s14] =	ssyncadd.s32 $0xFFFFEC00  }
0xef: {  	_ =	swait.ge [sflag:s15], $0x1400  }
0xf0: {  	[sflag:s15] =	ssyncset.done $0x0  }
0xf1: {  	[sflag:s15] =	ssyncadd.s32 $0xFFFFEC00  }
0xf2: {  	_ =	swait.ge [sflag:s16], $0x1400  }
0xf3: {  	[sflag:s16] =	ssyncset.done $0x0  }
0xf4: {  	[sflag:s16] =	ssyncadd.s32 $0xFFFFEC00  }
0xf5: {  	_ =	swait.ge [sflag:s17], $0x1400  }
0xf6: {  	[sflag:s17] =	ssyncset.done $0x0  }
0xf7: {  	[sflag:s17] =	ssyncadd.s32 $0xFFFFEC00  }
0xf8: {  	_ =	swait.ge [sflag:s18], $0x1400  }
0xf9: {  	[sflag:s18] =	ssyncset.done $0x0  }
0xfa: {  	[sflag:s18] =	ssyncadd.s32 $0xFFFFEC00  }
0xfb: {  	_ =	swait.ge [sflag:s25], $0x1400  }
0xfc: {  	[sflag:s25] =	ssyncset.done $0x0  }
0xfd: {  	[sflag:s25] =	ssyncadd.s32 $0xFFFFEC00  }
0xfe: {  	_ =	swait.ge [sflag:s5], $0x1400  }
0xff: {  	[sflag:s5] =	ssyncset.done $0x0  }
0x100: {  	[sflag:s5] =	ssyncadd.s32 $0xFFFFEC00  }
0x101: {  	_ =	swait.ge [sflag:s19], $0x1400  }
0x102: {  	[sflag:s19] =	ssyncset.done $0x0  }
0x103: {  	s26 =	sadd.s32 $0xC8A0, s0;
	[sflag:s19] =	ssyncadd.s32 $0xFFFFEC00  }
0x104: {  	[spmem:s1] =	stream.indirect.scatter.add.f32 [tilespmem:s8], [sflag:$0x10], $0x40, s26, s23, $0xb8;
	[tilespmem:$0x1C620] =	vst v63  }
0x105: {  	s26 =	sadd.s32 $0xC8F0, s0  }
0x106: {  	[spmem:s1] =	stream.indirect.scatter.add.f32 [tilespmem:s31], [sflag:$0x11], $0x40, s26, s23, $0xb8;
	[tilespmem:$0x1C620] =	vst v63  }
0x107: {  	s26 =	sadd.s32 $0xC940, s0  }
0x108: {  	[spmem:s1] =	stream.indirect.scatter.add.f32 [tilespmem:s12], [sflag:$0x12], $0x40, s26, s23, $0xb8;
	[tilespmem:$0x1C620] =	vst v63  }
0x109: {  	s26 =	sadd.s32 $0xC990, s0  }
0x10a: {  	[spmem:s1] =	stream.indirect.scatter.add.f32 [tilespmem:s6], [sflag:$0x13], $0x40, s26, s23, $0xb8;
	[tilespmem:$0x1C620] =	vst v63  }
0x10b: {  	s26 =	sadd.s32 $0xC9E0, s0  }
0x10c: {  	[spmem:s1] =	stream.indirect.scatter.add.f32 [tilespmem:s2], [sflag:$0x14], $0x40, s26, s23, $0xb8;
	[tilespmem:$0x1C620] =	vst v63  }
0x10d: {  	s26 =	sadd.s32 $0xA320, s0  }
0x10e: {  	[tilespmem:s29], [sflag:$0x1] =	stream.indirect.gather [hbm4b:s4+s23], $0x40, s26, s23, $0xb8;
	[tilespmem:$0x1C620] =	vst v63  }
0x10f: {  	s31 =	simm.s32 $0xFE20;
	s29 =	simm.s32 $0x1  }
0x110: {  	s8 =	simm.s32 $0x11220;
	s26 =	sadd.s32 $0xA370, s0  }
0x111: {  	[tilespmem:s7], [sflag:$0x2] =	stream.indirect.gather [hbm4b:s4+s23], $0x40, s26, s23, $0xb8;
	[tilespmem:$0x1C620] =	vst v63  }
0x112: {  	s26 =	sadd.s32 $0xA3C0, s0;
	s7 =	simm.s32 $0x12620  }
0x113: {  	[tilespmem:s9], [sflag:$0x3] =	stream.indirect.gather [hbm4b:s4+s23], $0x40, s26, s23, $0xb8;
	[tilespmem:$0x1C620] =	vst v63  }
0x114: {  	s26 =	sadd.s32 $0xA410, s0;
	s9 =	simm.s32 $0x13A20  }
0x115: {  	[tilespmem:s10], [sflag:$0x4] =	stream.indirect.gather [hbm4b:s4+s23], $0x40, s26, s23, $0xb8;
	[tilespmem:$0x1C620] =	vst v63  }
0x116: {  	s0 =	sadd.s32 $0xA460, s0  }
0x117: {  	[tilespmem:s11], [sflag:$0x5] =	stream.indirect.gather [hbm4b:s4+s23], $0x40, s0, s23, $0xb8;
	[tilespmem:$0x1C620] =	vst v63  }
0x118: {  	s10 =	simm.s32 $0x14E20;
	s0 =	simm.s32 $0x14  }
0x119: {  	_ =	swait.ge [sflag:s3], $0x1400  }
0x11a: {  	[sflag:s3] =	ssyncset.done $0x0  }
0x11b: {  	[sflag:s3] =	ssyncadd.s32 $0xFFFFEC00  }
0x11c: {  	_ =	swait.ge [sflag:s20], $0x1400  }
0x11d: {  	[sflag:s20] =	ssyncset.done $0x0  }
0x11e: {  	[sflag:s20] =	ssyncadd.s32 $0xFFFFEC00  }
0x11f: {  	_ =	swait.ge [sflag:s24], $0x1400  }
0x120: {  	[sflag:s24] =	ssyncset.done $0x0  }
0x121: {  	[sflag:s24] =	ssyncadd.s32 $0xFFFFEC00  }
.Ltmp1:
0x122: {  	_ =	swait.ge [sflag:s28], $0x1400;
	(pc) =	sbr.rel @p0 .LBB2_4-.Ltmp1, $4  }
0x123: {  	[sflag:s28] =	ssyncset.done $0x0  }
0x124: {  	[sflag:s28] =	ssyncadd.s32 $0xFFFFEC00  }
0x125: {  	_ =	swait.ge [sflag:s0], $0x1400  }
0x126: {  	[sflag:s0] =	ssyncset.done $0x0  }
0x127: {  	[sflag:s0] =	ssyncadd.s32 $0xFFFFEC00  }
0x128: {  	_ =	swait.ge [sflag:s29], $0x1400  }
0x129: {  	[sflag:s29] =	ssyncset.done $0x0  }
0x12a: {  	[sflag:s29] =	ssyncadd.s32 $0xFFFFEC00  }
0x12b: {  	_ =	swait.ge [sflag:s22], $0x1400  }
0x12c: {  	[sflag:s22] =	ssyncset.done $0x0  }
0x12d: {  	s5 =	simm.s32 $0x3;
	[sflag:s22] =	ssyncadd.s32 $0xFFFFEC00  }
0x12e: {  	_ =	swait.ge [sflag:s5], $0x1400  }
0x12f: {  	[sflag:s5] =	ssyncset.done $0x0  }
0x130: {  	s6 =	simm.s32 $0x4;
	[sflag:s5] =	ssyncadd.s32 $0xFFFFEC00  }
0x131: {  	_ =	swait.ge [sflag:s6], $0x1400  }
0x132: {  	[sflag:s6] =	ssyncset.done $0x0  }
0x133: {  	s11 =	simm.s32 $0x5;
	[sflag:s6] =	ssyncadd.s32 $0xFFFFEC00  }
0x134: {  	_ =	swait.ge [sflag:s11], $0x1400  }
0x135: {  	[sflag:s11] =	ssyncset.done $0x0  }
0x136: {  	s12 =	simm.s32 $0xEC90;
	[sflag:s11] =	ssyncadd.s32 $0xFFFFEC00  }
0x137: {  	[spmem:s1] =	stream.indirect.scatter.add.f32 [tilespmem:s31], [sflag:$0xB], $0x40, s12, s23, $0xb8;
	[tilespmem:$0x1C620] =	vst v63  }
0x138: {  	s17 =	simm.s32 $0xECE0  }
0x139: {  	[spmem:s1] =	stream.indirect.scatter.add.f32 [tilespmem:s8], [sflag:$0xC], $0x40, s17, s23, $0xb8;
	[tilespmem:$0x1C620] =	vst v63  }
0x13a: {  	s18 =	simm.s32 $0xED30  }
0x13b: {  	[spmem:s1] =	stream.indirect.scatter.add.f32 [tilespmem:s7], [sflag:$0xD], $0x40, s18, s23, $0xb8;
	[tilespmem:$0x1C620] =	vst v63  }
0x13c: {  	s19 =	simm.s32 $0xED80  }
0x13d: {  	[spmem:s1] =	stream.indirect.scatter.add.f32 [tilespmem:s9], [sflag:$0xE], $0x40, s19, s23, $0xb8;
	[tilespmem:$0x1C620] =	vst v63  }
0x13e: {  	s20 =	simm.s32 $0xEDD0  }
0x13f: {  	[spmem:s1] =	stream.indirect.scatter.add.f32 [tilespmem:s10], [sflag:$0xF], $0x40, s20, s23, $0xb8;
	[tilespmem:$0x1C620] =	vst v63  }
0x140: {  	_ =	swait.ge [sflag:s13], $0x1400  }
0x141: {  	[sflag:s13] =	ssyncset.done $0x0  }
0x142: {  	[sflag:s13] =	ssyncadd.s32 $0xFFFFEC00  }
0x143: {  	_ =	swait.ge [sflag:s21], $0x1400  }
0x144: {  	[sflag:s21] =	ssyncset.done $0x0  }
0x145: {  	[sflag:s21] =	ssyncadd.s32 $0xFFFFEC00  }
0x146: {  	_ =	swait.ge [sflag:s14], $0x1400  }
0x147: {  	[sflag:s14] =	ssyncset.done $0x0  }
0x148: {  	[sflag:s14] =	ssyncadd.s32 $0xFFFFEC00  }
0x149: {  	_ =	swait.ge [sflag:s15], $0x1400  }
0x14a: {  	[sflag:s15] =	ssyncset.done $0x0  }
0x14b: {  	[sflag:s15] =	ssyncadd.s32 $0xFFFFEC00  }
0x14c: {  	_ =	swait.ge [sflag:s16], $0x1400  }
0x14d: {  	[sflag:s16] =	ssyncset.done $0x0  }
0x14e: {  	[sflag:s16] =	ssyncadd.s32 $0xFFFFEC00  }
0x14f: {  	s21 =	stileid.u32;
	[bflag:$0x0] =	sbarrier.arrive $0xFFFF  }
0x150: {  	s0 =	sshll.u32 s21, $0x6;
	s26 =	rddreg [dreg:$0x8]  }
0x151: {  	s30 =	simm.s32 $0x15;
	s0 =	sor.u32 $0x1C15, s0;
	s24 =	rddreg [dreg:$0x13]  }
0x152: {  	[hbm:s26], [sflag:s0] =	dma.local [spmem:s24], $0x1400  }
0x153: {  	s2 =	simm.s32 $0x3;
	_ =	swait.ge [sflag:s30], $0x1400  }
0x154: {  	s3 =	simm.s32 $0x10;
	s28 =	simm.s32 $0x13;
	s25 =	rddreg [dreg:$0x4]  }
0x155: {  	s5 =	simm.s32 $0x9;
	s31 =	rddreg [dreg:$0x9];
	s26 =	sadd.s32 $0x1, s25  }
0x156: {  	s6 =	simm.s32 $0x4;
	s8 =	simm.s32 $0x5;
	p0 =	sne.s32 s26, s31  }
.Ltmp2:
0x157: {  	s17 =	simm.s32 $0x6;
	s7 =	simm.s32 $0x2;
	(pc) =	sbr.rel @p0 .LBB2_1-.Ltmp2, $4  }
0x158: {  	s18 =	simm.s32 $0x7;
	s19 =	simm.s32 $0xA;
	s20 =	simm.s32 $0x11  }
0x159: {  	s13 =	simm.s32 $0xB;
	s21 =	simm.s32 $0xC;
	s14 =	simm.s32 $0xD  }
0x15a: {  	s15 =	simm.s32 $0xE;
	s16 =	simm.s32 $0xF;
	[sflag:s30] =	ssyncset.done $0x0  }
0x15b: {  	s24 =	simm.s32 $0x12;
	[sflag:s30] =	ssyncadd.s32 $0xFFFFEC00;
	s25 =	simm.s32 $0x8  }
0x15c: {  	_ =	sfence.sel $0x180000  }
0x15d: {  	[bflag:$0x0] =	sbarrier.arrive $0xFFFF  }
0x15e: {  	_ =	strace $0x9000004D  }
0x15f: {  	s0 =	stileid.u32;
	[bflag:$0x2] =	sbarrier.arrive $0xFFFF  }
0x160: {  	p0 =	sne.s32 s0, $0x0;
	s0 =	rddreg [dreg:$0x3]  }
0x161: {  	s0 =	sadd.s32 @!p0 $0x100000, s0  }
0x162: {  	[sflag:s0] =	ssyncadd.tile.s32 @!p0 $0x1;
	_ =	shalt  }
.Lfunc_end2:
_tile_overlayer_lowered:
.L_overlay_start_2:
0x163: {  	(tag) =	ssettag $0x2  }
0x164: {  	s0 =	rddreg [dreg:$0x0];
	s2 =	stileid.u32  }
0x165: {  	s1 =	rddreg [dreg:$0x1];
	p0 =	sne.s32 s2, $0x0  }
0x166: {  	s3 =	rddreg [dreg:$0x2];
	[bflag:$0x3] =	sbarrier.arrive $0xFFFF;
	s2 =	simm.s32 @!p0 $0x1C15  }
0x167: {  	[timem:s3], [sflag:s2] =	dma.local @!p0 [hbm:s0], s1  }
0x168: {  	s0 =	simm.s32 @!p0 $0x15  }
0x169: {  	_ =	swait.ge @!p0 [sflag:s0], s1  }
0x16a: {  	s1 =	ssub.s32 @!p0 $0x0, s1;
	[sflag:s0] =	ssyncset.done @!p0 $0x0  }
0x16b: {  	[sflag:s0] =	ssyncadd.s32 @!p0 s1  }
0x16c: {  	[bflag:$0x3] =	sbarrier.arrive $0xFFFF  }
0x16d: {  	_ =	shalt  }

// kernel: kernel.8.cloned.1.call-start
scs
__scs_entry_jumppad:
0x0: {  	(pc) =	sbr.rel $0x88, $3  }
0x1: {  	(tag) =	ssettag $0x0;
	lr =	simm.s32 $0x1  }
0x2: {  	[smem:$0x3F9B] =	sst lr;
	_ =	strace $0xD0000000  }
0x3: {  	_ = 	snop  }
0x4: {  	_ = 	snop  }
0x5: {  	_ = 	snop  }
0x6: {  	_ = 	snop  }
0x7: {  	_ = 	snop  }
__scs_overlays_trampoline_lowered:
0x8: {  	[smem:$0x3FAA] =	sst s0  }
0x9: {  	[smem:$0x3FAB] =	sst s1  }
0xa: {  	[smem:$0x3FAC] =	sst s2  }
0xb: {  	[smem:$0x3FAD] =	sst s3  }
0xc: {  	[smem:$0x3FAE] =	sst s4  }
0xd: {  	[smem:$0x3FAF] =	sst s5  }
0xe: {  	[smem:$0x3FB0] =	sst s6  }
0xf: {  	[smem:$0x3FB1] =	sst s7  }
0x10: {  	[smem:$0x3FB2] =	sst s8  }
0x11: {  	[smem:$0x3FB3] =	sst s9;
	s0 =	simm.s32 @!p0 $0x0  }
0x12: {  	s1 =	sld [smem:$0x3F99];
	s0 =	simm.s32 @p0 $0x1  }
0x13: {  	[smem:$0x3FB4] =	sst s0;
	s0 =	simm.s32 @!p1 $0x0  }
0x14: {  	s2 =	sld [smem:$0x3F98];
	s0 =	simm.s32 @p1 $0x1  }
0x15: {  	[smem:$0x3FB5] =	sst s0;
	s0 =	simm.s32 @!p2 $0x0  }
0x16: {  	s3 =	sld [smem:$0x3FDB];
	s0 =	simm.s32 @p2 $0x1  }
0x17: {  	s4 =	simm.s32 $0x1BF5;
	[smem:$0x3FB7] =	sst s0  }
0x18: {  	s0 =	sld [smem:$0x3F9A];
	_ =	swait.ge [sflag:s4], $0x0  }
0x19: {  	s7 =	sld [smem:$0x3F9B]  }
0x1a: {  	s8 =	sadd.s32 $0xFFFFE003, lr  }
0x1b: {  	s9 =	sadd.s32 $0xFFFFFEF7, lr;
	s5 =	simm.s32 $0xFFFFFFFF;
	p2 =	slt.u32 s8, $0xFFFFF086  }
0x1c: {  	p1 =	slt.u32 s9, $0xF7A;
	s5 =	simm.s32 @!p2 $0x0  }
0x1d: {  	s5 =	simm.s32 @p1 $0x1;
	p0 =	seq.s32 s7, s2  }
0x1e: {  	s7 =	smul.u32 @!p0 $0xF7A, s2;
	p2 =	seq.s32 @!p0 s5, $0x0  }
0x1f: {  	s9 =	smul.u32 $0xF7A, s1;
	s8 =	simm.s32 @!p0 $0x1BF5;
	p2 =	por !p2, p0  }
0x20: {  	[sflag:s8] =	ssyncset.s32 @!p0 $0xFFFFF086;
	s6 =	sadd.s32 @!p0 s3, s7;
	s7 =	simm.s32 @!p0 $0x108  }
0x21: {  	s3 =	sadd.s32 s3, s9;
	s6 =	sadd.s32 @!p0 $0x88, s6;
	s7 =	simm.s32 @p2 $0x1082  }
0x22: {  	[simem:s7], [sflag:s8] =	dma.local @!p0 [hbm:s6], $0xF7A  }
0x23: {  	s9 =	sor.u32 $0xD0000000, s2;
	s6 =	simm.s32 $0x108;
	_ =	swait.ge @!p0 [sflag:s8], $0x0  }
0x24: {  	s3 =	sadd.s32 $0x88, s3;
	s6 =	simm.s32 @!p1 $0x1082;
	[sflag:s4] =	ssyncset.s32 $0xFFFFF086  }
0x25: {  	[simem:s6], [sflag:s4] =	dma.local [hbm:s3], $0xF7A  }
0x26: {  	[smem:$0x3F9B] =	sst s1;
	(tag) =	ssettag s2;
	_ =	strace s9  }
0x27: {  	s1 =	sld [smem:$0x3FAB]  }
0x28: {  	s2 =	sld [smem:$0x3FAC]  }
0x29: {  	s4 =	sld [smem:$0x3FAE]  }
0x2a: {  	p0 =	seq.s32 s5, $0x0;
	s5 =	sld [smem:$0x3FAF]  }
0x2b: {  	s6 =	sld [smem:$0x3FB0]  }
0x2c: {  	s7 =	sld [smem:$0x3FB1]  }
0x2d: {  	s3 =	simm.s32 $0x108;
	s8 =	sld [smem:$0x3FB2]  }
0x2e: {  	s3 =	simm.s32 @!p0 $0x1082;
	s9 =	sld [smem:$0x3FB3]  }
0x2f: {  	lr =	sadd.s32 s0, s3;
	s0 =	sld [smem:$0x3FAA]  }
0x30: {  	s3 =	sld [smem:$0x3FAD]  }
0x31: {  	[smem:$0x3FB6] =	sst s10  }
0x32: {  	s10 =	sld [smem:$0x3FB4];
	_ =	sdelay $0x3  }
0x33: {  	p0 =	seq.s32 s10, $0x1;
	s10 =	sld [smem:$0x3FB6];
	_ =	sdelay $0x3  }
0x34: {  	[smem:$0x3FB6] =	sst s10  }
0x35: {  	s10 =	sld [smem:$0x3FB5];
	_ =	sdelay $0x3  }
0x36: {  	p1 =	seq.s32 s10, $0x1;
	s10 =	sld [smem:$0x3FB6];
	_ =	sdelay $0x3  }
0x37: {  	[smem:$0x3FB6] =	sst s10  }
0x38: {  	s10 =	sld [smem:$0x3FB7]  }
0x39: {  	_ = 	snop;
	(pc) =	sbr.ind lr, $3  }
0x3a: {  	_ = 	snop  }
0x3b: {  	_ = 	snop  }
0x3c: {  	p2 =	seq.s32 s10, $0x1;
	s10 =	sld [smem:$0x3FB6]  }
0x3d: {  	_ =	shalt  }
0x3e: {  	_ =	shalt  }
0x3f: {  	_ =	shalt  }
0x40: {  	_ =	shalt  }
0x41: {  	_ =	shalt  }
0x42: {  	_ =	shalt  }
0x43: {  	_ =	shalt  }
0x44: {  	_ =	shalt  }
0x45: {  	_ =	shalt  }
0x46: {  	_ =	shalt  }
0x47: {  	_ =	shalt  }
0x48: {  	_ =	shalt  }
0x49: {  	_ =	shalt  }
0x4a: {  	_ =	shalt  }
0x4b: {  	_ =	shalt  }
0x4c: {  	_ =	shalt  }
0x4d: {  	_ =	shalt  }
0x4e: {  	_ =	shalt  }
0x4f: {  	_ =	shalt  }
0x50: {  	_ =	shalt  }
0x51: {  	_ =	shalt  }
0x52: {  	_ =	shalt  }
0x53: {  	_ =	shalt  }
0x54: {  	_ =	shalt  }
0x55: {  	_ =	shalt  }
0x56: {  	_ =	shalt  }
0x57: {  	_ =	shalt  }
0x58: {  	_ =	shalt  }
0x59: {  	_ =	shalt  }
0x5a: {  	_ =	shalt  }
0x5b: {  	_ =	shalt  }
0x5c: {  	_ =	shalt  }
0x5d: {  	_ =	shalt  }
0x5e: {  	_ =	shalt  }
0x5f: {  	_ =	shalt  }
0x60: {  	_ =	shalt  }
0x61: {  	_ =	shalt  }
0x62: {  	_ =	shalt  }
0x63: {  	_ =	shalt  }
0x64: {  	_ =	shalt  }
0x65: {  	_ =	shalt  }
0x66: {  	_ =	shalt  }
0x67: {  	_ =	shalt  }
0x68: {  	_ =	shalt  }
0x69: {  	_ =	shalt  }
0x6a: {  	_ =	shalt  }
0x6b: {  	_ =	shalt  }
0x6c: {  	_ =	shalt  }
0x6d: {  	_ =	shalt  }
0x6e: {  	_ =	shalt  }
0x6f: {  	_ =	shalt  }
0x70: {  	_ =	shalt  }
0x71: {  	_ =	shalt  }
0x72: {  	_ =	shalt  }
0x73: {  	_ =	shalt  }
0x74: {  	_ =	shalt  }
0x75: {  	_ =	shalt  }
0x76: {  	_ =	shalt  }
0x77: {  	_ =	shalt  }
0x78: {  	_ =	shalt  }
0x79: {  	_ =	shalt  }
0x7a: {  	_ =	shalt  }
0x7b: {  	_ =	shalt  }
0x7c: {  	_ =	shalt  }
0x7d: {  	_ =	shalt  }
0x7e: {  	_ =	shalt  }
0x7f: {  	_ =	shalt  }
0x80: {  	_ =	shalt  }
0x81: {  	_ =	shalt  }
0x82: {  	_ =	shalt  }
0x83: {  	_ =	shalt  }
0x84: {  	_ =	shalt  }
0x85: {  	_ =	shalt  }
0x86: {  	_ =	shalt  }
0x87: {  	_ =	shalt  }
.Lfunc_end0:
.L_simem_size_0:
called_computation_lowered:
.L_overlay_start_0:
0x88: {  	s2 =	sld [smem:$0x3FD9]  }
0x89: {  	s3 =	sld [smem:$0x3FFE];
	_ =	sdelay $0x1  }
0x8a: {  	s1 =	srdreg.scid  }
0x8b: {  	s0 =	sand.u32 $0x1, s1  }
0x8c: {  	s16 =	sshll.u32 s0, $0xA;
	s2 =	sadd.s32 s3, s2  }
0x8d: {  	s2 =	sadd.s32 s2, s16  }
0x8e: {  	[smem:$0x3FC2] =	sst s2  }
0x8f: {  	_ = 	snop  }
0x90: {  	(tm) =	ssettm $0x1  }
0x91: {  	s17 =	sld [smem:$0x3FFB];
	_ =	sdelay $0x3  }
0x92: {  	_ =	strace s17  }
0x93: {  	s2 =	sld [smem:$0x3FFC];
	_ =	sdelay $0x3  }
0x94: {  	_ =	strace s2  }
0x95: {  	s2 =	sld [smem:$0x3FFD];
	_ =	sdelay $0x3  }
0x96: {  	_ =	strace s2  }
0x97: {  	_ =	strace $0x8FFFFFFF  }
0x98: {  	s18 =	sld [smem:$0x3FDB];
	_ =	sdelay $0x1  }
0x99: {  	s19 =	simm.s32 $_scs_section_size  }
0x9a: {  	s4 =	simm.s32 $_size__tile_overlayer_lowered;
	s5 =	simm.s32 $_tile_overlayer_lowered  }
0x9b: {  	s22 =	simm.s32 $0x1BFF;
	s21 =	sshll.u32 s5, $0x1;
	s2 =	sadd.s32 s19, s18  }
0x9c: {  	s6 =	simm.s32 $0x0;
	s20 =	sshll.u32 s4, $0x1;
	s4 =	sadd.s32 s21, s2  }
0x9d: {  	[timem:s6], [sflag:s22] =	dma.local [hbm:s4], s20  }
0x9e: {  	_ =	swait.ge [sflag:s22], s20  }
0x9f: {  	s3 =	ssub.s32 $0x0, s20;
	[sflag:s22] =	ssyncset.done $0x0  }
0xa0: {  	[sflag:s22] =	ssyncadd.s32 s3;
	_ =	sdelay $0x1  }
0xa1: {  	s23 =	simm.s32 $0x1B8B  }
0xa2: {  	_ =	swait.ge [sflag:s23], $0x1  }
0xa3: {  	[sflag:s23] =	ssyncset.done $0x0  }
0xa4: {  	s25 =	simm.s32 $0x1B8E;
	s24 =	sld [smem:$0x3FFE];
	[sflag:s23] =	ssyncadd.s32 $0xFFFFFFFF  }
0xa5: {  	s26 =	simm.s32 $execute0_lowered;
	[smem:$0x3FD2] =	sst s25  }
0xa6: {  	s4 =	sshll.u32 s26, $0x1;
	_ =	strace $0x80000046;
	[dreg:$0x1] =	wrdreg $0xFFFFFFFF  }
0xa7: {  	s28 =	simm.s32 $_size_execute0_lowered;
	s2 =	sadd.s32 s2, s4;
	[dreg:$0x0] =	wrdreg $0x0  }
0xa8: {  	s4 =	sshll.u32 s28, $0x1;
	[dreg:$0x2] =	wrdreg s2  }
0xa9: {  	[dreg:$0x3] =	wrdreg s4  }
0xaa: {  	[dreg:$0x4] =	wrdreg $0xC0  }
0xab: {  	_ =	task [dreg:s6], $0x5FFFF  }
0xac: {  	[dreg:$0x1] =	wrdreg $0xFFFFFFFF  }
0xad: {  	[dreg:$0x0] =	wrdreg $0x60  }
0xae: {  	[dreg:$0x2] =	wrdreg s24  }
0xaf: {  	[dreg:$0x3] =	wrdreg $0x0  }
0xb0: {  	[dreg:$0x4] =	wrdreg $0x9  }
0xb1: {  	_ =	task.clear_ibuf [dreg:s6], $0x5FFFF;
	_ =	strace $0x90000046  }
0xb2: {  	s29 =	simm.s32 $0x9;
	_ =	strace $0x80000048  }
0xb3: {  	_ =	swait.ge [sflag:s29], $0x1  }
0xb4: {  	[sflag:s29] =	ssyncadd.s32 $0xFFFFFFFF  }
0xb5: {  	_ =	strace $0x90000048  }
0xb6: {  	_ =	sfence  }
0xb7: {  	s30 =	sld [smem:$0x0];
	_ =	sdelay $0x2  }
0xb8: {  	s31 =	sshll.u32 s1, $0xD;
	s1 =	sshrl.u32 s1, $0x2  }
0xb9: {  	s3 =	sand.u32 $0x4000, s31;
	s1 =	sadd.s32 s1, s30  }
0xba: {  	s0 =	sor.u32 s3, s0;
	s1 =	sshll.u32 s1, $0x11  }
0xbb: {  	s0 =	sor.u32 s1, s0  }
0xbc: {  	s0 =	sadd.s32 $0x8F2B, s0  }
0xbd: {  	[sflag:s0] =	ssyncadd.remote.s32 $0x1  }
0xbe: {  	_ =	sfence.sel $0xFFFF  }
0xbf: {  	[dreg:$0x0] =	wrdreg $0xFFFFFFFF;
	(pc) =	sbr.abs _section_cstart, $3  }
0xc0: {  	[dreg:$0x1] =	wrdreg $0xFFFFFFFF  }
0xc1: {  	_ =	task.clear_ibuf [dreg:s6], $0x2FFFF;
	_ =	strace $0x9FFFFFFF  }
0xc2: {  	(tm) =	ssettm $0x7FFFFFFF  }
0xc3: {  	_ =	shalt  }
tec
execute0_lowered:
.L_overlay_start_1:
0x0: {  	(tag) =	ssettag $0x1  }
0x1: {  	s5 =	rddreg [dreg:$0x0]  }
0x2: {  	s0 =	srdreg.scid;
	s2 =	rddreg [dreg:$0x1]  }
0x3: {  	s3 =	simm.s32 $0x0;
	s10 =	simm.s32 $0x280;
	s11 =	simm.s32 $0x50  }
0x4: {  	s12 =	simm.s32 $0x2A00;
	s13 =	simm.s32 $0x1;
	s16 =	simm.s32 $0x20  }
0x5: {  	s17 =	simm.s32 $0x10;
	s4 =	sand.u32 $0x1, s0;
	s0 =	stileid.u32  }
0x6: {  	s18 =	simm.s32 $0x0;
	[smem:$0x7FF] =	sst s3;
	s7 =	smul.u32 $0x500, s0  }
0x7: {  	s1 =	sshll.u32 s4, $0x4;
	s8 =	sshll.u32 s4, $0x7;
	s9 =	smul.u32 $0xA00, s0  }
0x8: {  	s4 =	ssub.s32 $0x2, s4;
	s14 =	sshll.u32 s0, $0x6;
	s6 =	sor.u32 s0, s1  }
0x9: {  	s1 =	rddreg [dreg:$0x2];
	_ =	strace $0x80000047;
	s31 =	sshrl.u32 s4, $0x1  }
0xa: {  	s14 =	sor.u32 $0x1C02, s14;
	s6 =	smul.u32 $0x4E2, s6;
	s7 =	sor.u32 s8, s7  }
0xb: {  	s9 =	sshrl.u32 s9, $0x2;
	s8 =	ssub.s32 s4, s31;
	s7 =	sshrl.u32 s7, $0x3  }
0xc: {  	s4 =	sadd.s32 s9, s2;
	s9 =	simm.s32 $0x2;
	s6 =	sadd.s32 s6, s5  }
0xd: {  	s7 =	sadd.s32 s7, s5;
	s15 =	sshrl.u32 s4, $0x3;
	s5 =	sadd.s32 $0x1800, s6  }
0xe: {  	v0 =	vimm.f32 $0.0e+00;
	v1 =	vimm.f32 $1.000000000e+00;
	s6 =	sadd.s32 $0xB600, s7;
	s7 =	smax.u32 s8, $0x1;
	s8 =	simm.s32 $0x2A80  }
.LBB2_1:
0xf: {  	[tilespmem:$0x2A80] =	vst v0  }
0x10: {  	[tilespmem:$0x2A90] =	vst v0  }
0x11: {  	[tilespmem:$0x2AA0] =	vst v0  }
0x12: {  	[tilespmem:$0x2AB0] =	vst v0  }
0x13: {  	[tilespmem:$0x2AC0] =	vst v0  }
0x14: {  	[tilespmem:$0x2AD0] =	vst v0  }
0x15: {  	[tilespmem:$0x2AE0] =	vst v0  }
0x16: {  	[tilespmem:$0x2AF0] =	vst v0  }
0x17: {  	[tilespmem:$0x2B00] =	vst v0  }
0x18: {  	[tilespmem:$0x2B10] =	vst v0  }
0x19: {  	[tilespmem:$0x2B20] =	vst v0  }
0x1a: {  	[tilespmem:$0x2B30] =	vst v0  }
0x1b: {  	[tilespmem:$0x2B40] =	vst v0  }
0x1c: {  	[tilespmem:$0x2B50] =	vst v0  }
0x1d: {  	[tilespmem:$0x2B60] =	vst v0  }
0x1e: {  	[tilespmem:$0x2B70] =	vst v0  }
0x1f: {  	[tilespmem:$0x2B80] =	vst v0  }
0x20: {  	[tilespmem:$0x2B90] =	vst v0  }
0x21: {  	[tilespmem:$0x2BA0] =	vst v0  }
0x22: {  	[tilespmem:$0x2BB0] =	vst v0  }
0x23: {  	[tilespmem:$0x2BC0] =	vst v0  }
0x24: {  	[tilespmem:$0x2BD0] =	vst v0  }
0x25: {  	[tilespmem:$0x2BE0] =	vst v0  }
0x26: {  	[tilespmem:$0x2BF0] =	vst v0  }
0x27: {  	[tilespmem:$0x2C00] =	vst v0  }
0x28: {  	[tilespmem:$0x2C10] =	vst v0  }
0x29: {  	[tilespmem:$0x2C20] =	vst v0  }
0x2a: {  	[tilespmem:$0x2C30] =	vst v0  }
0x2b: {  	[tilespmem:$0x2C40] =	vst v0  }
0x2c: {  	[tilespmem:$0x2C50] =	vst v0  }
0x2d: {  	[tilespmem:$0x2C60] =	vst v0  }
0x2e: {  	[tilespmem:$0x2C70] =	vst v0  }
0x2f: {  	[tilespmem:$0x2C80] =	vst v0  }
0x30: {  	[tilespmem:$0x2C90] =	vst v0  }
0x31: {  	[tilespmem:$0x2CA0] =	vst v0  }
0x32: {  	[tilespmem:$0x2CB0] =	vst v0  }
0x33: {  	[tilespmem:$0x2CC0] =	vst v0  }
0x34: {  	[tilespmem:$0x2CD0] =	vst v0  }
0x35: {  	[tilespmem:$0x2CE0] =	vst v0  }
0x36: {  	[tilespmem:$0x2CF0] =	vst v0  }
0x37: {  	[tilespmem:$0x2A00] =	vst v1  }
0x38: {  	[tilespmem:$0x2A10] =	vst v1  }
0x39: {  	[tilespmem:$0x2A20] =	vst v1  }
0x3a: {  	[tilespmem:$0x2A30] =	vst v1  }
0x3b: {  	[tilespmem:$0x2A40] =	vst v1  }
0x3c: {  	[spmem:s4] =	stream.linear.scatter [tilespmem:s8], [sflag:$0x2], $0x280, $0x38;
	[tilespmem:$0x2D00] =	vst v63  }
0x3d: {  	_ =	swait.ge [sflag:s9], $0x280  }
0x3e: {  	[sflag:s9] =	ssyncset.done $0x0  }
0x3f: {  	[sflag:s9] =	ssyncadd.s32 $0xFFFFFD80  }
0x40: {  	[bflag:$0x0] =	sbarrier.arrive $0xFFFF  }
0x41: {  	[tilespmem:s10], [sflag:$0x2] =	stream.linear.gather [hbm4b:s5+s3], $0x2710, $0x38;
	[tilespmem:$0x2D00] =	vst v63  }
0x42: {  	_ =	swait.ge [sflag:s9], $0x2710  }
0x43: {  	[sflag:s9] =	ssyncset.done $0x0  }
0x44: {  	s19 =	simm.s32 $0x280;
	[sflag:s9] =	ssyncadd.s32 $0xFFFFD8F0  }
0x45: {  	[spmem:s2] =	stream.indirect.scatter.add.f32 [tilespmem:s12], [sflag:$0x1], $0x1, s19, s11, $0xb8;
	[tilespmem:$0x2D00] =	vst v63  }
0x46: {  	s30 =	simm.s32 $0x2D0  }
0x47: {  	[spmem:s2] =	stream.indirect.scatter.add.f32 [tilespmem:s12], [sflag:$0x1], $0x1, s30, s11, $0xb8;
	[tilespmem:$0x2D00] =	vst v63  }
0x48: {  	s31 =	simm.s32 $0x320  }
0x49: {  	[spmem:s2] =	stream.indirect.scatter.add.f32 [tilespmem:s12], [sflag:$0x1], $0x1, s31, s11, $0xb8;
	[tilespmem:$0x2D00] =	vst v63  }
0x4a: {  	s20 =	simm.s32 $0x370  }
0x4b: {  	[spmem:s2] =	stream.indirect.scatter.add.f32 [tilespmem:s12], [sflag:$0x1], $0x1, s20, s11, $0xb8;
	[tilespmem:$0x2D00] =	vst v63  }
0x4c: {  	s21 =	simm.s32 $0x3C0  }
0x4d: {  	[spmem:s2] =	stream.indirect.scatter.add.f32 [tilespmem:s12], [sflag:$0x1], $0x1, s21, s11, $0xb8;
	[tilespmem:$0x2D00] =	vst v63  }
0x4e: {  	s22 =	simm.s32 $0x410  }
0x4f: {  	[spmem:s2] =	stream.indirect.scatter.add.f32 [tilespmem:s12], [sflag:$0x1], $0x1, s22, s11, $0xb8;
	[tilespmem:$0x2D00] =	vst v63  }
0x50: {  	s23 =	simm.s32 $0x460  }
0x51: {  	[spmem:s2] =	stream.indirect.scatter.add.f32 [tilespmem:s12], [sflag:$0x1], $0x1, s23, s11, $0xb8;
	[tilespmem:$0x2D00] =	vst v63  }
0x52: {  	s24 =	simm.s32 $0x4B0  }
0x53: {  	[spmem:s2] =	stream.indirect.scatter.add.f32 [tilespmem:s12], [sflag:$0x1], $0x1, s24, s11, $0xb8;
	[tilespmem:$0x2D00] =	vst v63  }
0x54: {  	s25 =	simm.s32 $0x500  }
0x55: {  	[spmem:s2] =	stream.indirect.scatter.add.f32 [tilespmem:s12], [sflag:$0x1], $0x1, s25, s11, $0xb8;
	[tilespmem:$0x2D00] =	vst v63  }
0x56: {  	s26 =	simm.s32 $0x550  }
0x57: {  	[spmem:s2] =	stream.indirect.scatter.add.f32 [tilespmem:s12], [sflag:$0x1], $0x1, s26, s11, $0xb8;
	[tilespmem:$0x2D00] =	vst v63  }
0x58: {  	s28 =	simm.s32 $0x5A0  }
0x59: {  	[spmem:s2] =	stream.indirect.scatter.add.f32 [tilespmem:s12], [sflag:$0x1], $0x1, s28, s11, $0xb8;
	[tilespmem:$0x2D00] =	vst v63  }
0x5a: {  	s29 =	simm.s32 $0x5F0  }
0x5b: {  	[spmem:s2] =	stream.indirect.scatter.add.f32 [tilespmem:s12], [sflag:$0x1], $0x1, s29, s11, $0xb8;
	[tilespmem:$0x2D00] =	vst v63  }
0x5c: {  	s30 =	simm.s32 $0x640  }
0x5d: {  	[spmem:s2] =	stream.indirect.scatter.add.f32 [tilespmem:s12], [sflag:$0x1], $0x1, s30, s11, $0xb8;
	[tilespmem:$0x2D00] =	vst v63  }
0x5e: {  	s31 =	simm.s32 $0x690  }
0x5f: {  	[spmem:s2] =	stream.indirect.scatter.add.f32 [tilespmem:s12], [sflag:$0x1], $0x1, s31, s11, $0xb8;
	[tilespmem:$0x2D00] =	vst v63  }
0x60: {  	s20 =	simm.s32 $0x6E0  }
0x61: {  	[spmem:s2] =	stream.indirect.scatter.add.f32 [tilespmem:s12], [sflag:$0x1], $0x1, s20, s11, $0xb8;
	[tilespmem:$0x2D00] =	vst v63  }
0x62: {  	s21 =	simm.s32 $0x730  }
0x63: {  	[spmem:s2] =	stream.indirect.scatter.add.f32 [tilespmem:s12], [sflag:$0x1], $0x1, s21, s11, $0xb8;
	[tilespmem:$0x2D00] =	vst v63  }
0x64: {  	s22 =	simm.s32 $0x780  }
0x65: {  	[spmem:s2] =	stream.indirect.scatter.add.f32 [tilespmem:s12], [sflag:$0x1], $0x1, s22, s11, $0xb8;
	[tilespmem:$0x2D00] =	vst v63  }
0x66: {  	s23 =	simm.s32 $0x7D0  }
0x67: {  	[spmem:s2] =	stream.indirect.scatter.add.f32 [tilespmem:s12], [sflag:$0x1], $0x1, s23, s11, $0xb8;
	[tilespmem:$0x2D00] =	vst v63  }
0x68: {  	s24 =	simm.s32 $0x820  }
0x69: {  	[spmem:s2] =	stream.indirect.scatter.add.f32 [tilespmem:s12], [sflag:$0x1], $0x1, s24, s11, $0xb8;
	[tilespmem:$0x2D00] =	vst v63  }
0x6a: {  	s25 =	simm.s32 $0x870  }
0x6b: {  	[spmem:s2] =	stream.indirect.scatter.add.f32 [tilespmem:s12], [sflag:$0x1], $0x1, s25, s11, $0xb8;
	[tilespmem:$0x2D00] =	vst v63  }
0x6c: {  	s26 =	simm.s32 $0x8C0  }
0x6d: {  	[spmem:s2] =	stream.indirect.scatter.add.f32 [tilespmem:s12], [sflag:$0x1], $0x1, s26, s11, $0xb8;
	[tilespmem:$0x2D00] =	vst v63  }
0x6e: {  	s28 =	simm.s32 $0x910  }
0x6f: {  	[spmem:s2] =	stream.indirect.scatter.add.f32 [tilespmem:s12], [sflag:$0x1], $0x1, s28, s11, $0xb8;
	[tilespmem:$0x2D00] =	vst v63  }
0x70: {  	s29 =	simm.s32 $0x960  }
0x71: {  	[spmem:s2] =	stream.indirect.scatter.add.f32 [tilespmem:s12], [sflag:$0x1], $0x1, s29, s11, $0xb8;
	[tilespmem:$0x2D00] =	vst v63  }
0x72: {  	s30 =	simm.s32 $0x9B0  }
0x73: {  	[spmem:s2] =	stream.indirect.scatter.add.f32 [tilespmem:s12], [sflag:$0x1], $0x1, s30, s11, $0xb8;
	[tilespmem:$0x2D00] =	vst v63  }
0x74: {  	s31 =	simm.s32 $0xA00  }
0x75: {  	[spmem:s2] =	stream.indirect.scatter.add.f32 [tilespmem:s12], [sflag:$0x1], $0x1, s31, s11, $0xb8;
	[tilespmem:$0x2D00] =	vst v63  }
0x76: {  	_ =	swait.ge [sflag:s13], $0x50  }
0x77: {  	[sflag:s13] =	ssyncset.done $0x0  }
0x78: {  	[sflag:s13] =	ssyncadd.s32 $0xFFFFFFB0  }
0x79: {  	_ =	swait.ge [sflag:s13], $0x50  }
0x7a: {  	[sflag:s13] =	ssyncset.done $0x0  }
0x7b: {  	[sflag:s13] =	ssyncadd.s32 $0xFFFFFFB0  }
0x7c: {  	_ =	swait.ge [sflag:s13], $0x50  }
0x7d: {  	[sflag:s13] =	ssyncset.done $0x0  }
0x7e: {  	[sflag:s13] =	ssyncadd.s32 $0xFFFFFFB0  }
0x7f: {  	_ =	swait.ge [sflag:s13], $0x50  }
0x80: {  	[sflag:s13] =	ssyncset.done $0x0  }
0x81: {  	[sflag:s13] =	ssyncadd.s32 $0xFFFFFFB0  }
0x82: {  	_ =	swait.ge [sflag:s13], $0x50  }
0x83: {  	[sflag:s13] =	ssyncset.done $0x0  }
0x84: {  	[sflag:s13] =	ssyncadd.s32 $0xFFFFFFB0  }
0x85: {  	_ =	swait.ge [sflag:s13], $0x50  }
0x86: {  	[sflag:s13] =	ssyncset.done $0x0  }
0x87: {  	[sflag:s13] =	ssyncadd.s32 $0xFFFFFFB0  }
0x88: {  	_ =	swait.ge [sflag:s13], $0x50  }
0x89: {  	[sflag:s13] =	ssyncset.done $0x0  }
0x8a: {  	[sflag:s13] =	ssyncadd.s32 $0xFFFFFFB0  }
0x8b: {  	_ =	swait.ge [sflag:s13], $0x50  }
0x8c: {  	[sflag:s13] =	ssyncset.done $0x0  }
0x8d: {  	[sflag:s13] =	ssyncadd.s32 $0xFFFFFFB0  }
0x8e: {  	_ =	swait.ge [sflag:s13], $0x50  }
0x8f: {  	[sflag:s13] =	ssyncset.done $0x0  }
0x90: {  	[sflag:s13] =	ssyncadd.s32 $0xFFFFFFB0  }
0x91: {  	_ =	swait.ge [sflag:s13], $0x50  }
0x92: {  	[sflag:s13] =	ssyncset.done $0x0  }
0x93: {  	[sflag:s13] =	ssyncadd.s32 $0xFFFFFFB0  }
0x94: {  	_ =	swait.ge [sflag:s13], $0x50  }
0x95: {  	[sflag:s13] =	ssyncset.done $0x0  }
0x96: {  	[sflag:s13] =	ssyncadd.s32 $0xFFFFFFB0  }
0x97: {  	_ =	swait.ge [sflag:s13], $0x50  }
0x98: {  	[sflag:s13] =	ssyncset.done $0x0  }
0x99: {  	[sflag:s13] =	ssyncadd.s32 $0xFFFFFFB0  }
0x9a: {  	_ =	swait.ge [sflag:s13], $0x50  }
0x9b: {  	[sflag:s13] =	ssyncset.done $0x0  }
0x9c: {  	[sflag:s13] =	ssyncadd.s32 $0xFFFFFFB0  }
0x9d: {  	_ =	swait.ge [sflag:s13], $0x50  }
0x9e: {  	[sflag:s13] =	ssyncset.done $0x0  }
0x9f: {  	[sflag:s13] =	ssyncadd.s32 $0xFFFFFFB0  }
0xa0: {  	_ =	swait.ge [sflag:s13], $0x50  }
0xa1: {  	[sflag:s13] =	ssyncset.done $0x0  }
0xa2: {  	[sflag:s13] =	ssyncadd.s32 $0xFFFFFFB0  }
0xa3: {  	_ =	swait.ge [sflag:s13], $0x50  }
0xa4: {  	[sflag:s13] =	ssyncset.done $0x0  }
0xa5: {  	[sflag:s13] =	ssyncadd.s32 $0xFFFFFFB0  }
0xa6: {  	_ =	swait.ge [sflag:s13], $0x50  }
0xa7: {  	[sflag:s13] =	ssyncset.done $0x0  }
0xa8: {  	[sflag:s13] =	ssyncadd.s32 $0xFFFFFFB0  }
0xa9: {  	_ =	swait.ge [sflag:s13], $0x50  }
0xaa: {  	[sflag:s13] =	ssyncset.done $0x0  }
0xab: {  	[sflag:s13] =	ssyncadd.s32 $0xFFFFFFB0  }
0xac: {  	_ =	swait.ge [sflag:s13], $0x50  }
0xad: {  	[sflag:s13] =	ssyncset.done $0x0  }
0xae: {  	[sflag:s13] =	ssyncadd.s32 $0xFFFFFFB0  }
0xaf: {  	_ =	swait.ge [sflag:s13], $0x50  }
0xb0: {  	[sflag:s13] =	ssyncset.done $0x0  }
0xb1: {  	[sflag:s13] =	ssyncadd.s32 $0xFFFFFFB0  }
0xb2: {  	_ =	swait.ge [sflag:s13], $0x50  }
0xb3: {  	[sflag:s13] =	ssyncset.done $0x0  }
0xb4: {  	[sflag:s13] =	ssyncadd.s32 $0xFFFFFFB0  }
0xb5: {  	_ =	swait.ge [sflag:s13], $0x50  }
0xb6: {  	[sflag:s13] =	ssyncset.done $0x0  }
0xb7: {  	[sflag:s13] =	ssyncadd.s32 $0xFFFFFFB0  }
0xb8: {  	_ =	swait.ge [sflag:s13], $0x50  }
0xb9: {  	[sflag:s13] =	ssyncset.done $0x0  }
0xba: {  	[sflag:s13] =	ssyncadd.s32 $0xFFFFFFB0  }
0xbb: {  	_ =	swait.ge [sflag:s13], $0x50  }
0xbc: {  	[sflag:s13] =	ssyncset.done $0x0  }
0xbd: {  	[sflag:s13] =	ssyncadd.s32 $0xFFFFFFB0  }
0xbe: {  	_ =	swait.ge [sflag:s13], $0x50  }
0xbf: {  	s21 =	simm.s32 $0x7D0;
	s22 =	simm.s32 $0x3E80;
	[sflag:s13] =	ssyncset.done $0x0  }
.LBB2_2:
0xc0: {  	s23 =	sadd.s32 $0x280, s21  }
0xc1: {  	[sflag:s13] =	ssyncadd.s32 $0xFFFFFFB0;
	s20 =	smov.u32 s22;
	s19 =	sadd.s32 $0x1F40, s22  }
0xc2: {  	[spmem:s2] =	stream.indirect.scatter.add.f32 [tilespmem:s12], [sflag:$0x1], $0x1, s23, s11, $0xb8;
	[tilespmem:$0x2D00] =	vst v63  }
0xc3: {  	p0 =	sne.s32 s22, $0x7D00;
	s22 =	sadd.s32 $0x2D0, s21  }
0xc4: {  	[spmem:s2] =	stream.indirect.scatter.add.f32 [tilespmem:s12], [sflag:$0x1], $0x1, s22, s11, $0xb8;
	[tilespmem:$0x2D00] =	vst v63  }
0xc5: {  	s22 =	sadd.s32 $0x320, s21  }
0xc6: {  	[spmem:s2] =	stream.indirect.scatter.add.f32 [tilespmem:s12], [sflag:$0x1], $0x1, s22, s11, $0xb8;
	[tilespmem:$0x2D00] =	vst v63  }
0xc7: {  	s22 =	sadd.s32 $0x370, s21  }
0xc8: {  	[spmem:s2] =	stream.indirect.scatter.add.f32 [tilespmem:s12], [sflag:$0x1], $0x1, s22, s11, $0xb8;
	[tilespmem:$0x2D00] =	vst v63  }
0xc9: {  	s22 =	sadd.s32 $0x3C0, s21  }
0xca: {  	[spmem:s2] =	stream.indirect.scatter.add.f32 [tilespmem:s12], [sflag:$0x1], $0x1, s22, s11, $0xb8;
	[tilespmem:$0x2D00] =	vst v63  }
0xcb: {  	s22 =	sadd.s32 $0x410, s21  }
0xcc: {  	[spmem:s2] =	stream.indirect.scatter.add.f32 [tilespmem:s12], [sflag:$0x1], $0x1, s22, s11, $0xb8;
	[tilespmem:$0x2D00] =	vst v63  }
0xcd: {  	s22 =	sadd.s32 $0x460, s21  }
0xce: {  	[spmem:s2] =	stream.indirect.scatter.add.f32 [tilespmem:s12], [sflag:$0x1], $0x1, s22, s11, $0xb8;
	[tilespmem:$0x2D00] =	vst v63  }
0xcf: {  	s22 =	sadd.s32 $0x4B0, s21  }
0xd0: {  	[spmem:s2] =	stream.indirect.scatter.add.f32 [tilespmem:s12], [sflag:$0x1], $0x1, s22, s11, $0xb8;
	[tilespmem:$0x2D00] =	vst v63  }
0xd1: {  	s22 =	sadd.s32 $0x500, s21  }
0xd2: {  	[spmem:s2] =	stream.indirect.scatter.add.f32 [tilespmem:s12], [sflag:$0x1], $0x1, s22, s11, $0xb8;
	[tilespmem:$0x2D00] =	vst v63  }
0xd3: {  	s22 =	sadd.s32 $0x550, s21  }
0xd4: {  	[spmem:s2] =	stream.indirect.scatter.add.f32 [tilespmem:s12], [sflag:$0x1], $0x1, s22, s11, $0xb8;
	[tilespmem:$0x2D00] =	vst v63  }
0xd5: {  	s22 =	sadd.s32 $0x5A0, s21  }
0xd6: {  	[spmem:s2] =	stream.indirect.scatter.add.f32 [tilespmem:s12], [sflag:$0x1], $0x1, s22, s11, $0xb8;
	[tilespmem:$0x2D00] =	vst v63  }
0xd7: {  	s22 =	sadd.s32 $0x5F0, s21  }
0xd8: {  	[spmem:s2] =	stream.indirect.scatter.add.f32 [tilespmem:s12], [sflag:$0x1], $0x1, s22, s11, $0xb8;
	[tilespmem:$0x2D00] =	vst v63  }
0xd9: {  	s22 =	sadd.s32 $0x640, s21  }
0xda: {  	[spmem:s2] =	stream.indirect.scatter.add.f32 [tilespmem:s12], [sflag:$0x1], $0x1, s22, s11, $0xb8;
	[tilespmem:$0x2D00] =	vst v63  }
0xdb: {  	s22 =	sadd.s32 $0x690, s21  }
0xdc: {  	[spmem:s2] =	stream.indirect.scatter.add.f32 [tilespmem:s12], [sflag:$0x1], $0x1, s22, s11, $0xb8;
	[tilespmem:$0x2D00] =	vst v63  }
0xdd: {  	s22 =	sadd.s32 $0x6E0, s21  }
0xde: {  	[spmem:s2] =	stream.indirect.scatter.add.f32 [tilespmem:s12], [sflag:$0x1], $0x1, s22, s11, $0xb8;
	[tilespmem:$0x2D00] =	vst v63  }
0xdf: {  	s22 =	sadd.s32 $0x730, s21  }
0xe0: {  	[spmem:s2] =	stream.indirect.scatter.add.f32 [tilespmem:s12], [sflag:$0x1], $0x1, s22, s11, $0xb8;
	[tilespmem:$0x2D00] =	vst v63  }
0xe1: {  	s22 =	sadd.s32 $0x780, s21  }
0xe2: {  	[spmem:s2] =	stream.indirect.scatter.add.f32 [tilespmem:s12], [sflag:$0x1], $0x1, s22, s11, $0xb8;
	[tilespmem:$0x2D00] =	vst v63  }
0xe3: {  	s22 =	sadd.s32 $0x7D0, s21  }
0xe4: {  	[spmem:s2] =	stream.indirect.scatter.add.f32 [tilespmem:s12], [sflag:$0x1], $0x1, s22, s11, $0xb8;
	[tilespmem:$0x2D00] =	vst v63  }
0xe5: {  	s22 =	sadd.s32 $0x820, s21  }
0xe6: {  	[spmem:s2] =	stream.indirect.scatter.add.f32 [tilespmem:s12], [sflag:$0x1], $0x1, s22, s11, $0xb8;
	[tilespmem:$0x2D00] =	vst v63  }
0xe7: {  	s22 =	sadd.s32 $0x870, s21  }
0xe8: {  	[spmem:s2] =	stream.indirect.scatter.add.f32 [tilespmem:s12], [sflag:$0x1], $0x1, s22, s11, $0xb8;
	[tilespmem:$0x2D00] =	vst v63  }
0xe9: {  	s22 =	sadd.s32 $0x8C0, s21  }
0xea: {  	[spmem:s2] =	stream.indirect.scatter.add.f32 [tilespmem:s12], [sflag:$0x1], $0x1, s22, s11, $0xb8;
	[tilespmem:$0x2D00] =	vst v63  }
0xeb: {  	s22 =	sadd.s32 $0x910, s21  }
0xec: {  	[spmem:s2] =	stream.indirect.scatter.add.f32 [tilespmem:s12], [sflag:$0x1], $0x1, s22, s11, $0xb8;
	[tilespmem:$0x2D00] =	vst v63  }
0xed: {  	s22 =	sadd.s32 $0x960, s21  }
0xee: {  	[spmem:s2] =	stream.indirect.scatter.add.f32 [tilespmem:s12], [sflag:$0x1], $0x1, s22, s11, $0xb8;
	[tilespmem:$0x2D00] =	vst v63  }
0xef: {  	s22 =	sadd.s32 $0x9B0, s21  }
0xf0: {  	[spmem:s2] =	stream.indirect.scatter.add.f32 [tilespmem:s12], [sflag:$0x1], $0x1, s22, s11, $0xb8;
	[tilespmem:$0x2D00] =	vst v63  }
0xf1: {  	s21 =	sadd.s32 $0xA00, s21  }
0xf2: {  	[spmem:s2] =	stream.indirect.scatter.add.f32 [tilespmem:s12], [sflag:$0x1], $0x1, s21, s11, $0xb8;
	[tilespmem:$0x2D00] =	vst v63  }
0xf3: {  	_ =	swait.ge [sflag:s13], $0x50  }
0xf4: {  	[sflag:s13] =	ssyncset.done $0x0  }
0xf5: {  	[sflag:s13] =	ssyncadd.s32 $0xFFFFFFB0  }
0xf6: {  	_ =	swait.ge [sflag:s13], $0x50  }
0xf7: {  	[sflag:s13] =	ssyncset.done $0x0  }
0xf8: {  	[sflag:s13] =	ssyncadd.s32 $0xFFFFFFB0  }
0xf9: {  	_ =	swait.ge [sflag:s13], $0x50  }
0xfa: {  	[sflag:s13] =	ssyncset.done $0x0  }
0xfb: {  	[sflag:s13] =	ssyncadd.s32 $0xFFFFFFB0  }
0xfc: {  	_ =	swait.ge [sflag:s13], $0x50  }
0xfd: {  	[sflag:s13] =	ssyncset.done $0x0  }
0xfe: {  	[sflag:s13] =	ssyncadd.s32 $0xFFFFFFB0  }
0xff: {  	_ =	swait.ge [sflag:s13], $0x50  }
0x100: {  	[sflag:s13] =	ssyncset.done $0x0  }
0x101: {  	[sflag:s13] =	ssyncadd.s32 $0xFFFFFFB0  }
0x102: {  	_ =	swait.ge [sflag:s13], $0x50  }
0x103: {  	[sflag:s13] =	ssyncset.done $0x0  }
0x104: {  	[sflag:s13] =	ssyncadd.s32 $0xFFFFFFB0  }
0x105: {  	_ =	swait.ge [sflag:s13], $0x50  }
0x106: {  	[sflag:s13] =	ssyncset.done $0x0  }
0x107: {  	[sflag:s13] =	ssyncadd.s32 $0xFFFFFFB0  }
0x108: {  	_ =	swait.ge [sflag:s13], $0x50  }
0x109: {  	[sflag:s13] =	ssyncset.done $0x0  }
0x10a: {  	[sflag:s13] =	ssyncadd.s32 $0xFFFFFFB0  }
0x10b: {  	_ =	swait.ge [sflag:s13], $0x50  }
0x10c: {  	[sflag:s13] =	ssyncset.done $0x0  }
0x10d: {  	[sflag:s13] =	ssyncadd.s32 $0xFFFFFFB0  }
0x10e: {  	_ =	swait.ge [sflag:s13], $0x50  }
0x10f: {  	[sflag:s13] =	ssyncset.done $0x0  }
0x110: {  	[sflag:s13] =	ssyncadd.s32 $0xFFFFFFB0  }
0x111: {  	_ =	swait.ge [sflag:s13], $0x50  }
0x112: {  	[sflag:s13] =	ssyncset.done $0x0  }
0x113: {  	[sflag:s13] =	ssyncadd.s32 $0xFFFFFFB0  }
0x114: {  	_ =	swait.ge [sflag:s13], $0x50  }
0x115: {  	[sflag:s13] =	ssyncset.done $0x0  }
0x116: {  	[sflag:s13] =	ssyncadd.s32 $0xFFFFFFB0  }
0x117: {  	_ =	swait.ge [sflag:s13], $0x50  }
0x118: {  	[sflag:s13] =	ssyncset.done $0x0  }
0x119: {  	[sflag:s13] =	ssyncadd.s32 $0xFFFFFFB0  }
0x11a: {  	_ =	swait.ge [sflag:s13], $0x50  }
0x11b: {  	[sflag:s13] =	ssyncset.done $0x0  }
0x11c: {  	[sflag:s13] =	ssyncadd.s32 $0xFFFFFFB0  }
0x11d: {  	_ =	swait.ge [sflag:s13], $0x50  }
0x11e: {  	[sflag:s13] =	ssyncset.done $0x0  }
0x11f: {  	[sflag:s13] =	ssyncadd.s32 $0xFFFFFFB0  }
0x120: {  	_ =	swait.ge [sflag:s13], $0x50  }
0x121: {  	[sflag:s13] =	ssyncset.done $0x0  }
0x122: {  	[sflag:s13] =	ssyncadd.s32 $0xFFFFFFB0  }
0x123: {  	_ =	swait.ge [sflag:s13], $0x50  }
0x124: {  	[sflag:s13] =	ssyncset.done $0x0  }
0x125: {  	[sflag:s13] =	ssyncadd.s32 $0xFFFFFFB0  }
0x126: {  	_ =	swait.ge [sflag:s13], $0x50  }
0x127: {  	[sflag:s13] =	ssyncset.done $0x0  }
0x128: {  	[sflag:s13] =	ssyncadd.s32 $0xFFFFFFB0  }
0x129: {  	_ =	swait.ge [sflag:s13], $0x50  }
0x12a: {  	[sflag:s13] =	ssyncset.done $0x0  }
0x12b: {  	[sflag:s13] =	ssyncadd.s32 $0xFFFFFFB0  }
0x12c: {  	_ =	swait.ge [sflag:s13], $0x50  }
0x12d: {  	[sflag:s13] =	ssyncset.done $0x0  }
0x12e: {  	[sflag:s13] =	ssyncadd.s32 $0xFFFFFFB0  }
0x12f: {  	_ =	swait.ge [sflag:s13], $0x50  }
0x130: {  	[sflag:s13] =	ssyncset.done $0x0  }
0x131: {  	[sflag:s13] =	ssyncadd.s32 $0xFFFFFFB0  }
0x132: {  	_ =	swait.ge [sflag:s13], $0x50  }
0x133: {  	[sflag:s13] =	ssyncset.done $0x0  }
0x134: {  	[sflag:s13] =	ssyncadd.s32 $0xFFFFFFB0  }
0x135: {  	_ =	swait.ge [sflag:s13], $0x50  }
0x136: {  	[sflag:s13] =	ssyncset.done $0x0  }
0x137: {  	[sflag:s13] =	ssyncadd.s32 $0xFFFFFFB0  }
.Ltmp0:
0x138: {  	_ =	swait.ge [sflag:s13], $0x50;
	(pc) =	sbr.rel @p0 .LBB2_2-.Ltmp0, $4  }
0x139: {  	[sflag:s13] =	ssyncset.done $0x0  }
0x13a: {  	[sflag:s13] =	ssyncadd.s32 $0xFFFFFFB0  }
0x13b: {  	_ =	swait.ge [sflag:s13], $0x50  }
0x13c: {  	s22 =	smov.u32 s19;
	s21 =	sshra.s32 s20, $0x2;
	[sflag:s13] =	ssyncset.done $0x0  }
0x13d: {  	s19 =	sadd.s32 $0x280, s21;
	[sflag:s13] =	ssyncadd.s32 $0xFFFFFFB0  }
0x13e: {  	[spmem:s2] =	stream.indirect.scatter.add.f32 [tilespmem:s12], [sflag:$0x1], $0x1, s19, s11, $0xb8;
	[tilespmem:$0x2D00] =	vst v63  }
0x13f: {  	s28 =	sadd.s32 $0x2D0, s21  }
0x140: {  	[spmem:s2] =	stream.indirect.scatter.add.f32 [tilespmem:s12], [sflag:$0x1], $0x1, s28, s11, $0xb8;
	[tilespmem:$0x2D00] =	vst v63  }
0x141: {  	s29 =	sadd.s32 $0x320, s21  }
0x142: {  	[spmem:s2] =	stream.indirect.scatter.add.f32 [tilespmem:s12], [sflag:$0x1], $0x1, s29, s11, $0xb8;
	[tilespmem:$0x2D00] =	vst v63  }
0x143: {  	s30 =	sadd.s32 $0x370, s21  }
0x144: {  	[spmem:s2] =	stream.indirect.scatter.add.f32 [tilespmem:s12], [sflag:$0x1], $0x1, s30, s11, $0xb8;
	[tilespmem:$0x2D00] =	vst v63  }
0x145: {  	s31 =	sadd.s32 $0x3C0, s21  }
0x146: {  	[spmem:s2] =	stream.indirect.scatter.add.f32 [tilespmem:s12], [sflag:$0x1], $0x1, s31, s11, $0xb8;
	[tilespmem:$0x2D00] =	vst v63  }
0x147: {  	s20 =	sadd.s32 $0x410, s21  }
0x148: {  	[spmem:s2] =	stream.indirect.scatter.add.f32 [tilespmem:s12], [sflag:$0x1], $0x1, s20, s11, $0xb8;
	[tilespmem:$0x2D00] =	vst v63  }
0x149: {  	s22 =	sadd.s32 $0x460, s21  }
0x14a: {  	[spmem:s2] =	stream.indirect.scatter.add.f32 [tilespmem:s12], [sflag:$0x1], $0x1, s22, s11, $0xb8;
	[tilespmem:$0x2D00] =	vst v63  }
0x14b: {  	s23 =	sadd.s32 $0x4B0, s21  }
0x14c: {  	[spmem:s2] =	stream.indirect.scatter.add.f32 [tilespmem:s12], [sflag:$0x1], $0x1, s23, s11, $0xb8;
	[tilespmem:$0x2D00] =	vst v63  }
0x14d: {  	s24 =	sadd.s32 $0x500, s21  }
0x14e: {  	[spmem:s2] =	stream.indirect.scatter.add.f32 [tilespmem:s12], [sflag:$0x1], $0x1, s24, s11, $0xb8;
	[tilespmem:$0x2D00] =	vst v63  }
0x14f: {  	s25 =	sadd.s32 $0x550, s21  }
0x150: {  	[spmem:s2] =	stream.indirect.scatter.add.f32 [tilespmem:s12], [sflag:$0x1], $0x1, s25, s11, $0xb8;
	[tilespmem:$0x2D00] =	vst v63  }
0x151: {  	s26 =	sadd.s32 $0x5A0, s21  }
0x152: {  	[spmem:s2] =	stream.indirect.scatter.add.f32 [tilespmem:s12], [sflag:$0x1], $0x1, s26, s11, $0xb8;
	[tilespmem:$0x2D00] =	vst v63  }
0x153: {  	s28 =	sadd.s32 $0x5F0, s21  }
0x154: {  	[spmem:s2] =	stream.indirect.scatter.add.f32 [tilespmem:s12], [sflag:$0x1], $0x1, s28, s11, $0xb8;
	[tilespmem:$0x2D00] =	vst v63  }
0x155: {  	s29 =	sadd.s32 $0x640, s21  }
0x156: {  	[spmem:s2] =	stream.indirect.scatter.add.f32 [tilespmem:s12], [sflag:$0x1], $0x1, s29, s11, $0xb8;
	[tilespmem:$0x2D00] =	vst v63  }
0x157: {  	s30 =	sadd.s32 $0x690, s21  }
0x158: {  	[spmem:s2] =	stream.indirect.scatter.add.f32 [tilespmem:s12], [sflag:$0x1], $0x1, s30, s11, $0xb8;
	[tilespmem:$0x2D00] =	vst v63  }
0x159: {  	s31 =	sadd.s32 $0x6E0, s21  }
0x15a: {  	[spmem:s2] =	stream.indirect.scatter.add.f32 [tilespmem:s12], [sflag:$0x1], $0x1, s31, s11, $0xb8;
	[tilespmem:$0x2D00] =	vst v63  }
0x15b: {  	s20 =	sadd.s32 $0x730, s21  }
0x15c: {  	[spmem:s2] =	stream.indirect.scatter.add.f32 [tilespmem:s12], [sflag:$0x1], $0x1, s20, s11, $0xb8;
	[tilespmem:$0x2D00] =	vst v63  }
0x15d: {  	s22 =	sadd.s32 $0x780, s21  }
0x15e: {  	[spmem:s2] =	stream.indirect.scatter.add.f32 [tilespmem:s12], [sflag:$0x1], $0x1, s22, s11, $0xb8;
	[tilespmem:$0x2D00] =	vst v63  }
0x15f: {  	s23 =	sadd.s32 $0x7D0, s21  }
0x160: {  	[spmem:s2] =	stream.indirect.scatter.add.f32 [tilespmem:s12], [sflag:$0x1], $0x1, s23, s11, $0xb8;
	[tilespmem:$0x2D00] =	vst v63  }
0x161: {  	s24 =	sadd.s32 $0x820, s21  }
0x162: {  	[spmem:s2] =	stream.indirect.scatter.add.f32 [tilespmem:s12], [sflag:$0x1], $0x1, s24, s11, $0xb8;
	[tilespmem:$0x2D00] =	vst v63  }
0x163: {  	s25 =	sadd.s32 $0x870, s21  }
0x164: {  	[spmem:s2] =	stream.indirect.scatter.add.f32 [tilespmem:s12], [sflag:$0x1], $0x1, s25, s11, $0xb8;
	[tilespmem:$0x2D00] =	vst v63  }
0x165: {  	s26 =	sadd.s32 $0x8C0, s21  }
0x166: {  	[spmem:s2] =	stream.indirect.scatter.add.f32 [tilespmem:s12], [sflag:$0x1], $0x1, s26, s11, $0xb8;
	[tilespmem:$0x2D00] =	vst v63  }
0x167: {  	s28 =	sadd.s32 $0x910, s21  }
0x168: {  	[spmem:s2] =	stream.indirect.scatter.add.f32 [tilespmem:s12], [sflag:$0x1], $0x1, s28, s11, $0xb8;
	[tilespmem:$0x2D00] =	vst v63  }
0x169: {  	s29 =	sadd.s32 $0x960, s21  }
0x16a: {  	[spmem:s2] =	stream.indirect.scatter.add.f32 [tilespmem:s12], [sflag:$0x1], $0x1, s29, s11, $0xb8;
	[tilespmem:$0x2D00] =	vst v63  }
0x16b: {  	s30 =	sadd.s32 $0x9B0, s21  }
0x16c: {  	[spmem:s2] =	stream.indirect.scatter.add.f32 [tilespmem:s12], [sflag:$0x1], $0x1, s30, s11, $0xb8;
	[tilespmem:$0x2D00] =	vst v63  }
0x16d: {  	s31 =	sadd.s32 $0xA00, s21  }
0x16e: {  	[spmem:s2] =	stream.indirect.scatter.add.f32 [tilespmem:s12], [sflag:$0x1], $0x1, s31, s11, $0xb8;
	[tilespmem:$0x2D00] =	vst v63  }
0x16f: {  	_ =	swait.ge [sflag:s13], $0x50  }
0x170: {  	[sflag:s13] =	ssyncset.done $0x0  }
0x171: {  	[sflag:s13] =	ssyncadd.s32 $0xFFFFFFB0  }
0x172: {  	_ =	swait.ge [sflag:s13], $0x50  }
0x173: {  	[sflag:s13] =	ssyncset.done $0x0  }
0x174: {  	[sflag:s13] =	ssyncadd.s32 $0xFFFFFFB0  }
0x175: {  	_ =	swait.ge [sflag:s13], $0x50  }
0x176: {  	[sflag:s13] =	ssyncset.done $0x0  }
0x177: {  	[sflag:s13] =	ssyncadd.s32 $0xFFFFFFB0  }
0x178: {  	_ =	swait.ge [sflag:s13], $0x50  }
0x179: {  	[sflag:s13] =	ssyncset.done $0x0  }
0x17a: {  	[sflag:s13] =	ssyncadd.s32 $0xFFFFFFB0  }
0x17b: {  	_ =	swait.ge [sflag:s13], $0x50  }
0x17c: {  	[sflag:s13] =	ssyncset.done $0x0  }
0x17d: {  	[sflag:s13] =	ssyncadd.s32 $0xFFFFFFB0  }
0x17e: {  	_ =	swait.ge [sflag:s13], $0x50  }
0x17f: {  	[sflag:s13] =	ssyncset.done $0x0  }
0x180: {  	[sflag:s13] =	ssyncadd.s32 $0xFFFFFFB0  }
0x181: {  	_ =	swait.ge [sflag:s13], $0x50  }
0x182: {  	[sflag:s13] =	ssyncset.done $0x0  }
0x183: {  	[sflag:s13] =	ssyncadd.s32 $0xFFFFFFB0  }
0x184: {  	_ =	swait.ge [sflag:s13], $0x50  }
0x185: {  	[sflag:s13] =	ssyncset.done $0x0  }
0x186: {  	[sflag:s13] =	ssyncadd.s32 $0xFFFFFFB0  }
0x187: {  	_ =	swait.ge [sflag:s13], $0x50  }
0x188: {  	[sflag:s13] =	ssyncset.done $0x0  }
0x189: {  	[sflag:s13] =	ssyncadd.s32 $0xFFFFFFB0  }
0x18a: {  	_ =	swait.ge [sflag:s13], $0x50  }
0x18b: {  	[sflag:s13] =	ssyncset.done $0x0  }
0x18c: {  	[sflag:s13] =	ssyncadd.s32 $0xFFFFFFB0  }
0x18d: {  	_ =	swait.ge [sflag:s13], $0x50  }
0x18e: {  	[sflag:s13] =	ssyncset.done $0x0  }
0x18f: {  	[sflag:s13] =	ssyncadd.s32 $0xFFFFFFB0  }
0x190: {  	_ =	swait.ge [sflag:s13], $0x50  }
0x191: {  	[sflag:s13] =	ssyncset.done $0x0  }
0x192: {  	[sflag:s13] =	ssyncadd.s32 $0xFFFFFFB0  }
0x193: {  	_ =	swait.ge [sflag:s13], $0x50  }
0x194: {  	[sflag:s13] =	ssyncset.done $0x0  }
0x195: {  	[sflag:s13] =	ssyncadd.s32 $0xFFFFFFB0  }
0x196: {  	_ =	swait.ge [sflag:s13], $0x50  }
0x197: {  	[sflag:s13] =	ssyncset.done $0x0  }
0x198: {  	[sflag:s13] =	ssyncadd.s32 $0xFFFFFFB0  }
0x199: {  	_ =	swait.ge [sflag:s13], $0x50  }
0x19a: {  	[sflag:s13] =	ssyncset.done $0x0  }
0x19b: {  	[sflag:s13] =	ssyncadd.s32 $0xFFFFFFB0  }
0x19c: {  	_ =	swait.ge [sflag:s13], $0x50  }
0x19d: {  	[sflag:s13] =	ssyncset.done $0x0  }
0x19e: {  	[sflag:s13] =	ssyncadd.s32 $0xFFFFFFB0  }
0x19f: {  	_ =	swait.ge [sflag:s13], $0x50  }
0x1a0: {  	[sflag:s13] =	ssyncset.done $0x0  }
0x1a1: {  	[sflag:s13] =	ssyncadd.s32 $0xFFFFFFB0  }
0x1a2: {  	_ =	swait.ge [sflag:s13], $0x50  }
0x1a3: {  	[sflag:s13] =	ssyncset.done $0x0  }
0x1a4: {  	[sflag:s13] =	ssyncadd.s32 $0xFFFFFFB0  }
0x1a5: {  	_ =	swait.ge [sflag:s13], $0x50  }
0x1a6: {  	[sflag:s13] =	ssyncset.done $0x0  }
0x1a7: {  	[sflag:s13] =	ssyncadd.s32 $0xFFFFFFB0  }
0x1a8: {  	_ =	swait.ge [sflag:s13], $0x50  }
0x1a9: {  	[sflag:s13] =	ssyncset.done $0x0  }
0x1aa: {  	[sflag:s13] =	ssyncadd.s32 $0xFFFFFFB0  }
0x1ab: {  	_ =	swait.ge [sflag:s13], $0x50  }
0x1ac: {  	[sflag:s13] =	ssyncset.done $0x0  }
0x1ad: {  	[sflag:s13] =	ssyncadd.s32 $0xFFFFFFB0  }
0x1ae: {  	_ =	swait.ge [sflag:s13], $0x50  }
0x1af: {  	[sflag:s13] =	ssyncset.done $0x0  }
0x1b0: {  	[sflag:s13] =	ssyncadd.s32 $0xFFFFFFB0  }
0x1b1: {  	_ =	swait.ge [sflag:s13], $0x50  }
0x1b2: {  	[sflag:s13] =	ssyncset.done $0x0  }
0x1b3: {  	[sflag:s13] =	ssyncadd.s32 $0xFFFFFFB0  }
0x1b4: {  	_ =	swait.ge [sflag:s13], $0x50  }
0x1b5: {  	[sflag:s13] =	ssyncset.done $0x0  }
0x1b6: {  	[sflag:s13] =	ssyncadd.s32 $0xFFFFFFB0  }
0x1b7: {  	_ =	swait.ge [sflag:s13], $0x50  }
0x1b8: {  	s18 =	sadd.s32 $0x1, s18;
	[sflag:s13] =	ssyncset.done $0x0  }
0x1b9: {  	p0 =	sne.s32 s18, s7;
	[sflag:s13] =	ssyncadd.s32 $0xFFFFFFB0  }
.Ltmp1:
0x1ba: {  	[bflag:$0x0] =	sbarrier.arrive $0xFFFF;
	(pc) =	sbr.rel @p0 .LBB2_1-.Ltmp1, $4  }
0x1bb: {  	[hbm:s6@s16], [sflag:s14] =	dma.strided [spmem:s15@s17], $0x50, s13, $0x10   }
0x1bc: {  	_ =	swait.ge [sflag:s9], $0x50  }
0x1bd: {  	[sflag:s9] =	ssyncset.done $0x0  }
0x1be: {  	[sflag:s9] =	ssyncadd.s32 $0xFFFFFFB0  }
0x1bf: {  	_ =	sfence.sel $0x180000  }
0x1c0: {  	[bflag:$0x0] =	sbarrier.arrive $0xFFFF  }
0x1c1: {  	p0 =	sne.s32 s0, $0x0;
	_ =	strace $0x90000047  }
0x1c2: {  	s0 =	sadd.s32 @!p0 $0x100000, s1;
	[bflag:$0x2] =	sbarrier.arrive $0xFFFF  }
0x1c3: {  	[sflag:s0] =	ssyncadd.tile.s32 @!p0 $0x1;
	_ =	shalt  }
.Lfunc_end2:
_tile_overlayer_lowered:
.L_overlay_start_2:
0x1c4: {  	(tag) =	ssettag $0x2  }
0x1c5: {  	s0 =	rddreg [dreg:$0x0];
	s2 =	stileid.u32  }
0x1c6: {  	s1 =	rddreg [dreg:$0x1];
	p0 =	sne.s32 s2, $0x0  }
0x1c7: {  	s3 =	rddreg [dreg:$0x2];
	[bflag:$0x3] =	sbarrier.arrive $0xFFFF;
	s2 =	simm.s32 @!p0 $0x1C02  }
0x1c8: {  	[timem:s3], [sflag:s2] =	dma.local @!p0 [hbm:s0], s1  }
0x1c9: {  	s0 =	simm.s32 @!p0 $0x2  }
0x1ca: {  	_ =	swait.ge @!p0 [sflag:s0], s1  }
0x1cb: {  	s1 =	ssub.s32 @!p0 $0x0, s1;
	[sflag:s0] =	ssyncset.done @!p0 $0x0  }
0x1cc: {  	[sflag:s0] =	ssyncadd.s32 @!p0 s1  }
0x1cd: {  	[bflag:$0x3] =	sbarrier.arrive $0xFFFF  }
0x1ce: {  	_ =	shalt  }

</sc_bundles>
